<compile_context>
chip_gen: v7x
topology: tpu7x:2x2x1
jax: 0.10.2.dev20260603
libtpu: 0.0.44.dev20260713+nightly
codegen_flags: <defaults>
</compile_context>

<pallas_src>
import jax
import jax.numpy as jnp
import numpy as np
from jax import lax
from jax.experimental import pallas as pl
from jax.experimental.pallas import tpu as pltpu
from jax.experimental.pallas import tpu_sc as plsc

VOCAB = 30522
EMBED = 128
HIDDEN = 256
NUM_CLASSES = 16
B, L = 4096, 200

NC, NS, LANES = 2, 16, 16
NW = NC * NS
B_PER_W = B // NW
VPR = EMBED // LANES
CHUNKS = ((0, 200),)
RED_UNROLL = 8
NBUF = 5



def _pool_body(x_hbm, emb_hbm, out_hbm, idx_v, bufs, outb_v, sems):
    wid = lax.axis_index("s") * NC + lax.axis_index("c")
    base = wid * B_PER_W

    pltpu.sync_copy(x_hbm.at[pl.ds(base, B_PER_W)], idx_v)

    def fire(rowbuf, sem, r):
        for off, n in CHUNKS:
            pltpu.async_copy(
                emb_hbm.at[idx_v.at[r, pl.ds(off, n)]],
                rowbuf.at[pl.ds(off, n)],
                sem,
            )

    def drain(rowbuf, sem, r):
        for off, n in CHUNKS:
            pltpu.make_async_copy(
                emb_hbm.at[idx_v.at[r, pl.ds(off, n)]],
                rowbuf.at[pl.ds(off, n)],
                sem,
            ).wait()

    def reduce(rowbuf, r):
        def red(k, accs):
            new = list(accs)
            for u in range(RED_UNROLL):
                row = k * RED_UNROLL + u
                for c in range(VPR // 2):
                    w = rowbuf[row, pl.ds(c * LANES, LANES)]
                    a = lax.bitcast_convert_type(w << 16, jnp.float32)
                    b = lax.bitcast_convert_type(
                        w & jnp.int32(-65536), jnp.float32
                    )
                    new[c] = new[c] + a
                    new[VPR // 2 + c] = new[VPR // 2 + c] + b
            return tuple(new)

        accs = lax.fori_loop(
            0,
            L // RED_UNROLL,
            red,
            tuple(jnp.zeros((LANES,), jnp.float32) for _ in range(VPR)),
        )
        for c in range(VPR):
            outb_v[r, pl.ds(c * LANES, LANES)] = accs[c] * (1.0 / L)

    for s in range(NBUF):
        fire(bufs[s], sems[s], s)

    NFULL = B_PER_W // NBUF

    def body(i, _):
        r0 = NBUF * i
        for s in range(NBUF):
            drain(bufs[s], sems[s], r0 + s)
            reduce(bufs[s], r0 + s)

            @pl.when(r0 + s + NBUF < B_PER_W)
            def _():
                fire(bufs[s], sems[s], r0 + s + NBUF)

        return 0

    lax.fori_loop(0, NFULL, body, 0)
    for r in range(NFULL * NBUF, B_PER_W):
        drain(bufs[r % NBUF], sems[r % NBUF], r)
        reduce(bufs[r % NBUF], r)
    pltpu.sync_copy(outb_v, out_hbm.at[pl.ds(base, B_PER_W)])


def _pool_entry(x_hbm, emb_hbm, out_hbm, idx_v, b0, b1, b2, b3, b4, outb_v,
                s0, s1, s2, s3, s4):
    _pool_body(x_hbm, emb_hbm, out_hbm, idx_v, (b0, b1, b2, b3, b4), outb_v,
               (s0, s1, s2, s3, s4))


def _sc_pool(x_flat, emb16):
    mesh = plsc.VectorSubcoreMesh(
        core_axis_name="c", subcore_axis_name="s", num_cores=NC, num_subcores=NS
    )
    return pl.kernel(
        _pool_entry,
        out_type=jax.ShapeDtypeStruct((B, EMBED), jnp.float32),
        mesh=mesh,
        compiler_params=pltpu.CompilerParams(
            use_tc_tiling_on_sc=False, needs_layout_passes=False
        ),
        scratch_types=[
            pltpu.VMEM((B_PER_W, L), jnp.int32),
            pltpu.VMEM((L, EMBED // 2), jnp.int32),
            pltpu.VMEM((L, EMBED // 2), jnp.int32),
            pltpu.VMEM((L, EMBED // 2), jnp.int32),
            pltpu.VMEM((L, EMBED // 2), jnp.int32),
            pltpu.VMEM((L, EMBED // 2), jnp.int32),
            pltpu.VMEM((B_PER_W, EMBED), jnp.float32),
            pltpu.SemaphoreType.DMA,
            pltpu.SemaphoreType.DMA,
            pltpu.SemaphoreType.DMA,
            pltpu.SemaphoreType.DMA,
            pltpu.SemaphoreType.DMA,
        ],
    )(x_flat, emb16)


def _pack_body(e_ref, o_ref):
    b16 = lax.bitcast_convert_type(
        e_ref[...].astype(jnp.bfloat16), jnp.uint16
    )
    lo = b16[:, : EMBED // 2].astype(jnp.uint32)
    hi = b16[:, EMBED // 2 :].astype(jnp.uint32)
    o_ref[...] = lax.bitcast_convert_type(lo | (hi << 16), jnp.int32)


def _tc_pack(emb):
    blk = 1024
    grid = pl.cdiv(VOCAB, blk)
    return pl.pallas_call(
        _pack_body,
        grid=(grid,),
        in_specs=[pl.BlockSpec((blk, EMBED), lambda i: (i, 0))],
        out_specs=pl.BlockSpec((blk, EMBED // 2), lambda i: (i, 0)),
        out_shape=jax.ShapeDtypeStruct((VOCAB, EMBED // 2), jnp.int32),
    )(emb)


def _mlp_body(p_ref, w1_ref, b1_ref, w2_ref, b2_ref, o_ref):
    h = jnp.dot(p_ref[...], w1_ref[...], preferred_element_type=jnp.float32)
    h = jnp.maximum(h + b1_ref[...], 0.0)
    o_ref[...] = (
        jnp.dot(h, w2_ref[...], preferred_element_type=jnp.float32) + b2_ref[...]
    )


def _tc_mlp(pooled, W1, b1, W2, b2):
    blk = 512
    grid = B // blk
    return pl.pallas_call(
        _mlp_body,
        grid=(grid,),
        in_specs=[
            pl.BlockSpec((blk, EMBED), lambda i: (i, 0)),
            pl.BlockSpec((EMBED, HIDDEN), lambda i: (0, 0)),
            pl.BlockSpec((1, HIDDEN), lambda i: (0, 0)),
            pl.BlockSpec((HIDDEN, NUM_CLASSES), lambda i: (0, 0)),
            pl.BlockSpec((1, NUM_CLASSES), lambda i: (0, 0)),
        ],
        out_specs=pl.BlockSpec((blk, NUM_CLASSES), lambda i: (i, 0)),
        out_shape=jax.ShapeDtypeStruct((B, NUM_CLASSES), jnp.float32),
    )(pooled, W1, b1.reshape(1, HIDDEN), W2, b2.reshape(1, NUM_CLASSES))


def kernel(x, emb, W1, b1, W2, b2):
    emb16 = _tc_pack(emb)
    pooled = _sc_pool(x.astype(jnp.int32), emb16)
    return _tc_mlp(pooled, W1, b1, W2, b2)

# --- scband reference (transcript-rebuilt; emitter-appended) ---
"""Pipeline reference for scband-simple-nnmodel-86174223827166 (READ-ONLY COPY).

The authoritative reference and input builder live on the scoring server;
editing this copy changes nothing except your own understanding.
"""

import jax, jax.numpy as jnp
import numpy as np

VOCAB = 30522
EMBED = 128
HIDDEN = 256
NUM_CLASSES = 16
B, L = 4096, 200

def setup_inputs(seed: int = 0) -> dict:
    key = jax.random.key(seed)
    k1, k2, k3, k4, k5, k6 = jax.random.split(key, 6)
    x = jax.random.randint(k1, (B, L), 0, VOCAB, dtype=jnp.int64 if jax.config.jax_enable_x64 else jnp.int32)
    emb = jax.random.normal(k2, (VOCAB, EMBED), dtype=jnp.float32) * 0.02
    W1 = jax.random.normal(k3, (EMBED, HIDDEN), dtype=jnp.float32) * (1.0 / np.sqrt(EMBED))
    b1 = jnp.zeros((HIDDEN,), dtype=jnp.float32)
    W2 = jax.random.normal(k4, (HIDDEN, NUM_CLASSES), dtype=jnp.float32) * (1.0 / np.sqrt(HIDDEN))
    b2 = jnp.zeros((NUM_CLASSES,), dtype=jnp.float32)
    return {"x": x, "emb": emb, "W1": W1, "b1": b1, "W2": W2, "b2": b2}

def reference(x, emb, W1, b1, W2, b2):
    # embedding lookup (gather)
    h = jnp.take(emb, x, axis=0)           # [B, L, EMBED]
    h = jnp.mean(h, axis=1)                 # [B, EMBED]
    h = jax.nn.relu(h @ W1 + b1)            # [B, HIDDEN]
    out = h @ W2 + b2                       # [B, NUM_CLASSES]
    return out

if __name__ == "__main__":
    import jax
    _d = setup_inputs()
    print(jax.jit(kernel)(*tuple(_d.values())))

</pallas_src>

<mosaic_0001>
#map = affine_map<(d0, d1) -> (0, 0)>
module attributes {stable_mosaic.version = 14 : i64} {
  func.func @_pool_entry(%arg0: i32, %arg1: i32, %arg2: memref<4096x200xi32, #tpu.memory_space<hbm>>, %arg3: memref<30522x64xi32, #tpu.memory_space<hbm>>, %arg4: memref<4096x128xf32, #tpu.memory_space<hbm>>, %arg5: memref<128x200xi32, #tpu.memory_space<vmem>>, %arg6: memref<200x64xi32, #tpu.memory_space<vmem>>, %arg7: memref<200x64xi32, #tpu.memory_space<vmem>>, %arg8: memref<200x64xi32, #tpu.memory_space<vmem>>, %arg9: memref<200x64xi32, #tpu.memory_space<vmem>>, %arg10: memref<200x64xi32, #tpu.memory_space<vmem>>, %arg11: memref<128x128xf32, #tpu.memory_space<vmem>>, %arg12: memref<!tpu.dma_semaphore, #tpu.memory_space<semaphore_mem>>, %arg13: memref<!tpu.dma_semaphore, #tpu.memory_space<semaphore_mem>>, %arg14: memref<!tpu.dma_semaphore, #tpu.memory_space<semaphore_mem>>, %arg15: memref<!tpu.dma_semaphore, #tpu.memory_space<semaphore_mem>>, %arg16: memref<!tpu.dma_semaphore, #tpu.memory_space<semaphore_mem>>) attributes {dimension_semantics = [#tpu.dimension_semantics<core_parallel>, #tpu.dimension_semantics<subcore_parallel>], iteration_bounds = array<i64: 2, 16>, scalar_prefetch = 0 : i64, scratch_operands = 12 : i64, tpu.core_type = #tpu.core_type<sc_vector_subcore>, window_params = [{transform_indices = #map}, {transform_indices = #map}, {transform_indices = #map}]} {
    %mul3A = arith.constant 2 : i32
    %mul3A_0 = arith.muli %arg1, %mul3A : i32
    %add3A = arith.addi %mul3A_0, %arg0 : i32
    %mul3A_1 = arith.constant 128 : i32
    %mul3A_2 = arith.muli %add3A, %mul3A_1 : i32
    "tpu.region"() ({
      %run_scoped3A = tpu.sem_alloc : memref<!tpu.dma_semaphore, #tpu.memory_space<semaphore_mem>>
      %dma_start3A_319 = arith.constant 0 : i32
      %dma_start3A_320 = tpu.memref_slice %arg2[%mul3A_2, %dma_start3A_319] : memref<4096x200xi32, #tpu.memory_space<hbm>> -> memref<128x200xi32, #tpu.memory_space<hbm>>
      %dma_start3A_321 = arith.constant 0 : i32
      %dma_start3A_322 = tpu.memref_slice %arg2[%mul3A_2, %dma_start3A_321] : memref<4096x200xi32, #tpu.memory_space<hbm>> -> memref<128x200xi32, #tpu.memory_space<hbm>>
      tpu.enqueue_dma source(%dma_start3A_322 : memref<128x200xi32, #tpu.memory_space<hbm>>) target(%arg5 : memref<128x200xi32, #tpu.memory_space<vmem>>) target_semaphore(%run_scoped3A : memref<!tpu.dma_semaphore, #tpu.memory_space<semaphore_mem>>)
      %dma_wait3A_323 = arith.constant 0 : i32
      %dma_wait3A_324 = tpu.memref_slice %arg2[%mul3A_2, %dma_wait3A_323] : memref<4096x200xi32, #tpu.memory_space<hbm>> -> memref<128x200xi32, #tpu.memory_space<hbm>>
      %dma_wait3A_325 = arith.constant 0 : i32
      %dma_wait3A_326 = tpu.memref_slice %arg2[%mul3A_2, %dma_wait3A_325] : memref<4096x200xi32, #tpu.memory_space<hbm>> -> memref<128x200xi32, #tpu.memory_space<hbm>>
      tpu.wait_dma2 semaphore(%run_scoped3A : memref<!tpu.dma_semaphore, #tpu.memory_space<semaphore_mem>>) src(%dma_wait3A_326 : memref<128x200xi32, #tpu.memory_space<hbm>>) dst(%arg5 : memref<128x200xi32, #tpu.memory_space<vmem>>)
      tpu.yield
    }) : () -> ()
    %dma_start3A = arith.constant 0 : i32
    %dma_start3A_3 = arith.constant 0 : i32
    %dma_start3A_4 = arith.constant 0 : i32
    %dma_start3A_5 = tpu.memref_slice %arg6[%dma_start3A_3, %dma_start3A_4] : memref<200x64xi32, #tpu.memory_space<vmem>> -> memref<200x64xi32, #tpu.memory_space<vmem>>
    %dma_start3A_6 = arith.constant 0 : i32
    %dma_start3A_7 = tpu.memref_slice %arg5[%dma_start3A, %dma_start3A_6] : memref<128x200xi32, #tpu.memory_space<vmem>> -> memref<1x200xi32, #tpu.memory_space<vmem>>
    %dma_start3A_8 = tpu.memref_squeeze %dma_start3A_7 : memref<1x200xi32, #tpu.memory_space<vmem>> -> memref<200xi32, #tpu.memory_space<vmem>>
    %dma_start3A_9 = arith.constant 0 : i32
    %dma_start3A_10 = arith.constant 0 : i32
    %dma_start3A_11 = tpu.memref_slice %arg3[%dma_start3A_9, %dma_start3A_10] : memref<30522x64xi32, #tpu.memory_space<hbm>> -> memref<30522x64xi32, #tpu.memory_space<hbm>>
    tpu.enqueue_indirect_dma source(%dma_start3A_11 : memref<30522x64xi32, #tpu.memory_space<hbm>>) target(%dma_start3A_5 : memref<200x64xi32, #tpu.memory_space<vmem>>) offsets(%dma_start3A_8 : memref<200xi32, #tpu.memory_space<vmem>>) semaphore(%arg12 : memref<!tpu.dma_semaphore, #tpu.memory_space<semaphore_mem>>)
    %dma_start3A_12 = arith.constant 1 : i32
    %dma_start3A_13 = arith.constant 0 : i32
    %dma_start3A_14 = arith.constant 0 : i32
    %dma_start3A_15 = tpu.memref_slice %arg7[%dma_start3A_13, %dma_start3A_14] : memref<200x64xi32, #tpu.memory_space<vmem>> -> memref<200x64xi32, #tpu.memory_space<vmem>>
    %dma_start3A_16 = arith.constant 0 : i32
    %dma_start3A_17 = tpu.memref_slice %arg5[%dma_start3A_12, %dma_start3A_16] : memref<128x200xi32, #tpu.memory_space<vmem>> -> memref<1x200xi32, #tpu.memory_space<vmem>>
    %dma_start3A_18 = tpu.memref_squeeze %dma_start3A_17 : memref<1x200xi32, #tpu.memory_space<vmem>> -> memref<200xi32, #tpu.memory_space<vmem>>
    %dma_start3A_19 = arith.constant 0 : i32
    %dma_start3A_20 = arith.constant 0 : i32
    %dma_start3A_21 = tpu.memref_slice %arg3[%dma_start3A_19, %dma_start3A_20] : memref<30522x64xi32, #tpu.memory_space<hbm>> -> memref<30522x64xi32, #tpu.memory_space<hbm>>
    tpu.enqueue_indirect_dma source(%dma_start3A_21 : memref<30522x64xi32, #tpu.memory_space<hbm>>) target(%dma_start3A_15 : memref<200x64xi32, #tpu.memory_space<vmem>>) offsets(%dma_start3A_18 : memref<200xi32, #tpu.memory_space<vmem>>) semaphore(%arg13 : memref<!tpu.dma_semaphore, #tpu.memory_space<semaphore_mem>>)
    %dma_start3A_22 = arith.constant 2 : i32
    %dma_start3A_23 = arith.constant 0 : i32
    %dma_start3A_24 = arith.constant 0 : i32
    %dma_start3A_25 = tpu.memref_slice %arg8[%dma_start3A_23, %dma_start3A_24] : memref<200x64xi32, #tpu.memory_space<vmem>> -> memref<200x64xi32, #tpu.memory_space<vmem>>
    %dma_start3A_26 = arith.constant 0 : i32
    %dma_start3A_27 = tpu.memref_slice %arg5[%dma_start3A_22, %dma_start3A_26] : memref<128x200xi32, #tpu.memory_space<vmem>> -> memref<1x200xi32, #tpu.memory_space<vmem>>
    %dma_start3A_28 = tpu.memref_squeeze %dma_start3A_27 : memref<1x200xi32, #tpu.memory_space<vmem>> -> memref<200xi32, #tpu.memory_space<vmem>>
    %dma_start3A_29 = arith.constant 0 : i32
    %dma_start3A_30 = arith.constant 0 : i32
    %dma_start3A_31 = tpu.memref_slice %arg3[%dma_start3A_29, %dma_start3A_30] : memref<30522x64xi32, #tpu.memory_space<hbm>> -> memref<30522x64xi32, #tpu.memory_space<hbm>>
    tpu.enqueue_indirect_dma source(%dma_start3A_31 : memref<30522x64xi32, #tpu.memory_space<hbm>>) target(%dma_start3A_25 : memref<200x64xi32, #tpu.memory_space<vmem>>) offsets(%dma_start3A_28 : memref<200xi32, #tpu.memory_space<vmem>>) semaphore(%arg14 : memref<!tpu.dma_semaphore, #tpu.memory_space<semaphore_mem>>)
    %dma_start3A_32 = arith.constant 3 : i32
    %dma_start3A_33 = arith.constant 0 : i32
    %dma_start3A_34 = arith.constant 0 : i32
    %dma_start3A_35 = tpu.memref_slice %arg9[%dma_start3A_33, %dma_start3A_34] : memref<200x64xi32, #tpu.memory_space<vmem>> -> memref<200x64xi32, #tpu.memory_space<vmem>>
    %dma_start3A_36 = arith.constant 0 : i32
    %dma_start3A_37 = tpu.memref_slice %arg5[%dma_start3A_32, %dma_start3A_36] : memref<128x200xi32, #tpu.memory_space<vmem>> -> memref<1x200xi32, #tpu.memory_space<vmem>>
    %dma_start3A_38 = tpu.memref_squeeze %dma_start3A_37 : memref<1x200xi32, #tpu.memory_space<vmem>> -> memref<200xi32, #tpu.memory_space<vmem>>
    %dma_start3A_39 = arith.constant 0 : i32
    %dma_start3A_40 = arith.constant 0 : i32
    %dma_start3A_41 = tpu.memref_slice %arg3[%dma_start3A_39, %dma_start3A_40] : memref<30522x64xi32, #tpu.memory_space<hbm>> -> memref<30522x64xi32, #tpu.memory_space<hbm>>
    tpu.enqueue_indirect_dma source(%dma_start3A_41 : memref<30522x64xi32, #tpu.memory_space<hbm>>) target(%dma_start3A_35 : memref<200x64xi32, #tpu.memory_space<vmem>>) offsets(%dma_start3A_38 : memref<200xi32, #tpu.memory_space<vmem>>) semaphore(%arg15 : memref<!tpu.dma_semaphore, #tpu.memory_space<semaphore_mem>>)
    %dma_start3A_42 = arith.constant 4 : i32
    %dma_start3A_43 = arith.constant 0 : i32
    %dma_start3A_44 = arith.constant 0 : i32
    %dma_start3A_45 = tpu.memref_slice %arg10[%dma_start3A_43, %dma_start3A_44] : memref<200x64xi32, #tpu.memory_space<vmem>> -> memref<200x64xi32, #tpu.memory_space<vmem>>
    %dma_start3A_46 = arith.constant 0 : i32
    %dma_start3A_47 = tpu.memref_slice %arg5[%dma_start3A_42, %dma_start3A_46] : memref<128x200xi32, #tpu.memory_space<vmem>> -> memref<1x200xi32, #tpu.memory_space<vmem>>
    %dma_start3A_48 = tpu.memref_squeeze %dma_start3A_47 : memref<1x200xi32, #tpu.memory_space<vmem>> -> memref<200xi32, #tpu.memory_space<vmem>>
    %dma_start3A_49 = arith.constant 0 : i32
    %dma_start3A_50 = arith.constant 0 : i32
    %dma_start3A_51 = tpu.memref_slice %arg3[%dma_start3A_49, %dma_start3A_50] : memref<30522x64xi32, #tpu.memory_space<hbm>> -> memref<30522x64xi32, #tpu.memory_space<hbm>>
    tpu.enqueue_indirect_dma source(%dma_start3A_51 : memref<30522x64xi32, #tpu.memory_space<hbm>>) target(%dma_start3A_45 : memref<200x64xi32, #tpu.memory_space<vmem>>) offsets(%dma_start3A_48 : memref<200xi32, #tpu.memory_space<vmem>>) semaphore(%arg16 : memref<!tpu.dma_semaphore, #tpu.memory_space<semaphore_mem>>)
    %scan3A = arith.constant 0 : i32
    %scan3A_52 = arith.constant 0 : i32
    %scan3A_53 = arith.constant 25 : i32
    %scan3A_54 = arith.addi %scan3A_52, %scan3A_53 : i32
    %scan3A_55 = arith.constant 1 : i32
    %scan3A_56 = scf.for %scan3A_319 = %scan3A_52 to %scan3A_54 step %scan3A_55 iter_args(%scan3A_320 = %scan3A) -> (i32)  : i32 {
      %mul3A_321 = arith.constant 5 : i32
      %mul3A_322 = arith.muli %mul3A_321, %scan3A_319 : i32
      %add3A_323 = arith.constant 0 : i32
      %add3A_324 = arith.addi %mul3A_322, %add3A_323 : i32
      %dma_wait3A_325 = arith.constant 0 : i32
      %dma_wait3A_326 = arith.constant 0 : i32
      %dma_wait3A_327 = tpu.memref_slice %arg6[%dma_wait3A_325, %dma_wait3A_326] : memref<200x64xi32, #tpu.memory_space<vmem>> -> memref<200x64xi32, #tpu.memory_space<vmem>>
      %dma_wait3A_328 = arith.constant 0 : i32
      %dma_wait3A_329 = tpu.memref_slice %arg5[%add3A_324, %dma_wait3A_328] : memref<128x200xi32, #tpu.memory_space<vmem>> -> memref<1x200xi32, #tpu.memory_space<vmem>>
      %dma_wait3A_330 = tpu.memref_squeeze %dma_wait3A_329 : memref<1x200xi32, #tpu.memory_space<vmem>> -> memref<200xi32, #tpu.memory_space<vmem>>
      %dma_wait3A_331 = arith.constant 0 : i32
      %dma_wait3A_332 = arith.constant 0 : i32
      %dma_wait3A_333 = tpu.memref_slice %arg3[%dma_wait3A_331, %dma_wait3A_332] : memref<30522x64xi32, #tpu.memory_space<hbm>> -> memref<30522x64xi32, #tpu.memory_space<hbm>>
      tpu.wait_indirect_dma semaphore(%arg12 : memref<!tpu.dma_semaphore, #tpu.memory_space<semaphore_mem>>) src(%dma_wait3A_333 : memref<30522x64xi32, #tpu.memory_space<hbm>>) dst(%dma_wait3A_327 : memref<200x64xi32, #tpu.memory_space<vmem>>)
      %add3A_334 = arith.constant 0 : i32
      %add3A_335 = arith.addi %mul3A_322, %add3A_334 : i32
      %broadcast_in_dim3A_336 = arith.constant 0.000000e+00 : f32
      %broadcast_in_dim3A_337 = vector.broadcast %broadcast_in_dim3A_336 : f32 to vector<16xf32>
      %broadcast_in_dim3A_338 = arith.constant 0.000000e+00 : f32
      %broadcast_in_dim3A_339 = vector.broadcast %broadcast_in_dim3A_338 : f32 to vector<16xf32>
      %broadcast_in_dim3A_340 = arith.constant 0.000000e+00 : f32
      %broadcast_in_dim3A_341 = vector.broadcast %broadcast_in_dim3A_340 : f32 to vector<16xf32>
      %broadcast_in_dim3A_342 = arith.constant 0.000000e+00 : f32
      %broadcast_in_dim3A_343 = vector.broadcast %broadcast_in_dim3A_342 : f32 to vector<16xf32>
      %broadcast_in_dim3A_344 = arith.constant 0.000000e+00 : f32
      %broadcast_in_dim3A_345 = vector.broadcast %broadcast_in_dim3A_344 : f32 to vector<16xf32>
      %broadcast_in_dim3A_346 = arith.constant 0.000000e+00 : f32
      %broadcast_in_dim3A_347 = vector.broadcast %broadcast_in_dim3A_346 : f32 to vector<16xf32>
      %broadcast_in_dim3A_348 = arith.constant 0.000000e+00 : f32
      %broadcast_in_dim3A_349 = vector.broadcast %broadcast_in_dim3A_348 : f32 to vector<16xf32>
      %broadcast_in_dim3A_350 = arith.constant 0.000000e+00 : f32
      %broadcast_in_dim3A_351 = vector.broadcast %broadcast_in_dim3A_350 : f32 to vector<16xf32>
      %scan3A_352 = arith.constant 0 : i32
      %scan3A_353 = arith.constant 25 : i32
      %scan3A_354 = arith.addi %scan3A_352, %scan3A_353 : i32
      %scan3A_355 = arith.constant 1 : i32
      %scan3A_356:8 = scf.for %scan3A_781 = %scan3A_352 to %scan3A_354 step %scan3A_355 iter_args(%scan3A_782 = %broadcast_in_dim3A_337, %scan3A_783 = %broadcast_in_dim3A_339, %scan3A_784 = %broadcast_in_dim3A_341, %scan3A_785 = %broadcast_in_dim3A_343, %scan3A_786 = %broadcast_in_dim3A_345, %scan3A_787 = %broadcast_in_dim3A_347, %scan3A_788 = %broadcast_in_dim3A_349, %scan3A_789 = %broadcast_in_dim3A_351) -> (vector<16xf32>, vector<16xf32>, vector<16xf32>, vector<16xf32>, vector<16xf32>, vector<16xf32>, vector<16xf32>, vector<16xf32>)  : i32 {
        %mul3A_790 = arith.constant 8 : i32
        %mul3A_791 = arith.muli %scan3A_781, %mul3A_790 : i32
        %add3A_792 = arith.constant 0 : i32
        %add3A_793 = arith.addi %mul3A_791, %add3A_792 : i32
        %get3A = arith.index_cast %add3A_793 : i32 to index
        %get3A_794 = arith.constant 0 : index
        %get3A_795 = tpu.vector_load %arg6[%get3A, %get3A_794] {strides = array<i32>} : memref<200x64xi32, #tpu.memory_space<vmem>>, vector<16xi32>,
        %shift_left3A = arith.constant 16 : i32
        %shift_left3A_796 = vector.broadcast %shift_left3A : i32 to vector<16xi32>
        %shift_left3A_797 = arith.shli %get3A_795, %shift_left3A_796 : vector<16xi32>
        %bitcast_convert_type3A = tpu.bitcast %shift_left3A_797 : vector<16xi32> -> vector<16xf32>
        %and3A = arith.constant -65536 : i32
        %and3A_798 = vector.broadcast %and3A : i32 to vector<16xi32>
        %and3A_799 = arith.andi %get3A_795, %and3A_798 : vector<16xi32>
        %bitcast_convert_type3A_800 = tpu.bitcast %and3A_799 : vector<16xi32> -> vector<16xf32>
        %add3A_801 = arith.addf %scan3A_782, %bitcast_convert_type3A : vector<16xf32>
        %add3A_802 = arith.addf %scan3A_786, %bitcast_convert_type3A_800 : vector<16xf32>
        %get3A_803 = arith.index_cast %add3A_793 : i32 to index
        %get3A_804 = arith.constant 16 : index
        %get3A_805 = tpu.vector_load %arg6[%get3A_803, %get3A_804] {strides = array<i32>} : memref<200x64xi32, #tpu.memory_space<vmem>>, vector<16xi32>,
        %shift_left3A_806 = arith.constant 16 : i32
        %shift_left3A_807 = vector.broadcast %shift_left3A_806 : i32 to vector<16xi32>
        %shift_left3A_808 = arith.shli %get3A_805, %shift_left3A_807 : vector<16xi32>
        %bitcast_convert_type3A_809 = tpu.bitcast %shift_left3A_808 : vector<16xi32> -> vector<16xf32>
        %and3A_810 = arith.constant -65536 : i32
        %and3A_811 = vector.broadcast %and3A_810 : i32 to vector<16xi32>
        %and3A_812 = arith.andi %get3A_805, %and3A_811 : vector<16xi32>
        %bitcast_convert_type3A_813 = tpu.bitcast %and3A_812 : vector<16xi32> -> vector<16xf32>
        %add3A_814 = arith.addf %scan3A_783, %bitcast_convert_type3A_809 : vector<16xf32>
        %add3A_815 = arith.addf %scan3A_787, %bitcast_convert_type3A_813 : vector<16xf32>
        %get3A_816 = arith.index_cast %add3A_793 : i32 to index
        %get3A_817 = arith.constant 32 : index
        %get3A_818 = tpu.vector_load %arg6[%get3A_816, %get3A_817] {strides = array<i32>} : memref<200x64xi32, #tpu.memory_space<vmem>>, vector<16xi32>,
        %shift_left3A_819 = arith.constant 16 : i32
        %shift_left3A_820 = vector.broadcast %shift_left3A_819 : i32 to vector<16xi32>
        %shift_left3A_821 = arith.shli %get3A_818, %shift_left3A_820 : vector<16xi32>
        %bitcast_convert_type3A_822 = tpu.bitcast %shift_left3A_821 : vector<16xi32> -> vector<16xf32>
        %and3A_823 = arith.constant -65536 : i32
        %and3A_824 = vector.broadcast %and3A_823 : i32 to vector<16xi32>
        %and3A_825 = arith.andi %get3A_818, %and3A_824 : vector<16xi32>
        %bitcast_convert_type3A_826 = tpu.bitcast %and3A_825 : vector<16xi32> -> vector<16xf32>
        %add3A_827 = arith.addf %scan3A_784, %bitcast_convert_type3A_822 : vector<16xf32>
        %add3A_828 = arith.addf %scan3A_788, %bitcast_convert_type3A_826 : vector<16xf32>
        %get3A_829 = arith.index_cast %add3A_793 : i32 to index
        %get3A_830 = arith.constant 48 : index
        %get3A_831 = tpu.vector_load %arg6[%get3A_829, %get3A_830] {strides = array<i32>} : memref<200x64xi32, #tpu.memory_space<vmem>>, vector<16xi32>,
        %shift_left3A_832 = arith.constant 16 : i32
        %shift_left3A_833 = vector.broadcast %shift_left3A_832 : i32 to vector<16xi32>
        %shift_left3A_834 = arith.shli %get3A_831, %shift_left3A_833 : vector<16xi32>
        %bitcast_convert_type3A_835 = tpu.bitcast %shift_left3A_834 : vector<16xi32> -> vector<16xf32>
        %and3A_836 = arith.constant -65536 : i32
        %and3A_837 = vector.broadcast %and3A_836 : i32 to vector<16xi32>
        %and3A_838 = arith.andi %get3A_831, %and3A_837 : vector<16xi32>
        %bitcast_convert_type3A_839 = tpu.bitcast %and3A_838 : vector<16xi32> -> vector<16xf32>
        %add3A_840 = arith.addf %scan3A_785, %bitcast_convert_type3A_835 : vector<16xf32>
        %add3A_841 = arith.addf %scan3A_789, %bitcast_convert_type3A_839 : vector<16xf32>
        %mul3A_842 = arith.constant 8 : i32
        %mul3A_843 = arith.muli %scan3A_781, %mul3A_842 : i32
        %add3A_844 = arith.constant 1 : i32
        %add3A_845 = arith.addi %mul3A_843, %add3A_844 : i32
        %get3A_846 = arith.index_cast %add3A_845 : i32 to index
        %get3A_847 = arith.constant 0 : index
        %get3A_848 = tpu.vector_load %arg6[%get3A_846, %get3A_847] {strides = array<i32>} : memref<200x64xi32, #tpu.memory_space<vmem>>, vector<16xi32>,
        %shift_left3A_849 = arith.constant 16 : i32
        %shift_left3A_850 = vector.broadcast %shift_left3A_849 : i32 to vector<16xi32>
        %shift_left3A_851 = arith.shli %get3A_848, %shift_left3A_850 : vector<16xi32>
        %bitcast_convert_type3A_852 = tpu.bitcast %shift_left3A_851 : vector<16xi32> -> vector<16xf32>
        %and3A_853 = arith.constant -65536 : i32
        %and3A_854 = vector.broadcast %and3A_853 : i32 to vector<16xi32>
        %and3A_855 = arith.andi %get3A_848, %and3A_854 : vector<16xi32>
        %bitcast_convert_type3A_856 = tpu.bitcast %and3A_855 : vector<16xi32> -> vector<16xf32>
        %add3A_857 = arith.addf %add3A_801, %bitcast_convert_type3A_852 : vector<16xf32>
        %add3A_858 = arith.addf %add3A_802, %bitcast_convert_type3A_856 : vector<16xf32>
        %get3A_859 = arith.index_cast %add3A_845 : i32 to index
        %get3A_860 = arith.constant 16 : index
        %get3A_861 = tpu.vector_load %arg6[%get3A_859, %get3A_860] {strides = array<i32>} : memref<200x64xi32, #tpu.memory_space<vmem>>, vector<16xi32>,
        %shift_left3A_862 = arith.constant 16 : i32
        %shift_left3A_863 = vector.broadcast %shift_left3A_862 : i32 to vector<16xi32>
        %shift_left3A_864 = arith.shli %get3A_861, %shift_left3A_863 : vector<16xi32>
        %bitcast_convert_type3A_865 = tpu.bitcast %shift_left3A_864 : vector<16xi32> -> vector<16xf32>
        %and3A_866 = arith.constant -65536 : i32
        %and3A_867 = vector.broadcast %and3A_866 : i32 to vector<16xi32>
        %and3A_868 = arith.andi %get3A_861, %and3A_867 : vector<16xi32>
        %bitcast_convert_type3A_869 = tpu.bitcast %and3A_868 : vector<16xi32> -> vector<16xf32>
        %add3A_870 = arith.addf %add3A_814, %bitcast_convert_type3A_865 : vector<16xf32>
        %add3A_871 = arith.addf %add3A_815, %bitcast_convert_type3A_869 : vector<16xf32>
        %get3A_872 = arith.index_cast %add3A_845 : i32 to index
        %get3A_873 = arith.constant 32 : index
        %get3A_874 = tpu.vector_load %arg6[%get3A_872, %get3A_873] {strides = array<i32>} : memref<200x64xi32, #tpu.memory_space<vmem>>, vector<16xi32>,
        %shift_left3A_875 = arith.constant 16 : i32
        %shift_left3A_876 = vector.broadcast %shift_left3A_875 : i32 to vector<16xi32>
        %shift_left3A_877 = arith.shli %get3A_874, %shift_left3A_876 : vector<16xi32>
        %bitcast_convert_type3A_878 = tpu.bitcast %shift_left3A_877 : vector<16xi32> -> vector<16xf32>
        %and3A_879 = arith.constant -65536 : i32
        %and3A_880 = vector.broadcast %and3A_879 : i32 to vector<16xi32>
        %and3A_881 = arith.andi %get3A_874, %and3A_880 : vector<16xi32>
        %bitcast_convert_type3A_882 = tpu.bitcast %and3A_881 : vector<16xi32> -> vector<16xf32>
        %add3A_883 = arith.addf %add3A_827, %bitcast_convert_type3A_878 : vector<16xf32>
        %add3A_884 = arith.addf %add3A_828, %bitcast_convert_type3A_882 : vector<16xf32>
        %get3A_885 = arith.index_cast %add3A_845 : i32 to index
        %get3A_886 = arith.constant 48 : index
        %get3A_887 = tpu.vector_load %arg6[%get3A_885, %get3A_886] {strides = array<i32>} : memref<200x64xi32, #tpu.memory_space<vmem>>, vector<16xi32>,
        %shift_left3A_888 = arith.constant 16 : i32
        %shift_left3A_889 = vector.broadcast %shift_left3A_888 : i32 to vector<16xi32>
        %shift_left3A_890 = arith.shli %get3A_887, %shift_left3A_889 : vector<16xi32>
        %bitcast_convert_type3A_891 = tpu.bitcast %shift_left3A_890 : vector<16xi32> -> vector<16xf32>
        %and3A_892 = arith.constant -65536 : i32
        %and3A_893 = vector.broadcast %and3A_892 : i32 to vector<16xi32>
        %and3A_894 = arith.andi %get3A_887, %and3A_893 : vector<16xi32>
        %bitcast_convert_type3A_895 = tpu.bitcast %and3A_894 : vector<16xi32> -> vector<16xf32>
        %add3A_896 = arith.addf %add3A_840, %bitcast_convert_type3A_891 : vector<16xf32>
        %add3A_897 = arith.addf %add3A_841, %bitcast_convert_type3A_895 : vector<16xf32>
        %mul3A_898 = arith.constant 8 : i32
        %mul3A_899 = arith.muli %scan3A_781, %mul3A_898 : i32
        %add3A_900 = arith.constant 2 : i32
        %add3A_901 = arith.addi %mul3A_899, %add3A_900 : i32
        %get3A_902 = arith.index_cast %add3A_901 : i32 to index
        %get3A_903 = arith.constant 0 : index
        %get3A_904 = tpu.vector_load %arg6[%get3A_902, %get3A_903] {strides = array<i32>} : memref<200x64xi32, #tpu.memory_space<vmem>>, vector<16xi32>,
        %shift_left3A_905 = arith.constant 16 : i32
        %shift_left3A_906 = vector.broadcast %shift_left3A_905 : i32 to vector<16xi32>
        %shift_left3A_907 = arith.shli %get3A_904, %shift_left3A_906 : vector<16xi32>
        %bitcast_convert_type3A_908 = tpu.bitcast %shift_left3A_907 : vector<16xi32> -> vector<16xf32>
        %and3A_909 = arith.constant -65536 : i32
        %and3A_910 = vector.broadcast %and3A_909 : i32 to vector<16xi32>
        %and3A_911 = arith.andi %get3A_904, %and3A_910 : vector<16xi32>
        %bitcast_convert_type3A_912 = tpu.bitcast %and3A_911 : vector<16xi32> -> vector<16xf32>
        %add3A_913 = arith.addf %add3A_857, %bitcast_convert_type3A_908 : vector<16xf32>
        %add3A_914 = arith.addf %add3A_858, %bitcast_convert_type3A_912 : vector<16xf32>
        %get3A_915 = arith.index_cast %add3A_901 : i32 to index
        %get3A_916 = arith.constant 16 : index
        %get3A_917 = tpu.vector_load %arg6[%get3A_915, %get3A_916] {strides = array<i32>} : memref<200x64xi32, #tpu.memory_space<vmem>>, vector<16xi32>,
        %shift_left3A_918 = arith.constant 16 : i32
        %shift_left3A_919 = vector.broadcast %shift_left3A_918 : i32 to vector<16xi32>
        %shift_left3A_920 = arith.shli %get3A_917, %shift_left3A_919 : vector<16xi32>
        %bitcast_convert_type3A_921 = tpu.bitcast %shift_left3A_920 : vector<16xi32> -> vector<16xf32>
        %and3A_922 = arith.constant -65536 : i32
        %and3A_923 = vector.broadcast %and3A_922 : i32 to vector<16xi32>
        %and3A_924 = arith.andi %get3A_917, %and3A_923 : vector<16xi32>
        %bitcast_convert_type3A_925 = tpu.bitcast %and3A_924 : vector<16xi32> -> vector<16xf32>
        %add3A_926 = arith.addf %add3A_870, %bitcast_convert_type3A_921 : vector<16xf32>
        %add3A_927 = arith.addf %add3A_871, %bitcast_convert_type3A_925 : vector<16xf32>
        %get3A_928 = arith.index_cast %add3A_901 : i32 to index
        %get3A_929 = arith.constant 32 : index
        %get3A_930 = tpu.vector_load %arg6[%get3A_928, %get3A_929] {strides = array<i32>} : memref<200x64xi32, #tpu.memory_space<vmem>>, vector<16xi32>,
        %shift_left3A_931 = arith.constant 16 : i32
        %shift_left3A_932 = vector.broadcast %shift_left3A_931 : i32 to vector<16xi32>
        %shift_left3A_933 = arith.shli %get3A_930, %shift_left3A_932 : vector<16xi32>
        %bitcast_convert_type3A_934 = tpu.bitcast %shift_left3A_933 : vector<16xi32> -> vector<16xf32>
        %and3A_935 = arith.constant -65536 : i32
        %and3A_936 = vector.broadcast %and3A_935 : i32 to vector<16xi32>
        %and3A_937 = arith.andi %get3A_930, %and3A_936 : vector<16xi32>
        %bitcast_convert_type3A_938 = tpu.bitcast %and3A_937 : vector<16xi32> -> vector<16xf32>
        %add3A_939 = arith.addf %add3A_883, %bitcast_convert_type3A_934 : vector<16xf32>
        %add3A_940 = arith.addf %add3A_884, %bitcast_convert_type3A_938 : vector<16xf32>
        %get3A_941 = arith.index_cast %add3A_901 : i32 to index
        %get3A_942 = arith.constant 48 : index
        %get3A_943 = tpu.vector_load %arg6[%get3A_941, %get3A_942] {strides = array<i32>} : memref<200x64xi32, #tpu.memory_space<vmem>>, vector<16xi32>,
        %shift_left3A_944 = arith.constant 16 : i32
        %shift_left3A_945 = vector.broadcast %shift_left3A_944 : i32 to vector<16xi32>
        %shift_left3A_946 = arith.shli %get3A_943, %shift_left3A_945 : vector<16xi32>
        %bitcast_convert_type3A_947 = tpu.bitcast %shift_left3A_946 : vector<16xi32> -> vector<16xf32>
        %and3A_948 = arith.constant -65536 : i32
        %and3A_949 = vector.broadcast %and3A_948 : i32 to vector<16xi32>
        %and3A_950 = arith.andi %get3A_943, %and3A_949 : vector<16xi32>
        %bitcast_convert_type3A_951 = tpu.bitcast %and3A_950 : vector<16xi32> -> vector<16xf32>
        %add3A_952 = arith.addf %add3A_896, %bitcast_convert_type3A_947 : vector<16xf32>
        %add3A_953 = arith.addf %add3A_897, %bitcast_convert_type3A_951 : vector<16xf32>
        %mul3A_954 = arith.constant 8 : i32
        %mul3A_955 = arith.muli %scan3A_781, %mul3A_954 : i32
        %add3A_956 = arith.constant 3 : i32
        %add3A_957 = arith.addi %mul3A_955, %add3A_956 : i32
        %get3A_958 = arith.index_cast %add3A_957 : i32 to index
        %get3A_959 = arith.constant 0 : index
        %get3A_960 = tpu.vector_load %arg6[%get3A_958, %get3A_959] {strides = array<i32>} : memref<200x64xi32, #tpu.memory_space<vmem>>, vector<16xi32>,
        %shift_left3A_961 = arith.constant 16 : i32
        %shift_left3A_962 = vector.broadcast %shift_left3A_961 : i32 to vector<16xi32>
        %shift_left3A_963 = arith.shli %get3A_960, %shift_left3A_962 : vector<16xi32>
        %bitcast_convert_type3A_964 = tpu.bitcast %shift_left3A_963 : vector<16xi32> -> vector<16xf32>
        %and3A_965 = arith.constant -65536 : i32
        %and3A_966 = vector.broadcast %and3A_965 : i32 to vector<16xi32>
        %and3A_967 = arith.andi %get3A_960, %and3A_966 : vector<16xi32>
        %bitcast_convert_type3A_968 = tpu.bitcast %and3A_967 : vector<16xi32> -> vector<16xf32>
        %add3A_969 = arith.addf %add3A_913, %bitcast_convert_type3A_964 : vector<16xf32>
        %add3A_970 = arith.addf %add3A_914, %bitcast_convert_type3A_968 : vector<16xf32>
        %get3A_971 = arith.index_cast %add3A_957 : i32 to index
        %get3A_972 = arith.constant 16 : index
        %get3A_973 = tpu.vector_load %arg6[%get3A_971, %get3A_972] {strides = array<i32>} : memref<200x64xi32, #tpu.memory_space<vmem>>, vector<16xi32>,
        %shift_left3A_974 = arith.constant 16 : i32
        %shift_left3A_975 = vector.broadcast %shift_left3A_974 : i32 to vector<16xi32>
        %shift_left3A_976 = arith.shli %get3A_973, %shift_left3A_975 : vector<16xi32>
        %bitcast_convert_type3A_977 = tpu.bitcast %shift_left3A_976 : vector<16xi32> -> vector<16xf32>
        %and3A_978 = arith.constant -65536 : i32
        %and3A_979 = vector.broadcast %and3A_978 : i32 to vector<16xi32>
        %and3A_980 = arith.andi %get3A_973, %and3A_979 : vector<16xi32>
        %bitcast_convert_type3A_981 = tpu.bitcast %and3A_980 : vector<16xi32> -> vector<16xf32>
        %add3A_982 = arith.addf %add3A_926, %bitcast_convert_type3A_977 : vector<16xf32>
        %add3A_983 = arith.addf %add3A_927, %bitcast_convert_type3A_981 : vector<16xf32>
        %get3A_984 = arith.index_cast %add3A_957 : i32 to index
        %get3A_985 = arith.constant 32 : index
        %get3A_986 = tpu.vector_load %arg6[%get3A_984, %get3A_985] {strides = array<i32>} : memref<200x64xi32, #tpu.memory_space<vmem>>, vector<16xi32>,
        %shift_left3A_987 = arith.constant 16 : i32
        %shift_left3A_988 = vector.broadcast %shift_left3A_987 : i32 to vector<16xi32>
        %shift_left3A_989 = arith.shli %get3A_986, %shift_left3A_988 : vector<16xi32>
        %bitcast_convert_type3A_990 = tpu.bitcast %shift_left3A_989 : vector<16xi32> -> vector<16xf32>
        %and3A_991 = arith.constant -65536 : i32
        %and3A_992 = vector.broadcast %and3A_991 : i32 to vector<16xi32>
        %and3A_993 = arith.andi %get3A_986, %and3A_992 : vector<16xi32>
        %bitcast_convert_type3A_994 = tpu.bitcast %and3A_993 : vector<16xi32> -> vector<16xf32>
        %add3A_995 = arith.addf %add3A_939, %bitcast_convert_type3A_990 : vector<16xf32>
        %add3A_996 = arith.addf %add3A_940, %bitcast_convert_type3A_994 : vector<16xf32>
        %get3A_997 = arith.index_cast %add3A_957 : i32 to index
        %get3A_998 = arith.constant 48 : index
        %get3A_999 = tpu.vector_load %arg6[%get3A_997, %get3A_998] {strides = array<i32>} : memref<200x64xi32, #tpu.memory_space<vmem>>, vector<16xi32>,
        %shift_left3A_1000 = arith.constant 16 : i32
        %shift_left3A_1001 = vector.broadcast %shift_left3A_1000 : i32 to vector<16xi32>
        %shift_left3A_1002 = arith.shli %get3A_999, %shift_left3A_1001 : vector<16xi32>
        %bitcast_convert_type3A_1003 = tpu.bitcast %shift_left3A_1002 : vector<16xi32> -> vector<16xf32>
        %and3A_1004 = arith.constant -65536 : i32
        %and3A_1005 = vector.broadcast %and3A_1004 : i32 to vector<16xi32>
        %and3A_1006 = arith.andi %get3A_999, %and3A_1005 : vector<16xi32>
        %bitcast_convert_type3A_1007 = tpu.bitcast %and3A_1006 : vector<16xi32> -> vector<16xf32>
        %add3A_1008 = arith.addf %add3A_952, %bitcast_convert_type3A_1003 : vector<16xf32>
        %add3A_1009 = arith.addf %add3A_953, %bitcast_convert_type3A_1007 : vector<16xf32>
        %mul3A_1010 = arith.constant 8 : i32
        %mul3A_1011 = arith.muli %scan3A_781, %mul3A_1010 : i32
        %add3A_1012 = arith.constant 4 : i32
        %add3A_1013 = arith.addi %mul3A_1011, %add3A_1012 : i32
        %get3A_1014 = arith.index_cast %add3A_1013 : i32 to index
        %get3A_1015 = arith.constant 0 : index
        %get3A_1016 = tpu.vector_load %arg6[%get3A_1014, %get3A_1015] {strides = array<i32>} : memref<200x64xi32, #tpu.memory_space<vmem>>, vector<16xi32>,
        %shift_left3A_1017 = arith.constant 16 : i32
        %shift_left3A_1018 = vector.broadcast %shift_left3A_1017 : i32 to vector<16xi32>
        %shift_left3A_1019 = arith.shli %get3A_1016, %shift_left3A_1018 : vector<16xi32>
        %bitcast_convert_type3A_1020 = tpu.bitcast %shift_left3A_1019 : vector<16xi32> -> vector<16xf32>
        %and3A_1021 = arith.constant -65536 : i32
        %and3A_1022 = vector.broadcast %and3A_1021 : i32 to vector<16xi32>
        %and3A_1023 = arith.andi %get3A_1016, %and3A_1022 : vector<16xi32>
        %bitcast_convert_type3A_1024 = tpu.bitcast %and3A_1023 : vector<16xi32> -> vector<16xf32>
        %add3A_1025 = arith.addf %add3A_969, %bitcast_convert_type3A_1020 : vector<16xf32>
        %add3A_1026 = arith.addf %add3A_970, %bitcast_convert_type3A_1024 : vector<16xf32>
        %get3A_1027 = arith.index_cast %add3A_1013 : i32 to index
        %get3A_1028 = arith.constant 16 : index
        %get3A_1029 = tpu.vector_load %arg6[%get3A_1027, %get3A_1028] {strides = array<i32>} : memref<200x64xi32, #tpu.memory_space<vmem>>, vector<16xi32>,
        %shift_left3A_1030 = arith.constant 16 : i32
        %shift_left3A_1031 = vector.broadcast %shift_left3A_1030 : i32 to vector<16xi32>
        %shift_left3A_1032 = arith.shli %get3A_1029, %shift_left3A_1031 : vector<16xi32>
        %bitcast_convert_type3A_1033 = tpu.bitcast %shift_left3A_1032 : vector<16xi32> -> vector<16xf32>
        %and3A_1034 = arith.constant -65536 : i32
        %and3A_1035 = vector.broadcast %and3A_1034 : i32 to vector<16xi32>
        %and3A_1036 = arith.andi %get3A_1029, %and3A_1035 : vector<16xi32>
        %bitcast_convert_type3A_1037 = tpu.bitcast %and3A_1036 : vector<16xi32> -> vector<16xf32>
        %add3A_1038 = arith.addf %add3A_982, %bitcast_convert_type3A_1033 : vector<16xf32>
        %add3A_1039 = arith.addf %add3A_983, %bitcast_convert_type3A_1037 : vector<16xf32>
        %get3A_1040 = arith.index_cast %add3A_1013 : i32 to index
        %get3A_1041 = arith.constant 32 : index
        %get3A_1042 = tpu.vector_load %arg6[%get3A_1040, %get3A_1041] {strides = array<i32>} : memref<200x64xi32, #tpu.memory_space<vmem>>, vector<16xi32>,
        %shift_left3A_1043 = arith.constant 16 : i32
        %shift_left3A_1044 = vector.broadcast %shift_left3A_1043 : i32 to vector<16xi32>
        %shift_left3A_1045 = arith.shli %get3A_1042, %shift_left3A_1044 : vector<16xi32>
        %bitcast_convert_type3A_1046 = tpu.bitcast %shift_left3A_1045 : vector<16xi32> -> vector<16xf32>
        %and3A_1047 = arith.constant -65536 : i32
        %and3A_1048 = vector.broadcast %and3A_1047 : i32 to vector<16xi32>
        %and3A_1049 = arith.andi %get3A_1042, %and3A_1048 : vector<16xi32>
        %bitcast_convert_type3A_1050 = tpu.bitcast %and3A_1049 : vector<16xi32> -> vector<16xf32>
        %add3A_1051 = arith.addf %add3A_995, %bitcast_convert_type3A_1046 : vector<16xf32>
        %add3A_1052 = arith.addf %add3A_996, %bitcast_convert_type3A_1050 : vector<16xf32>
        %get3A_1053 = arith.index_cast %add3A_1013 : i32 to index
        %get3A_1054 = arith.constant 48 : index
        %get3A_1055 = tpu.vector_load %arg6[%get3A_1053, %get3A_1054] {strides = array<i32>} : memref<200x64xi32, #tpu.memory_space<vmem>>, vector<16xi32>,
        %shift_left3A_1056 = arith.constant 16 : i32
        %shift_left3A_1057 = vector.broadcast %shift_left3A_1056 : i32 to vector<16xi32>
        %shift_left3A_1058 = arith.shli %get3A_1055, %shift_left3A_1057 : vector<16xi32>
        %bitcast_convert_type3A_1059 = tpu.bitcast %shift_left3A_1058 : vector<16xi32> -> vector<16xf32>
        %and3A_1060 = arith.constant -65536 : i32
        %and3A_1061 = vector.broadcast %and3A_1060 : i32 to vector<16xi32>
        %and3A_1062 = arith.andi %get3A_1055, %and3A_1061 : vector<16xi32>
        %bitcast_convert_type3A_1063 = tpu.bitcast %and3A_1062 : vector<16xi32> -> vector<16xf32>
        %add3A_1064 = arith.addf %add3A_1008, %bitcast_convert_type3A_1059 : vector<16xf32>
        %add3A_1065 = arith.addf %add3A_1009, %bitcast_convert_type3A_1063 : vector<16xf32>
        %mul3A_1066 = arith.constant 8 : i32
        %mul3A_1067 = arith.muli %scan3A_781, %mul3A_1066 : i32
        %add3A_1068 = arith.constant 5 : i32
        %add3A_1069 = arith.addi %mul3A_1067, %add3A_1068 : i32
        %get3A_1070 = arith.index_cast %add3A_1069 : i32 to index
        %get3A_1071 = arith.constant 0 : index
        %get3A_1072 = tpu.vector_load %arg6[%get3A_1070, %get3A_1071] {strides = array<i32>} : memref<200x64xi32, #tpu.memory_space<vmem>>, vector<16xi32>,
        %shift_left3A_1073 = arith.constant 16 : i32
        %shift_left3A_1074 = vector.broadcast %shift_left3A_1073 : i32 to vector<16xi32>
        %shift_left3A_1075 = arith.shli %get3A_1072, %shift_left3A_1074 : vector<16xi32>
        %bitcast_convert_type3A_1076 = tpu.bitcast %shift_left3A_1075 : vector<16xi32> -> vector<16xf32>
        %and3A_1077 = arith.constant -65536 : i32
        %and3A_1078 = vector.broadcast %and3A_1077 : i32 to vector<16xi32>
        %and3A_1079 = arith.andi %get3A_1072, %and3A_1078 : vector<16xi32>
        %bitcast_convert_type3A_1080 = tpu.bitcast %and3A_1079 : vector<16xi32> -> vector<16xf32>
        %add3A_1081 = arith.addf %add3A_1025, %bitcast_convert_type3A_1076 : vector<16xf32>
        %add3A_1082 = arith.addf %add3A_1026, %bitcast_convert_type3A_1080 : vector<16xf32>
        %get3A_1083 = arith.index_cast %add3A_1069 : i32 to index
        %get3A_1084 = arith.constant 16 : index
        %get3A_1085 = tpu.vector_load %arg6[%get3A_1083, %get3A_1084] {strides = array<i32>} : memref<200x64xi32, #tpu.memory_space<vmem>>, vector<16xi32>,
        %shift_left3A_1086 = arith.constant 16 : i32
        %shift_left3A_1087 = vector.broadcast %shift_left3A_1086 : i32 to vector<16xi32>
        %shift_left3A_1088 = arith.shli %get3A_1085, %shift_left3A_1087 : vector<16xi32>
        %bitcast_convert_type3A_1089 = tpu.bitcast %shift_left3A_1088 : vector<16xi32> -> vector<16xf32>
        %and3A_1090 = arith.constant -65536 : i32
        %and3A_1091 = vector.broadcast %and3A_1090 : i32 to vector<16xi32>
        %and3A_1092 = arith.andi %get3A_1085, %and3A_1091 : vector<16xi32>
        %bitcast_convert_type3A_1093 = tpu.bitcast %and3A_1092 : vector<16xi32> -> vector<16xf32>
        %add3A_1094 = arith.addf %add3A_1038, %bitcast_convert_type3A_1089 : vector<16xf32>
        %add3A_1095 = arith.addf %add3A_1039, %bitcast_convert_type3A_1093 : vector<16xf32>
        %get3A_1096 = arith.index_cast %add3A_1069 : i32 to index
        %get3A_1097 = arith.constant 32 : index
        %get3A_1098 = tpu.vector_load %arg6[%get3A_1096, %get3A_1097] {strides = array<i32>} : memref<200x64xi32, #tpu.memory_space<vmem>>, vector<16xi32>,
        %shift_left3A_1099 = arith.constant 16 : i32
        %shift_left3A_1100 = vector.broadcast %shift_left3A_1099 : i32 to vector<16xi32>
        %shift_left3A_1101 = arith.shli %get3A_1098, %shift_left3A_1100 : vector<16xi32>
        %bitcast_convert_type3A_1102 = tpu.bitcast %shift_left3A_1101 : vector<16xi32> -> vector<16xf32>
        %and3A_1103 = arith.constant -65536 : i32
        %and3A_1104 = vector.broadcast %and3A_1103 : i32 to vector<16xi32>
        %and3A_1105 = arith.andi %get3A_1098, %and3A_1104 : vector<16xi32>
        %bitcast_convert_type3A_1106 = tpu.bitcast %and3A_1105 : vector<16xi32> -> vector<16xf32>
        %add3A_1107 = arith.addf %add3A_1051, %bitcast_convert_type3A_1102 : vector<16xf32>
        %add3A_1108 = arith.addf %add3A_1052, %bitcast_convert_type3A_1106 : vector<16xf32>
        %get3A_1109 = arith.index_cast %add3A_1069 : i32 to index
        %get3A_1110 = arith.constant 48 : index
        %get3A_1111 = tpu.vector_load %arg6[%get3A_1109, %get3A_1110] {strides = array<i32>} : memref<200x64xi32, #tpu.memory_space<vmem>>, vector<16xi32>,
        %shift_left3A_1112 = arith.constant 16 : i32
        %shift_left3A_1113 = vector.broadcast %shift_left3A_1112 : i32 to vector<16xi32>
        %shift_left3A_1114 = arith.shli %get3A_1111, %shift_left3A_1113 : vector<16xi32>
        %bitcast_convert_type3A_1115 = tpu.bitcast %shift_left3A_1114 : vector<16xi32> -> vector<16xf32>
        %and3A_1116 = arith.constant -65536 : i32
        %and3A_1117 = vector.broadcast %and3A_1116 : i32 to vector<16xi32>
        %and3A_1118 = arith.andi %get3A_1111, %and3A_1117 : vector<16xi32>
        %bitcast_convert_type3A_1119 = tpu.bitcast %and3A_1118 : vector<16xi32> -> vector<16xf32>
        %add3A_1120 = arith.addf %add3A_1064, %bitcast_convert_type3A_1115 : vector<16xf32>
        %add3A_1121 = arith.addf %add3A_1065, %bitcast_convert_type3A_1119 : vector<16xf32>
        %mul3A_1122 = arith.constant 8 : i32
        %mul3A_1123 = arith.muli %scan3A_781, %mul3A_1122 : i32
        %add3A_1124 = arith.constant 6 : i32
        %add3A_1125 = arith.addi %mul3A_1123, %add3A_1124 : i32
        %get3A_1126 = arith.index_cast %add3A_1125 : i32 to index
        %get3A_1127 = arith.constant 0 : index
        %get3A_1128 = tpu.vector_load %arg6[%get3A_1126, %get3A_1127] {strides = array<i32>} : memref<200x64xi32, #tpu.memory_space<vmem>>, vector<16xi32>,
        %shift_left3A_1129 = arith.constant 16 : i32
        %shift_left3A_1130 = vector.broadcast %shift_left3A_1129 : i32 to vector<16xi32>
        %shift_left3A_1131 = arith.shli %get3A_1128, %shift_left3A_1130 : vector<16xi32>
        %bitcast_convert_type3A_1132 = tpu.bitcast %shift_left3A_1131 : vector<16xi32> -> vector<16xf32>
        %and3A_1133 = arith.constant -65536 : i32
        %and3A_1134 = vector.broadcast %and3A_1133 : i32 to vector<16xi32>
        %and3A_1135 = arith.andi %get3A_1128, %and3A_1134 : vector<16xi32>
        %bitcast_convert_type3A_1136 = tpu.bitcast %and3A_1135 : vector<16xi32> -> vector<16xf32>
        %add3A_1137 = arith.addf %add3A_1081, %bitcast_convert_type3A_1132 : vector<16xf32>
        %add3A_1138 = arith.addf %add3A_1082, %bitcast_convert_type3A_1136 : vector<16xf32>
        %get3A_1139 = arith.index_cast %add3A_1125 : i32 to index
        %get3A_1140 = arith.constant 16 : index
        %get3A_1141 = tpu.vector_load %arg6[%get3A_1139, %get3A_1140] {strides = array<i32>} : memref<200x64xi32, #tpu.memory_space<vmem>>, vector<16xi32>,
        %shift_left3A_1142 = arith.constant 16 : i32
        %shift_left3A_1143 = vector.broadcast %shift_left3A_1142 : i32 to vector<16xi32>
        %shift_left3A_1144 = arith.shli %get3A_1141, %shift_left3A_1143 : vector<16xi32>
        %bitcast_convert_type3A_1145 = tpu.bitcast %shift_left3A_1144 : vector<16xi32> -> vector<16xf32>
        %and3A_1146 = arith.constant -65536 : i32
        %and3A_1147 = vector.broadcast %and3A_1146 : i32 to vector<16xi32>
        %and3A_1148 = arith.andi %get3A_1141, %and3A_1147 : vector<16xi32>
        %bitcast_convert_type3A_1149 = tpu.bitcast %and3A_1148 : vector<16xi32> -> vector<16xf32>
        %add3A_1150 = arith.addf %add3A_1094, %bitcast_convert_type3A_1145 : vector<16xf32>
        %add3A_1151 = arith.addf %add3A_1095, %bitcast_convert_type3A_1149 : vector<16xf32>
        %get3A_1152 = arith.index_cast %add3A_1125 : i32 to index
        %get3A_1153 = arith.constant 32 : index
        %get3A_1154 = tpu.vector_load %arg6[%get3A_1152, %get3A_1153] {strides = array<i32>} : memref<200x64xi32, #tpu.memory_space<vmem>>, vector<16xi32>,
        %shift_left3A_1155 = arith.constant 16 : i32
        %shift_left3A_1156 = vector.broadcast %shift_left3A_1155 : i32 to vector<16xi32>
        %shift_left3A_1157 = arith.shli %get3A_1154, %shift_left3A_1156 : vector<16xi32>
        %bitcast_convert_type3A_1158 = tpu.bitcast %shift_left3A_1157 : vector<16xi32> -> vector<16xf32>
        %and3A_1159 = arith.constant -65536 : i32
        %and3A_1160 = vector.broadcast %and3A_1159 : i32 to vector<16xi32>
        %and3A_1161 = arith.andi %get3A_1154, %and3A_1160 : vector<16xi32>
        %bitcast_convert_type3A_1162 = tpu.bitcast %and3A_1161 : vector<16xi32> -> vector<16xf32>
        %add3A_1163 = arith.addf %add3A_1107, %bitcast_convert_type3A_1158 : vector<16xf32>
        %add3A_1164 = arith.addf %add3A_1108, %bitcast_convert_type3A_1162 : vector<16xf32>
        %get3A_1165 = arith.index_cast %add3A_1125 : i32 to index
        %get3A_1166 = arith.constant 48 : index
        %get3A_1167 = tpu.vector_load %arg6[%get3A_1165, %get3A_1166] {strides = array<i32>} : memref<200x64xi32, #tpu.memory_space<vmem>>, vector<16xi32>,
        %shift_left3A_1168 = arith.constant 16 : i32
        %shift_left3A_1169 = vector.broadcast %shift_left3A_1168 : i32 to vector<16xi32>
        %shift_left3A_1170 = arith.shli %get3A_1167, %shift_left3A_1169 : vector<16xi32>
        %bitcast_convert_type3A_1171 = tpu.bitcast %shift_left3A_1170 : vector<16xi32> -> vector<16xf32>
        %and3A_1172 = arith.constant -65536 : i32
        %and3A_1173 = vector.broadcast %and3A_1172 : i32 to vector<16xi32>
        %and3A_1174 = arith.andi %get3A_1167, %and3A_1173 : vector<16xi32>
        %bitcast_convert_type3A_1175 = tpu.bitcast %and3A_1174 : vector<16xi32> -> vector<16xf32>
        %add3A_1176 = arith.addf %add3A_1120, %bitcast_convert_type3A_1171 : vector<16xf32>
        %add3A_1177 = arith.addf %add3A_1121, %bitcast_convert_type3A_1175 : vector<16xf32>
        %mul3A_1178 = arith.constant 8 : i32
        %mul3A_1179 = arith.muli %scan3A_781, %mul3A_1178 : i32
        %add3A_1180 = arith.constant 7 : i32
        %add3A_1181 = arith.addi %mul3A_1179, %add3A_1180 : i32
        %get3A_1182 = arith.index_cast %add3A_1181 : i32 to index
        %get3A_1183 = arith.constant 0 : index
        %get3A_1184 = tpu.vector_load %arg6[%get3A_1182, %get3A_1183] {strides = array<i32>} : memref<200x64xi32, #tpu.memory_space<vmem>>, vector<16xi32>,
        %shift_left3A_1185 = arith.constant 16 : i32
        %shift_left3A_1186 = vector.broadcast %shift_left3A_1185 : i32 to vector<16xi32>
        %shift_left3A_1187 = arith.shli %get3A_1184, %shift_left3A_1186 : vector<16xi32>
        %bitcast_convert_type3A_1188 = tpu.bitcast %shift_left3A_1187 : vector<16xi32> -> vector<16xf32>
        %and3A_1189 = arith.constant -65536 : i32
        %and3A_1190 = vector.broadcast %and3A_1189 : i32 to vector<16xi32>
        %and3A_1191 = arith.andi %get3A_1184, %and3A_1190 : vector<16xi32>
        %bitcast_convert_type3A_1192 = tpu.bitcast %and3A_1191 : vector<16xi32> -> vector<16xf32>
        %add3A_1193 = arith.addf %add3A_1137, %bitcast_convert_type3A_1188 : vector<16xf32>
        %add3A_1194 = arith.addf %add3A_1138, %bitcast_convert_type3A_1192 : vector<16xf32>
        %get3A_1195 = arith.index_cast %add3A_1181 : i32 to index
        %get3A_1196 = arith.constant 16 : index
        %get3A_1197 = tpu.vector_load %arg6[%get3A_1195, %get3A_1196] {strides = array<i32>} : memref<200x64xi32, #tpu.memory_space<vmem>>, vector<16xi32>,
        %shift_left3A_1198 = arith.constant 16 : i32
        %shift_left3A_1199 = vector.broadcast %shift_left3A_1198 : i32 to vector<16xi32>
        %shift_left3A_1200 = arith.shli %get3A_1197, %shift_left3A_1199 : vector<16xi32>
        %bitcast_convert_type3A_1201 = tpu.bitcast %shift_left3A_1200 : vector<16xi32> -> vector<16xf32>
        %and3A_1202 = arith.constant -65536 : i32
        %and3A_1203 = vector.broadcast %and3A_1202 : i32 to vector<16xi32>
        %and3A_1204 = arith.andi %get3A_1197, %and3A_1203 : vector<16xi32>
        %bitcast_convert_type3A_1205 = tpu.bitcast %and3A_1204 : vector<16xi32> -> vector<16xf32>
        %add3A_1206 = arith.addf %add3A_1150, %bitcast_convert_type3A_1201 : vector<16xf32>
        %add3A_1207 = arith.addf %add3A_1151, %bitcast_convert_type3A_1205 : vector<16xf32>
        %get3A_1208 = arith.index_cast %add3A_1181 : i32 to index
        %get3A_1209 = arith.constant 32 : index
        %get3A_1210 = tpu.vector_load %arg6[%get3A_1208, %get3A_1209] {strides = array<i32>} : memref<200x64xi32, #tpu.memory_space<vmem>>, vector<16xi32>,
        %shift_left3A_1211 = arith.constant 16 : i32
        %shift_left3A_1212 = vector.broadcast %shift_left3A_1211 : i32 to vector<16xi32>
        %shift_left3A_1213 = arith.shli %get3A_1210, %shift_left3A_1212 : vector<16xi32>
        %bitcast_convert_type3A_1214 = tpu.bitcast %shift_left3A_1213 : vector<16xi32> -> vector<16xf32>
        %and3A_1215 = arith.constant -65536 : i32
        %and3A_1216 = vector.broadcast %and3A_1215 : i32 to vector<16xi32>
        %and3A_1217 = arith.andi %get3A_1210, %and3A_1216 : vector<16xi32>
        %bitcast_convert_type3A_1218 = tpu.bitcast %and3A_1217 : vector<16xi32> -> vector<16xf32>
        %add3A_1219 = arith.addf %add3A_1163, %bitcast_convert_type3A_1214 : vector<16xf32>
        %add3A_1220 = arith.addf %add3A_1164, %bitcast_convert_type3A_1218 : vector<16xf32>
        %get3A_1221 = arith.index_cast %add3A_1181 : i32 to index
        %get3A_1222 = arith.constant 48 : index
        %get3A_1223 = tpu.vector_load %arg6[%get3A_1221, %get3A_1222] {strides = array<i32>} : memref<200x64xi32, #tpu.memory_space<vmem>>, vector<16xi32>,
        %shift_left3A_1224 = arith.constant 16 : i32
        %shift_left3A_1225 = vector.broadcast %shift_left3A_1224 : i32 to vector<16xi32>
        %shift_left3A_1226 = arith.shli %get3A_1223, %shift_left3A_1225 : vector<16xi32>
        %bitcast_convert_type3A_1227 = tpu.bitcast %shift_left3A_1226 : vector<16xi32> -> vector<16xf32>
        %and3A_1228 = arith.constant -65536 : i32
        %and3A_1229 = vector.broadcast %and3A_1228 : i32 to vector<16xi32>
        %and3A_1230 = arith.andi %get3A_1223, %and3A_1229 : vector<16xi32>
        %bitcast_convert_type3A_1231 = tpu.bitcast %and3A_1230 : vector<16xi32> -> vector<16xf32>
        %add3A_1232 = arith.addf %add3A_1176, %bitcast_convert_type3A_1227 : vector<16xf32>
        %add3A_1233 = arith.addf %add3A_1177, %bitcast_convert_type3A_1231 : vector<16xf32>
        scf.yield %add3A_1193, %add3A_1206, %add3A_1219, %add3A_1232, %add3A_1194, %add3A_1207, %add3A_1220, %add3A_1233 : vector<16xf32>, vector<16xf32>, vector<16xf32>, vector<16xf32>, vector<16xf32>, vector<16xf32>, vector<16xf32>, vector<16xf32>
      }
      %scan3A_357 = arith.constant 25 : i32
      %mul3A_358 = arith.constant 5.000000e-03 : f32
      %mul3A_359 = vector.broadcast %mul3A_358 : f32 to vector<16xf32>
      %mul3A_360 = arith.mulf %scan3A_356#0, %mul3A_359 : vector<16xf32>
      %swap3A_361 = arith.index_cast %add3A_335 : i32 to index
      %swap3A_362 = arith.constant 0 : index
      %swap3A_363 = tpu.vector_load %arg11[%swap3A_361, %swap3A_362] {strides = array<i32>} : memref<128x128xf32, #tpu.memory_space<vmem>>, vector<16xf32>,
      tpu.vector_store %arg11[%swap3A_361, %swap3A_362], %mul3A_360 {strides = array<i32>} : memref<128x128xf32, #tpu.memory_space<vmem>>, vector<16xf32>,
      %mul3A_364 = arith.constant 5.000000e-03 : f32
      %mul3A_365 = vector.broadcast %mul3A_364 : f32 to vector<16xf32>
      %mul3A_366 = arith.mulf %scan3A_356#1, %mul3A_365 : vector<16xf32>
      %swap3A_367 = arith.index_cast %add3A_335 : i32 to index
      %swap3A_368 = arith.constant 16 : index
      %swap3A_369 = tpu.vector_load %arg11[%swap3A_367, %swap3A_368] {strides = array<i32>} : memref<128x128xf32, #tpu.memory_space<vmem>>, vector<16xf32>,
      tpu.vector_store %arg11[%swap3A_367, %swap3A_368], %mul3A_366 {strides = array<i32>} : memref<128x128xf32, #tpu.memory_space<vmem>>, vector<16xf32>,
      %mul3A_370 = arith.constant 5.000000e-03 : f32
      %mul3A_371 = vector.broadcast %mul3A_370 : f32 to vector<16xf32>
      %mul3A_372 = arith.mulf %scan3A_356#2, %mul3A_371 : vector<16xf32>
      %swap3A_373 = arith.index_cast %add3A_335 : i32 to index
      %swap3A_374 = arith.constant 32 : index
      %swap3A_375 = tpu.vector_load %arg11[%swap3A_373, %swap3A_374] {strides = array<i32>} : memref<128x128xf32, #tpu.memory_space<vmem>>, vector<16xf32>,
      tpu.vector_store %arg11[%swap3A_373, %swap3A_374], %mul3A_372 {strides = array<i32>} : memref<128x128xf32, #tpu.memory_space<vmem>>, vector<16xf32>,
      %mul3A_376 = arith.constant 5.000000e-03 : f32
      %mul3A_377 = vector.broadcast %mul3A_376 : f32 to vector<16xf32>
      %mul3A_378 = arith.mulf %scan3A_356#3, %mul3A_377 : vector<16xf32>
      %swap3A_379 = arith.index_cast %add3A_335 : i32 to index
      %swap3A_380 = arith.constant 48 : index
      %swap3A_381 = tpu.vector_load %arg11[%swap3A_379, %swap3A_380] {strides = array<i32>} : memref<128x128xf32, #tpu.memory_space<vmem>>, vector<16xf32>,
      tpu.vector_store %arg11[%swap3A_379, %swap3A_380], %mul3A_378 {strides = array<i32>} : memref<128x128xf32, #tpu.memory_space<vmem>>, vector<16xf32>,
      %mul3A_382 = arith.constant 5.000000e-03 : f32
      %mul3A_383 = vector.broadcast %mul3A_382 : f32 to vector<16xf32>
      %mul3A_384 = arith.mulf %scan3A_356#4, %mul3A_383 : vector<16xf32>
      %swap3A_385 = arith.index_cast %add3A_335 : i32 to index
      %swap3A_386 = arith.constant 64 : index
      %swap3A_387 = tpu.vector_load %arg11[%swap3A_385, %swap3A_386] {strides = array<i32>} : memref<128x128xf32, #tpu.memory_space<vmem>>, vector<16xf32>,
      tpu.vector_store %arg11[%swap3A_385, %swap3A_386], %mul3A_384 {strides = array<i32>} : memref<128x128xf32, #tpu.memory_space<vmem>>, vector<16xf32>,
      %mul3A_388 = arith.constant 5.000000e-03 : f32
      %mul3A_389 = vector.broadcast %mul3A_388 : f32 to vector<16xf32>
      %mul3A_390 = arith.mulf %scan3A_356#5, %mul3A_389 : vector<16xf32>
      %swap3A_391 = arith.index_cast %add3A_335 : i32 to index
      %swap3A_392 = arith.constant 80 : index
      %swap3A_393 = tpu.vector_load %arg11[%swap3A_391, %swap3A_392] {strides = array<i32>} : memref<128x128xf32, #tpu.memory_space<vmem>>, vector<16xf32>,
      tpu.vector_store %arg11[%swap3A_391, %swap3A_392], %mul3A_390 {strides = array<i32>} : memref<128x128xf32, #tpu.memory_space<vmem>>, vector<16xf32>,
      %mul3A_394 = arith.constant 5.000000e-03 : f32
      %mul3A_395 = vector.broadcast %mul3A_394 : f32 to vector<16xf32>
      %mul3A_396 = arith.mulf %scan3A_356#6, %mul3A_395 : vector<16xf32>
      %swap3A_397 = arith.index_cast %add3A_335 : i32 to index
      %swap3A_398 = arith.constant 96 : index
      %swap3A_399 = tpu.vector_load %arg11[%swap3A_397, %swap3A_398] {strides = array<i32>} : memref<128x128xf32, #tpu.memory_space<vmem>>, vector<16xf32>,
      tpu.vector_store %arg11[%swap3A_397, %swap3A_398], %mul3A_396 {strides = array<i32>} : memref<128x128xf32, #tpu.memory_space<vmem>>, vector<16xf32>,
      %mul3A_400 = arith.constant 5.000000e-03 : f32
      %mul3A_401 = vector.broadcast %mul3A_400 : f32 to vector<16xf32>
      %mul3A_402 = arith.mulf %scan3A_356#7, %mul3A_401 : vector<16xf32>
      %swap3A_403 = arith.index_cast %add3A_335 : i32 to index
      %swap3A_404 = arith.constant 112 : index
      %swap3A_405 = tpu.vector_load %arg11[%swap3A_403, %swap3A_404] {strides = array<i32>} : memref<128x128xf32, #tpu.memory_space<vmem>>, vector<16xf32>,
      tpu.vector_store %arg11[%swap3A_403, %swap3A_404], %mul3A_402 {strides = array<i32>} : memref<128x128xf32, #tpu.memory_space<vmem>>, vector<16xf32>,
      %add3A_406 = arith.constant 0 : i32
      %add3A_407 = arith.addi %mul3A_322, %add3A_406 : i32
      %add3A_408 = arith.constant 5 : i32
      %add3A_409 = arith.addi %add3A_407, %add3A_408 : i32
      %lt3A = arith.constant 128 : i32
      %lt3A_410 = arith.cmpi slt, %add3A_409, %lt3A : i32
      %convert_element_type3A = arith.extui %lt3A_410 : i1 to i32
      %cond3A = arith.constant 0 : i32
      %cond3A_411 = arith.cmpi ne, %convert_element_type3A, %cond3A : i32
      scf.if %cond3A_411 {
        %add3A_781 = arith.constant 0 : i32
        %add3A_782 = arith.addi %mul3A_322, %add3A_781 : i32
        %add3A_783 = arith.constant 5 : i32
        %add3A_784 = arith.addi %add3A_782, %add3A_783 : i32
        %dma_start3A_785 = arith.constant 0 : i32
        %dma_start3A_786 = arith.constant 0 : i32
        %dma_start3A_787 = tpu.memref_slice %arg6[%dma_start3A_785, %dma_start3A_786] : memref<200x64xi32, #tpu.memory_space<vmem>> -> memref<200x64xi32, #tpu.memory_space<vmem>>
        %dma_start3A_788 = arith.constant 0 : i32
        %dma_start3A_789 = tpu.memref_slice %arg5[%add3A_784, %dma_start3A_788] : memref<128x200xi32, #tpu.memory_space<vmem>> -> memref<1x200xi32, #tpu.memory_space<vmem>>
        %dma_start3A_790 = tpu.memref_squeeze %dma_start3A_789 : memref<1x200xi32, #tpu.memory_space<vmem>> -> memref<200xi32, #tpu.memory_space<vmem>>
        %dma_start3A_791 = arith.constant 0 : i32
        %dma_start3A_792 = arith.constant 0 : i32
        %dma_start3A_793 = tpu.memref_slice %arg3[%dma_start3A_791, %dma_start3A_792] : memref<30522x64xi32, #tpu.memory_space<hbm>> -> memref<30522x64xi32, #tpu.memory_space<hbm>>
        tpu.enqueue_indirect_dma source(%dma_start3A_793 : memref<30522x64xi32, #tpu.memory_space<hbm>>) target(%dma_start3A_787 : memref<200x64xi32, #tpu.memory_space<vmem>>) offsets(%dma_start3A_790 : memref<200xi32, #tpu.memory_space<vmem>>) semaphore(%arg12 : memref<!tpu.dma_semaphore, #tpu.memory_space<semaphore_mem>>)
      } else {
      }
      %add3A_412 = arith.constant 1 : i32
      %add3A_413 = arith.addi %mul3A_322, %add3A_412 : i32
      %dma_wait3A_414 = arith.constant 0 : i32
      %dma_wait3A_415 = arith.constant 0 : i32
      %dma_wait3A_416 = tpu.memref_slice %arg7[%dma_wait3A_414, %dma_wait3A_415] : memref<200x64xi32, #tpu.memory_space<vmem>> -> memref<200x64xi32, #tpu.memory_space<vmem>>
      %dma_wait3A_417 = arith.constant 0 : i32
      %dma_wait3A_418 = tpu.memref_slice %arg5[%add3A_413, %dma_wait3A_417] : memref<128x200xi32, #tpu.memory_space<vmem>> -> memref<1x200xi32, #tpu.memory_space<vmem>>
      %dma_wait3A_419 = tpu.memref_squeeze %dma_wait3A_418 : memref<1x200xi32, #tpu.memory_space<vmem>> -> memref<200xi32, #tpu.memory_space<vmem>>
      %dma_wait3A_420 = arith.constant 0 : i32
      %dma_wait3A_421 = arith.constant 0 : i32
      %dma_wait3A_422 = tpu.memref_slice %arg3[%dma_wait3A_420, %dma_wait3A_421] : memref<30522x64xi32, #tpu.memory_space<hbm>> -> memref<30522x64xi32, #tpu.memory_space<hbm>>
      tpu.wait_indirect_dma semaphore(%arg13 : memref<!tpu.dma_semaphore, #tpu.memory_space<semaphore_mem>>) src(%dma_wait3A_422 : memref<30522x64xi32, #tpu.memory_space<hbm>>) dst(%dma_wait3A_416 : memref<200x64xi32, #tpu.memory_space<vmem>>)
      %add3A_423 = arith.constant 1 : i32
      %add3A_424 = arith.addi %mul3A_322, %add3A_423 : i32
      %broadcast_in_dim3A_425 = arith.constant 0.000000e+00 : f32
      %broadcast_in_dim3A_426 = vector.broadcast %broadcast_in_dim3A_425 : f32 to vector<16xf32>
      %broadcast_in_dim3A_427 = arith.constant 0.000000e+00 : f32
      %broadcast_in_dim3A_428 = vector.broadcast %broadcast_in_dim3A_427 : f32 to vector<16xf32>
      %broadcast_in_dim3A_429 = arith.constant 0.000000e+00 : f32
      %broadcast_in_dim3A_430 = vector.broadcast %broadcast_in_dim3A_429 : f32 to vector<16xf32>
      %broadcast_in_dim3A_431 = arith.constant 0.000000e+00 : f32
      %broadcast_in_dim3A_432 = vector.broadcast %broadcast_in_dim3A_431 : f32 to vector<16xf32>
      %broadcast_in_dim3A_433 = arith.constant 0.000000e+00 : f32
      %broadcast_in_dim3A_434 = vector.broadcast %broadcast_in_dim3A_433 : f32 to vector<16xf32>
      %broadcast_in_dim3A_435 = arith.constant 0.000000e+00 : f32
      %broadcast_in_dim3A_436 = vector.broadcast %broadcast_in_dim3A_435 : f32 to vector<16xf32>
      %broadcast_in_dim3A_437 = arith.constant 0.000000e+00 : f32
      %broadcast_in_dim3A_438 = vector.broadcast %broadcast_in_dim3A_437 : f32 to vector<16xf32>
      %broadcast_in_dim3A_439 = arith.constant 0.000000e+00 : f32
      %broadcast_in_dim3A_440 = vector.broadcast %broadcast_in_dim3A_439 : f32 to vector<16xf32>
      %scan3A_441 = arith.constant 0 : i32
      %scan3A_442 = arith.constant 25 : i32
      %scan3A_443 = arith.addi %scan3A_441, %scan3A_442 : i32
      %scan3A_444 = arith.constant 1 : i32
      %scan3A_445:8 = scf.for %scan3A_781 = %scan3A_441 to %scan3A_443 step %scan3A_444 iter_args(%scan3A_782 = %broadcast_in_dim3A_426, %scan3A_783 = %broadcast_in_dim3A_428, %scan3A_784 = %broadcast_in_dim3A_430, %scan3A_785 = %broadcast_in_dim3A_432, %scan3A_786 = %broadcast_in_dim3A_434, %scan3A_787 = %broadcast_in_dim3A_436, %scan3A_788 = %broadcast_in_dim3A_438, %scan3A_789 = %broadcast_in_dim3A_440) -> (vector<16xf32>, vector<16xf32>, vector<16xf32>, vector<16xf32>, vector<16xf32>, vector<16xf32>, vector<16xf32>, vector<16xf32>)  : i32 {
        %mul3A_790 = arith.constant 8 : i32
        %mul3A_791 = arith.muli %scan3A_781, %mul3A_790 : i32
        %add3A_792 = arith.constant 0 : i32
        %add3A_793 = arith.addi %mul3A_791, %add3A_792 : i32
        %get3A = arith.index_cast %add3A_793 : i32 to index
        %get3A_794 = arith.constant 0 : index
        %get3A_795 = tpu.vector_load %arg7[%get3A, %get3A_794] {strides = array<i32>} : memref<200x64xi32, #tpu.memory_space<vmem>>, vector<16xi32>,
        %shift_left3A = arith.constant 16 : i32
        %shift_left3A_796 = vector.broadcast %shift_left3A : i32 to vector<16xi32>
        %shift_left3A_797 = arith.shli %get3A_795, %shift_left3A_796 : vector<16xi32>
        %bitcast_convert_type3A = tpu.bitcast %shift_left3A_797 : vector<16xi32> -> vector<16xf32>
        %and3A = arith.constant -65536 : i32
        %and3A_798 = vector.broadcast %and3A : i32 to vector<16xi32>
        %and3A_799 = arith.andi %get3A_795, %and3A_798 : vector<16xi32>
        %bitcast_convert_type3A_800 = tpu.bitcast %and3A_799 : vector<16xi32> -> vector<16xf32>
        %add3A_801 = arith.addf %scan3A_782, %bitcast_convert_type3A : vector<16xf32>
        %add3A_802 = arith.addf %scan3A_786, %bitcast_convert_type3A_800 : vector<16xf32>
        %get3A_803 = arith.index_cast %add3A_793 : i32 to index
        %get3A_804 = arith.constant 16 : index
        %get3A_805 = tpu.vector_load %arg7[%get3A_803, %get3A_804] {strides = array<i32>} : memref<200x64xi32, #tpu.memory_space<vmem>>, vector<16xi32>,
        %shift_left3A_806 = arith.constant 16 : i32
        %shift_left3A_807 = vector.broadcast %shift_left3A_806 : i32 to vector<16xi32>
        %shift_left3A_808 = arith.shli %get3A_805, %shift_left3A_807 : vector<16xi32>
        %bitcast_convert_type3A_809 = tpu.bitcast %shift_left3A_808 : vector<16xi32> -> vector<16xf32>
        %and3A_810 = arith.constant -65536 : i32
        %and3A_811 = vector.broadcast %and3A_810 : i32 to vector<16xi32>
        %and3A_812 = arith.andi %get3A_805, %and3A_811 : vector<16xi32>
        %bitcast_convert_type3A_813 = tpu.bitcast %and3A_812 : vector<16xi32> -> vector<16xf32>
        %add3A_814 = arith.addf %scan3A_783, %bitcast_convert_type3A_809 : vector<16xf32>
        %add3A_815 = arith.addf %scan3A_787, %bitcast_convert_type3A_813 : vector<16xf32>
        %get3A_816 = arith.index_cast %add3A_793 : i32 to index
        %get3A_817 = arith.constant 32 : index
        %get3A_818 = tpu.vector_load %arg7[%get3A_816, %get3A_817] {strides = array<i32>} : memref<200x64xi32, #tpu.memory_space<vmem>>, vector<16xi32>,
        %shift_left3A_819 = arith.constant 16 : i32
        %shift_left3A_820 = vector.broadcast %shift_left3A_819 : i32 to vector<16xi32>
        %shift_left3A_821 = arith.shli %get3A_818, %shift_left3A_820 : vector<16xi32>
        %bitcast_convert_type3A_822 = tpu.bitcast %shift_left3A_821 : vector<16xi32> -> vector<16xf32>
        %and3A_823 = arith.constant -65536 : i32
        %and3A_824 = vector.broadcast %and3A_823 : i32 to vector<16xi32>
        %and3A_825 = arith.andi %get3A_818, %and3A_824 : vector<16xi32>
        %bitcast_convert_type3A_826 = tpu.bitcast %and3A_825 : vector<16xi32> -> vector<16xf32>
        %add3A_827 = arith.addf %scan3A_784, %bitcast_convert_type3A_822 : vector<16xf32>
        %add3A_828 = arith.addf %scan3A_788, %bitcast_convert_type3A_826 : vector<16xf32>
        %get3A_829 = arith.index_cast %add3A_793 : i32 to index
        %get3A_830 = arith.constant 48 : index
        %get3A_831 = tpu.vector_load %arg7[%get3A_829, %get3A_830] {strides = array<i32>} : memref<200x64xi32, #tpu.memory_space<vmem>>, vector<16xi32>,
        %shift_left3A_832 = arith.constant 16 : i32
        %shift_left3A_833 = vector.broadcast %shift_left3A_832 : i32 to vector<16xi32>
        %shift_left3A_834 = arith.shli %get3A_831, %shift_left3A_833 : vector<16xi32>
        %bitcast_convert_type3A_835 = tpu.bitcast %shift_left3A_834 : vector<16xi32> -> vector<16xf32>
        %and3A_836 = arith.constant -65536 : i32
        %and3A_837 = vector.broadcast %and3A_836 : i32 to vector<16xi32>
        %and3A_838 = arith.andi %get3A_831, %and3A_837 : vector<16xi32>
        %bitcast_convert_type3A_839 = tpu.bitcast %and3A_838 : vector<16xi32> -> vector<16xf32>
        %add3A_840 = arith.addf %scan3A_785, %bitcast_convert_type3A_835 : vector<16xf32>
        %add3A_841 = arith.addf %scan3A_789, %bitcast_convert_type3A_839 : vector<16xf32>
        %mul3A_842 = arith.constant 8 : i32
        %mul3A_843 = arith.muli %scan3A_781, %mul3A_842 : i32
        %add3A_844 = arith.constant 1 : i32
        %add3A_845 = arith.addi %mul3A_843, %add3A_844 : i32
        %get3A_846 = arith.index_cast %add3A_845 : i32 to index
        %get3A_847 = arith.constant 0 : index
        %get3A_848 = tpu.vector_load %arg7[%get3A_846, %get3A_847] {strides = array<i32>} : memref<200x64xi32, #tpu.memory_space<vmem>>, vector<16xi32>,
        %shift_left3A_849 = arith.constant 16 : i32
        %shift_left3A_850 = vector.broadcast %shift_left3A_849 : i32 to vector<16xi32>
        %shift_left3A_851 = arith.shli %get3A_848, %shift_left3A_850 : vector<16xi32>
        %bitcast_convert_type3A_852 = tpu.bitcast %shift_left3A_851 : vector<16xi32> -> vector<16xf32>
        %and3A_853 = arith.constant -65536 : i32
        %and3A_854 = vector.broadcast %and3A_853 : i32 to vector<16xi32>
        %and3A_855 = arith.andi %get3A_848, %and3A_854 : vector<16xi32>
        %bitcast_convert_type3A_856 = tpu.bitcast %and3A_855 : vector<16xi32> -> vector<16xf32>
        %add3A_857 = arith.addf %add3A_801, %bitcast_convert_type3A_852 : vector<16xf32>
        %add3A_858 = arith.addf %add3A_802, %bitcast_convert_type3A_856 : vector<16xf32>
        %get3A_859 = arith.index_cast %add3A_845 : i32 to index
        %get3A_860 = arith.constant 16 : index
        %get3A_861 = tpu.vector_load %arg7[%get3A_859, %get3A_860] {strides = array<i32>} : memref<200x64xi32, #tpu.memory_space<vmem>>, vector<16xi32>,
        %shift_left3A_862 = arith.constant 16 : i32
        %shift_left3A_863 = vector.broadcast %shift_left3A_862 : i32 to vector<16xi32>
        %shift_left3A_864 = arith.shli %get3A_861, %shift_left3A_863 : vector<16xi32>
        %bitcast_convert_type3A_865 = tpu.bitcast %shift_left3A_864 : vector<16xi32> -> vector<16xf32>
        %and3A_866 = arith.constant -65536 : i32
        %and3A_867 = vector.broadcast %and3A_866 : i32 to vector<16xi32>
        %and3A_868 = arith.andi %get3A_861, %and3A_867 : vector<16xi32>
        %bitcast_convert_type3A_869 = tpu.bitcast %and3A_868 : vector<16xi32> -> vector<16xf32>
        %add3A_870 = arith.addf %add3A_814, %bitcast_convert_type3A_865 : vector<16xf32>
        %add3A_871 = arith.addf %add3A_815, %bitcast_convert_type3A_869 : vector<16xf32>
        %get3A_872 = arith.index_cast %add3A_845 : i32 to index
        %get3A_873 = arith.constant 32 : index
        %get3A_874 = tpu.vector_load %arg7[%get3A_872, %get3A_873] {strides = array<i32>} : memref<200x64xi32, #tpu.memory_space<vmem>>, vector<16xi32>,
        %shift_left3A_875 = arith.constant 16 : i32
        %shift_left3A_876 = vector.broadcast %shift_left3A_875 : i32 to vector<16xi32>
        %shift_left3A_877 = arith.shli %get3A_874, %shift_left3A_876 : vector<16xi32>
        %bitcast_convert_type3A_878 = tpu.bitcast %shift_left3A_877 : vector<16xi32> -> vector<16xf32>
        %and3A_879 = arith.constant -65536 : i32
        %and3A_880 = vector.broadcast %and3A_879 : i32 to vector<16xi32>
        %and3A_881 = arith.andi %get3A_874, %and3A_880 : vector<16xi32>
        %bitcast_convert_type3A_882 = tpu.bitcast %and3A_881 : vector<16xi32> -> vector<16xf32>
        %add3A_883 = arith.addf %add3A_827, %bitcast_convert_type3A_878 : vector<16xf32>
        %add3A_884 = arith.addf %add3A_828, %bitcast_convert_type3A_882 : vector<16xf32>
        %get3A_885 = arith.index_cast %add3A_845 : i32 to index
        %get3A_886 = arith.constant 48 : index
        %get3A_887 = tpu.vector_load %arg7[%get3A_885, %get3A_886] {strides = array<i32>} : memref<200x64xi32, #tpu.memory_space<vmem>>, vector<16xi32>,
        %shift_left3A_888 = arith.constant 16 : i32
        %shift_left3A_889 = vector.broadcast %shift_left3A_888 : i32 to vector<16xi32>
        %shift_left3A_890 = arith.shli %get3A_887, %shift_left3A_889 : vector<16xi32>
        %bitcast_convert_type3A_891 = tpu.bitcast %shift_left3A_890 : vector<16xi32> -> vector<16xf32>
        %and3A_892 = arith.constant -65536 : i32
        %and3A_893 = vector.broadcast %and3A_892 : i32 to vector<16xi32>
        %and3A_894 = arith.andi %get3A_887, %and3A_893 : vector<16xi32>
        %bitcast_convert_type3A_895 = tpu.bitcast %and3A_894 : vector<16xi32> -> vector<16xf32>
        %add3A_896 = arith.addf %add3A_840, %bitcast_convert_type3A_891 : vector<16xf32>
        %add3A_897 = arith.addf %add3A_841, %bitcast_convert_type3A_895 : vector<16xf32>
        %mul3A_898 = arith.constant 8 : i32
        %mul3A_899 = arith.muli %scan3A_781, %mul3A_898 : i32
        %add3A_900 = arith.constant 2 : i32
        %add3A_901 = arith.addi %mul3A_899, %add3A_900 : i32
        %get3A_902 = arith.index_cast %add3A_901 : i32 to index
        %get3A_903 = arith.constant 0 : index
        %get3A_904 = tpu.vector_load %arg7[%get3A_902, %get3A_903] {strides = array<i32>} : memref<200x64xi32, #tpu.memory_space<vmem>>, vector<16xi32>,
        %shift_left3A_905 = arith.constant 16 : i32
        %shift_left3A_906 = vector.broadcast %shift_left3A_905 : i32 to vector<16xi32>
        %shift_left3A_907 = arith.shli %get3A_904, %shift_left3A_906 : vector<16xi32>
        %bitcast_convert_type3A_908 = tpu.bitcast %shift_left3A_907 : vector<16xi32> -> vector<16xf32>
        %and3A_909 = arith.constant -65536 : i32
        %and3A_910 = vector.broadcast %and3A_909 : i32 to vector<16xi32>
        %and3A_911 = arith.andi %get3A_904, %and3A_910 : vector<16xi32>
        %bitcast_convert_type3A_912 = tpu.bitcast %and3A_911 : vector<16xi32> -> vector<16xf32>
        %add3A_913 = arith.addf %add3A_857, %bitcast_convert_type3A_908 : vector<16xf32>
        %add3A_914 = arith.addf %add3A_858, %bitcast_convert_type3A_912 : vector<16xf32>
        %get3A_915 = arith.index_cast %add3A_901 : i32 to index
        %get3A_916 = arith.constant 16 : index
        %get3A_917 = tpu.vector_load %arg7[%get3A_915, %get3A_916] {strides = array<i32>} : memref<200x64xi32, #tpu.memory_space<vmem>>, vector<16xi32>,
        %shift_left3A_918 = arith.constant 16 : i32
        %shift_left3A_919 = vector.broadcast %shift_left3A_918 : i32 to vector<16xi32>
        %shift_left3A_920 = arith.shli %get3A_917, %shift_left3A_919 : vector<16xi32>
        %bitcast_convert_type3A_921 = tpu.bitcast %shift_left3A_920 : vector<16xi32> -> vector<16xf32>
        %and3A_922 = arith.constant -65536 : i32
        %and3A_923 = vector.broadcast %and3A_922 : i32 to vector<16xi32>
        %and3A_924 = arith.andi %get3A_917, %and3A_923 : vector<16xi32>
        %bitcast_convert_type3A_925 = tpu.bitcast %and3A_924 : vector<16xi32> -> vector<16xf32>
        %add3A_926 = arith.addf %add3A_870, %bitcast_convert_type3A_921 : vector<16xf32>
        %add3A_927 = arith.addf %add3A_871, %bitcast_convert_type3A_925 : vector<16xf32>
        %get3A_928 = arith.index_cast %add3A_901 : i32 to index
        %get3A_929 = arith.constant 32 : index
        %get3A_930 = tpu.vector_load %arg7[%get3A_928, %get3A_929] {strides = array<i32>} : memref<200x64xi32, #tpu.memory_space<vmem>>, vector<16xi32>,
        %shift_left3A_931 = arith.constant 16 : i32
        %shift_left3A_932 = vector.broadcast %shift_left3A_931 : i32 to vector<16xi32>
        %shift_left3A_933 = arith.shli %get3A_930, %shift_left3A_932 : vector<16xi32>
        %bitcast_convert_type3A_934 = tpu.bitcast %shift_left3A_933 : vector<16xi32> -> vector<16xf32>
        %and3A_935 = arith.constant -65536 : i32
        %and3A_936 = vector.broadcast %and3A_935 : i32 to vector<16xi32>
        %and3A_937 = arith.andi %get3A_930, %and3A_936 : vector<16xi32>
        %bitcast_convert_type3A_938 = tpu.bitcast %and3A_937 : vector<16xi32> -> vector<16xf32>
        %add3A_939 = arith.addf %add3A_883, %bitcast_convert_type3A_934 : vector<16xf32>
        %add3A_940 = arith.addf %add3A_884, %bitcast_convert_type3A_938 : vector<16xf32>
        %get3A_941 = arith.index_cast %add3A_901 : i32 to index
        %get3A_942 = arith.constant 48 : index
        %get3A_943 = tpu.vector_load %arg7[%get3A_941, %get3A_942] {strides = array<i32>} : memref<200x64xi32, #tpu.memory_space<vmem>>, vector<16xi32>,
        %shift_left3A_944 = arith.constant 16 : i32
        %shift_left3A_945 = vector.broadcast %shift_left3A_944 : i32 to vector<16xi32>
        %shift_left3A_946 = arith.shli %get3A_943, %shift_left3A_945 : vector<16xi32>
        %bitcast_convert_type3A_947 = tpu.bitcast %shift_left3A_946 : vector<16xi32> -> vector<16xf32>
        %and3A_948 = arith.constant -65536 : i32
        %and3A_949 = vector.broadcast %and3A_948 : i32 to vector<16xi32>
        %and3A_950 = arith.andi %get3A_943, %and3A_949 : vector<16xi32>
        %bitcast_convert_type3A_951 = tpu.bitcast %and3A_950 : vector<16xi32> -> vector<16xf32>
        %add3A_952 = arith.addf %add3A_896, %bitcast_convert_type3A_947 : vector<16xf32>
        %add3A_953 = arith.addf %add3A_897, %bitcast_convert_type3A_951 : vector<16xf32>
        %mul3A_954 = arith.constant 8 : i32
        %mul3A_955 = arith.muli %scan3A_781, %mul3A_954 : i32
        %add3A_956 = arith.constant 3 : i32
        %add3A_957 = arith.addi %mul3A_955, %add3A_956 : i32
        %get3A_958 = arith.index_cast %add3A_957 : i32 to index
        %get3A_959 = arith.constant 0 : index
        %get3A_960 = tpu.vector_load %arg7[%get3A_958, %get3A_959] {strides = array<i32>} : memref<200x64xi32, #tpu.memory_space<vmem>>, vector<16xi32>,
        %shift_left3A_961 = arith.constant 16 : i32
        %shift_left3A_962 = vector.broadcast %shift_left3A_961 : i32 to vector<16xi32>
        %shift_left3A_963 = arith.shli %get3A_960, %shift_left3A_962 : vector<16xi32>
        %bitcast_convert_type3A_964 = tpu.bitcast %shift_left3A_963 : vector<16xi32> -> vector<16xf32>
        %and3A_965 = arith.constant -65536 : i32
        %and3A_966 = vector.broadcast %and3A_965 : i32 to vector<16xi32>
        %and3A_967 = arith.andi %get3A_960, %and3A_966 : vector<16xi32>
        %bitcast_convert_type3A_968 = tpu.bitcast %and3A_967 : vector<16xi32> -> vector<16xf32>
        %add3A_969 = arith.addf %add3A_913, %bitcast_convert_type3A_964 : vector<16xf32>
        %add3A_970 = arith.addf %add3A_914, %bitcast_convert_type3A_968 : vector<16xf32>
        %get3A_971 = arith.index_cast %add3A_957 : i32 to index
        %get3A_972 = arith.constant 16 : index
        %get3A_973 = tpu.vector_load %arg7[%get3A_971, %get3A_972] {strides = array<i32>} : memref<200x64xi32, #tpu.memory_space<vmem>>, vector<16xi32>,
        %shift_left3A_974 = arith.constant 16 : i32
        %shift_left3A_975 = vector.broadcast %shift_left3A_974 : i32 to vector<16xi32>
        %shift_left3A_976 = arith.shli %get3A_973, %shift_left3A_975 : vector<16xi32>
        %bitcast_convert_type3A_977 = tpu.bitcast %shift_left3A_976 : vector<16xi32> -> vector<16xf32>
        %and3A_978 = arith.constant -65536 : i32
        %and3A_979 = vector.broadcast %and3A_978 : i32 to vector<16xi32>
        %and3A_980 = arith.andi %get3A_973, %and3A_979 : vector<16xi32>
        %bitcast_convert_type3A_981 = tpu.bitcast %and3A_980 : vector<16xi32> -> vector<16xf32>
        %add3A_982 = arith.addf %add3A_926, %bitcast_convert_type3A_977 : vector<16xf32>
        %add3A_983 = arith.addf %add3A_927, %bitcast_convert_type3A_981 : vector<16xf32>
        %get3A_984 = arith.index_cast %add3A_957 : i32 to index
        %get3A_985 = arith.constant 32 : index
        %get3A_986 = tpu.vector_load %arg7[%get3A_984, %get3A_985] {strides = array<i32>} : memref<200x64xi32, #tpu.memory_space<vmem>>, vector<16xi32>,
        %shift_left3A_987 = arith.constant 16 : i32
        %shift_left3A_988 = vector.broadcast %shift_left3A_987 : i32 to vector<16xi32>
        %shift_left3A_989 = arith.shli %get3A_986, %shift_left3A_988 : vector<16xi32>
        %bitcast_convert_type3A_990 = tpu.bitcast %shift_left3A_989 : vector<16xi32> -> vector<16xf32>
        %and3A_991 = arith.constant -65536 : i32
        %and3A_992 = vector.broadcast %and3A_991 : i32 to vector<16xi32>
        %and3A_993 = arith.andi %get3A_986, %and3A_992 : vector<16xi32>
        %bitcast_convert_type3A_994 = tpu.bitcast %and3A_993 : vector<16xi32> -> vector<16xf32>
        %add3A_995 = arith.addf %add3A_939, %bitcast_convert_type3A_990 : vector<16xf32>
        %add3A_996 = arith.addf %add3A_940, %bitcast_convert_type3A_994 : vector<16xf32>
        %get3A_997 = arith.index_cast %add3A_957 : i32 to index
        %get3A_998 = arith.constant 48 : index
        %get3A_999 = tpu.vector_load %arg7[%get3A_997, %get3A_998] {strides = array<i32>} : memref<200x64xi32, #tpu.memory_space<vmem>>, vector<16xi32>,
        %shift_left3A_1000 = arith.constant 16 : i32
        %shift_left3A_1001 = vector.broadcast %shift_left3A_1000 : i32 to vector<16xi32>
        %shift_left3A_1002 = arith.shli %get3A_999, %shift_left3A_1001 : vector<16xi32>
        %bitcast_convert_type3A_1003 = tpu.bitcast %shift_left3A_1002 : vector<16xi32> -> vector<16xf32>
        %and3A_1004 = arith.constant -65536 : i32
        %and3A_1005 = vector.broadcast %and3A_1004 : i32 to vector<16xi32>
        %and3A_1006 = arith.andi %get3A_999, %and3A_1005 : vector<16xi32>
        %bitcast_convert_type3A_1007 = tpu.bitcast %and3A_1006 : vector<16xi32> -> vector<16xf32>
        %add3A_1008 = arith.addf %add3A_952, %bitcast_convert_type3A_1003 : vector<16xf32>
        %add3A_1009 = arith.addf %add3A_953, %bitcast_convert_type3A_1007 : vector<16xf32>
        %mul3A_1010 = arith.constant 8 : i32
        %mul3A_1011 = arith.muli %scan3A_781, %mul3A_1010 : i32
        %add3A_1012 = arith.constant 4 : i32
        %add3A_1013 = arith.addi %mul3A_1011, %add3A_1012 : i32
        %get3A_1014 = arith.index_cast %add3A_1013 : i32 to index
        %get3A_1015 = arith.constant 0 : index
        %get3A_1016 = tpu.vector_load %arg7[%get3A_1014, %get3A_1015] {strides = array<i32>} : memref<200x64xi32, #tpu.memory_space<vmem>>, vector<16xi32>,
        %shift_left3A_1017 = arith.constant 16 : i32
        %shift_left3A_1018 = vector.broadcast %shift_left3A_1017 : i32 to vector<16xi32>
        %shift_left3A_1019 = arith.shli %get3A_1016, %shift_left3A_1018 : vector<16xi32>
        %bitcast_convert_type3A_1020 = tpu.bitcast %shift_left3A_1019 : vector<16xi32> -> vector<16xf32>
        %and3A_1021 = arith.constant -65536 : i32
        %and3A_1022 = vector.broadcast %and3A_1021 : i32 to vector<16xi32>
        %and3A_1023 = arith.andi %get3A_1016, %and3A_1022 : vector<16xi32>
        %bitcast_convert_type3A_1024 = tpu.bitcast %and3A_1023 : vector<16xi32> -> vector<16xf32>
        %add3A_1025 = arith.addf %add3A_969, %bitcast_convert_type3A_1020 : vector<16xf32>
        %add3A_1026 = arith.addf %add3A_970, %bitcast_convert_type3A_1024 : vector<16xf32>
        %get3A_1027 = arith.index_cast %add3A_1013 : i32 to index
        %get3A_1028 = arith.constant 16 : index
        %get3A_1029 = tpu.vector_load %arg7[%get3A_1027, %get3A_1028] {strides = array<i32>} : memref<200x64xi32, #tpu.memory_space<vmem>>, vector<16xi32>,
        %shift_left3A_1030 = arith.constant 16 : i32
        %shift_left3A_1031 = vector.broadcast %shift_left3A_1030 : i32 to vector<16xi32>
        %shift_left3A_1032 = arith.shli %get3A_1029, %shift_left3A_1031 : vector<16xi32>
        %bitcast_convert_type3A_1033 = tpu.bitcast %shift_left3A_1032 : vector<16xi32> -> vector<16xf32>
        %and3A_1034 = arith.constant -65536 : i32
        %and3A_1035 = vector.broadcast %and3A_1034 : i32 to vector<16xi32>
        %and3A_1036 = arith.andi %get3A_1029, %and3A_1035 : vector<16xi32>
        %bitcast_convert_type3A_1037 = tpu.bitcast %and3A_1036 : vector<16xi32> -> vector<16xf32>
        %add3A_1038 = arith.addf %add3A_982, %bitcast_convert_type3A_1033 : vector<16xf32>
        %add3A_1039 = arith.addf %add3A_983, %bitcast_convert_type3A_1037 : vector<16xf32>
        %get3A_1040 = arith.index_cast %add3A_1013 : i32 to index
        %get3A_1041 = arith.constant 32 : index
        %get3A_1042 = tpu.vector_load %arg7[%get3A_1040, %get3A_1041] {strides = array<i32>} : memref<200x64xi32, #tpu.memory_space<vmem>>, vector<16xi32>,
        %shift_left3A_1043 = arith.constant 16 : i32
        %shift_left3A_1044 = vector.broadcast %shift_left3A_1043 : i32 to vector<16xi32>
        %shift_left3A_1045 = arith.shli %get3A_1042, %shift_left3A_1044 : vector<16xi32>
        %bitcast_convert_type3A_1046 = tpu.bitcast %shift_left3A_1045 : vector<16xi32> -> vector<16xf32>
        %and3A_1047 = arith.constant -65536 : i32
        %and3A_1048 = vector.broadcast %and3A_1047 : i32 to vector<16xi32>
        %and3A_1049 = arith.andi %get3A_1042, %and3A_1048 : vector<16xi32>
        %bitcast_convert_type3A_1050 = tpu.bitcast %and3A_1049 : vector<16xi32> -> vector<16xf32>
        %add3A_1051 = arith.addf %add3A_995, %bitcast_convert_type3A_1046 : vector<16xf32>
        %add3A_1052 = arith.addf %add3A_996, %bitcast_convert_type3A_1050 : vector<16xf32>
        %get3A_1053 = arith.index_cast %add3A_1013 : i32 to index
        %get3A_1054 = arith.constant 48 : index
        %get3A_1055 = tpu.vector_load %arg7[%get3A_1053, %get3A_1054] {strides = array<i32>} : memref<200x64xi32, #tpu.memory_space<vmem>>, vector<16xi32>,
        %shift_left3A_1056 = arith.constant 16 : i32
        %shift_left3A_1057 = vector.broadcast %shift_left3A_1056 : i32 to vector<16xi32>
        %shift_left3A_1058 = arith.shli %get3A_1055, %shift_left3A_1057 : vector<16xi32>
        %bitcast_convert_type3A_1059 = tpu.bitcast %shift_left3A_1058 : vector<16xi32> -> vector<16xf32>
        %and3A_1060 = arith.constant -65536 : i32
        %and3A_1061 = vector.broadcast %and3A_1060 : i32 to vector<16xi32>
        %and3A_1062 = arith.andi %get3A_1055, %and3A_1061 : vector<16xi32>
        %bitcast_convert_type3A_1063 = tpu.bitcast %and3A_1062 : vector<16xi32> -> vector<16xf32>
        %add3A_1064 = arith.addf %add3A_1008, %bitcast_convert_type3A_1059 : vector<16xf32>
        %add3A_1065 = arith.addf %add3A_1009, %bitcast_convert_type3A_1063 : vector<16xf32>
        %mul3A_1066 = arith.constant 8 : i32
        %mul3A_1067 = arith.muli %scan3A_781, %mul3A_1066 : i32
        %add3A_1068 = arith.constant 5 : i32
        %add3A_1069 = arith.addi %mul3A_1067, %add3A_1068 : i32
        %get3A_1070 = arith.index_cast %add3A_1069 : i32 to index
        %get3A_1071 = arith.constant 0 : index
        %get3A_1072 = tpu.vector_load %arg7[%get3A_1070, %get3A_1071] {strides = array<i32>} : memref<200x64xi32, #tpu.memory_space<vmem>>, vector<16xi32>,
        %shift_left3A_1073 = arith.constant 16 : i32
        %shift_left3A_1074 = vector.broadcast %shift_left3A_1073 : i32 to vector<16xi32>
        %shift_left3A_1075 = arith.shli %get3A_1072, %shift_left3A_1074 : vector<16xi32>
        %bitcast_convert_type3A_1076 = tpu.bitcast %shift_left3A_1075 : vector<16xi32> -> vector<16xf32>
        %and3A_1077 = arith.constant -65536 : i32
        %and3A_1078 = vector.broadcast %and3A_1077 : i32 to vector<16xi32>
        %and3A_1079 = arith.andi %get3A_1072, %and3A_1078 : vector<16xi32>
        %bitcast_convert_type3A_1080 = tpu.bitcast %and3A_1079 : vector<16xi32> -> vector<16xf32>
        %add3A_1081 = arith.addf %add3A_1025, %bitcast_convert_type3A_1076 : vector<16xf32>
        %add3A_1082 = arith.addf %add3A_1026, %bitcast_convert_type3A_1080 : vector<16xf32>
        %get3A_1083 = arith.index_cast %add3A_1069 : i32 to index
        %get3A_1084 = arith.constant 16 : index
        %get3A_1085 = tpu.vector_load %arg7[%get3A_1083, %get3A_1084] {strides = array<i32>} : memref<200x64xi32, #tpu.memory_space<vmem>>, vector<16xi32>,
        %shift_left3A_1086 = arith.constant 16 : i32
        %shift_left3A_1087 = vector.broadcast %shift_left3A_1086 : i32 to vector<16xi32>
        %shift_left3A_1088 = arith.shli %get3A_1085, %shift_left3A_1087 : vector<16xi32>
        %bitcast_convert_type3A_1089 = tpu.bitcast %shift_left3A_1088 : vector<16xi32> -> vector<16xf32>
        %and3A_1090 = arith.constant -65536 : i32
        %and3A_1091 = vector.broadcast %and3A_1090 : i32 to vector<16xi32>
        %and3A_1092 = arith.andi %get3A_1085, %and3A_1091 : vector<16xi32>
        %bitcast_convert_type3A_1093 = tpu.bitcast %and3A_1092 : vector<16xi32> -> vector<16xf32>
        %add3A_1094 = arith.addf %add3A_1038, %bitcast_convert_type3A_1089 : vector<16xf32>
        %add3A_1095 = arith.addf %add3A_1039, %bitcast_convert_type3A_1093 : vector<16xf32>
        %get3A_1096 = arith.index_cast %add3A_1069 : i32 to index
        %get3A_1097 = arith.constant 32 : index
        %get3A_1098 = tpu.vector_load %arg7[%get3A_1096, %get3A_1097] {strides = array<i32>} : memref<200x64xi32, #tpu.memory_space<vmem>>, vector<16xi32>,
        %shift_left3A_1099 = arith.constant 16 : i32
        %shift_left3A_1100 = vector.broadcast %shift_left3A_1099 : i32 to vector<16xi32>
        %shift_left3A_1101 = arith.shli %get3A_1098, %shift_left3A_1100 : vector<16xi32>
        %bitcast_convert_type3A_1102 = tpu.bitcast %shift_left3A_1101 : vector<16xi32> -> vector<16xf32>
        %and3A_1103 = arith.constant -65536 : i32
        %and3A_1104 = vector.broadcast %and3A_1103 : i32 to vector<16xi32>
        %and3A_1105 = arith.andi %get3A_1098, %and3A_1104 : vector<16xi32>
        %bitcast_convert_type3A_1106 = tpu.bitcast %and3A_1105 : vector<16xi32> -> vector<16xf32>
        %add3A_1107 = arith.addf %add3A_1051, %bitcast_convert_type3A_1102 : vector<16xf32>
        %add3A_1108 = arith.addf %add3A_1052, %bitcast_convert_type3A_1106 : vector<16xf32>
        %get3A_1109 = arith.index_cast %add3A_1069 : i32 to index
        %get3A_1110 = arith.constant 48 : index
        %get3A_1111 = tpu.vector_load %arg7[%get3A_1109, %get3A_1110] {strides = array<i32>} : memref<200x64xi32, #tpu.memory_space<vmem>>, vector<16xi32>,
        %shift_left3A_1112 = arith.constant 16 : i32
        %shift_left3A_1113 = vector.broadcast %shift_left3A_1112 : i32 to vector<16xi32>
        %shift_left3A_1114 = arith.shli %get3A_1111, %shift_left3A_1113 : vector<16xi32>
        %bitcast_convert_type3A_1115 = tpu.bitcast %shift_left3A_1114 : vector<16xi32> -> vector<16xf32>
        %and3A_1116 = arith.constant -65536 : i32
        %and3A_1117 = vector.broadcast %and3A_1116 : i32 to vector<16xi32>
        %and3A_1118 = arith.andi %get3A_1111, %and3A_1117 : vector<16xi32>
        %bitcast_convert_type3A_1119 = tpu.bitcast %and3A_1118 : vector<16xi32> -> vector<16xf32>
        %add3A_1120 = arith.addf %add3A_1064, %bitcast_convert_type3A_1115 : vector<16xf32>
        %add3A_1121 = arith.addf %add3A_1065, %bitcast_convert_type3A_1119 : vector<16xf32>
        %mul3A_1122 = arith.constant 8 : i32
        %mul3A_1123 = arith.muli %scan3A_781, %mul3A_1122 : i32
        %add3A_1124 = arith.constant 6 : i32
        %add3A_1125 = arith.addi %mul3A_1123, %add3A_1124 : i32
        %get3A_1126 = arith.index_cast %add3A_1125 : i32 to index
        %get3A_1127 = arith.constant 0 : index
        %get3A_1128 = tpu.vector_load %arg7[%get3A_1126, %get3A_1127] {strides = array<i32>} : memref<200x64xi32, #tpu.memory_space<vmem>>, vector<16xi32>,
        %shift_left3A_1129 = arith.constant 16 : i32
        %shift_left3A_1130 = vector.broadcast %shift_left3A_1129 : i32 to vector<16xi32>
        %shift_left3A_1131 = arith.shli %get3A_1128, %shift_left3A_1130 : vector<16xi32>
        %bitcast_convert_type3A_1132 = tpu.bitcast %shift_left3A_1131 : vector<16xi32> -> vector<16xf32>
        %and3A_1133 = arith.constant -65536 : i32
        %and3A_1134 = vector.broadcast %and3A_1133 : i32 to vector<16xi32>
        %and3A_1135 = arith.andi %get3A_1128, %and3A_1134 : vector<16xi32>
        %bitcast_convert_type3A_1136 = tpu.bitcast %and3A_1135 : vector<16xi32> -> vector<16xf32>
        %add3A_1137 = arith.addf %add3A_1081, %bitcast_convert_type3A_1132 : vector<16xf32>
        %add3A_1138 = arith.addf %add3A_1082, %bitcast_convert_type3A_1136 : vector<16xf32>
        %get3A_1139 = arith.index_cast %add3A_1125 : i32 to index
        %get3A_1140 = arith.constant 16 : index
        %get3A_1141 = tpu.vector_load %arg7[%get3A_1139, %get3A_1140] {strides = array<i32>} : memref<200x64xi32, #tpu.memory_space<vmem>>, vector<16xi32>,
        %shift_left3A_1142 = arith.constant 16 : i32
        %shift_left3A_1143 = vector.broadcast %shift_left3A_1142 : i32 to vector<16xi32>
        %shift_left3A_1144 = arith.shli %get3A_1141, %shift_left3A_1143 : vector<16xi32>
        %bitcast_convert_type3A_1145 = tpu.bitcast %shift_left3A_1144 : vector<16xi32> -> vector<16xf32>
        %and3A_1146 = arith.constant -65536 : i32
        %and3A_1147 = vector.broadcast %and3A_1146 : i32 to vector<16xi32>
        %and3A_1148 = arith.andi %get3A_1141, %and3A_1147 : vector<16xi32>
        %bitcast_convert_type3A_1149 = tpu.bitcast %and3A_1148 : vector<16xi32> -> vector<16xf32>
        %add3A_1150 = arith.addf %add3A_1094, %bitcast_convert_type3A_1145 : vector<16xf32>
        %add3A_1151 = arith.addf %add3A_1095, %bitcast_convert_type3A_1149 : vector<16xf32>
        %get3A_1152 = arith.index_cast %add3A_1125 : i32 to index
        %get3A_1153 = arith.constant 32 : index
        %get3A_1154 = tpu.vector_load %arg7[%get3A_1152, %get3A_1153] {strides = array<i32>} : memref<200x64xi32, #tpu.memory_space<vmem>>, vector<16xi32>,
        %shift_left3A_1155 = arith.constant 16 : i32
        %shift_left3A_1156 = vector.broadcast %shift_left3A_1155 : i32 to vector<16xi32>
        %shift_left3A_1157 = arith.shli %get3A_1154, %shift_left3A_1156 : vector<16xi32>
        %bitcast_convert_type3A_1158 = tpu.bitcast %shift_left3A_1157 : vector<16xi32> -> vector<16xf32>
        %and3A_1159 = arith.constant -65536 : i32
        %and3A_1160 = vector.broadcast %and3A_1159 : i32 to vector<16xi32>
        %and3A_1161 = arith.andi %get3A_1154, %and3A_1160 : vector<16xi32>
        %bitcast_convert_type3A_1162 = tpu.bitcast %and3A_1161 : vector<16xi32> -> vector<16xf32>
        %add3A_1163 = arith.addf %add3A_1107, %bitcast_convert_type3A_1158 : vector<16xf32>
        %add3A_1164 = arith.addf %add3A_1108, %bitcast_convert_type3A_1162 : vector<16xf32>
        %get3A_1165 = arith.index_cast %add3A_1125 : i32 to index
        %get3A_1166 = arith.constant 48 : index
        %get3A_1167 = tpu.vector_load %arg7[%get3A_1165, %get3A_1166] {strides = array<i32>} : memref<200x64xi32, #tpu.memory_space<vmem>>, vector<16xi32>,
        %shift_left3A_1168 = arith.constant 16 : i32
        %shift_left3A_1169 = vector.broadcast %shift_left3A_1168 : i32 to vector<16xi32>
        %shift_left3A_1170 = arith.shli %get3A_1167, %shift_left3A_1169 : vector<16xi32>
        %bitcast_convert_type3A_1171 = tpu.bitcast %shift_left3A_1170 : vector<16xi32> -> vector<16xf32>
        %and3A_1172 = arith.constant -65536 : i32
        %and3A_1173 = vector.broadcast %and3A_1172 : i32 to vector<16xi32>
        %and3A_1174 = arith.andi %get3A_1167, %and3A_1173 : vector<16xi32>
        %bitcast_convert_type3A_1175 = tpu.bitcast %and3A_1174 : vector<16xi32> -> vector<16xf32>
        %add3A_1176 = arith.addf %add3A_1120, %bitcast_convert_type3A_1171 : vector<16xf32>
        %add3A_1177 = arith.addf %add3A_1121, %bitcast_convert_type3A_1175 : vector<16xf32>
        %mul3A_1178 = arith.constant 8 : i32
        %mul3A_1179 = arith.muli %scan3A_781, %mul3A_1178 : i32
        %add3A_1180 = arith.constant 7 : i32
        %add3A_1181 = arith.addi %mul3A_1179, %add3A_1180 : i32
        %get3A_1182 = arith.index_cast %add3A_1181 : i32 to index
        %get3A_1183 = arith.constant 0 : index
        %get3A_1184 = tpu.vector_load %arg7[%get3A_1182, %get3A_1183] {strides = array<i32>} : memref<200x64xi32, #tpu.memory_space<vmem>>, vector<16xi32>,
        %shift_left3A_1185 = arith.constant 16 : i32
        %shift_left3A_1186 = vector.broadcast %shift_left3A_1185 : i32 to vector<16xi32>
        %shift_left3A_1187 = arith.shli %get3A_1184, %shift_left3A_1186 : vector<16xi32>
        %bitcast_convert_type3A_1188 = tpu.bitcast %shift_left3A_1187 : vector<16xi32> -> vector<16xf32>
        %and3A_1189 = arith.constant -65536 : i32
        %and3A_1190 = vector.broadcast %and3A_1189 : i32 to vector<16xi32>
        %and3A_1191 = arith.andi %get3A_1184, %and3A_1190 : vector<16xi32>
        %bitcast_convert_type3A_1192 = tpu.bitcast %and3A_1191 : vector<16xi32> -> vector<16xf32>
        %add3A_1193 = arith.addf %add3A_1137, %bitcast_convert_type3A_1188 : vector<16xf32>
        %add3A_1194 = arith.addf %add3A_1138, %bitcast_convert_type3A_1192 : vector<16xf32>
        %get3A_1195 = arith.index_cast %add3A_1181 : i32 to index
        %get3A_1196 = arith.constant 16 : index
        %get3A_1197 = tpu.vector_load %arg7[%get3A_1195, %get3A_1196] {strides = array<i32>} : memref<200x64xi32, #tpu.memory_space<vmem>>, vector<16xi32>,
        %shift_left3A_1198 = arith.constant 16 : i32
        %shift_left3A_1199 = vector.broadcast %shift_left3A_1198 : i32 to vector<16xi32>
        %shift_left3A_1200 = arith.shli %get3A_1197, %shift_left3A_1199 : vector<16xi32>
        %bitcast_convert_type3A_1201 = tpu.bitcast %shift_left3A_1200 : vector<16xi32> -> vector<16xf32>
        %and3A_1202 = arith.constant -65536 : i32
        %and3A_1203 = vector.broadcast %and3A_1202 : i32 to vector<16xi32>
        %and3A_1204 = arith.andi %get3A_1197, %and3A_1203 : vector<16xi32>
        %bitcast_convert_type3A_1205 = tpu.bitcast %and3A_1204 : vector<16xi32> -> vector<16xf32>
        %add3A_1206 = arith.addf %add3A_1150, %bitcast_convert_type3A_1201 : vector<16xf32>
        %add3A_1207 = arith.addf %add3A_1151, %bitcast_convert_type3A_1205 : vector<16xf32>
        %get3A_1208 = arith.index_cast %add3A_1181 : i32 to index
        %get3A_1209 = arith.constant 32 : index
        %get3A_1210 = tpu.vector_load %arg7[%get3A_1208, %get3A_1209] {strides = array<i32>} : memref<200x64xi32, #tpu.memory_space<vmem>>, vector<16xi32>,
        %shift_left3A_1211 = arith.constant 16 : i32
        %shift_left3A_1212 = vector.broadcast %shift_left3A_1211 : i32 to vector<16xi32>
        %shift_left3A_1213 = arith.shli %get3A_1210, %shift_left3A_1212 : vector<16xi32>
        %bitcast_convert_type3A_1214 = tpu.bitcast %shift_left3A_1213 : vector<16xi32> -> vector<16xf32>
        %and3A_1215 = arith.constant -65536 : i32
        %and3A_1216 = vector.broadcast %and3A_1215 : i32 to vector<16xi32>
        %and3A_1217 = arith.andi %get3A_1210, %and3A_1216 : vector<16xi32>
        %bitcast_convert_type3A_1218 = tpu.bitcast %and3A_1217 : vector<16xi32> -> vector<16xf32>
        %add3A_1219 = arith.addf %add3A_1163, %bitcast_convert_type3A_1214 : vector<16xf32>
        %add3A_1220 = arith.addf %add3A_1164, %bitcast_convert_type3A_1218 : vector<16xf32>
        %get3A_1221 = arith.index_cast %add3A_1181 : i32 to index
        %get3A_1222 = arith.constant 48 : index
        %get3A_1223 = tpu.vector_load %arg7[%get3A_1221, %get3A_1222] {strides = array<i32>} : memref<200x64xi32, #tpu.memory_space<vmem>>, vector<16xi32>,
        %shift_left3A_1224 = arith.constant 16 : i32
        %shift_left3A_1225 = vector.broadcast %shift_left3A_1224 : i32 to vector<16xi32>
        %shift_left3A_1226 = arith.shli %get3A_1223, %shift_left3A_1225 : vector<16xi32>
        %bitcast_convert_type3A_1227 = tpu.bitcast %shift_left3A_1226 : vector<16xi32> -> vector<16xf32>
        %and3A_1228 = arith.constant -65536 : i32
        %and3A_1229 = vector.broadcast %and3A_1228 : i32 to vector<16xi32>
        %and3A_1230 = arith.andi %get3A_1223, %and3A_1229 : vector<16xi32>
        %bitcast_convert_type3A_1231 = tpu.bitcast %and3A_1230 : vector<16xi32> -> vector<16xf32>
        %add3A_1232 = arith.addf %add3A_1176, %bitcast_convert_type3A_1227 : vector<16xf32>
        %add3A_1233 = arith.addf %add3A_1177, %bitcast_convert_type3A_1231 : vector<16xf32>
        scf.yield %add3A_1193, %add3A_1206, %add3A_1219, %add3A_1232, %add3A_1194, %add3A_1207, %add3A_1220, %add3A_1233 : vector<16xf32>, vector<16xf32>, vector<16xf32>, vector<16xf32>, vector<16xf32>, vector<16xf32>, vector<16xf32>, vector<16xf32>
      }
      %scan3A_446 = arith.constant 25 : i32
      %mul3A_447 = arith.constant 5.000000e-03 : f32
      %mul3A_448 = vector.broadcast %mul3A_447 : f32 to vector<16xf32>
      %mul3A_449 = arith.mulf %scan3A_445#0, %mul3A_448 : vector<16xf32>
      %swap3A_450 = arith.index_cast %add3A_424 : i32 to index
      %swap3A_451 = arith.constant 0 : index
      %swap3A_452 = tpu.vector_load %arg11[%swap3A_450, %swap3A_451] {strides = array<i32>} : memref<128x128xf32, #tpu.memory_space<vmem>>, vector<16xf32>,
      tpu.vector_store %arg11[%swap3A_450, %swap3A_451], %mul3A_449 {strides = array<i32>} : memref<128x128xf32, #tpu.memory_space<vmem>>, vector<16xf32>,
      %mul3A_453 = arith.constant 5.000000e-03 : f32
      %mul3A_454 = vector.broadcast %mul3A_453 : f32 to vector<16xf32>
      %mul3A_455 = arith.mulf %scan3A_445#1, %mul3A_454 : vector<16xf32>
      %swap3A_456 = arith.index_cast %add3A_424 : i32 to index
      %swap3A_457 = arith.constant 16 : index
      %swap3A_458 = tpu.vector_load %arg11[%swap3A_456, %swap3A_457] {strides = array<i32>} : memref<128x128xf32, #tpu.memory_space<vmem>>, vector<16xf32>,
      tpu.vector_store %arg11[%swap3A_456, %swap3A_457], %mul3A_455 {strides = array<i32>} : memref<128x128xf32, #tpu.memory_space<vmem>>, vector<16xf32>,
      %mul3A_459 = arith.constant 5.000000e-03 : f32
      %mul3A_460 = vector.broadcast %mul3A_459 : f32 to vector<16xf32>
      %mul3A_461 = arith.mulf %scan3A_445#2, %mul3A_460 : vector<16xf32>
      %swap3A_462 = arith.index_cast %add3A_424 : i32 to index
      %swap3A_463 = arith.constant 32 : index
      %swap3A_464 = tpu.vector_load %arg11[%swap3A_462, %swap3A_463] {strides = array<i32>} : memref<128x128xf32, #tpu.memory_space<vmem>>, vector<16xf32>,
      tpu.vector_store %arg11[%swap3A_462, %swap3A_463], %mul3A_461 {strides = array<i32>} : memref<128x128xf32, #tpu.memory_space<vmem>>, vector<16xf32>,
      %mul3A_465 = arith.constant 5.000000e-03 : f32
      %mul3A_466 = vector.broadcast %mul3A_465 : f32 to vector<16xf32>
      %mul3A_467 = arith.mulf %scan3A_445#3, %mul3A_466 : vector<16xf32>
      %swap3A_468 = arith.index_cast %add3A_424 : i32 to index
      %swap3A_469 = arith.constant 48 : index
      %swap3A_470 = tpu.vector_load %arg11[%swap3A_468, %swap3A_469] {strides = array<i32>} : memref<128x128xf32, #tpu.memory_space<vmem>>, vector<16xf32>,
      tpu.vector_store %arg11[%swap3A_468, %swap3A_469], %mul3A_467 {strides = array<i32>} : memref<128x128xf32, #tpu.memory_space<vmem>>, vector<16xf32>,
      %mul3A_471 = arith.constant 5.000000e-03 : f32
      %mul3A_472 = vector.broadcast %mul3A_471 : f32 to vector<16xf32>
      %mul3A_473 = arith.mulf %scan3A_445#4, %mul3A_472 : vector<16xf32>
      %swap3A_474 = arith.index_cast %add3A_424 : i32 to index
      %swap3A_475 = arith.constant 64 : index
      %swap3A_476 = tpu.vector_load %arg11[%swap3A_474, %swap3A_475] {strides = array<i32>} : memref<128x128xf32, #tpu.memory_space<vmem>>, vector<16xf32>,
      tpu.vector_store %arg11[%swap3A_474, %swap3A_475], %mul3A_473 {strides = array<i32>} : memref<128x128xf32, #tpu.memory_space<vmem>>, vector<16xf32>,
      %mul3A_477 = arith.constant 5.000000e-03 : f32
      %mul3A_478 = vector.broadcast %mul3A_477 : f32 to vector<16xf32>
      %mul3A_479 = arith.mulf %scan3A_445#5, %mul3A_478 : vector<16xf32>
      %swap3A_480 = arith.index_cast %add3A_424 : i32 to index
      %swap3A_481 = arith.constant 80 : index
      %swap3A_482 = tpu.vector_load %arg11[%swap3A_480, %swap3A_481] {strides = array<i32>} : memref<128x128xf32, #tpu.memory_space<vmem>>, vector<16xf32>,
      tpu.vector_store %arg11[%swap3A_480, %swap3A_481], %mul3A_479 {strides = array<i32>} : memref<128x128xf32, #tpu.memory_space<vmem>>, vector<16xf32>,
      %mul3A_483 = arith.constant 5.000000e-03 : f32
      %mul3A_484 = vector.broadcast %mul3A_483 : f32 to vector<16xf32>
      %mul3A_485 = arith.mulf %scan3A_445#6, %mul3A_484 : vector<16xf32>
      %swap3A_486 = arith.index_cast %add3A_424 : i32 to index
      %swap3A_487 = arith.constant 96 : index
      %swap3A_488 = tpu.vector_load %arg11[%swap3A_486, %swap3A_487] {strides = array<i32>} : memref<128x128xf32, #tpu.memory_space<vmem>>, vector<16xf32>,
      tpu.vector_store %arg11[%swap3A_486, %swap3A_487], %mul3A_485 {strides = array<i32>} : memref<128x128xf32, #tpu.memory_space<vmem>>, vector<16xf32>,
      %mul3A_489 = arith.constant 5.000000e-03 : f32
      %mul3A_490 = vector.broadcast %mul3A_489 : f32 to vector<16xf32>
      %mul3A_491 = arith.mulf %scan3A_445#7, %mul3A_490 : vector<16xf32>
      %swap3A_492 = arith.index_cast %add3A_424 : i32 to index
      %swap3A_493 = arith.constant 112 : index
      %swap3A_494 = tpu.vector_load %arg11[%swap3A_492, %swap3A_493] {strides = array<i32>} : memref<128x128xf32, #tpu.memory_space<vmem>>, vector<16xf32>,
      tpu.vector_store %arg11[%swap3A_492, %swap3A_493], %mul3A_491 {strides = array<i32>} : memref<128x128xf32, #tpu.memory_space<vmem>>, vector<16xf32>,
      %add3A_495 = arith.constant 1 : i32
      %add3A_496 = arith.addi %mul3A_322, %add3A_495 : i32
      %add3A_497 = arith.constant 5 : i32
      %add3A_498 = arith.addi %add3A_496, %add3A_497 : i32
      %lt3A_499 = arith.constant 128 : i32
      %lt3A_500 = arith.cmpi slt, %add3A_498, %lt3A_499 : i32
      %convert_element_type3A_501 = arith.extui %lt3A_500 : i1 to i32
      %cond3A_502 = arith.constant 0 : i32
      %cond3A_503 = arith.cmpi ne, %convert_element_type3A_501, %cond3A_502 : i32
      scf.if %cond3A_503 {
        %add3A_781 = arith.constant 1 : i32
        %add3A_782 = arith.addi %mul3A_322, %add3A_781 : i32
        %add3A_783 = arith.constant 5 : i32
        %add3A_784 = arith.addi %add3A_782, %add3A_783 : i32
        %dma_start3A_785 = arith.constant 0 : i32
        %dma_start3A_786 = arith.constant 0 : i32
        %dma_start3A_787 = tpu.memref_slice %arg7[%dma_start3A_785, %dma_start3A_786] : memref<200x64xi32, #tpu.memory_space<vmem>> -> memref<200x64xi32, #tpu.memory_space<vmem>>
        %dma_start3A_788 = arith.constant 0 : i32
        %dma_start3A_789 = tpu.memref_slice %arg5[%add3A_784, %dma_start3A_788] : memref<128x200xi32, #tpu.memory_space<vmem>> -> memref<1x200xi32, #tpu.memory_space<vmem>>
        %dma_start3A_790 = tpu.memref_squeeze %dma_start3A_789 : memref<1x200xi32, #tpu.memory_space<vmem>> -> memref<200xi32, #tpu.memory_space<vmem>>
        %dma_start3A_791 = arith.constant 0 : i32
        %dma_start3A_792 = arith.constant 0 : i32
        %dma_start3A_793 = tpu.memref_slice %arg3[%dma_start3A_791, %dma_start3A_792] : memref<30522x64xi32, #tpu.memory_space<hbm>> -> memref<30522x64xi32, #tpu.memory_space<hbm>>
        tpu.enqueue_indirect_dma source(%dma_start3A_793 : memref<30522x64xi32, #tpu.memory_space<hbm>>) target(%dma_start3A_787 : memref<200x64xi32, #tpu.memory_space<vmem>>) offsets(%dma_start3A_790 : memref<200xi32, #tpu.memory_space<vmem>>) semaphore(%arg13 : memref<!tpu.dma_semaphore, #tpu.memory_space<semaphore_mem>>)
      } else {
      }
      %add3A_504 = arith.constant 2 : i32
      %add3A_505 = arith.addi %mul3A_322, %add3A_504 : i32
      %dma_wait3A_506 = arith.constant 0 : i32
      %dma_wait3A_507 = arith.constant 0 : i32
      %dma_wait3A_508 = tpu.memref_slice %arg8[%dma_wait3A_506, %dma_wait3A_507] : memref<200x64xi32, #tpu.memory_space<vmem>> -> memref<200x64xi32, #tpu.memory_space<vmem>>
      %dma_wait3A_509 = arith.constant 0 : i32
      %dma_wait3A_510 = tpu.memref_slice %arg5[%add3A_505, %dma_wait3A_509] : memref<128x200xi32, #tpu.memory_space<vmem>> -> memref<1x200xi32, #tpu.memory_space<vmem>>
      %dma_wait3A_511 = tpu.memref_squeeze %dma_wait3A_510 : memref<1x200xi32, #tpu.memory_space<vmem>> -> memref<200xi32, #tpu.memory_space<vmem>>
      %dma_wait3A_512 = arith.constant 0 : i32
      %dma_wait3A_513 = arith.constant 0 : i32
      %dma_wait3A_514 = tpu.memref_slice %arg3[%dma_wait3A_512, %dma_wait3A_513] : memref<30522x64xi32, #tpu.memory_space<hbm>> -> memref<30522x64xi32, #tpu.memory_space<hbm>>
      tpu.wait_indirect_dma semaphore(%arg14 : memref<!tpu.dma_semaphore, #tpu.memory_space<semaphore_mem>>) src(%dma_wait3A_514 : memref<30522x64xi32, #tpu.memory_space<hbm>>) dst(%dma_wait3A_508 : memref<200x64xi32, #tpu.memory_space<vmem>>)
      %add3A_515 = arith.constant 2 : i32
      %add3A_516 = arith.addi %mul3A_322, %add3A_515 : i32
      %broadcast_in_dim3A_517 = arith.constant 0.000000e+00 : f32
      %broadcast_in_dim3A_518 = vector.broadcast %broadcast_in_dim3A_517 : f32 to vector<16xf32>
      %broadcast_in_dim3A_519 = arith.constant 0.000000e+00 : f32
      %broadcast_in_dim3A_520 = vector.broadcast %broadcast_in_dim3A_519 : f32 to vector<16xf32>
      %broadcast_in_dim3A_521 = arith.constant 0.000000e+00 : f32
      %broadcast_in_dim3A_522 = vector.broadcast %broadcast_in_dim3A_521 : f32 to vector<16xf32>
      %broadcast_in_dim3A_523 = arith.constant 0.000000e+00 : f32
      %broadcast_in_dim3A_524 = vector.broadcast %broadcast_in_dim3A_523 : f32 to vector<16xf32>
      %broadcast_in_dim3A_525 = arith.constant 0.000000e+00 : f32
      %broadcast_in_dim3A_526 = vector.broadcast %broadcast_in_dim3A_525 : f32 to vector<16xf32>
      %broadcast_in_dim3A_527 = arith.constant 0.000000e+00 : f32
      %broadcast_in_dim3A_528 = vector.broadcast %broadcast_in_dim3A_527 : f32 to vector<16xf32>
      %broadcast_in_dim3A_529 = arith.constant 0.000000e+00 : f32
      %broadcast_in_dim3A_530 = vector.broadcast %broadcast_in_dim3A_529 : f32 to vector<16xf32>
      %broadcast_in_dim3A_531 = arith.constant 0.000000e+00 : f32
      %broadcast_in_dim3A_532 = vector.broadcast %broadcast_in_dim3A_531 : f32 to vector<16xf32>
      %scan3A_533 = arith.constant 0 : i32
      %scan3A_534 = arith.constant 25 : i32
      %scan3A_535 = arith.addi %scan3A_533, %scan3A_534 : i32
      %scan3A_536 = arith.constant 1 : i32
      %scan3A_537:8 = scf.for %scan3A_781 = %scan3A_533 to %scan3A_535 step %scan3A_536 iter_args(%scan3A_782 = %broadcast_in_dim3A_518, %scan3A_783 = %broadcast_in_dim3A_520, %scan3A_784 = %broadcast_in_dim3A_522, %scan3A_785 = %broadcast_in_dim3A_524, %scan3A_786 = %broadcast_in_dim3A_526, %scan3A_787 = %broadcast_in_dim3A_528, %scan3A_788 = %broadcast_in_dim3A_530, %scan3A_789 = %broadcast_in_dim3A_532) -> (vector<16xf32>, vector<16xf32>, vector<16xf32>, vector<16xf32>, vector<16xf32>, vector<16xf32>, vector<16xf32>, vector<16xf32>)  : i32 {
        %mul3A_790 = arith.constant 8 : i32
        %mul3A_791 = arith.muli %scan3A_781, %mul3A_790 : i32
        %add3A_792 = arith.constant 0 : i32
        %add3A_793 = arith.addi %mul3A_791, %add3A_792 : i32
        %get3A = arith.index_cast %add3A_793 : i32 to index
        %get3A_794 = arith.constant 0 : index
        %get3A_795 = tpu.vector_load %arg8[%get3A, %get3A_794] {strides = array<i32>} : memref<200x64xi32, #tpu.memory_space<vmem>>, vector<16xi32>,
        %shift_left3A = arith.constant 16 : i32
        %shift_left3A_796 = vector.broadcast %shift_left3A : i32 to vector<16xi32>
        %shift_left3A_797 = arith.shli %get3A_795, %shift_left3A_796 : vector<16xi32>
        %bitcast_convert_type3A = tpu.bitcast %shift_left3A_797 : vector<16xi32> -> vector<16xf32>
        %and3A = arith.constant -65536 : i32
        %and3A_798 = vector.broadcast %and3A : i32 to vector<16xi32>
        %and3A_799 = arith.andi %get3A_795, %and3A_798 : vector<16xi32>
        %bitcast_convert_type3A_800 = tpu.bitcast %and3A_799 : vector<16xi32> -> vector<16xf32>
        %add3A_801 = arith.addf %scan3A_782, %bitcast_convert_type3A : vector<16xf32>
        %add3A_802 = arith.addf %scan3A_786, %bitcast_convert_type3A_800 : vector<16xf32>
        %get3A_803 = arith.index_cast %add3A_793 : i32 to index
        %get3A_804 = arith.constant 16 : index
        %get3A_805 = tpu.vector_load %arg8[%get3A_803, %get3A_804] {strides = array<i32>} : memref<200x64xi32, #tpu.memory_space<vmem>>, vector<16xi32>,
        %shift_left3A_806 = arith.constant 16 : i32
        %shift_left3A_807 = vector.broadcast %shift_left3A_806 : i32 to vector<16xi32>
        %shift_left3A_808 = arith.shli %get3A_805, %shift_left3A_807 : vector<16xi32>
        %bitcast_convert_type3A_809 = tpu.bitcast %shift_left3A_808 : vector<16xi32> -> vector<16xf32>
        %and3A_810 = arith.constant -65536 : i32
        %and3A_811 = vector.broadcast %and3A_810 : i32 to vector<16xi32>
        %and3A_812 = arith.andi %get3A_805, %and3A_811 : vector<16xi32>
        %bitcast_convert_type3A_813 = tpu.bitcast %and3A_812 : vector<16xi32> -> vector<16xf32>
        %add3A_814 = arith.addf %scan3A_783, %bitcast_convert_type3A_809 : vector<16xf32>
        %add3A_815 = arith.addf %scan3A_787, %bitcast_convert_type3A_813 : vector<16xf32>
        %get3A_816 = arith.index_cast %add3A_793 : i32 to index
        %get3A_817 = arith.constant 32 : index
        %get3A_818 = tpu.vector_load %arg8[%get3A_816, %get3A_817] {strides = array<i32>} : memref<200x64xi32, #tpu.memory_space<vmem>>, vector<16xi32>,
        %shift_left3A_819 = arith.constant 16 : i32
        %shift_left3A_820 = vector.broadcast %shift_left3A_819 : i32 to vector<16xi32>
        %shift_left3A_821 = arith.shli %get3A_818, %shift_left3A_820 : vector<16xi32>
        %bitcast_convert_type3A_822 = tpu.bitcast %shift_left3A_821 : vector<16xi32> -> vector<16xf32>
        %and3A_823 = arith.constant -65536 : i32
        %and3A_824 = vector.broadcast %and3A_823 : i32 to vector<16xi32>
        %and3A_825 = arith.andi %get3A_818, %and3A_824 : vector<16xi32>
        %bitcast_convert_type3A_826 = tpu.bitcast %and3A_825 : vector<16xi32> -> vector<16xf32>
        %add3A_827 = arith.addf %scan3A_784, %bitcast_convert_type3A_822 : vector<16xf32>
        %add3A_828 = arith.addf %scan3A_788, %bitcast_convert_type3A_826 : vector<16xf32>
        %get3A_829 = arith.index_cast %add3A_793 : i32 to index
        %get3A_830 = arith.constant 48 : index
        %get3A_831 = tpu.vector_load %arg8[%get3A_829, %get3A_830] {strides = array<i32>} : memref<200x64xi32, #tpu.memory_space<vmem>>, vector<16xi32>,
        %shift_left3A_832 = arith.constant 16 : i32
        %shift_left3A_833 = vector.broadcast %shift_left3A_832 : i32 to vector<16xi32>
        %shift_left3A_834 = arith.shli %get3A_831, %shift_left3A_833 : vector<16xi32>
        %bitcast_convert_type3A_835 = tpu.bitcast %shift_left3A_834 : vector<16xi32> -> vector<16xf32>
        %and3A_836 = arith.constant -65536 : i32
        %and3A_837 = vector.broadcast %and3A_836 : i32 to vector<16xi32>
        %and3A_838 = arith.andi %get3A_831, %and3A_837 : vector<16xi32>
        %bitcast_convert_type3A_839 = tpu.bitcast %and3A_838 : vector<16xi32> -> vector<16xf32>
        %add3A_840 = arith.addf %scan3A_785, %bitcast_convert_type3A_835 : vector<16xf32>
        %add3A_841 = arith.addf %scan3A_789, %bitcast_convert_type3A_839 : vector<16xf32>
        %mul3A_842 = arith.constant 8 : i32
        %mul3A_843 = arith.muli %scan3A_781, %mul3A_842 : i32
        %add3A_844 = arith.constant 1 : i32
        %add3A_845 = arith.addi %mul3A_843, %add3A_844 : i32
        %get3A_846 = arith.index_cast %add3A_845 : i32 to index
        %get3A_847 = arith.constant 0 : index
        %get3A_848 = tpu.vector_load %arg8[%get3A_846, %get3A_847] {strides = array<i32>} : memref<200x64xi32, #tpu.memory_space<vmem>>, vector<16xi32>,
        %shift_left3A_849 = arith.constant 16 : i32
        %shift_left3A_850 = vector.broadcast %shift_left3A_849 : i32 to vector<16xi32>
        %shift_left3A_851 = arith.shli %get3A_848, %shift_left3A_850 : vector<16xi32>
        %bitcast_convert_type3A_852 = tpu.bitcast %shift_left3A_851 : vector<16xi32> -> vector<16xf32>
        %and3A_853 = arith.constant -65536 : i32
        %and3A_854 = vector.broadcast %and3A_853 : i32 to vector<16xi32>
        %and3A_855 = arith.andi %get3A_848, %and3A_854 : vector<16xi32>
        %bitcast_convert_type3A_856 = tpu.bitcast %and3A_855 : vector<16xi32> -> vector<16xf32>
        %add3A_857 = arith.addf %add3A_801, %bitcast_convert_type3A_852 : vector<16xf32>
        %add3A_858 = arith.addf %add3A_802, %bitcast_convert_type3A_856 : vector<16xf32>
        %get3A_859 = arith.index_cast %add3A_845 : i32 to index
        %get3A_860 = arith.constant 16 : index
        %get3A_861 = tpu.vector_load %arg8[%get3A_859, %get3A_860] {strides = array<i32>} : memref<200x64xi32, #tpu.memory_space<vmem>>, vector<16xi32>,
        %shift_left3A_862 = arith.constant 16 : i32
        %shift_left3A_863 = vector.broadcast %shift_left3A_862 : i32 to vector<16xi32>
        %shift_left3A_864 = arith.shli %get3A_861, %shift_left3A_863 : vector<16xi32>
        %bitcast_convert_type3A_865 = tpu.bitcast %shift_left3A_864 : vector<16xi32> -> vector<16xf32>
        %and3A_866 = arith.constant -65536 : i32
        %and3A_867 = vector.broadcast %and3A_866 : i32 to vector<16xi32>
        %and3A_868 = arith.andi %get3A_861, %and3A_867 : vector<16xi32>
        %bitcast_convert_type3A_869 = tpu.bitcast %and3A_868 : vector<16xi32> -> vector<16xf32>
        %add3A_870 = arith.addf %add3A_814, %bitcast_convert_type3A_865 : vector<16xf32>
        %add3A_871 = arith.addf %add3A_815, %bitcast_convert_type3A_869 : vector<16xf32>
        %get3A_872 = arith.index_cast %add3A_845 : i32 to index
        %get3A_873 = arith.constant 32 : index
        %get3A_874 = tpu.vector_load %arg8[%get3A_872, %get3A_873] {strides = array<i32>} : memref<200x64xi32, #tpu.memory_space<vmem>>, vector<16xi32>,
        %shift_left3A_875 = arith.constant 16 : i32
        %shift_left3A_876 = vector.broadcast %shift_left3A_875 : i32 to vector<16xi32>
        %shift_left3A_877 = arith.shli %get3A_874, %shift_left3A_876 : vector<16xi32>
        %bitcast_convert_type3A_878 = tpu.bitcast %shift_left3A_877 : vector<16xi32> -> vector<16xf32>
        %and3A_879 = arith.constant -65536 : i32
        %and3A_880 = vector.broadcast %and3A_879 : i32 to vector<16xi32>
        %and3A_881 = arith.andi %get3A_874, %and3A_880 : vector<16xi32>
        %bitcast_convert_type3A_882 = tpu.bitcast %and3A_881 : vector<16xi32> -> vector<16xf32>
        %add3A_883 = arith.addf %add3A_827, %bitcast_convert_type3A_878 : vector<16xf32>
        %add3A_884 = arith.addf %add3A_828, %bitcast_convert_type3A_882 : vector<16xf32>
        %get3A_885 = arith.index_cast %add3A_845 : i32 to index
        %get3A_886 = arith.constant 48 : index
        %get3A_887 = tpu.vector_load %arg8[%get3A_885, %get3A_886] {strides = array<i32>} : memref<200x64xi32, #tpu.memory_space<vmem>>, vector<16xi32>,
        %shift_left3A_888 = arith.constant 16 : i32
        %shift_left3A_889 = vector.broadcast %shift_left3A_888 : i32 to vector<16xi32>
        %shift_left3A_890 = arith.shli %get3A_887, %shift_left3A_889 : vector<16xi32>
        %bitcast_convert_type3A_891 = tpu.bitcast %shift_left3A_890 : vector<16xi32> -> vector<16xf32>
        %and3A_892 = arith.constant -65536 : i32
        %and3A_893 = vector.broadcast %and3A_892 : i32 to vector<16xi32>
        %and3A_894 = arith.andi %get3A_887, %and3A_893 : vector<16xi32>
        %bitcast_convert_type3A_895 = tpu.bitcast %and3A_894 : vector<16xi32> -> vector<16xf32>
        %add3A_896 = arith.addf %add3A_840, %bitcast_convert_type3A_891 : vector<16xf32>
        %add3A_897 = arith.addf %add3A_841, %bitcast_convert_type3A_895 : vector<16xf32>
        %mul3A_898 = arith.constant 8 : i32
        %mul3A_899 = arith.muli %scan3A_781, %mul3A_898 : i32
        %add3A_900 = arith.constant 2 : i32
        %add3A_901 = arith.addi %mul3A_899, %add3A_900 : i32
        %get3A_902 = arith.index_cast %add3A_901 : i32 to index
        %get3A_903 = arith.constant 0 : index
        %get3A_904 = tpu.vector_load %arg8[%get3A_902, %get3A_903] {strides = array<i32>} : memref<200x64xi32, #tpu.memory_space<vmem>>, vector<16xi32>,
        %shift_left3A_905 = arith.constant 16 : i32
        %shift_left3A_906 = vector.broadcast %shift_left3A_905 : i32 to vector<16xi32>
        %shift_left3A_907 = arith.shli %get3A_904, %shift_left3A_906 : vector<16xi32>
        %bitcast_convert_type3A_908 = tpu.bitcast %shift_left3A_907 : vector<16xi32> -> vector<16xf32>
        %and3A_909 = arith.constant -65536 : i32
        %and3A_910 = vector.broadcast %and3A_909 : i32 to vector<16xi32>
        %and3A_911 = arith.andi %get3A_904, %and3A_910 : vector<16xi32>
        %bitcast_convert_type3A_912 = tpu.bitcast %and3A_911 : vector<16xi32> -> vector<16xf32>
        %add3A_913 = arith.addf %add3A_857, %bitcast_convert_type3A_908 : vector<16xf32>
        %add3A_914 = arith.addf %add3A_858, %bitcast_convert_type3A_912 : vector<16xf32>
        %get3A_915 = arith.index_cast %add3A_901 : i32 to index
        %get3A_916 = arith.constant 16 : index
        %get3A_917 = tpu.vector_load %arg8[%get3A_915, %get3A_916] {strides = array<i32>} : memref<200x64xi32, #tpu.memory_space<vmem>>, vector<16xi32>,
        %shift_left3A_918 = arith.constant 16 : i32
        %shift_left3A_919 = vector.broadcast %shift_left3A_918 : i32 to vector<16xi32>
        %shift_left3A_920 = arith.shli %get3A_917, %shift_left3A_919 : vector<16xi32>
        %bitcast_convert_type3A_921 = tpu.bitcast %shift_left3A_920 : vector<16xi32> -> vector<16xf32>
        %and3A_922 = arith.constant -65536 : i32
        %and3A_923 = vector.broadcast %and3A_922 : i32 to vector<16xi32>
        %and3A_924 = arith.andi %get3A_917, %and3A_923 : vector<16xi32>
        %bitcast_convert_type3A_925 = tpu.bitcast %and3A_924 : vector<16xi32> -> vector<16xf32>
        %add3A_926 = arith.addf %add3A_870, %bitcast_convert_type3A_921 : vector<16xf32>
        %add3A_927 = arith.addf %add3A_871, %bitcast_convert_type3A_925 : vector<16xf32>
        %get3A_928 = arith.index_cast %add3A_901 : i32 to index
        %get3A_929 = arith.constant 32 : index
        %get3A_930 = tpu.vector_load %arg8[%get3A_928, %get3A_929] {strides = array<i32>} : memref<200x64xi32, #tpu.memory_space<vmem>>, vector<16xi32>,
        %shift_left3A_931 = arith.constant 16 : i32
        %shift_left3A_932 = vector.broadcast %shift_left3A_931 : i32 to vector<16xi32>
        %shift_left3A_933 = arith.shli %get3A_930, %shift_left3A_932 : vector<16xi32>
        %bitcast_convert_type3A_934 = tpu.bitcast %shift_left3A_933 : vector<16xi32> -> vector<16xf32>
        %and3A_935 = arith.constant -65536 : i32
        %and3A_936 = vector.broadcast %and3A_935 : i32 to vector<16xi32>
        %and3A_937 = arith.andi %get3A_930, %and3A_936 : vector<16xi32>
        %bitcast_convert_type3A_938 = tpu.bitcast %and3A_937 : vector<16xi32> -> vector<16xf32>
        %add3A_939 = arith.addf %add3A_883, %bitcast_convert_type3A_934 : vector<16xf32>
        %add3A_940 = arith.addf %add3A_884, %bitcast_convert_type3A_938 : vector<16xf32>
        %get3A_941 = arith.index_cast %add3A_901 : i32 to index
        %get3A_942 = arith.constant 48 : index
        %get3A_943 = tpu.vector_load %arg8[%get3A_941, %get3A_942] {strides = array<i32>} : memref<200x64xi32, #tpu.memory_space<vmem>>, vector<16xi32>,
        %shift_left3A_944 = arith.constant 16 : i32
        %shift_left3A_945 = vector.broadcast %shift_left3A_944 : i32 to vector<16xi32>
        %shift_left3A_946 = arith.shli %get3A_943, %shift_left3A_945 : vector<16xi32>
        %bitcast_convert_type3A_947 = tpu.bitcast %shift_left3A_946 : vector<16xi32> -> vector<16xf32>
        %and3A_948 = arith.constant -65536 : i32
        %and3A_949 = vector.broadcast %and3A_948 : i32 to vector<16xi32>
        %and3A_950 = arith.andi %get3A_943, %and3A_949 : vector<16xi32>
        %bitcast_convert_type3A_951 = tpu.bitcast %and3A_950 : vector<16xi32> -> vector<16xf32>
        %add3A_952 = arith.addf %add3A_896, %bitcast_convert_type3A_947 : vector<16xf32>
        %add3A_953 = arith.addf %add3A_897, %bitcast_convert_type3A_951 : vector<16xf32>
        %mul3A_954 = arith.constant 8 : i32
        %mul3A_955 = arith.muli %scan3A_781, %mul3A_954 : i32
        %add3A_956 = arith.constant 3 : i32
        %add3A_957 = arith.addi %mul3A_955, %add3A_956 : i32
        %get3A_958 = arith.index_cast %add3A_957 : i32 to index
        %get3A_959 = arith.constant 0 : index
        %get3A_960 = tpu.vector_load %arg8[%get3A_958, %get3A_959] {strides = array<i32>} : memref<200x64xi32, #tpu.memory_space<vmem>>, vector<16xi32>,
        %shift_left3A_961 = arith.constant 16 : i32
        %shift_left3A_962 = vector.broadcast %shift_left3A_961 : i32 to vector<16xi32>
        %shift_left3A_963 = arith.shli %get3A_960, %shift_left3A_962 : vector<16xi32>
        %bitcast_convert_type3A_964 = tpu.bitcast %shift_left3A_963 : vector<16xi32> -> vector<16xf32>
        %and3A_965 = arith.constant -65536 : i32
        %and3A_966 = vector.broadcast %and3A_965 : i32 to vector<16xi32>
        %and3A_967 = arith.andi %get3A_960, %and3A_966 : vector<16xi32>
        %bitcast_convert_type3A_968 = tpu.bitcast %and3A_967 : vector<16xi32> -> vector<16xf32>
        %add3A_969 = arith.addf %add3A_913, %bitcast_convert_type3A_964 : vector<16xf32>
        %add3A_970 = arith.addf %add3A_914, %bitcast_convert_type3A_968 : vector<16xf32>
        %get3A_971 = arith.index_cast %add3A_957 : i32 to index
        %get3A_972 = arith.constant 16 : index
        %get3A_973 = tpu.vector_load %arg8[%get3A_971, %get3A_972] {strides = array<i32>} : memref<200x64xi32, #tpu.memory_space<vmem>>, vector<16xi32>,
        %shift_left3A_974 = arith.constant 16 : i32
        %shift_left3A_975 = vector.broadcast %shift_left3A_974 : i32 to vector<16xi32>
        %shift_left3A_976 = arith.shli %get3A_973, %shift_left3A_975 : vector<16xi32>
        %bitcast_convert_type3A_977 = tpu.bitcast %shift_left3A_976 : vector<16xi32> -> vector<16xf32>
        %and3A_978 = arith.constant -65536 : i32
        %and3A_979 = vector.broadcast %and3A_978 : i32 to vector<16xi32>
        %and3A_980 = arith.andi %get3A_973, %and3A_979 : vector<16xi32>
        %bitcast_convert_type3A_981 = tpu.bitcast %and3A_980 : vector<16xi32> -> vector<16xf32>
        %add3A_982 = arith.addf %add3A_926, %bitcast_convert_type3A_977 : vector<16xf32>
        %add3A_983 = arith.addf %add3A_927, %bitcast_convert_type3A_981 : vector<16xf32>
        %get3A_984 = arith.index_cast %add3A_957 : i32 to index
        %get3A_985 = arith.constant 32 : index
        %get3A_986 = tpu.vector_load %arg8[%get3A_984, %get3A_985] {strides = array<i32>} : memref<200x64xi32, #tpu.memory_space<vmem>>, vector<16xi32>,
        %shift_left3A_987 = arith.constant 16 : i32
        %shift_left3A_988 = vector.broadcast %shift_left3A_987 : i32 to vector<16xi32>
        %shift_left3A_989 = arith.shli %get3A_986, %shift_left3A_988 : vector<16xi32>
        %bitcast_convert_type3A_990 = tpu.bitcast %shift_left3A_989 : vector<16xi32> -> vector<16xf32>
        %and3A_991 = arith.constant -65536 : i32
        %and3A_992 = vector.broadcast %and3A_991 : i32 to vector<16xi32>
        %and3A_993 = arith.andi %get3A_986, %and3A_992 : vector<16xi32>
        %bitcast_convert_type3A_994 = tpu.bitcast %and3A_993 : vector<16xi32> -> vector<16xf32>
        %add3A_995 = arith.addf %add3A_939, %bitcast_convert_type3A_990 : vector<16xf32>
        %add3A_996 = arith.addf %add3A_940, %bitcast_convert_type3A_994 : vector<16xf32>
        %get3A_997 = arith.index_cast %add3A_957 : i32 to index
        %get3A_998 = arith.constant 48 : index
        %get3A_999 = tpu.vector_load %arg8[%get3A_997, %get3A_998] {strides = array<i32>} : memref<200x64xi32, #tpu.memory_space<vmem>>, vector<16xi32>,
        %shift_left3A_1000 = arith.constant 16 : i32
        %shift_left3A_1001 = vector.broadcast %shift_left3A_1000 : i32 to vector<16xi32>
        %shift_left3A_1002 = arith.shli %get3A_999, %shift_left3A_1001 : vector<16xi32>
        %bitcast_convert_type3A_1003 = tpu.bitcast %shift_left3A_1002 : vector<16xi32> -> vector<16xf32>
        %and3A_1004 = arith.constant -65536 : i32
        %and3A_1005 = vector.broadcast %and3A_1004 : i32 to vector<16xi32>
        %and3A_1006 = arith.andi %get3A_999, %and3A_1005 : vector<16xi32>
        %bitcast_convert_type3A_1007 = tpu.bitcast %and3A_1006 : vector<16xi32> -> vector<16xf32>
        %add3A_1008 = arith.addf %add3A_952, %bitcast_convert_type3A_1003 : vector<16xf32>
        %add3A_1009 = arith.addf %add3A_953, %bitcast_convert_type3A_1007 : vector<16xf32>
        %mul3A_1010 = arith.constant 8 : i32
        %mul3A_1011 = arith.muli %scan3A_781, %mul3A_1010 : i32
        %add3A_1012 = arith.constant 4 : i32
        %add3A_1013 = arith.addi %mul3A_1011, %add3A_1012 : i32
        %get3A_1014 = arith.index_cast %add3A_1013 : i32 to index
        %get3A_1015 = arith.constant 0 : index
        %get3A_1016 = tpu.vector_load %arg8[%get3A_1014, %get3A_1015] {strides = array<i32>} : memref<200x64xi32, #tpu.memory_space<vmem>>, vector<16xi32>,
        %shift_left3A_1017 = arith.constant 16 : i32
        %shift_left3A_1018 = vector.broadcast %shift_left3A_1017 : i32 to vector<16xi32>
        %shift_left3A_1019 = arith.shli %get3A_1016, %shift_left3A_1018 : vector<16xi32>
        %bitcast_convert_type3A_1020 = tpu.bitcast %shift_left3A_1019 : vector<16xi32> -> vector<16xf32>
        %and3A_1021 = arith.constant -65536 : i32
        %and3A_1022 = vector.broadcast %and3A_1021 : i32 to vector<16xi32>
        %and3A_1023 = arith.andi %get3A_1016, %and3A_1022 : vector<16xi32>
        %bitcast_convert_type3A_1024 = tpu.bitcast %and3A_1023 : vector<16xi32> -> vector<16xf32>
        %add3A_1025 = arith.addf %add3A_969, %bitcast_convert_type3A_1020 : vector<16xf32>
        %add3A_1026 = arith.addf %add3A_970, %bitcast_convert_type3A_1024 : vector<16xf32>
        %get3A_1027 = arith.index_cast %add3A_1013 : i32 to index
        %get3A_1028 = arith.constant 16 : index
        %get3A_1029 = tpu.vector_load %arg8[%get3A_1027, %get3A_1028] {strides = array<i32>} : memref<200x64xi32, #tpu.memory_space<vmem>>, vector<16xi32>,
        %shift_left3A_1030 = arith.constant 16 : i32
        %shift_left3A_1031 = vector.broadcast %shift_left3A_1030 : i32 to vector<16xi32>
        %shift_left3A_1032 = arith.shli %get3A_1029, %shift_left3A_1031 : vector<16xi32>
        %bitcast_convert_type3A_1033 = tpu.bitcast %shift_left3A_1032 : vector<16xi32> -> vector<16xf32>
        %and3A_1034 = arith.constant -65536 : i32
        %and3A_1035 = vector.broadcast %and3A_1034 : i32 to vector<16xi32>
        %and3A_1036 = arith.andi %get3A_1029, %and3A_1035 : vector<16xi32>
        %bitcast_convert_type3A_1037 = tpu.bitcast %and3A_1036 : vector<16xi32> -> vector<16xf32>
        %add3A_1038 = arith.addf %add3A_982, %bitcast_convert_type3A_1033 : vector<16xf32>
        %add3A_1039 = arith.addf %add3A_983, %bitcast_convert_type3A_1037 : vector<16xf32>
        %get3A_1040 = arith.index_cast %add3A_1013 : i32 to index
        %get3A_1041 = arith.constant 32 : index
        %get3A_1042 = tpu.vector_load %arg8[%get3A_1040, %get3A_1041] {strides = array<i32>} : memref<200x64xi32, #tpu.memory_space<vmem>>, vector<16xi32>,
        %shift_left3A_1043 = arith.constant 16 : i32
        %shift_left3A_1044 = vector.broadcast %shift_left3A_1043 : i32 to vector<16xi32>
        %shift_left3A_1045 = arith.shli %get3A_1042, %shift_left3A_1044 : vector<16xi32>
        %bitcast_convert_type3A_1046 = tpu.bitcast %shift_left3A_1045 : vector<16xi32> -> vector<16xf32>
        %and3A_1047 = arith.constant -65536 : i32
        %and3A_1048 = vector.broadcast %and3A_1047 : i32 to vector<16xi32>
        %and3A_1049 = arith.andi %get3A_1042, %and3A_1048 : vector<16xi32>
        %bitcast_convert_type3A_1050 = tpu.bitcast %and3A_1049 : vector<16xi32> -> vector<16xf32>
        %add3A_1051 = arith.addf %add3A_995, %bitcast_convert_type3A_1046 : vector<16xf32>
        %add3A_1052 = arith.addf %add3A_996, %bitcast_convert_type3A_1050 : vector<16xf32>
        %get3A_1053 = arith.index_cast %add3A_1013 : i32 to index
        %get3A_1054 = arith.constant 48 : index
        %get3A_1055 = tpu.vector_load %arg8[%get3A_1053, %get3A_1054] {strides = array<i32>} : memref<200x64xi32, #tpu.memory_space<vmem>>, vector<16xi32>,
        %shift_left3A_1056 = arith.constant 16 : i32
        %shift_left3A_1057 = vector.broadcast %shift_left3A_1056 : i32 to vector<16xi32>
        %shift_left3A_1058 = arith.shli %get3A_1055, %shift_left3A_1057 : vector<16xi32>
        %bitcast_convert_type3A_1059 = tpu.bitcast %shift_left3A_1058 : vector<16xi32> -> vector<16xf32>
        %and3A_1060 = arith.constant -65536 : i32
        %and3A_1061 = vector.broadcast %and3A_1060 : i32 to vector<16xi32>
        %and3A_1062 = arith.andi %get3A_1055, %and3A_1061 : vector<16xi32>
        %bitcast_convert_type3A_1063 = tpu.bitcast %and3A_1062 : vector<16xi32> -> vector<16xf32>
        %add3A_1064 = arith.addf %add3A_1008, %bitcast_convert_type3A_1059 : vector<16xf32>
        %add3A_1065 = arith.addf %add3A_1009, %bitcast_convert_type3A_1063 : vector<16xf32>
        %mul3A_1066 = arith.constant 8 : i32
        %mul3A_1067 = arith.muli %scan3A_781, %mul3A_1066 : i32
        %add3A_1068 = arith.constant 5 : i32
        %add3A_1069 = arith.addi %mul3A_1067, %add3A_1068 : i32
        %get3A_1070 = arith.index_cast %add3A_1069 : i32 to index
        %get3A_1071 = arith.constant 0 : index
        %get3A_1072 = tpu.vector_load %arg8[%get3A_1070, %get3A_1071] {strides = array<i32>} : memref<200x64xi32, #tpu.memory_space<vmem>>, vector<16xi32>,
        %shift_left3A_1073 = arith.constant 16 : i32
        %shift_left3A_1074 = vector.broadcast %shift_left3A_1073 : i32 to vector<16xi32>
        %shift_left3A_1075 = arith.shli %get3A_1072, %shift_left3A_1074 : vector<16xi32>
        %bitcast_convert_type3A_1076 = tpu.bitcast %shift_left3A_1075 : vector<16xi32> -> vector<16xf32>
        %and3A_1077 = arith.constant -65536 : i32
        %and3A_1078 = vector.broadcast %and3A_1077 : i32 to vector<16xi32>
        %and3A_1079 = arith.andi %get3A_1072, %and3A_1078 : vector<16xi32>
        %bitcast_convert_type3A_1080 = tpu.bitcast %and3A_1079 : vector<16xi32> -> vector<16xf32>
        %add3A_1081 = arith.addf %add3A_1025, %bitcast_convert_type3A_1076 : vector<16xf32>
        %add3A_1082 = arith.addf %add3A_1026, %bitcast_convert_type3A_1080 : vector<16xf32>
        %get3A_1083 = arith.index_cast %add3A_1069 : i32 to index
        %get3A_1084 = arith.constant 16 : index
        %get3A_1085 = tpu.vector_load %arg8[%get3A_1083, %get3A_1084] {strides = array<i32>} : memref<200x64xi32, #tpu.memory_space<vmem>>, vector<16xi32>,
        %shift_left3A_1086 = arith.constant 16 : i32
        %shift_left3A_1087 = vector.broadcast %shift_left3A_1086 : i32 to vector<16xi32>
        %shift_left3A_1088 = arith.shli %get3A_1085, %shift_left3A_1087 : vector<16xi32>
        %bitcast_convert_type3A_1089 = tpu.bitcast %shift_left3A_1088 : vector<16xi32> -> vector<16xf32>
        %and3A_1090 = arith.constant -65536 : i32
        %and3A_1091 = vector.broadcast %and3A_1090 : i32 to vector<16xi32>
        %and3A_1092 = arith.andi %get3A_1085, %and3A_1091 : vector<16xi32>
        %bitcast_convert_type3A_1093 = tpu.bitcast %and3A_1092 : vector<16xi32> -> vector<16xf32>
        %add3A_1094 = arith.addf %add3A_1038, %bitcast_convert_type3A_1089 : vector<16xf32>
        %add3A_1095 = arith.addf %add3A_1039, %bitcast_convert_type3A_1093 : vector<16xf32>
        %get3A_1096 = arith.index_cast %add3A_1069 : i32 to index
        %get3A_1097 = arith.constant 32 : index
        %get3A_1098 = tpu.vector_load %arg8[%get3A_1096, %get3A_1097] {strides = array<i32>} : memref<200x64xi32, #tpu.memory_space<vmem>>, vector<16xi32>,
        %shift_left3A_1099 = arith.constant 16 : i32
        %shift_left3A_1100 = vector.broadcast %shift_left3A_1099 : i32 to vector<16xi32>
        %shift_left3A_1101 = arith.shli %get3A_1098, %shift_left3A_1100 : vector<16xi32>
        %bitcast_convert_type3A_1102 = tpu.bitcast %shift_left3A_1101 : vector<16xi32> -> vector<16xf32>
        %and3A_1103 = arith.constant -65536 : i32
        %and3A_1104 = vector.broadcast %and3A_1103 : i32 to vector<16xi32>
        %and3A_1105 = arith.andi %get3A_1098, %and3A_1104 : vector<16xi32>
        %bitcast_convert_type3A_1106 = tpu.bitcast %and3A_1105 : vector<16xi32> -> vector<16xf32>
        %add3A_1107 = arith.addf %add3A_1051, %bitcast_convert_type3A_1102 : vector<16xf32>
        %add3A_1108 = arith.addf %add3A_1052, %bitcast_convert_type3A_1106 : vector<16xf32>
        %get3A_1109 = arith.index_cast %add3A_1069 : i32 to index
        %get3A_1110 = arith.constant 48 : index
        %get3A_1111 = tpu.vector_load %arg8[%get3A_1109, %get3A_1110] {strides = array<i32>} : memref<200x64xi32, #tpu.memory_space<vmem>>, vector<16xi32>,
        %shift_left3A_1112 = arith.constant 16 : i32
        %shift_left3A_1113 = vector.broadcast %shift_left3A_1112 : i32 to vector<16xi32>
        %shift_left3A_1114 = arith.shli %get3A_1111, %shift_left3A_1113 : vector<16xi32>
        %bitcast_convert_type3A_1115 = tpu.bitcast %shift_left3A_1114 : vector<16xi32> -> vector<16xf32>
        %and3A_1116 = arith.constant -65536 : i32
        %and3A_1117 = vector.broadcast %and3A_1116 : i32 to vector<16xi32>
        %and3A_1118 = arith.andi %get3A_1111, %and3A_1117 : vector<16xi32>
        %bitcast_convert_type3A_1119 = tpu.bitcast %and3A_1118 : vector<16xi32> -> vector<16xf32>
        %add3A_1120 = arith.addf %add3A_1064, %bitcast_convert_type3A_1115 : vector<16xf32>
        %add3A_1121 = arith.addf %add3A_1065, %bitcast_convert_type3A_1119 : vector<16xf32>
        %mul3A_1122 = arith.constant 8 : i32
        %mul3A_1123 = arith.muli %scan3A_781, %mul3A_1122 : i32
        %add3A_1124 = arith.constant 6 : i32
        %add3A_1125 = arith.addi %mul3A_1123, %add3A_1124 : i32
        %get3A_1126 = arith.index_cast %add3A_1125 : i32 to index
        %get3A_1127 = arith.constant 0 : index
        %get3A_1128 = tpu.vector_load %arg8[%get3A_1126, %get3A_1127] {strides = array<i32>} : memref<200x64xi32, #tpu.memory_space<vmem>>, vector<16xi32>,
        %shift_left3A_1129 = arith.constant 16 : i32
        %shift_left3A_1130 = vector.broadcast %shift_left3A_1129 : i32 to vector<16xi32>
        %shift_left3A_1131 = arith.shli %get3A_1128, %shift_left3A_1130 : vector<16xi32>
        %bitcast_convert_type3A_1132 = tpu.bitcast %shift_left3A_1131 : vector<16xi32> -> vector<16xf32>
        %and3A_1133 = arith.constant -65536 : i32
        %and3A_1134 = vector.broadcast %and3A_1133 : i32 to vector<16xi32>
        %and3A_1135 = arith.andi %get3A_1128, %and3A_1134 : vector<16xi32>
        %bitcast_convert_type3A_1136 = tpu.bitcast %and3A_1135 : vector<16xi32> -> vector<16xf32>
        %add3A_1137 = arith.addf %add3A_1081, %bitcast_convert_type3A_1132 : vector<16xf32>
        %add3A_1138 = arith.addf %add3A_1082, %bitcast_convert_type3A_1136 : vector<16xf32>
        %get3A_1139 = arith.index_cast %add3A_1125 : i32 to index
        %get3A_1140 = arith.constant 16 : index
        %get3A_1141 = tpu.vector_load %arg8[%get3A_1139, %get3A_1140] {strides = array<i32>} : memref<200x64xi32, #tpu.memory_space<vmem>>, vector<16xi32>,
        %shift_left3A_1142 = arith.constant 16 : i32
        %shift_left3A_1143 = vector.broadcast %shift_left3A_1142 : i32 to vector<16xi32>
        %shift_left3A_1144 = arith.shli %get3A_1141, %shift_left3A_1143 : vector<16xi32>
        %bitcast_convert_type3A_1145 = tpu.bitcast %shift_left3A_1144 : vector<16xi32> -> vector<16xf32>
        %and3A_1146 = arith.constant -65536 : i32
        %and3A_1147 = vector.broadcast %and3A_1146 : i32 to vector<16xi32>
        %and3A_1148 = arith.andi %get3A_1141, %and3A_1147 : vector<16xi32>
        %bitcast_convert_type3A_1149 = tpu.bitcast %and3A_1148 : vector<16xi32> -> vector<16xf32>
        %add3A_1150 = arith.addf %add3A_1094, %bitcast_convert_type3A_1145 : vector<16xf32>
        %add3A_1151 = arith.addf %add3A_1095, %bitcast_convert_type3A_1149 : vector<16xf32>
        %get3A_1152 = arith.index_cast %add3A_1125 : i32 to index
        %get3A_1153 = arith.constant 32 : index
        %get3A_1154 = tpu.vector_load %arg8[%get3A_1152, %get3A_1153] {strides = array<i32>} : memref<200x64xi32, #tpu.memory_space<vmem>>, vector<16xi32>,
        %shift_left3A_1155 = arith.constant 16 : i32
        %shift_left3A_1156 = vector.broadcast %shift_left3A_1155 : i32 to vector<16xi32>
        %shift_left3A_1157 = arith.shli %get3A_1154, %shift_left3A_1156 : vector<16xi32>
        %bitcast_convert_type3A_1158 = tpu.bitcast %shift_left3A_1157 : vector<16xi32> -> vector<16xf32>
        %and3A_1159 = arith.constant -65536 : i32
        %and3A_1160 = vector.broadcast %and3A_1159 : i32 to vector<16xi32>
        %and3A_1161 = arith.andi %get3A_1154, %and3A_1160 : vector<16xi32>
        %bitcast_convert_type3A_1162 = tpu.bitcast %and3A_1161 : vector<16xi32> -> vector<16xf32>
        %add3A_1163 = arith.addf %add3A_1107, %bitcast_convert_type3A_1158 : vector<16xf32>
        %add3A_1164 = arith.addf %add3A_1108, %bitcast_convert_type3A_1162 : vector<16xf32>
        %get3A_1165 = arith.index_cast %add3A_1125 : i32 to index
        %get3A_1166 = arith.constant 48 : index
        %get3A_1167 = tpu.vector_load %arg8[%get3A_1165, %get3A_1166] {strides = array<i32>} : memref<200x64xi32, #tpu.memory_space<vmem>>, vector<16xi32>,
        %shift_left3A_1168 = arith.constant 16 : i32
        %shift_left3A_1169 = vector.broadcast %shift_left3A_1168 : i32 to vector<16xi32>
        %shift_left3A_1170 = arith.shli %get3A_1167, %shift_left3A_1169 : vector<16xi32>
        %bitcast_convert_type3A_1171 = tpu.bitcast %shift_left3A_1170 : vector<16xi32> -> vector<16xf32>
        %and3A_1172 = arith.constant -65536 : i32
        %and3A_1173 = vector.broadcast %and3A_1172 : i32 to vector<16xi32>
        %and3A_1174 = arith.andi %get3A_1167, %and3A_1173 : vector<16xi32>
        %bitcast_convert_type3A_1175 = tpu.bitcast %and3A_1174 : vector<16xi32> -> vector<16xf32>
        %add3A_1176 = arith.addf %add3A_1120, %bitcast_convert_type3A_1171 : vector<16xf32>
        %add3A_1177 = arith.addf %add3A_1121, %bitcast_convert_type3A_1175 : vector<16xf32>
        %mul3A_1178 = arith.constant 8 : i32
        %mul3A_1179 = arith.muli %scan3A_781, %mul3A_1178 : i32
        %add3A_1180 = arith.constant 7 : i32
        %add3A_1181 = arith.addi %mul3A_1179, %add3A_1180 : i32
        %get3A_1182 = arith.index_cast %add3A_1181 : i32 to index
        %get3A_1183 = arith.constant 0 : index
        %get3A_1184 = tpu.vector_load %arg8[%get3A_1182, %get3A_1183] {strides = array<i32>} : memref<200x64xi32, #tpu.memory_space<vmem>>, vector<16xi32>,
        %shift_left3A_1185 = arith.constant 16 : i32
        %shift_left3A_1186 = vector.broadcast %shift_left3A_1185 : i32 to vector<16xi32>
        %shift_left3A_1187 = arith.shli %get3A_1184, %shift_left3A_1186 : vector<16xi32>
        %bitcast_convert_type3A_1188 = tpu.bitcast %shift_left3A_1187 : vector<16xi32> -> vector<16xf32>
        %and3A_1189 = arith.constant -65536 : i32
        %and3A_1190 = vector.broadcast %and3A_1189 : i32 to vector<16xi32>
        %and3A_1191 = arith.andi %get3A_1184, %and3A_1190 : vector<16xi32>
        %bitcast_convert_type3A_1192 = tpu.bitcast %and3A_1191 : vector<16xi32> -> vector<16xf32>
        %add3A_1193 = arith.addf %add3A_1137, %bitcast_convert_type3A_1188 : vector<16xf32>
        %add3A_1194 = arith.addf %add3A_1138, %bitcast_convert_type3A_1192 : vector<16xf32>
        %get3A_1195 = arith.index_cast %add3A_1181 : i32 to index
        %get3A_1196 = arith.constant 16 : index
        %get3A_1197 = tpu.vector_load %arg8[%get3A_1195, %get3A_1196] {strides = array<i32>} : memref<200x64xi32, #tpu.memory_space<vmem>>, vector<16xi32>,
        %shift_left3A_1198 = arith.constant 16 : i32
        %shift_left3A_1199 = vector.broadcast %shift_left3A_1198 : i32 to vector<16xi32>
        %shift_left3A_1200 = arith.shli %get3A_1197, %shift_left3A_1199 : vector<16xi32>
        %bitcast_convert_type3A_1201 = tpu.bitcast %shift_left3A_1200 : vector<16xi32> -> vector<16xf32>
        %and3A_1202 = arith.constant -65536 : i32
        %and3A_1203 = vector.broadcast %and3A_1202 : i32 to vector<16xi32>
        %and3A_1204 = arith.andi %get3A_1197, %and3A_1203 : vector<16xi32>
        %bitcast_convert_type3A_1205 = tpu.bitcast %and3A_1204 : vector<16xi32> -> vector<16xf32>
        %add3A_1206 = arith.addf %add3A_1150, %bitcast_convert_type3A_1201 : vector<16xf32>
        %add3A_1207 = arith.addf %add3A_1151, %bitcast_convert_type3A_1205 : vector<16xf32>
        %get3A_1208 = arith.index_cast %add3A_1181 : i32 to index
        %get3A_1209 = arith.constant 32 : index
        %get3A_1210 = tpu.vector_load %arg8[%get3A_1208, %get3A_1209] {strides = array<i32>} : memref<200x64xi32, #tpu.memory_space<vmem>>, vector<16xi32>,
        %shift_left3A_1211 = arith.constant 16 : i32
        %shift_left3A_1212 = vector.broadcast %shift_left3A_1211 : i32 to vector<16xi32>
        %shift_left3A_1213 = arith.shli %get3A_1210, %shift_left3A_1212 : vector<16xi32>
        %bitcast_convert_type3A_1214 = tpu.bitcast %shift_left3A_1213 : vector<16xi32> -> vector<16xf32>
        %and3A_1215 = arith.constant -65536 : i32
        %and3A_1216 = vector.broadcast %and3A_1215 : i32 to vector<16xi32>
        %and3A_1217 = arith.andi %get3A_1210, %and3A_1216 : vector<16xi32>
        %bitcast_convert_type3A_1218 = tpu.bitcast %and3A_1217 : vector<16xi32> -> vector<16xf32>
        %add3A_1219 = arith.addf %add3A_1163, %bitcast_convert_type3A_1214 : vector<16xf32>
        %add3A_1220 = arith.addf %add3A_1164, %bitcast_convert_type3A_1218 : vector<16xf32>
        %get3A_1221 = arith.index_cast %add3A_1181 : i32 to index
        %get3A_1222 = arith.constant 48 : index
        %get3A_1223 = tpu.vector_load %arg8[%get3A_1221, %get3A_1222] {strides = array<i32>} : memref<200x64xi32, #tpu.memory_space<vmem>>, vector<16xi32>,
        %shift_left3A_1224 = arith.constant 16 : i32
        %shift_left3A_1225 = vector.broadcast %shift_left3A_1224 : i32 to vector<16xi32>
        %shift_left3A_1226 = arith.shli %get3A_1223, %shift_left3A_1225 : vector<16xi32>
        %bitcast_convert_type3A_1227 = tpu.bitcast %shift_left3A_1226 : vector<16xi32> -> vector<16xf32>
        %and3A_1228 = arith.constant -65536 : i32
        %and3A_1229 = vector.broadcast %and3A_1228 : i32 to vector<16xi32>
        %and3A_1230 = arith.andi %get3A_1223, %and3A_1229 : vector<16xi32>
        %bitcast_convert_type3A_1231 = tpu.bitcast %and3A_1230 : vector<16xi32> -> vector<16xf32>
        %add3A_1232 = arith.addf %add3A_1176, %bitcast_convert_type3A_1227 : vector<16xf32>
        %add3A_1233 = arith.addf %add3A_1177, %bitcast_convert_type3A_1231 : vector<16xf32>
        scf.yield %add3A_1193, %add3A_1206, %add3A_1219, %add3A_1232, %add3A_1194, %add3A_1207, %add3A_1220, %add3A_1233 : vector<16xf32>, vector<16xf32>, vector<16xf32>, vector<16xf32>, vector<16xf32>, vector<16xf32>, vector<16xf32>, vector<16xf32>
      }
      %scan3A_538 = arith.constant 25 : i32
      %mul3A_539 = arith.constant 5.000000e-03 : f32
      %mul3A_540 = vector.broadcast %mul3A_539 : f32 to vector<16xf32>
      %mul3A_541 = arith.mulf %scan3A_537#0, %mul3A_540 : vector<16xf32>
      %swap3A_542 = arith.index_cast %add3A_516 : i32 to index
      %swap3A_543 = arith.constant 0 : index
      %swap3A_544 = tpu.vector_load %arg11[%swap3A_542, %swap3A_543] {strides = array<i32>} : memref<128x128xf32, #tpu.memory_space<vmem>>, vector<16xf32>,
      tpu.vector_store %arg11[%swap3A_542, %swap3A_543], %mul3A_541 {strides = array<i32>} : memref<128x128xf32, #tpu.memory_space<vmem>>, vector<16xf32>,
      %mul3A_545 = arith.constant 5.000000e-03 : f32
      %mul3A_546 = vector.broadcast %mul3A_545 : f32 to vector<16xf32>
      %mul3A_547 = arith.mulf %scan3A_537#1, %mul3A_546 : vector<16xf32>
      %swap3A_548 = arith.index_cast %add3A_516 : i32 to index
      %swap3A_549 = arith.constant 16 : index
      %swap3A_550 = tpu.vector_load %arg11[%swap3A_548, %swap3A_549] {strides = array<i32>} : memref<128x128xf32, #tpu.memory_space<vmem>>, vector<16xf32>,
      tpu.vector_store %arg11[%swap3A_548, %swap3A_549], %mul3A_547 {strides = array<i32>} : memref<128x128xf32, #tpu.memory_space<vmem>>, vector<16xf32>,
      %mul3A_551 = arith.constant 5.000000e-03 : f32
      %mul3A_552 = vector.broadcast %mul3A_551 : f32 to vector<16xf32>
      %mul3A_553 = arith.mulf %scan3A_537#2, %mul3A_552 : vector<16xf32>
      %swap3A_554 = arith.index_cast %add3A_516 : i32 to index
      %swap3A_555 = arith.constant 32 : index
      %swap3A_556 = tpu.vector_load %arg11[%swap3A_554, %swap3A_555] {strides = array<i32>} : memref<128x128xf32, #tpu.memory_space<vmem>>, vector<16xf32>,
      tpu.vector_store %arg11[%swap3A_554, %swap3A_555], %mul3A_553 {strides = array<i32>} : memref<128x128xf32, #tpu.memory_space<vmem>>, vector<16xf32>,
      %mul3A_557 = arith.constant 5.000000e-03 : f32
      %mul3A_558 = vector.broadcast %mul3A_557 : f32 to vector<16xf32>
      %mul3A_559 = arith.mulf %scan3A_537#3, %mul3A_558 : vector<16xf32>
      %swap3A_560 = arith.index_cast %add3A_516 : i32 to index
      %swap3A_561 = arith.constant 48 : index
      %swap3A_562 = tpu.vector_load %arg11[%swap3A_560, %swap3A_561] {strides = array<i32>} : memref<128x128xf32, #tpu.memory_space<vmem>>, vector<16xf32>,
      tpu.vector_store %arg11[%swap3A_560, %swap3A_561], %mul3A_559 {strides = array<i32>} : memref<128x128xf32, #tpu.memory_space<vmem>>, vector<16xf32>,
      %mul3A_563 = arith.constant 5.000000e-03 : f32
      %mul3A_564 = vector.broadcast %mul3A_563 : f32 to vector<16xf32>
      %mul3A_565 = arith.mulf %scan3A_537#4, %mul3A_564 : vector<16xf32>
      %swap3A_566 = arith.index_cast %add3A_516 : i32 to index
      %swap3A_567 = arith.constant 64 : index
      %swap3A_568 = tpu.vector_load %arg11[%swap3A_566, %swap3A_567] {strides = array<i32>} : memref<128x128xf32, #tpu.memory_space<vmem>>, vector<16xf32>,
      tpu.vector_store %arg11[%swap3A_566, %swap3A_567], %mul3A_565 {strides = array<i32>} : memref<128x128xf32, #tpu.memory_space<vmem>>, vector<16xf32>,
      %mul3A_569 = arith.constant 5.000000e-03 : f32
      %mul3A_570 = vector.broadcast %mul3A_569 : f32 to vector<16xf32>
      %mul3A_571 = arith.mulf %scan3A_537#5, %mul3A_570 : vector<16xf32>
      %swap3A_572 = arith.index_cast %add3A_516 : i32 to index
      %swap3A_573 = arith.constant 80 : index
      %swap3A_574 = tpu.vector_load %arg11[%swap3A_572, %swap3A_573] {strides = array<i32>} : memref<128x128xf32, #tpu.memory_space<vmem>>, vector<16xf32>,
      tpu.vector_store %arg11[%swap3A_572, %swap3A_573], %mul3A_571 {strides = array<i32>} : memref<128x128xf32, #tpu.memory_space<vmem>>, vector<16xf32>,
      %mul3A_575 = arith.constant 5.000000e-03 : f32
      %mul3A_576 = vector.broadcast %mul3A_575 : f32 to vector<16xf32>
      %mul3A_577 = arith.mulf %scan3A_537#6, %mul3A_576 : vector<16xf32>
      %swap3A_578 = arith.index_cast %add3A_516 : i32 to index
      %swap3A_579 = arith.constant 96 : index
      %swap3A_580 = tpu.vector_load %arg11[%swap3A_578, %swap3A_579] {strides = array<i32>} : memref<128x128xf32, #tpu.memory_space<vmem>>, vector<16xf32>,
      tpu.vector_store %arg11[%swap3A_578, %swap3A_579], %mul3A_577 {strides = array<i32>} : memref<128x128xf32, #tpu.memory_space<vmem>>, vector<16xf32>,
      %mul3A_581 = arith.constant 5.000000e-03 : f32
      %mul3A_582 = vector.broadcast %mul3A_581 : f32 to vector<16xf32>
      %mul3A_583 = arith.mulf %scan3A_537#7, %mul3A_582 : vector<16xf32>
      %swap3A_584 = arith.index_cast %add3A_516 : i32 to index
      %swap3A_585 = arith.constant 112 : index
      %swap3A_586 = tpu.vector_load %arg11[%swap3A_584, %swap3A_585] {strides = array<i32>} : memref<128x128xf32, #tpu.memory_space<vmem>>, vector<16xf32>,
      tpu.vector_store %arg11[%swap3A_584, %swap3A_585], %mul3A_583 {strides = array<i32>} : memref<128x128xf32, #tpu.memory_space<vmem>>, vector<16xf32>,
      %add3A_587 = arith.constant 2 : i32
      %add3A_588 = arith.addi %mul3A_322, %add3A_587 : i32
      %add3A_589 = arith.constant 5 : i32
      %add3A_590 = arith.addi %add3A_588, %add3A_589 : i32
      %lt3A_591 = arith.constant 128 : i32
      %lt3A_592 = arith.cmpi slt, %add3A_590, %lt3A_591 : i32
      %convert_element_type3A_593 = arith.extui %lt3A_592 : i1 to i32
      %cond3A_594 = arith.constant 0 : i32
      %cond3A_595 = arith.cmpi ne, %convert_element_type3A_593, %cond3A_594 : i32
      scf.if %cond3A_595 {
        %add3A_781 = arith.constant 2 : i32
        %add3A_782 = arith.addi %mul3A_322, %add3A_781 : i32
        %add3A_783 = arith.constant 5 : i32
        %add3A_784 = arith.addi %add3A_782, %add3A_783 : i32
        %dma_start3A_785 = arith.constant 0 : i32
        %dma_start3A_786 = arith.constant 0 : i32
        %dma_start3A_787 = tpu.memref_slice %arg8[%dma_start3A_785, %dma_start3A_786] : memref<200x64xi32, #tpu.memory_space<vmem>> -> memref<200x64xi32, #tpu.memory_space<vmem>>
        %dma_start3A_788 = arith.constant 0 : i32
        %dma_start3A_789 = tpu.memref_slice %arg5[%add3A_784, %dma_start3A_788] : memref<128x200xi32, #tpu.memory_space<vmem>> -> memref<1x200xi32, #tpu.memory_space<vmem>>
        %dma_start3A_790 = tpu.memref_squeeze %dma_start3A_789 : memref<1x200xi32, #tpu.memory_space<vmem>> -> memref<200xi32, #tpu.memory_space<vmem>>
        %dma_start3A_791 = arith.constant 0 : i32
        %dma_start3A_792 = arith.constant 0 : i32
        %dma_start3A_793 = tpu.memref_slice %arg3[%dma_start3A_791, %dma_start3A_792] : memref<30522x64xi32, #tpu.memory_space<hbm>> -> memref<30522x64xi32, #tpu.memory_space<hbm>>
        tpu.enqueue_indirect_dma source(%dma_start3A_793 : memref<30522x64xi32, #tpu.memory_space<hbm>>) target(%dma_start3A_787 : memref<200x64xi32, #tpu.memory_space<vmem>>) offsets(%dma_start3A_790 : memref<200xi32, #tpu.memory_space<vmem>>) semaphore(%arg14 : memref<!tpu.dma_semaphore, #tpu.memory_space<semaphore_mem>>)
      } else {
      }
      %add3A_596 = arith.constant 3 : i32
      %add3A_597 = arith.addi %mul3A_322, %add3A_596 : i32
      %dma_wait3A_598 = arith.constant 0 : i32
      %dma_wait3A_599 = arith.constant 0 : i32
      %dma_wait3A_600 = tpu.memref_slice %arg9[%dma_wait3A_598, %dma_wait3A_599] : memref<200x64xi32, #tpu.memory_space<vmem>> -> memref<200x64xi32, #tpu.memory_space<vmem>>
      %dma_wait3A_601 = arith.constant 0 : i32
      %dma_wait3A_602 = tpu.memref_slice %arg5[%add3A_597, %dma_wait3A_601] : memref<128x200xi32, #tpu.memory_space<vmem>> -> memref<1x200xi32, #tpu.memory_space<vmem>>
      %dma_wait3A_603 = tpu.memref_squeeze %dma_wait3A_602 : memref<1x200xi32, #tpu.memory_space<vmem>> -> memref<200xi32, #tpu.memory_space<vmem>>
      %dma_wait3A_604 = arith.constant 0 : i32
      %dma_wait3A_605 = arith.constant 0 : i32
      %dma_wait3A_606 = tpu.memref_slice %arg3[%dma_wait3A_604, %dma_wait3A_605] : memref<30522x64xi32, #tpu.memory_space<hbm>> -> memref<30522x64xi32, #tpu.memory_space<hbm>>
      tpu.wait_indirect_dma semaphore(%arg15 : memref<!tpu.dma_semaphore, #tpu.memory_space<semaphore_mem>>) src(%dma_wait3A_606 : memref<30522x64xi32, #tpu.memory_space<hbm>>) dst(%dma_wait3A_600 : memref<200x64xi32, #tpu.memory_space<vmem>>)
      %add3A_607 = arith.constant 3 : i32
      %add3A_608 = arith.addi %mul3A_322, %add3A_607 : i32
      %broadcast_in_dim3A_609 = arith.constant 0.000000e+00 : f32
      %broadcast_in_dim3A_610 = vector.broadcast %broadcast_in_dim3A_609 : f32 to vector<16xf32>
      %broadcast_in_dim3A_611 = arith.constant 0.000000e+00 : f32
      %broadcast_in_dim3A_612 = vector.broadcast %broadcast_in_dim3A_611 : f32 to vector<16xf32>
      %broadcast_in_dim3A_613 = arith.constant 0.000000e+00 : f32
      %broadcast_in_dim3A_614 = vector.broadcast %broadcast_in_dim3A_613 : f32 to vector<16xf32>
      %broadcast_in_dim3A_615 = arith.constant 0.000000e+00 : f32
      %broadcast_in_dim3A_616 = vector.broadcast %broadcast_in_dim3A_615 : f32 to vector<16xf32>
      %broadcast_in_dim3A_617 = arith.constant 0.000000e+00 : f32
      %broadcast_in_dim3A_618 = vector.broadcast %broadcast_in_dim3A_617 : f32 to vector<16xf32>
      %broadcast_in_dim3A_619 = arith.constant 0.000000e+00 : f32
      %broadcast_in_dim3A_620 = vector.broadcast %broadcast_in_dim3A_619 : f32 to vector<16xf32>
      %broadcast_in_dim3A_621 = arith.constant 0.000000e+00 : f32
      %broadcast_in_dim3A_622 = vector.broadcast %broadcast_in_dim3A_621 : f32 to vector<16xf32>
      %broadcast_in_dim3A_623 = arith.constant 0.000000e+00 : f32
      %broadcast_in_dim3A_624 = vector.broadcast %broadcast_in_dim3A_623 : f32 to vector<16xf32>
      %scan3A_625 = arith.constant 0 : i32
      %scan3A_626 = arith.constant 25 : i32
      %scan3A_627 = arith.addi %scan3A_625, %scan3A_626 : i32
      %scan3A_628 = arith.constant 1 : i32
      %scan3A_629:8 = scf.for %scan3A_781 = %scan3A_625 to %scan3A_627 step %scan3A_628 iter_args(%scan3A_782 = %broadcast_in_dim3A_610, %scan3A_783 = %broadcast_in_dim3A_612, %scan3A_784 = %broadcast_in_dim3A_614, %scan3A_785 = %broadcast_in_dim3A_616, %scan3A_786 = %broadcast_in_dim3A_618, %scan3A_787 = %broadcast_in_dim3A_620, %scan3A_788 = %broadcast_in_dim3A_622, %scan3A_789 = %broadcast_in_dim3A_624) -> (vector<16xf32>, vector<16xf32>, vector<16xf32>, vector<16xf32>, vector<16xf32>, vector<16xf32>, vector<16xf32>, vector<16xf32>)  : i32 {
        %mul3A_790 = arith.constant 8 : i32
        %mul3A_791 = arith.muli %scan3A_781, %mul3A_790 : i32
        %add3A_792 = arith.constant 0 : i32
        %add3A_793 = arith.addi %mul3A_791, %add3A_792 : i32
        %get3A = arith.index_cast %add3A_793 : i32 to index
        %get3A_794 = arith.constant 0 : index
        %get3A_795 = tpu.vector_load %arg9[%get3A, %get3A_794] {strides = array<i32>} : memref<200x64xi32, #tpu.memory_space<vmem>>, vector<16xi32>,
        %shift_left3A = arith.constant 16 : i32
        %shift_left3A_796 = vector.broadcast %shift_left3A : i32 to vector<16xi32>
        %shift_left3A_797 = arith.shli %get3A_795, %shift_left3A_796 : vector<16xi32>
        %bitcast_convert_type3A = tpu.bitcast %shift_left3A_797 : vector<16xi32> -> vector<16xf32>
        %and3A = arith.constant -65536 : i32
        %and3A_798 = vector.broadcast %and3A : i32 to vector<16xi32>
        %and3A_799 = arith.andi %get3A_795, %and3A_798 : vector<16xi32>
        %bitcast_convert_type3A_800 = tpu.bitcast %and3A_799 : vector<16xi32> -> vector<16xf32>
        %add3A_801 = arith.addf %scan3A_782, %bitcast_convert_type3A : vector<16xf32>
        %add3A_802 = arith.addf %scan3A_786, %bitcast_convert_type3A_800 : vector<16xf32>
        %get3A_803 = arith.index_cast %add3A_793 : i32 to index
        %get3A_804 = arith.constant 16 : index
        %get3A_805 = tpu.vector_load %arg9[%get3A_803, %get3A_804] {strides = array<i32>} : memref<200x64xi32, #tpu.memory_space<vmem>>, vector<16xi32>,
        %shift_left3A_806 = arith.constant 16 : i32
        %shift_left3A_807 = vector.broadcast %shift_left3A_806 : i32 to vector<16xi32>
        %shift_left3A_808 = arith.shli %get3A_805, %shift_left3A_807 : vector<16xi32>
        %bitcast_convert_type3A_809 = tpu.bitcast %shift_left3A_808 : vector<16xi32> -> vector<16xf32>
        %and3A_810 = arith.constant -65536 : i32
        %and3A_811 = vector.broadcast %and3A_810 : i32 to vector<16xi32>
        %and3A_812 = arith.andi %get3A_805, %and3A_811 : vector<16xi32>
        %bitcast_convert_type3A_813 = tpu.bitcast %and3A_812 : vector<16xi32> -> vector<16xf32>
        %add3A_814 = arith.addf %scan3A_783, %bitcast_convert_type3A_809 : vector<16xf32>
        %add3A_815 = arith.addf %scan3A_787, %bitcast_convert_type3A_813 : vector<16xf32>
        %get3A_816 = arith.index_cast %add3A_793 : i32 to index
        %get3A_817 = arith.constant 32 : index
        %get3A_818 = tpu.vector_load %arg9[%get3A_816, %get3A_817] {strides = array<i32>} : memref<200x64xi32, #tpu.memory_space<vmem>>, vector<16xi32>,
        %shift_left3A_819 = arith.constant 16 : i32
        %shift_left3A_820 = vector.broadcast %shift_left3A_819 : i32 to vector<16xi32>
        %shift_left3A_821 = arith.shli %get3A_818, %shift_left3A_820 : vector<16xi32>
        %bitcast_convert_type3A_822 = tpu.bitcast %shift_left3A_821 : vector<16xi32> -> vector<16xf32>
        %and3A_823 = arith.constant -65536 : i32
        %and3A_824 = vector.broadcast %and3A_823 : i32 to vector<16xi32>
        %and3A_825 = arith.andi %get3A_818, %and3A_824 : vector<16xi32>
        %bitcast_convert_type3A_826 = tpu.bitcast %and3A_825 : vector<16xi32> -> vector<16xf32>
        %add3A_827 = arith.addf %scan3A_784, %bitcast_convert_type3A_822 : vector<16xf32>
        %add3A_828 = arith.addf %scan3A_788, %bitcast_convert_type3A_826 : vector<16xf32>
        %get3A_829 = arith.index_cast %add3A_793 : i32 to index
        %get3A_830 = arith.constant 48 : index
        %get3A_831 = tpu.vector_load %arg9[%get3A_829, %get3A_830] {strides = array<i32>} : memref<200x64xi32, #tpu.memory_space<vmem>>, vector<16xi32>,
        %shift_left3A_832 = arith.constant 16 : i32
        %shift_left3A_833 = vector.broadcast %shift_left3A_832 : i32 to vector<16xi32>
        %shift_left3A_834 = arith.shli %get3A_831, %shift_left3A_833 : vector<16xi32>
        %bitcast_convert_type3A_835 = tpu.bitcast %shift_left3A_834 : vector<16xi32> -> vector<16xf32>
        %and3A_836 = arith.constant -65536 : i32
        %and3A_837 = vector.broadcast %and3A_836 : i32 to vector<16xi32>
        %and3A_838 = arith.andi %get3A_831, %and3A_837 : vector<16xi32>
        %bitcast_convert_type3A_839 = tpu.bitcast %and3A_838 : vector<16xi32> -> vector<16xf32>
        %add3A_840 = arith.addf %scan3A_785, %bitcast_convert_type3A_835 : vector<16xf32>
        %add3A_841 = arith.addf %scan3A_789, %bitcast_convert_type3A_839 : vector<16xf32>
        %mul3A_842 = arith.constant 8 : i32
        %mul3A_843 = arith.muli %scan3A_781, %mul3A_842 : i32
        %add3A_844 = arith.constant 1 : i32
        %add3A_845 = arith.addi %mul3A_843, %add3A_844 : i32
        %get3A_846 = arith.index_cast %add3A_845 : i32 to index
        %get3A_847 = arith.constant 0 : index
        %get3A_848 = tpu.vector_load %arg9[%get3A_846, %get3A_847] {strides = array<i32>} : memref<200x64xi32, #tpu.memory_space<vmem>>, vector<16xi32>,
        %shift_left3A_849 = arith.constant 16 : i32
        %shift_left3A_850 = vector.broadcast %shift_left3A_849 : i32 to vector<16xi32>
        %shift_left3A_851 = arith.shli %get3A_848, %shift_left3A_850 : vector<16xi32>
        %bitcast_convert_type3A_852 = tpu.bitcast %shift_left3A_851 : vector<16xi32> -> vector<16xf32>
        %and3A_853 = arith.constant -65536 : i32
        %and3A_854 = vector.broadcast %and3A_853 : i32 to vector<16xi32>
        %and3A_855 = arith.andi %get3A_848, %and3A_854 : vector<16xi32>
        %bitcast_convert_type3A_856 = tpu.bitcast %and3A_855 : vector<16xi32> -> vector<16xf32>
        %add3A_857 = arith.addf %add3A_801, %bitcast_convert_type3A_852 : vector<16xf32>
        %add3A_858 = arith.addf %add3A_802, %bitcast_convert_type3A_856 : vector<16xf32>
        %get3A_859 = arith.index_cast %add3A_845 : i32 to index
        %get3A_860 = arith.constant 16 : index
        %get3A_861 = tpu.vector_load %arg9[%get3A_859, %get3A_860] {strides = array<i32>} : memref<200x64xi32, #tpu.memory_space<vmem>>, vector<16xi32>,
        %shift_left3A_862 = arith.constant 16 : i32
        %shift_left3A_863 = vector.broadcast %shift_left3A_862 : i32 to vector<16xi32>
        %shift_left3A_864 = arith.shli %get3A_861, %shift_left3A_863 : vector<16xi32>
        %bitcast_convert_type3A_865 = tpu.bitcast %shift_left3A_864 : vector<16xi32> -> vector<16xf32>
        %and3A_866 = arith.constant -65536 : i32
        %and3A_867 = vector.broadcast %and3A_866 : i32 to vector<16xi32>
        %and3A_868 = arith.andi %get3A_861, %and3A_867 : vector<16xi32>
        %bitcast_convert_type3A_869 = tpu.bitcast %and3A_868 : vector<16xi32> -> vector<16xf32>
        %add3A_870 = arith.addf %add3A_814, %bitcast_convert_type3A_865 : vector<16xf32>
        %add3A_871 = arith.addf %add3A_815, %bitcast_convert_type3A_869 : vector<16xf32>
        %get3A_872 = arith.index_cast %add3A_845 : i32 to index
        %get3A_873 = arith.constant 32 : index
        %get3A_874 = tpu.vector_load %arg9[%get3A_872, %get3A_873] {strides = array<i32>} : memref<200x64xi32, #tpu.memory_space<vmem>>, vector<16xi32>,
        %shift_left3A_875 = arith.constant 16 : i32
        %shift_left3A_876 = vector.broadcast %shift_left3A_875 : i32 to vector<16xi32>
        %shift_left3A_877 = arith.shli %get3A_874, %shift_left3A_876 : vector<16xi32>
        %bitcast_convert_type3A_878 = tpu.bitcast %shift_left3A_877 : vector<16xi32> -> vector<16xf32>
        %and3A_879 = arith.constant -65536 : i32
        %and3A_880 = vector.broadcast %and3A_879 : i32 to vector<16xi32>
        %and3A_881 = arith.andi %get3A_874, %and3A_880 : vector<16xi32>
        %bitcast_convert_type3A_882 = tpu.bitcast %and3A_881 : vector<16xi32> -> vector<16xf32>
        %add3A_883 = arith.addf %add3A_827, %bitcast_convert_type3A_878 : vector<16xf32>
        %add3A_884 = arith.addf %add3A_828, %bitcast_convert_type3A_882 : vector<16xf32>
        %get3A_885 = arith.index_cast %add3A_845 : i32 to index
        %get3A_886 = arith.constant 48 : index
        %get3A_887 = tpu.vector_load %arg9[%get3A_885, %get3A_886] {strides = array<i32>} : memref<200x64xi32, #tpu.memory_space<vmem>>, vector<16xi32>,
        %shift_left3A_888 = arith.constant 16 : i32
        %shift_left3A_889 = vector.broadcast %shift_left3A_888 : i32 to vector<16xi32>
        %shift_left3A_890 = arith.shli %get3A_887, %shift_left3A_889 : vector<16xi32>
        %bitcast_convert_type3A_891 = tpu.bitcast %shift_left3A_890 : vector<16xi32> -> vector<16xf32>
        %and3A_892 = arith.constant -65536 : i32
        %and3A_893 = vector.broadcast %and3A_892 : i32 to vector<16xi32>
        %and3A_894 = arith.andi %get3A_887, %and3A_893 : vector<16xi32>
        %bitcast_convert_type3A_895 = tpu.bitcast %and3A_894 : vector<16xi32> -> vector<16xf32>
        %add3A_896 = arith.addf %add3A_840, %bitcast_convert_type3A_891 : vector<16xf32>
        %add3A_897 = arith.addf %add3A_841, %bitcast_convert_type3A_895 : vector<16xf32>
        %mul3A_898 = arith.constant 8 : i32
        %mul3A_899 = arith.muli %scan3A_781, %mul3A_898 : i32
        %add3A_900 = arith.constant 2 : i32
        %add3A_901 = arith.addi %mul3A_899, %add3A_900 : i32
        %get3A_902 = arith.index_cast %add3A_901 : i32 to index
        %get3A_903 = arith.constant 0 : index
        %get3A_904 = tpu.vector_load %arg9[%get3A_902, %get3A_903] {strides = array<i32>} : memref<200x64xi32, #tpu.memory_space<vmem>>, vector<16xi32>,
        %shift_left3A_905 = arith.constant 16 : i32
        %shift_left3A_906 = vector.broadcast %shift_left3A_905 : i32 to vector<16xi32>
        %shift_left3A_907 = arith.shli %get3A_904, %shift_left3A_906 : vector<16xi32>
        %bitcast_convert_type3A_908 = tpu.bitcast %shift_left3A_907 : vector<16xi32> -> vector<16xf32>
        %and3A_909 = arith.constant -65536 : i32
        %and3A_910 = vector.broadcast %and3A_909 : i32 to vector<16xi32>
        %and3A_911 = arith.andi %get3A_904, %and3A_910 : vector<16xi32>
        %bitcast_convert_type3A_912 = tpu.bitcast %and3A_911 : vector<16xi32> -> vector<16xf32>
        %add3A_913 = arith.addf %add3A_857, %bitcast_convert_type3A_908 : vector<16xf32>
        %add3A_914 = arith.addf %add3A_858, %bitcast_convert_type3A_912 : vector<16xf32>
        %get3A_915 = arith.index_cast %add3A_901 : i32 to index
        %get3A_916 = arith.constant 16 : index
        %get3A_917 = tpu.vector_load %arg9[%get3A_915, %get3A_916] {strides = array<i32>} : memref<200x64xi32, #tpu.memory_space<vmem>>, vector<16xi32>,
        %shift_left3A_918 = arith.constant 16 : i32
        %shift_left3A_919 = vector.broadcast %shift_left3A_918 : i32 to vector<16xi32>
        %shift_left3A_920 = arith.shli %get3A_917, %shift_left3A_919 : vector<16xi32>
        %bitcast_convert_type3A_921 = tpu.bitcast %shift_left3A_920 : vector<16xi32> -> vector<16xf32>
        %and3A_922 = arith.constant -65536 : i32
        %and3A_923 = vector.broadcast %and3A_922 : i32 to vector<16xi32>
        %and3A_924 = arith.andi %get3A_917, %and3A_923 : vector<16xi32>
        %bitcast_convert_type3A_925 = tpu.bitcast %and3A_924 : vector<16xi32> -> vector<16xf32>
        %add3A_926 = arith.addf %add3A_870, %bitcast_convert_type3A_921 : vector<16xf32>
        %add3A_927 = arith.addf %add3A_871, %bitcast_convert_type3A_925 : vector<16xf32>
        %get3A_928 = arith.index_cast %add3A_901 : i32 to index
        %get3A_929 = arith.constant 32 : index
        %get3A_930 = tpu.vector_load %arg9[%get3A_928, %get3A_929] {strides = array<i32>} : memref<200x64xi32, #tpu.memory_space<vmem>>, vector<16xi32>,
        %shift_left3A_931 = arith.constant 16 : i32
        %shift_left3A_932 = vector.broadcast %shift_left3A_931 : i32 to vector<16xi32>
        %shift_left3A_933 = arith.shli %get3A_930, %shift_left3A_932 : vector<16xi32>
        %bitcast_convert_type3A_934 = tpu.bitcast %shift_left3A_933 : vector<16xi32> -> vector<16xf32>
        %and3A_935 = arith.constant -65536 : i32
        %and3A_936 = vector.broadcast %and3A_935 : i32 to vector<16xi32>
        %and3A_937 = arith.andi %get3A_930, %and3A_936 : vector<16xi32>
        %bitcast_convert_type3A_938 = tpu.bitcast %and3A_937 : vector<16xi32> -> vector<16xf32>
        %add3A_939 = arith.addf %add3A_883, %bitcast_convert_type3A_934 : vector<16xf32>
        %add3A_940 = arith.addf %add3A_884, %bitcast_convert_type3A_938 : vector<16xf32>
        %get3A_941 = arith.index_cast %add3A_901 : i32 to index
        %get3A_942 = arith.constant 48 : index
        %get3A_943 = tpu.vector_load %arg9[%get3A_941, %get3A_942] {strides = array<i32>} : memref<200x64xi32, #tpu.memory_space<vmem>>, vector<16xi32>,
        %shift_left3A_944 = arith.constant 16 : i32
        %shift_left3A_945 = vector.broadcast %shift_left3A_944 : i32 to vector<16xi32>
        %shift_left3A_946 = arith.shli %get3A_943, %shift_left3A_945 : vector<16xi32>
        %bitcast_convert_type3A_947 = tpu.bitcast %shift_left3A_946 : vector<16xi32> -> vector<16xf32>
        %and3A_948 = arith.constant -65536 : i32
        %and3A_949 = vector.broadcast %and3A_948 : i32 to vector<16xi32>
        %and3A_950 = arith.andi %get3A_943, %and3A_949 : vector<16xi32>
        %bitcast_convert_type3A_951 = tpu.bitcast %and3A_950 : vector<16xi32> -> vector<16xf32>
        %add3A_952 = arith.addf %add3A_896, %bitcast_convert_type3A_947 : vector<16xf32>
        %add3A_953 = arith.addf %add3A_897, %bitcast_convert_type3A_951 : vector<16xf32>
        %mul3A_954 = arith.constant 8 : i32
        %mul3A_955 = arith.muli %scan3A_781, %mul3A_954 : i32
        %add3A_956 = arith.constant 3 : i32
        %add3A_957 = arith.addi %mul3A_955, %add3A_956 : i32
        %get3A_958 = arith.index_cast %add3A_957 : i32 to index
        %get3A_959 = arith.constant 0 : index
        %get3A_960 = tpu.vector_load %arg9[%get3A_958, %get3A_959] {strides = array<i32>} : memref<200x64xi32, #tpu.memory_space<vmem>>, vector<16xi32>,
        %shift_left3A_961 = arith.constant 16 : i32
        %shift_left3A_962 = vector.broadcast %shift_left3A_961 : i32 to vector<16xi32>
        %shift_left3A_963 = arith.shli %get3A_960, %shift_left3A_962 : vector<16xi32>
        %bitcast_convert_type3A_964 = tpu.bitcast %shift_left3A_963 : vector<16xi32> -> vector<16xf32>
        %and3A_965 = arith.constant -65536 : i32
        %and3A_966 = vector.broadcast %and3A_965 : i32 to vector<16xi32>
        %and3A_967 = arith.andi %get3A_960, %and3A_966 : vector<16xi32>
        %bitcast_convert_type3A_968 = tpu.bitcast %and3A_967 : vector<16xi32> -> vector<16xf32>
        %add3A_969 = arith.addf %add3A_913, %bitcast_convert_type3A_964 : vector<16xf32>
        %add3A_970 = arith.addf %add3A_914, %bitcast_convert_type3A_968 : vector<16xf32>
        %get3A_971 = arith.index_cast %add3A_957 : i32 to index
        %get3A_972 = arith.constant 16 : index
        %get3A_973 = tpu.vector_load %arg9[%get3A_971, %get3A_972] {strides = array<i32>} : memref<200x64xi32, #tpu.memory_space<vmem>>, vector<16xi32>,
        %shift_left3A_974 = arith.constant 16 : i32
        %shift_left3A_975 = vector.broadcast %shift_left3A_974 : i32 to vector<16xi32>
        %shift_left3A_976 = arith.shli %get3A_973, %shift_left3A_975 : vector<16xi32>
        %bitcast_convert_type3A_977 = tpu.bitcast %shift_left3A_976 : vector<16xi32> -> vector<16xf32>
        %and3A_978 = arith.constant -65536 : i32
        %and3A_979 = vector.broadcast %and3A_978 : i32 to vector<16xi32>
        %and3A_980 = arith.andi %get3A_973, %and3A_979 : vector<16xi32>
        %bitcast_convert_type3A_981 = tpu.bitcast %and3A_980 : vector<16xi32> -> vector<16xf32>
        %add3A_982 = arith.addf %add3A_926, %bitcast_convert_type3A_977 : vector<16xf32>
        %add3A_983 = arith.addf %add3A_927, %bitcast_convert_type3A_981 : vector<16xf32>
        %get3A_984 = arith.index_cast %add3A_957 : i32 to index
        %get3A_985 = arith.constant 32 : index
        %get3A_986 = tpu.vector_load %arg9[%get3A_984, %get3A_985] {strides = array<i32>} : memref<200x64xi32, #tpu.memory_space<vmem>>, vector<16xi32>,
        %shift_left3A_987 = arith.constant 16 : i32
        %shift_left3A_988 = vector.broadcast %shift_left3A_987 : i32 to vector<16xi32>
        %shift_left3A_989 = arith.shli %get3A_986, %shift_left3A_988 : vector<16xi32>
        %bitcast_convert_type3A_990 = tpu.bitcast %shift_left3A_989 : vector<16xi32> -> vector<16xf32>
        %and3A_991 = arith.constant -65536 : i32
        %and3A_992 = vector.broadcast %and3A_991 : i32 to vector<16xi32>
        %and3A_993 = arith.andi %get3A_986, %and3A_992 : vector<16xi32>
        %bitcast_convert_type3A_994 = tpu.bitcast %and3A_993 : vector<16xi32> -> vector<16xf32>
        %add3A_995 = arith.addf %add3A_939, %bitcast_convert_type3A_990 : vector<16xf32>
        %add3A_996 = arith.addf %add3A_940, %bitcast_convert_type3A_994 : vector<16xf32>
        %get3A_997 = arith.index_cast %add3A_957 : i32 to index
        %get3A_998 = arith.constant 48 : index
        %get3A_999 = tpu.vector_load %arg9[%get3A_997, %get3A_998] {strides = array<i32>} : memref<200x64xi32, #tpu.memory_space<vmem>>, vector<16xi32>,
        %shift_left3A_1000 = arith.constant 16 : i32
        %shift_left3A_1001 = vector.broadcast %shift_left3A_1000 : i32 to vector<16xi32>
        %shift_left3A_1002 = arith.shli %get3A_999, %shift_left3A_1001 : vector<16xi32>
        %bitcast_convert_type3A_1003 = tpu.bitcast %shift_left3A_1002 : vector<16xi32> -> vector<16xf32>
        %and3A_1004 = arith.constant -65536 : i32
        %and3A_1005 = vector.broadcast %and3A_1004 : i32 to vector<16xi32>
        %and3A_1006 = arith.andi %get3A_999, %and3A_1005 : vector<16xi32>
        %bitcast_convert_type3A_1007 = tpu.bitcast %and3A_1006 : vector<16xi32> -> vector<16xf32>
        %add3A_1008 = arith.addf %add3A_952, %bitcast_convert_type3A_1003 : vector<16xf32>
        %add3A_1009 = arith.addf %add3A_953, %bitcast_convert_type3A_1007 : vector<16xf32>
        %mul3A_1010 = arith.constant 8 : i32
        %mul3A_1011 = arith.muli %scan3A_781, %mul3A_1010 : i32
        %add3A_1012 = arith.constant 4 : i32
        %add3A_1013 = arith.addi %mul3A_1011, %add3A_1012 : i32
        %get3A_1014 = arith.index_cast %add3A_1013 : i32 to index
        %get3A_1015 = arith.constant 0 : index
        %get3A_1016 = tpu.vector_load %arg9[%get3A_1014, %get3A_1015] {strides = array<i32>} : memref<200x64xi32, #tpu.memory_space<vmem>>, vector<16xi32>,
        %shift_left3A_1017 = arith.constant 16 : i32
        %shift_left3A_1018 = vector.broadcast %shift_left3A_1017 : i32 to vector<16xi32>
        %shift_left3A_1019 = arith.shli %get3A_1016, %shift_left3A_1018 : vector<16xi32>
        %bitcast_convert_type3A_1020 = tpu.bitcast %shift_left3A_1019 : vector<16xi32> -> vector<16xf32>
        %and3A_1021 = arith.constant -65536 : i32
        %and3A_1022 = vector.broadcast %and3A_1021 : i32 to vector<16xi32>
        %and3A_1023 = arith.andi %get3A_1016, %and3A_1022 : vector<16xi32>
        %bitcast_convert_type3A_1024 = tpu.bitcast %and3A_1023 : vector<16xi32> -> vector<16xf32>
        %add3A_1025 = arith.addf %add3A_969, %bitcast_convert_type3A_1020 : vector<16xf32>
        %add3A_1026 = arith.addf %add3A_970, %bitcast_convert_type3A_1024 : vector<16xf32>
        %get3A_1027 = arith.index_cast %add3A_1013 : i32 to index
        %get3A_1028 = arith.constant 16 : index
        %get3A_1029 = tpu.vector_load %arg9[%get3A_1027, %get3A_1028] {strides = array<i32>} : memref<200x64xi32, #tpu.memory_space<vmem>>, vector<16xi32>,
        %shift_left3A_1030 = arith.constant 16 : i32
        %shift_left3A_1031 = vector.broadcast %shift_left3A_1030 : i32 to vector<16xi32>
        %shift_left3A_1032 = arith.shli %get3A_1029, %shift_left3A_1031 : vector<16xi32>
        %bitcast_convert_type3A_1033 = tpu.bitcast %shift_left3A_1032 : vector<16xi32> -> vector<16xf32>
        %and3A_1034 = arith.constant -65536 : i32
        %and3A_1035 = vector.broadcast %and3A_1034 : i32 to vector<16xi32>
        %and3A_1036 = arith.andi %get3A_1029, %and3A_1035 : vector<16xi32>
        %bitcast_convert_type3A_1037 = tpu.bitcast %and3A_1036 : vector<16xi32> -> vector<16xf32>
        %add3A_1038 = arith.addf %add3A_982, %bitcast_convert_type3A_1033 : vector<16xf32>
        %add3A_1039 = arith.addf %add3A_983, %bitcast_convert_type3A_1037 : vector<16xf32>
        %get3A_1040 = arith.index_cast %add3A_1013 : i32 to index
        %get3A_1041 = arith.constant 32 : index
        %get3A_1042 = tpu.vector_load %arg9[%get3A_1040, %get3A_1041] {strides = array<i32>} : memref<200x64xi32, #tpu.memory_space<vmem>>, vector<16xi32>,
        %shift_left3A_1043 = arith.constant 16 : i32
        %shift_left3A_1044 = vector.broadcast %shift_left3A_1043 : i32 to vector<16xi32>
        %shift_left3A_1045 = arith.shli %get3A_1042, %shift_left3A_1044 : vector<16xi32>
        %bitcast_convert_type3A_1046 = tpu.bitcast %shift_left3A_1045 : vector<16xi32> -> vector<16xf32>
        %and3A_1047 = arith.constant -65536 : i32
        %and3A_1048 = vector.broadcast %and3A_1047 : i32 to vector<16xi32>
        %and3A_1049 = arith.andi %get3A_1042, %and3A_1048 : vector<16xi32>
        %bitcast_convert_type3A_1050 = tpu.bitcast %and3A_1049 : vector<16xi32> -> vector<16xf32>
        %add3A_1051 = arith.addf %add3A_995, %bitcast_convert_type3A_1046 : vector<16xf32>
        %add3A_1052 = arith.addf %add3A_996, %bitcast_convert_type3A_1050 : vector<16xf32>
        %get3A_1053 = arith.index_cast %add3A_1013 : i32 to index
        %get3A_1054 = arith.constant 48 : index
        %get3A_1055 = tpu.vector_load %arg9[%get3A_1053, %get3A_1054] {strides = array<i32>} : memref<200x64xi32, #tpu.memory_space<vmem>>, vector<16xi32>,
        %shift_left3A_1056 = arith.constant 16 : i32
        %shift_left3A_1057 = vector.broadcast %shift_left3A_1056 : i32 to vector<16xi32>
        %shift_left3A_1058 = arith.shli %get3A_1055, %shift_left3A_1057 : vector<16xi32>
        %bitcast_convert_type3A_1059 = tpu.bitcast %shift_left3A_1058 : vector<16xi32> -> vector<16xf32>
        %and3A_1060 = arith.constant -65536 : i32
        %and3A_1061 = vector.broadcast %and3A_1060 : i32 to vector<16xi32>
        %and3A_1062 = arith.andi %get3A_1055, %and3A_1061 : vector<16xi32>
        %bitcast_convert_type3A_1063 = tpu.bitcast %and3A_1062 : vector<16xi32> -> vector<16xf32>
        %add3A_1064 = arith.addf %add3A_1008, %bitcast_convert_type3A_1059 : vector<16xf32>
        %add3A_1065 = arith.addf %add3A_1009, %bitcast_convert_type3A_1063 : vector<16xf32>
        %mul3A_1066 = arith.constant 8 : i32
        %mul3A_1067 = arith.muli %scan3A_781, %mul3A_1066 : i32
        %add3A_1068 = arith.constant 5 : i32
        %add3A_1069 = arith.addi %mul3A_1067, %add3A_1068 : i32
        %get3A_1070 = arith.index_cast %add3A_1069 : i32 to index
        %get3A_1071 = arith.constant 0 : index
        %get3A_1072 = tpu.vector_load %arg9[%get3A_1070, %get3A_1071] {strides = array<i32>} : memref<200x64xi32, #tpu.memory_space<vmem>>, vector<16xi32>,
        %shift_left3A_1073 = arith.constant 16 : i32
        %shift_left3A_1074 = vector.broadcast %shift_left3A_1073 : i32 to vector<16xi32>
        %shift_left3A_1075 = arith.shli %get3A_1072, %shift_left3A_1074 : vector<16xi32>
        %bitcast_convert_type3A_1076 = tpu.bitcast %shift_left3A_1075 : vector<16xi32> -> vector<16xf32>
        %and3A_1077 = arith.constant -65536 : i32
        %and3A_1078 = vector.broadcast %and3A_1077 : i32 to vector<16xi32>
        %and3A_1079 = arith.andi %get3A_1072, %and3A_1078 : vector<16xi32>
        %bitcast_convert_type3A_1080 = tpu.bitcast %and3A_1079 : vector<16xi32> -> vector<16xf32>
        %add3A_1081 = arith.addf %add3A_1025, %bitcast_convert_type3A_1076 : vector<16xf32>
        %add3A_1082 = arith.addf %add3A_1026, %bitcast_convert_type3A_1080 : vector<16xf32>
        %get3A_1083 = arith.index_cast %add3A_1069 : i32 to index
        %get3A_1084 = arith.constant 16 : index
        %get3A_1085 = tpu.vector_load %arg9[%get3A_1083, %get3A_1084] {strides = array<i32>} : memref<200x64xi32, #tpu.memory_space<vmem>>, vector<16xi32>,
        %shift_left3A_1086 = arith.constant 16 : i32
        %shift_left3A_1087 = vector.broadcast %shift_left3A_1086 : i32 to vector<16xi32>
        %shift_left3A_1088 = arith.shli %get3A_1085, %shift_left3A_1087 : vector<16xi32>
        %bitcast_convert_type3A_1089 = tpu.bitcast %shift_left3A_1088 : vector<16xi32> -> vector<16xf32>
        %and3A_1090 = arith.constant -65536 : i32
        %and3A_1091 = vector.broadcast %and3A_1090 : i32 to vector<16xi32>
        %and3A_1092 = arith.andi %get3A_1085, %and3A_1091 : vector<16xi32>
        %bitcast_convert_type3A_1093 = tpu.bitcast %and3A_1092 : vector<16xi32> -> vector<16xf32>
        %add3A_1094 = arith.addf %add3A_1038, %bitcast_convert_type3A_1089 : vector<16xf32>
        %add3A_1095 = arith.addf %add3A_1039, %bitcast_convert_type3A_1093 : vector<16xf32>
        %get3A_1096 = arith.index_cast %add3A_1069 : i32 to index
        %get3A_1097 = arith.constant 32 : index
        %get3A_1098 = tpu.vector_load %arg9[%get3A_1096, %get3A_1097] {strides = array<i32>} : memref<200x64xi32, #tpu.memory_space<vmem>>, vector<16xi32>,
        %shift_left3A_1099 = arith.constant 16 : i32
        %shift_left3A_1100 = vector.broadcast %shift_left3A_1099 : i32 to vector<16xi32>
        %shift_left3A_1101 = arith.shli %get3A_1098, %shift_left3A_1100 : vector<16xi32>
        %bitcast_convert_type3A_1102 = tpu.bitcast %shift_left3A_1101 : vector<16xi32> -> vector<16xf32>
        %and3A_1103 = arith.constant -65536 : i32
        %and3A_1104 = vector.broadcast %and3A_1103 : i32 to vector<16xi32>
        %and3A_1105 = arith.andi %get3A_1098, %and3A_1104 : vector<16xi32>
        %bitcast_convert_type3A_1106 = tpu.bitcast %and3A_1105 : vector<16xi32> -> vector<16xf32>
        %add3A_1107 = arith.addf %add3A_1051, %bitcast_convert_type3A_1102 : vector<16xf32>
        %add3A_1108 = arith.addf %add3A_1052, %bitcast_convert_type3A_1106 : vector<16xf32>
        %get3A_1109 = arith.index_cast %add3A_1069 : i32 to index
        %get3A_1110 = arith.constant 48 : index
        %get3A_1111 = tpu.vector_load %arg9[%get3A_1109, %get3A_1110] {strides = array<i32>} : memref<200x64xi32, #tpu.memory_space<vmem>>, vector<16xi32>,
        %shift_left3A_1112 = arith.constant 16 : i32
        %shift_left3A_1113 = vector.broadcast %shift_left3A_1112 : i32 to vector<16xi32>
        %shift_left3A_1114 = arith.shli %get3A_1111, %shift_left3A_1113 : vector<16xi32>
        %bitcast_convert_type3A_1115 = tpu.bitcast %shift_left3A_1114 : vector<16xi32> -> vector<16xf32>
        %and3A_1116 = arith.constant -65536 : i32
        %and3A_1117 = vector.broadcast %and3A_1116 : i32 to vector<16xi32>
        %and3A_1118 = arith.andi %get3A_1111, %and3A_1117 : vector<16xi32>
        %bitcast_convert_type3A_1119 = tpu.bitcast %and3A_1118 : vector<16xi32> -> vector<16xf32>
        %add3A_1120 = arith.addf %add3A_1064, %bitcast_convert_type3A_1115 : vector<16xf32>
        %add3A_1121 = arith.addf %add3A_1065, %bitcast_convert_type3A_1119 : vector<16xf32>
        %mul3A_1122 = arith.constant 8 : i32
        %mul3A_1123 = arith.muli %scan3A_781, %mul3A_1122 : i32
        %add3A_1124 = arith.constant 6 : i32
        %add3A_1125 = arith.addi %mul3A_1123, %add3A_1124 : i32
        %get3A_1126 = arith.index_cast %add3A_1125 : i32 to index
        %get3A_1127 = arith.constant 0 : index
        %get3A_1128 = tpu.vector_load %arg9[%get3A_1126, %get3A_1127] {strides = array<i32>} : memref<200x64xi32, #tpu.memory_space<vmem>>, vector<16xi32>,
        %shift_left3A_1129 = arith.constant 16 : i32
        %shift_left3A_1130 = vector.broadcast %shift_left3A_1129 : i32 to vector<16xi32>
        %shift_left3A_1131 = arith.shli %get3A_1128, %shift_left3A_1130 : vector<16xi32>
        %bitcast_convert_type3A_1132 = tpu.bitcast %shift_left3A_1131 : vector<16xi32> -> vector<16xf32>
        %and3A_1133 = arith.constant -65536 : i32
        %and3A_1134 = vector.broadcast %and3A_1133 : i32 to vector<16xi32>
        %and3A_1135 = arith.andi %get3A_1128, %and3A_1134 : vector<16xi32>
        %bitcast_convert_type3A_1136 = tpu.bitcast %and3A_1135 : vector<16xi32> -> vector<16xf32>
        %add3A_1137 = arith.addf %add3A_1081, %bitcast_convert_type3A_1132 : vector<16xf32>
        %add3A_1138 = arith.addf %add3A_1082, %bitcast_convert_type3A_1136 : vector<16xf32>
        %get3A_1139 = arith.index_cast %add3A_1125 : i32 to index
        %get3A_1140 = arith.constant 16 : index
        %get3A_1141 = tpu.vector_load %arg9[%get3A_1139, %get3A_1140] {strides = array<i32>} : memref<200x64xi32, #tpu.memory_space<vmem>>, vector<16xi32>,
        %shift_left3A_1142 = arith.constant 16 : i32
        %shift_left3A_1143 = vector.broadcast %shift_left3A_1142 : i32 to vector<16xi32>
        %shift_left3A_1144 = arith.shli %get3A_1141, %shift_left3A_1143 : vector<16xi32>
        %bitcast_convert_type3A_1145 = tpu.bitcast %shift_left3A_1144 : vector<16xi32> -> vector<16xf32>
        %and3A_1146 = arith.constant -65536 : i32
        %and3A_1147 = vector.broadcast %and3A_1146 : i32 to vector<16xi32>
        %and3A_1148 = arith.andi %get3A_1141, %and3A_1147 : vector<16xi32>
        %bitcast_convert_type3A_1149 = tpu.bitcast %and3A_1148 : vector<16xi32> -> vector<16xf32>
        %add3A_1150 = arith.addf %add3A_1094, %bitcast_convert_type3A_1145 : vector<16xf32>
        %add3A_1151 = arith.addf %add3A_1095, %bitcast_convert_type3A_1149 : vector<16xf32>
        %get3A_1152 = arith.index_cast %add3A_1125 : i32 to index
        %get3A_1153 = arith.constant 32 : index
        %get3A_1154 = tpu.vector_load %arg9[%get3A_1152, %get3A_1153] {strides = array<i32>} : memref<200x64xi32, #tpu.memory_space<vmem>>, vector<16xi32>,
        %shift_left3A_1155 = arith.constant 16 : i32
        %shift_left3A_1156 = vector.broadcast %shift_left3A_1155 : i32 to vector<16xi32>
        %shift_left3A_1157 = arith.shli %get3A_1154, %shift_left3A_1156 : vector<16xi32>
        %bitcast_convert_type3A_1158 = tpu.bitcast %shift_left3A_1157 : vector<16xi32> -> vector<16xf32>
        %and3A_1159 = arith.constant -65536 : i32
        %and3A_1160 = vector.broadcast %and3A_1159 : i32 to vector<16xi32>
        %and3A_1161 = arith.andi %get3A_1154, %and3A_1160 : vector<16xi32>
        %bitcast_convert_type3A_1162 = tpu.bitcast %and3A_1161 : vector<16xi32> -> vector<16xf32>
        %add3A_1163 = arith.addf %add3A_1107, %bitcast_convert_type3A_1158 : vector<16xf32>
        %add3A_1164 = arith.addf %add3A_1108, %bitcast_convert_type3A_1162 : vector<16xf32>
        %get3A_1165 = arith.index_cast %add3A_1125 : i32 to index
        %get3A_1166 = arith.constant 48 : index
        %get3A_1167 = tpu.vector_load %arg9[%get3A_1165, %get3A_1166] {strides = array<i32>} : memref<200x64xi32, #tpu.memory_space<vmem>>, vector<16xi32>,
        %shift_left3A_1168 = arith.constant 16 : i32
        %shift_left3A_1169 = vector.broadcast %shift_left3A_1168 : i32 to vector<16xi32>
        %shift_left3A_1170 = arith.shli %get3A_1167, %shift_left3A_1169 : vector<16xi32>
        %bitcast_convert_type3A_1171 = tpu.bitcast %shift_left3A_1170 : vector<16xi32> -> vector<16xf32>
        %and3A_1172 = arith.constant -65536 : i32
        %and3A_1173 = vector.broadcast %and3A_1172 : i32 to vector<16xi32>
        %and3A_1174 = arith.andi %get3A_1167, %and3A_1173 : vector<16xi32>
        %bitcast_convert_type3A_1175 = tpu.bitcast %and3A_1174 : vector<16xi32> -> vector<16xf32>
        %add3A_1176 = arith.addf %add3A_1120, %bitcast_convert_type3A_1171 : vector<16xf32>
        %add3A_1177 = arith.addf %add3A_1121, %bitcast_convert_type3A_1175 : vector<16xf32>
        %mul3A_1178 = arith.constant 8 : i32
        %mul3A_1179 = arith.muli %scan3A_781, %mul3A_1178 : i32
        %add3A_1180 = arith.constant 7 : i32
        %add3A_1181 = arith.addi %mul3A_1179, %add3A_1180 : i32
        %get3A_1182 = arith.index_cast %add3A_1181 : i32 to index
        %get3A_1183 = arith.constant 0 : index
        %get3A_1184 = tpu.vector_load %arg9[%get3A_1182, %get3A_1183] {strides = array<i32>} : memref<200x64xi32, #tpu.memory_space<vmem>>, vector<16xi32>,
        %shift_left3A_1185 = arith.constant 16 : i32
        %shift_left3A_1186 = vector.broadcast %shift_left3A_1185 : i32 to vector<16xi32>
        %shift_left3A_1187 = arith.shli %get3A_1184, %shift_left3A_1186 : vector<16xi32>
        %bitcast_convert_type3A_1188 = tpu.bitcast %shift_left3A_1187 : vector<16xi32> -> vector<16xf32>
        %and3A_1189 = arith.constant -65536 : i32
        %and3A_1190 = vector.broadcast %and3A_1189 : i32 to vector<16xi32>
        %and3A_1191 = arith.andi %get3A_1184, %and3A_1190 : vector<16xi32>
        %bitcast_convert_type3A_1192 = tpu.bitcast %and3A_1191 : vector<16xi32> -> vector<16xf32>
        %add3A_1193 = arith.addf %add3A_1137, %bitcast_convert_type3A_1188 : vector<16xf32>
        %add3A_1194 = arith.addf %add3A_1138, %bitcast_convert_type3A_1192 : vector<16xf32>
        %get3A_1195 = arith.index_cast %add3A_1181 : i32 to index
        %get3A_1196 = arith.constant 16 : index
        %get3A_1197 = tpu.vector_load %arg9[%get3A_1195, %get3A_1196] {strides = array<i32>} : memref<200x64xi32, #tpu.memory_space<vmem>>, vector<16xi32>,
        %shift_left3A_1198 = arith.constant 16 : i32
        %shift_left3A_1199 = vector.broadcast %shift_left3A_1198 : i32 to vector<16xi32>
        %shift_left3A_1200 = arith.shli %get3A_1197, %shift_left3A_1199 : vector<16xi32>
        %bitcast_convert_type3A_1201 = tpu.bitcast %shift_left3A_1200 : vector<16xi32> -> vector<16xf32>
        %and3A_1202 = arith.constant -65536 : i32
        %and3A_1203 = vector.broadcast %and3A_1202 : i32 to vector<16xi32>
        %and3A_1204 = arith.andi %get3A_1197, %and3A_1203 : vector<16xi32>
        %bitcast_convert_type3A_1205 = tpu.bitcast %and3A_1204 : vector<16xi32> -> vector<16xf32>
        %add3A_1206 = arith.addf %add3A_1150, %bitcast_convert_type3A_1201 : vector<16xf32>
        %add3A_1207 = arith.addf %add3A_1151, %bitcast_convert_type3A_1205 : vector<16xf32>
        %get3A_1208 = arith.index_cast %add3A_1181 : i32 to index
        %get3A_1209 = arith.constant 32 : index
        %get3A_1210 = tpu.vector_load %arg9[%get3A_1208, %get3A_1209] {strides = array<i32>} : memref<200x64xi32, #tpu.memory_space<vmem>>, vector<16xi32>,
        %shift_left3A_1211 = arith.constant 16 : i32
        %shift_left3A_1212 = vector.broadcast %shift_left3A_1211 : i32 to vector<16xi32>
        %shift_left3A_1213 = arith.shli %get3A_1210, %shift_left3A_1212 : vector<16xi32>
        %bitcast_convert_type3A_1214 = tpu.bitcast %shift_left3A_1213 : vector<16xi32> -> vector<16xf32>
        %and3A_1215 = arith.constant -65536 : i32
        %and3A_1216 = vector.broadcast %and3A_1215 : i32 to vector<16xi32>
        %and3A_1217 = arith.andi %get3A_1210, %and3A_1216 : vector<16xi32>
        %bitcast_convert_type3A_1218 = tpu.bitcast %and3A_1217 : vector<16xi32> -> vector<16xf32>
        %add3A_1219 = arith.addf %add3A_1163, %bitcast_convert_type3A_1214 : vector<16xf32>
        %add3A_1220 = arith.addf %add3A_1164, %bitcast_convert_type3A_1218 : vector<16xf32>
        %get3A_1221 = arith.index_cast %add3A_1181 : i32 to index
        %get3A_1222 = arith.constant 48 : index
        %get3A_1223 = tpu.vector_load %arg9[%get3A_1221, %get3A_1222] {strides = array<i32>} : memref<200x64xi32, #tpu.memory_space<vmem>>, vector<16xi32>,
        %shift_left3A_1224 = arith.constant 16 : i32
        %shift_left3A_1225 = vector.broadcast %shift_left3A_1224 : i32 to vector<16xi32>
        %shift_left3A_1226 = arith.shli %get3A_1223, %shift_left3A_1225 : vector<16xi32>
        %bitcast_convert_type3A_1227 = tpu.bitcast %shift_left3A_1226 : vector<16xi32> -> vector<16xf32>
        %and3A_1228 = arith.constant -65536 : i32
        %and3A_1229 = vector.broadcast %and3A_1228 : i32 to vector<16xi32>
        %and3A_1230 = arith.andi %get3A_1223, %and3A_1229 : vector<16xi32>
        %bitcast_convert_type3A_1231 = tpu.bitcast %and3A_1230 : vector<16xi32> -> vector<16xf32>
        %add3A_1232 = arith.addf %add3A_1176, %bitcast_convert_type3A_1227 : vector<16xf32>
        %add3A_1233 = arith.addf %add3A_1177, %bitcast_convert_type3A_1231 : vector<16xf32>
        scf.yield %add3A_1193, %add3A_1206, %add3A_1219, %add3A_1232, %add3A_1194, %add3A_1207, %add3A_1220, %add3A_1233 : vector<16xf32>, vector<16xf32>, vector<16xf32>, vector<16xf32>, vector<16xf32>, vector<16xf32>, vector<16xf32>, vector<16xf32>
      }
      %scan3A_630 = arith.constant 25 : i32
      %mul3A_631 = arith.constant 5.000000e-03 : f32
      %mul3A_632 = vector.broadcast %mul3A_631 : f32 to vector<16xf32>
      %mul3A_633 = arith.mulf %scan3A_629#0, %mul3A_632 : vector<16xf32>
      %swap3A_634 = arith.index_cast %add3A_608 : i32 to index
      %swap3A_635 = arith.constant 0 : index
      %swap3A_636 = tpu.vector_load %arg11[%swap3A_634, %swap3A_635] {strides = array<i32>} : memref<128x128xf32, #tpu.memory_space<vmem>>, vector<16xf32>,
      tpu.vector_store %arg11[%swap3A_634, %swap3A_635], %mul3A_633 {strides = array<i32>} : memref<128x128xf32, #tpu.memory_space<vmem>>, vector<16xf32>,
      %mul3A_637 = arith.constant 5.000000e-03 : f32
      %mul3A_638 = vector.broadcast %mul3A_637 : f32 to vector<16xf32>
      %mul3A_639 = arith.mulf %scan3A_629#1, %mul3A_638 : vector<16xf32>
      %swap3A_640 = arith.index_cast %add3A_608 : i32 to index
      %swap3A_641 = arith.constant 16 : index
      %swap3A_642 = tpu.vector_load %arg11[%swap3A_640, %swap3A_641] {strides = array<i32>} : memref<128x128xf32, #tpu.memory_space<vmem>>, vector<16xf32>,
      tpu.vector_store %arg11[%swap3A_640, %swap3A_641], %mul3A_639 {strides = array<i32>} : memref<128x128xf32, #tpu.memory_space<vmem>>, vector<16xf32>,
      %mul3A_643 = arith.constant 5.000000e-03 : f32
      %mul3A_644 = vector.broadcast %mul3A_643 : f32 to vector<16xf32>
      %mul3A_645 = arith.mulf %scan3A_629#2, %mul3A_644 : vector<16xf32>
      %swap3A_646 = arith.index_cast %add3A_608 : i32 to index
      %swap3A_647 = arith.constant 32 : index
      %swap3A_648 = tpu.vector_load %arg11[%swap3A_646, %swap3A_647] {strides = array<i32>} : memref<128x128xf32, #tpu.memory_space<vmem>>, vector<16xf32>,
      tpu.vector_store %arg11[%swap3A_646, %swap3A_647], %mul3A_645 {strides = array<i32>} : memref<128x128xf32, #tpu.memory_space<vmem>>, vector<16xf32>,
      %mul3A_649 = arith.constant 5.000000e-03 : f32
      %mul3A_650 = vector.broadcast %mul3A_649 : f32 to vector<16xf32>
      %mul3A_651 = arith.mulf %scan3A_629#3, %mul3A_650 : vector<16xf32>
      %swap3A_652 = arith.index_cast %add3A_608 : i32 to index
      %swap3A_653 = arith.constant 48 : index
      %swap3A_654 = tpu.vector_load %arg11[%swap3A_652, %swap3A_653] {strides = array<i32>} : memref<128x128xf32, #tpu.memory_space<vmem>>, vector<16xf32>,
      tpu.vector_store %arg11[%swap3A_652, %swap3A_653], %mul3A_651 {strides = array<i32>} : memref<128x128xf32, #tpu.memory_space<vmem>>, vector<16xf32>,
      %mul3A_655 = arith.constant 5.000000e-03 : f32
      %mul3A_656 = vector.broadcast %mul3A_655 : f32 to vector<16xf32>
      %mul3A_657 = arith.mulf %scan3A_629#4, %mul3A_656 : vector<16xf32>
      %swap3A_658 = arith.index_cast %add3A_608 : i32 to index
      %swap3A_659 = arith.constant 64 : index
      %swap3A_660 = tpu.vector_load %arg11[%swap3A_658, %swap3A_659] {strides = array<i32>} : memref<128x128xf32, #tpu.memory_space<vmem>>, vector<16xf32>,
      tpu.vector_store %arg11[%swap3A_658, %swap3A_659], %mul3A_657 {strides = array<i32>} : memref<128x128xf32, #tpu.memory_space<vmem>>, vector<16xf32>,
      %mul3A_661 = arith.constant 5.000000e-03 : f32
      %mul3A_662 = vector.broadcast %mul3A_661 : f32 to vector<16xf32>
      %mul3A_663 = arith.mulf %scan3A_629#5, %mul3A_662 : vector<16xf32>
      %swap3A_664 = arith.index_cast %add3A_608 : i32 to index
      %swap3A_665 = arith.constant 80 : index
      %swap3A_666 = tpu.vector_load %arg11[%swap3A_664, %swap3A_665] {strides = array<i32>} : memref<128x128xf32, #tpu.memory_space<vmem>>, vector<16xf32>,
      tpu.vector_store %arg11[%swap3A_664, %swap3A_665], %mul3A_663 {strides = array<i32>} : memref<128x128xf32, #tpu.memory_space<vmem>>, vector<16xf32>,
      %mul3A_667 = arith.constant 5.000000e-03 : f32
      %mul3A_668 = vector.broadcast %mul3A_667 : f32 to vector<16xf32>
      %mul3A_669 = arith.mulf %scan3A_629#6, %mul3A_668 : vector<16xf32>
      %swap3A_670 = arith.index_cast %add3A_608 : i32 to index
      %swap3A_671 = arith.constant 96 : index
      %swap3A_672 = tpu.vector_load %arg11[%swap3A_670, %swap3A_671] {strides = array<i32>} : memref<128x128xf32, #tpu.memory_space<vmem>>, vector<16xf32>,
      tpu.vector_store %arg11[%swap3A_670, %swap3A_671], %mul3A_669 {strides = array<i32>} : memref<128x128xf32, #tpu.memory_space<vmem>>, vector<16xf32>,
      %mul3A_673 = arith.constant 5.000000e-03 : f32
      %mul3A_674 = vector.broadcast %mul3A_673 : f32 to vector<16xf32>
      %mul3A_675 = arith.mulf %scan3A_629#7, %mul3A_674 : vector<16xf32>
      %swap3A_676 = arith.index_cast %add3A_608 : i32 to index
      %swap3A_677 = arith.constant 112 : index
      %swap3A_678 = tpu.vector_load %arg11[%swap3A_676, %swap3A_677] {strides = array<i32>} : memref<128x128xf32, #tpu.memory_space<vmem>>, vector<16xf32>,
      tpu.vector_store %arg11[%swap3A_676, %swap3A_677], %mul3A_675 {strides = array<i32>} : memref<128x128xf32, #tpu.memory_space<vmem>>, vector<16xf32>,
      %add3A_679 = arith.constant 3 : i32
      %add3A_680 = arith.addi %mul3A_322, %add3A_679 : i32
      %add3A_681 = arith.constant 5 : i32
      %add3A_682 = arith.addi %add3A_680, %add3A_681 : i32
      %lt3A_683 = arith.constant 128 : i32
      %lt3A_684 = arith.cmpi slt, %add3A_682, %lt3A_683 : i32
      %convert_element_type3A_685 = arith.extui %lt3A_684 : i1 to i32
      %cond3A_686 = arith.constant 0 : i32
      %cond3A_687 = arith.cmpi ne, %convert_element_type3A_685, %cond3A_686 : i32
      scf.if %cond3A_687 {
        %add3A_781 = arith.constant 3 : i32
        %add3A_782 = arith.addi %mul3A_322, %add3A_781 : i32
        %add3A_783 = arith.constant 5 : i32
        %add3A_784 = arith.addi %add3A_782, %add3A_783 : i32
        %dma_start3A_785 = arith.constant 0 : i32
        %dma_start3A_786 = arith.constant 0 : i32
        %dma_start3A_787 = tpu.memref_slice %arg9[%dma_start3A_785, %dma_start3A_786] : memref<200x64xi32, #tpu.memory_space<vmem>> -> memref<200x64xi32, #tpu.memory_space<vmem>>
        %dma_start3A_788 = arith.constant 0 : i32
        %dma_start3A_789 = tpu.memref_slice %arg5[%add3A_784, %dma_start3A_788] : memref<128x200xi32, #tpu.memory_space<vmem>> -> memref<1x200xi32, #tpu.memory_space<vmem>>
        %dma_start3A_790 = tpu.memref_squeeze %dma_start3A_789 : memref<1x200xi32, #tpu.memory_space<vmem>> -> memref<200xi32, #tpu.memory_space<vmem>>
        %dma_start3A_791 = arith.constant 0 : i32
        %dma_start3A_792 = arith.constant 0 : i32
        %dma_start3A_793 = tpu.memref_slice %arg3[%dma_start3A_791, %dma_start3A_792] : memref<30522x64xi32, #tpu.memory_space<hbm>> -> memref<30522x64xi32, #tpu.memory_space<hbm>>
        tpu.enqueue_indirect_dma source(%dma_start3A_793 : memref<30522x64xi32, #tpu.memory_space<hbm>>) target(%dma_start3A_787 : memref<200x64xi32, #tpu.memory_space<vmem>>) offsets(%dma_start3A_790 : memref<200xi32, #tpu.memory_space<vmem>>) semaphore(%arg15 : memref<!tpu.dma_semaphore, #tpu.memory_space<semaphore_mem>>)
      } else {
      }
      %add3A_688 = arith.constant 4 : i32
      %add3A_689 = arith.addi %mul3A_322, %add3A_688 : i32
      %dma_wait3A_690 = arith.constant 0 : i32
      %dma_wait3A_691 = arith.constant 0 : i32
      %dma_wait3A_692 = tpu.memref_slice %arg10[%dma_wait3A_690, %dma_wait3A_691] : memref<200x64xi32, #tpu.memory_space<vmem>> -> memref<200x64xi32, #tpu.memory_space<vmem>>
      %dma_wait3A_693 = arith.constant 0 : i32
      %dma_wait3A_694 = tpu.memref_slice %arg5[%add3A_689, %dma_wait3A_693] : memref<128x200xi32, #tpu.memory_space<vmem>> -> memref<1x200xi32, #tpu.memory_space<vmem>>
      %dma_wait3A_695 = tpu.memref_squeeze %dma_wait3A_694 : memref<1x200xi32, #tpu.memory_space<vmem>> -> memref<200xi32, #tpu.memory_space<vmem>>
      %dma_wait3A_696 = arith.constant 0 : i32
      %dma_wait3A_697 = arith.constant 0 : i32
      %dma_wait3A_698 = tpu.memref_slice %arg3[%dma_wait3A_696, %dma_wait3A_697] : memref<30522x64xi32, #tpu.memory_space<hbm>> -> memref<30522x64xi32, #tpu.memory_space<hbm>>
      tpu.wait_indirect_dma semaphore(%arg16 : memref<!tpu.dma_semaphore, #tpu.memory_space<semaphore_mem>>) src(%dma_wait3A_698 : memref<30522x64xi32, #tpu.memory_space<hbm>>) dst(%dma_wait3A_692 : memref<200x64xi32, #tpu.memory_space<vmem>>)
      %add3A_699 = arith.constant 4 : i32
      %add3A_700 = arith.addi %mul3A_322, %add3A_699 : i32
      %broadcast_in_dim3A_701 = arith.constant 0.000000e+00 : f32
      %broadcast_in_dim3A_702 = vector.broadcast %broadcast_in_dim3A_701 : f32 to vector<16xf32>
      %broadcast_in_dim3A_703 = arith.constant 0.000000e+00 : f32
      %broadcast_in_dim3A_704 = vector.broadcast %broadcast_in_dim3A_703 : f32 to vector<16xf32>
      %broadcast_in_dim3A_705 = arith.constant 0.000000e+00 : f32
      %broadcast_in_dim3A_706 = vector.broadcast %broadcast_in_dim3A_705 : f32 to vector<16xf32>
      %broadcast_in_dim3A_707 = arith.constant 0.000000e+00 : f32
      %broadcast_in_dim3A_708 = vector.broadcast %broadcast_in_dim3A_707 : f32 to vector<16xf32>
      %broadcast_in_dim3A_709 = arith.constant 0.000000e+00 : f32
      %broadcast_in_dim3A_710 = vector.broadcast %broadcast_in_dim3A_709 : f32 to vector<16xf32>
      %broadcast_in_dim3A_711 = arith.constant 0.000000e+00 : f32
      %broadcast_in_dim3A_712 = vector.broadcast %broadcast_in_dim3A_711 : f32 to vector<16xf32>
      %broadcast_in_dim3A_713 = arith.constant 0.000000e+00 : f32
      %broadcast_in_dim3A_714 = vector.broadcast %broadcast_in_dim3A_713 : f32 to vector<16xf32>
      %broadcast_in_dim3A_715 = arith.constant 0.000000e+00 : f32
      %broadcast_in_dim3A_716 = vector.broadcast %broadcast_in_dim3A_715 : f32 to vector<16xf32>
      %scan3A_717 = arith.constant 0 : i32
      %scan3A_718 = arith.constant 25 : i32
      %scan3A_719 = arith.addi %scan3A_717, %scan3A_718 : i32
      %scan3A_720 = arith.constant 1 : i32
      %scan3A_721:8 = scf.for %scan3A_781 = %scan3A_717 to %scan3A_719 step %scan3A_720 iter_args(%scan3A_782 = %broadcast_in_dim3A_702, %scan3A_783 = %broadcast_in_dim3A_704, %scan3A_784 = %broadcast_in_dim3A_706, %scan3A_785 = %broadcast_in_dim3A_708, %scan3A_786 = %broadcast_in_dim3A_710, %scan3A_787 = %broadcast_in_dim3A_712, %scan3A_788 = %broadcast_in_dim3A_714, %scan3A_789 = %broadcast_in_dim3A_716) -> (vector<16xf32>, vector<16xf32>, vector<16xf32>, vector<16xf32>, vector<16xf32>, vector<16xf32>, vector<16xf32>, vector<16xf32>)  : i32 {
        %mul3A_790 = arith.constant 8 : i32
        %mul3A_791 = arith.muli %scan3A_781, %mul3A_790 : i32
        %add3A_792 = arith.constant 0 : i32
        %add3A_793 = arith.addi %mul3A_791, %add3A_792 : i32
        %get3A = arith.index_cast %add3A_793 : i32 to index
        %get3A_794 = arith.constant 0 : index
        %get3A_795 = tpu.vector_load %arg10[%get3A, %get3A_794] {strides = array<i32>} : memref<200x64xi32, #tpu.memory_space<vmem>>, vector<16xi32>,
        %shift_left3A = arith.constant 16 : i32
        %shift_left3A_796 = vector.broadcast %shift_left3A : i32 to vector<16xi32>
        %shift_left3A_797 = arith.shli %get3A_795, %shift_left3A_796 : vector<16xi32>
        %bitcast_convert_type3A = tpu.bitcast %shift_left3A_797 : vector<16xi32> -> vector<16xf32>
        %and3A = arith.constant -65536 : i32
        %and3A_798 = vector.broadcast %and3A : i32 to vector<16xi32>
        %and3A_799 = arith.andi %get3A_795, %and3A_798 : vector<16xi32>
        %bitcast_convert_type3A_800 = tpu.bitcast %and3A_799 : vector<16xi32> -> vector<16xf32>
        %add3A_801 = arith.addf %scan3A_782, %bitcast_convert_type3A : vector<16xf32>
        %add3A_802 = arith.addf %scan3A_786, %bitcast_convert_type3A_800 : vector<16xf32>
        %get3A_803 = arith.index_cast %add3A_793 : i32 to index
        %get3A_804 = arith.constant 16 : index
        %get3A_805 = tpu.vector_load %arg10[%get3A_803, %get3A_804] {strides = array<i32>} : memref<200x64xi32, #tpu.memory_space<vmem>>, vector<16xi32>,
        %shift_left3A_806 = arith.constant 16 : i32
        %shift_left3A_807 = vector.broadcast %shift_left3A_806 : i32 to vector<16xi32>
        %shift_left3A_808 = arith.shli %get3A_805, %shift_left3A_807 : vector<16xi32>
        %bitcast_convert_type3A_809 = tpu.bitcast %shift_left3A_808 : vector<16xi32> -> vector<16xf32>
        %and3A_810 = arith.constant -65536 : i32
        %and3A_811 = vector.broadcast %and3A_810 : i32 to vector<16xi32>
        %and3A_812 = arith.andi %get3A_805, %and3A_811 : vector<16xi32>
        %bitcast_convert_type3A_813 = tpu.bitcast %and3A_812 : vector<16xi32> -> vector<16xf32>
        %add3A_814 = arith.addf %scan3A_783, %bitcast_convert_type3A_809 : vector<16xf32>
        %add3A_815 = arith.addf %scan3A_787, %bitcast_convert_type3A_813 : vector<16xf32>
        %get3A_816 = arith.index_cast %add3A_793 : i32 to index
        %get3A_817 = arith.constant 32 : index
        %get3A_818 = tpu.vector_load %arg10[%get3A_816, %get3A_817] {strides = array<i32>} : memref<200x64xi32, #tpu.memory_space<vmem>>, vector<16xi32>,
        %shift_left3A_819 = arith.constant 16 : i32
        %shift_left3A_820 = vector.broadcast %shift_left3A_819 : i32 to vector<16xi32>
        %shift_left3A_821 = arith.shli %get3A_818, %shift_left3A_820 : vector<16xi32>
        %bitcast_convert_type3A_822 = tpu.bitcast %shift_left3A_821 : vector<16xi32> -> vector<16xf32>
        %and3A_823 = arith.constant -65536 : i32
        %and3A_824 = vector.broadcast %and3A_823 : i32 to vector<16xi32>
        %and3A_825 = arith.andi %get3A_818, %and3A_824 : vector<16xi32>
        %bitcast_convert_type3A_826 = tpu.bitcast %and3A_825 : vector<16xi32> -> vector<16xf32>
        %add3A_827 = arith.addf %scan3A_784, %bitcast_convert_type3A_822 : vector<16xf32>
        %add3A_828 = arith.addf %scan3A_788, %bitcast_convert_type3A_826 : vector<16xf32>
        %get3A_829 = arith.index_cast %add3A_793 : i32 to index
        %get3A_830 = arith.constant 48 : index
        %get3A_831 = tpu.vector_load %arg10[%get3A_829, %get3A_830] {strides = array<i32>} : memref<200x64xi32, #tpu.memory_space<vmem>>, vector<16xi32>,
        %shift_left3A_832 = arith.constant 16 : i32
        %shift_left3A_833 = vector.broadcast %shift_left3A_832 : i32 to vector<16xi32>
        %shift_left3A_834 = arith.shli %get3A_831, %shift_left3A_833 : vector<16xi32>
        %bitcast_convert_type3A_835 = tpu.bitcast %shift_left3A_834 : vector<16xi32> -> vector<16xf32>
        %and3A_836 = arith.constant -65536 : i32
        %and3A_837 = vector.broadcast %and3A_836 : i32 to vector<16xi32>
        %and3A_838 = arith.andi %get3A_831, %and3A_837 : vector<16xi32>
        %bitcast_convert_type3A_839 = tpu.bitcast %and3A_838 : vector<16xi32> -> vector<16xf32>
        %add3A_840 = arith.addf %scan3A_785, %bitcast_convert_type3A_835 : vector<16xf32>
        %add3A_841 = arith.addf %scan3A_789, %bitcast_convert_type3A_839 : vector<16xf32>
        %mul3A_842 = arith.constant 8 : i32
        %mul3A_843 = arith.muli %scan3A_781, %mul3A_842 : i32
        %add3A_844 = arith.constant 1 : i32
        %add3A_845 = arith.addi %mul3A_843, %add3A_844 : i32
        %get3A_846 = arith.index_cast %add3A_845 : i32 to index
        %get3A_847 = arith.constant 0 : index
        %get3A_848 = tpu.vector_load %arg10[%get3A_846, %get3A_847] {strides = array<i32>} : memref<200x64xi32, #tpu.memory_space<vmem>>, vector<16xi32>,
        %shift_left3A_849 = arith.constant 16 : i32
        %shift_left3A_850 = vector.broadcast %shift_left3A_849 : i32 to vector<16xi32>
        %shift_left3A_851 = arith.shli %get3A_848, %shift_left3A_850 : vector<16xi32>
        %bitcast_convert_type3A_852 = tpu.bitcast %shift_left3A_851 : vector<16xi32> -> vector<16xf32>
        %and3A_853 = arith.constant -65536 : i32
        %and3A_854 = vector.broadcast %and3A_853 : i32 to vector<16xi32>
        %and3A_855 = arith.andi %get3A_848, %and3A_854 : vector<16xi32>
        %bitcast_convert_type3A_856 = tpu.bitcast %and3A_855 : vector<16xi32> -> vector<16xf32>
        %add3A_857 = arith.addf %add3A_801, %bitcast_convert_type3A_852 : vector<16xf32>
        %add3A_858 = arith.addf %add3A_802, %bitcast_convert_type3A_856 : vector<16xf32>
        %get3A_859 = arith.index_cast %add3A_845 : i32 to index
        %get3A_860 = arith.constant 16 : index
        %get3A_861 = tpu.vector_load %arg10[%get3A_859, %get3A_860] {strides = array<i32>} : memref<200x64xi32, #tpu.memory_space<vmem>>, vector<16xi32>,
        %shift_left3A_862 = arith.constant 16 : i32
        %shift_left3A_863 = vector.broadcast %shift_left3A_862 : i32 to vector<16xi32>
        %shift_left3A_864 = arith.shli %get3A_861, %shift_left3A_863 : vector<16xi32>
        %bitcast_convert_type3A_865 = tpu.bitcast %shift_left3A_864 : vector<16xi32> -> vector<16xf32>
        %and3A_866 = arith.constant -65536 : i32
        %and3A_867 = vector.broadcast %and3A_866 : i32 to vector<16xi32>
        %and3A_868 = arith.andi %get3A_861, %and3A_867 : vector<16xi32>
        %bitcast_convert_type3A_869 = tpu.bitcast %and3A_868 : vector<16xi32> -> vector<16xf32>
        %add3A_870 = arith.addf %add3A_814, %bitcast_convert_type3A_865 : vector<16xf32>
        %add3A_871 = arith.addf %add3A_815, %bitcast_convert_type3A_869 : vector<16xf32>
        %get3A_872 = arith.index_cast %add3A_845 : i32 to index
        %get3A_873 = arith.constant 32 : index
        %get3A_874 = tpu.vector_load %arg10[%get3A_872, %get3A_873] {strides = array<i32>} : memref<200x64xi32, #tpu.memory_space<vmem>>, vector<16xi32>,
        %shift_left3A_875 = arith.constant 16 : i32
        %shift_left3A_876 = vector.broadcast %shift_left3A_875 : i32 to vector<16xi32>
        %shift_left3A_877 = arith.shli %get3A_874, %shift_left3A_876 : vector<16xi32>
        %bitcast_convert_type3A_878 = tpu.bitcast %shift_left3A_877 : vector<16xi32> -> vector<16xf32>
        %and3A_879 = arith.constant -65536 : i32
        %and3A_880 = vector.broadcast %and3A_879 : i32 to vector<16xi32>
        %and3A_881 = arith.andi %get3A_874, %and3A_880 : vector<16xi32>
        %bitcast_convert_type3A_882 = tpu.bitcast %and3A_881 : vector<16xi32> -> vector<16xf32>
        %add3A_883 = arith.addf %add3A_827, %bitcast_convert_type3A_878 : vector<16xf32>
        %add3A_884 = arith.addf %add3A_828, %bitcast_convert_type3A_882 : vector<16xf32>
        %get3A_885 = arith.index_cast %add3A_845 : i32 to index
        %get3A_886 = arith.constant 48 : index
        %get3A_887 = tpu.vector_load %arg10[%get3A_885, %get3A_886] {strides = array<i32>} : memref<200x64xi32, #tpu.memory_space<vmem>>, vector<16xi32>,
        %shift_left3A_888 = arith.constant 16 : i32
        %shift_left3A_889 = vector.broadcast %shift_left3A_888 : i32 to vector<16xi32>
        %shift_left3A_890 = arith.shli %get3A_887, %shift_left3A_889 : vector<16xi32>
        %bitcast_convert_type3A_891 = tpu.bitcast %shift_left3A_890 : vector<16xi32> -> vector<16xf32>
        %and3A_892 = arith.constant -65536 : i32
        %and3A_893 = vector.broadcast %and3A_892 : i32 to vector<16xi32>
        %and3A_894 = arith.andi %get3A_887, %and3A_893 : vector<16xi32>
        %bitcast_convert_type3A_895 = tpu.bitcast %and3A_894 : vector<16xi32> -> vector<16xf32>
        %add3A_896 = arith.addf %add3A_840, %bitcast_convert_type3A_891 : vector<16xf32>
        %add3A_897 = arith.addf %add3A_841, %bitcast_convert_type3A_895 : vector<16xf32>
        %mul3A_898 = arith.constant 8 : i32
        %mul3A_899 = arith.muli %scan3A_781, %mul3A_898 : i32
        %add3A_900 = arith.constant 2 : i32
        %add3A_901 = arith.addi %mul3A_899, %add3A_900 : i32
        %get3A_902 = arith.index_cast %add3A_901 : i32 to index
        %get3A_903 = arith.constant 0 : index
        %get3A_904 = tpu.vector_load %arg10[%get3A_902, %get3A_903] {strides = array<i32>} : memref<200x64xi32, #tpu.memory_space<vmem>>, vector<16xi32>,
        %shift_left3A_905 = arith.constant 16 : i32
        %shift_left3A_906 = vector.broadcast %shift_left3A_905 : i32 to vector<16xi32>
        %shift_left3A_907 = arith.shli %get3A_904, %shift_left3A_906 : vector<16xi32>
        %bitcast_convert_type3A_908 = tpu.bitcast %shift_left3A_907 : vector<16xi32> -> vector<16xf32>
        %and3A_909 = arith.constant -65536 : i32
        %and3A_910 = vector.broadcast %and3A_909 : i32 to vector<16xi32>
        %and3A_911 = arith.andi %get3A_904, %and3A_910 : vector<16xi32>
        %bitcast_convert_type3A_912 = tpu.bitcast %and3A_911 : vector<16xi32> -> vector<16xf32>
        %add3A_913 = arith.addf %add3A_857, %bitcast_convert_type3A_908 : vector<16xf32>
        %add3A_914 = arith.addf %add3A_858, %bitcast_convert_type3A_912 : vector<16xf32>
        %get3A_915 = arith.index_cast %add3A_901 : i32 to index
        %get3A_916 = arith.constant 16 : index
        %get3A_917 = tpu.vector_load %arg10[%get3A_915, %get3A_916] {strides = array<i32>} : memref<200x64xi32, #tpu.memory_space<vmem>>, vector<16xi32>,
        %shift_left3A_918 = arith.constant 16 : i32
        %shift_left3A_919 = vector.broadcast %shift_left3A_918 : i32 to vector<16xi32>
        %shift_left3A_920 = arith.shli %get3A_917, %shift_left3A_919 : vector<16xi32>
        %bitcast_convert_type3A_921 = tpu.bitcast %shift_left3A_920 : vector<16xi32> -> vector<16xf32>
        %and3A_922 = arith.constant -65536 : i32
        %and3A_923 = vector.broadcast %and3A_922 : i32 to vector<16xi32>
        %and3A_924 = arith.andi %get3A_917, %and3A_923 : vector<16xi32>
        %bitcast_convert_type3A_925 = tpu.bitcast %and3A_924 : vector<16xi32> -> vector<16xf32>
        %add3A_926 = arith.addf %add3A_870, %bitcast_convert_type3A_921 : vector<16xf32>
        %add3A_927 = arith.addf %add3A_871, %bitcast_convert_type3A_925 : vector<16xf32>
        %get3A_928 = arith.index_cast %add3A_901 : i32 to index
        %get3A_929 = arith.constant 32 : index
        %get3A_930 = tpu.vector_load %arg10[%get3A_928, %get3A_929] {strides = array<i32>} : memref<200x64xi32, #tpu.memory_space<vmem>>, vector<16xi32>,
        %shift_left3A_931 = arith.constant 16 : i32
        %shift_left3A_932 = vector.broadcast %shift_left3A_931 : i32 to vector<16xi32>
        %shift_left3A_933 = arith.shli %get3A_930, %shift_left3A_932 : vector<16xi32>
        %bitcast_convert_type3A_934 = tpu.bitcast %shift_left3A_933 : vector<16xi32> -> vector<16xf32>
        %and3A_935 = arith.constant -65536 : i32
        %and3A_936 = vector.broadcast %and3A_935 : i32 to vector<16xi32>
        %and3A_937 = arith.andi %get3A_930, %and3A_936 : vector<16xi32>
        %bitcast_convert_type3A_938 = tpu.bitcast %and3A_937 : vector<16xi32> -> vector<16xf32>
        %add3A_939 = arith.addf %add3A_883, %bitcast_convert_type3A_934 : vector<16xf32>
        %add3A_940 = arith.addf %add3A_884, %bitcast_convert_type3A_938 : vector<16xf32>
        %get3A_941 = arith.index_cast %add3A_901 : i32 to index
        %get3A_942 = arith.constant 48 : index
        %get3A_943 = tpu.vector_load %arg10[%get3A_941, %get3A_942] {strides = array<i32>} : memref<200x64xi32, #tpu.memory_space<vmem>>, vector<16xi32>,
        %shift_left3A_944 = arith.constant 16 : i32
        %shift_left3A_945 = vector.broadcast %shift_left3A_944 : i32 to vector<16xi32>
        %shift_left3A_946 = arith.shli %get3A_943, %shift_left3A_945 : vector<16xi32>
        %bitcast_convert_type3A_947 = tpu.bitcast %shift_left3A_946 : vector<16xi32> -> vector<16xf32>
        %and3A_948 = arith.constant -65536 : i32
        %and3A_949 = vector.broadcast %and3A_948 : i32 to vector<16xi32>
        %and3A_950 = arith.andi %get3A_943, %and3A_949 : vector<16xi32>
        %bitcast_convert_type3A_951 = tpu.bitcast %and3A_950 : vector<16xi32> -> vector<16xf32>
        %add3A_952 = arith.addf %add3A_896, %bitcast_convert_type3A_947 : vector<16xf32>
        %add3A_953 = arith.addf %add3A_897, %bitcast_convert_type3A_951 : vector<16xf32>
        %mul3A_954 = arith.constant 8 : i32
        %mul3A_955 = arith.muli %scan3A_781, %mul3A_954 : i32
        %add3A_956 = arith.constant 3 : i32
        %add3A_957 = arith.addi %mul3A_955, %add3A_956 : i32
        %get3A_958 = arith.index_cast %add3A_957 : i32 to index
        %get3A_959 = arith.constant 0 : index
        %get3A_960 = tpu.vector_load %arg10[%get3A_958, %get3A_959] {strides = array<i32>} : memref<200x64xi32, #tpu.memory_space<vmem>>, vector<16xi32>,
        %shift_left3A_961 = arith.constant 16 : i32
        %shift_left3A_962 = vector.broadcast %shift_left3A_961 : i32 to vector<16xi32>
        %shift_left3A_963 = arith.shli %get3A_960, %shift_left3A_962 : vector<16xi32>
        %bitcast_convert_type3A_964 = tpu.bitcast %shift_left3A_963 : vector<16xi32> -> vector<16xf32>
        %and3A_965 = arith.constant -65536 : i32
        %and3A_966 = vector.broadcast %and3A_965 : i32 to vector<16xi32>
        %and3A_967 = arith.andi %get3A_960, %and3A_966 : vector<16xi32>
        %bitcast_convert_type3A_968 = tpu.bitcast %and3A_967 : vector<16xi32> -> vector<16xf32>
        %add3A_969 = arith.addf %add3A_913, %bitcast_convert_type3A_964 : vector<16xf32>
        %add3A_970 = arith.addf %add3A_914, %bitcast_convert_type3A_968 : vector<16xf32>
        %get3A_971 = arith.index_cast %add3A_957 : i32 to index
        %get3A_972 = arith.constant 16 : index
        %get3A_973 = tpu.vector_load %arg10[%get3A_971, %get3A_972] {strides = array<i32>} : memref<200x64xi32, #tpu.memory_space<vmem>>, vector<16xi32>,
        %shift_left3A_974 = arith.constant 16 : i32
        %shift_left3A_975 = vector.broadcast %shift_left3A_974 : i32 to vector<16xi32>
        %shift_left3A_976 = arith.shli %get3A_973, %shift_left3A_975 : vector<16xi32>
        %bitcast_convert_type3A_977 = tpu.bitcast %shift_left3A_976 : vector<16xi32> -> vector<16xf32>
        %and3A_978 = arith.constant -65536 : i32
        %and3A_979 = vector.broadcast %and3A_978 : i32 to vector<16xi32>
        %and3A_980 = arith.andi %get3A_973, %and3A_979 : vector<16xi32>
        %bitcast_convert_type3A_981 = tpu.bitcast %and3A_980 : vector<16xi32> -> vector<16xf32>
        %add3A_982 = arith.addf %add3A_926, %bitcast_convert_type3A_977 : vector<16xf32>
        %add3A_983 = arith.addf %add3A_927, %bitcast_convert_type3A_981 : vector<16xf32>
        %get3A_984 = arith.index_cast %add3A_957 : i32 to index
        %get3A_985 = arith.constant 32 : index
        %get3A_986 = tpu.vector_load %arg10[%get3A_984, %get3A_985] {strides = array<i32>} : memref<200x64xi32, #tpu.memory_space<vmem>>, vector<16xi32>,
        %shift_left3A_987 = arith.constant 16 : i32
        %shift_left3A_988 = vector.broadcast %shift_left3A_987 : i32 to vector<16xi32>
        %shift_left3A_989 = arith.shli %get3A_986, %shift_left3A_988 : vector<16xi32>
        %bitcast_convert_type3A_990 = tpu.bitcast %shift_left3A_989 : vector<16xi32> -> vector<16xf32>
        %and3A_991 = arith.constant -65536 : i32
        %and3A_992 = vector.broadcast %and3A_991 : i32 to vector<16xi32>
        %and3A_993 = arith.andi %get3A_986, %and3A_992 : vector<16xi32>
        %bitcast_convert_type3A_994 = tpu.bitcast %and3A_993 : vector<16xi32> -> vector<16xf32>
        %add3A_995 = arith.addf %add3A_939, %bitcast_convert_type3A_990 : vector<16xf32>
        %add3A_996 = arith.addf %add3A_940, %bitcast_convert_type3A_994 : vector<16xf32>
        %get3A_997 = arith.index_cast %add3A_957 : i32 to index
        %get3A_998 = arith.constant 48 : index
        %get3A_999 = tpu.vector_load %arg10[%get3A_997, %get3A_998] {strides = array<i32>} : memref<200x64xi32, #tpu.memory_space<vmem>>, vector<16xi32>,
        %shift_left3A_1000 = arith.constant 16 : i32
        %shift_left3A_1001 = vector.broadcast %shift_left3A_1000 : i32 to vector<16xi32>
        %shift_left3A_1002 = arith.shli %get3A_999, %shift_left3A_1001 : vector<16xi32>
        %bitcast_convert_type3A_1003 = tpu.bitcast %shift_left3A_1002 : vector<16xi32> -> vector<16xf32>
        %and3A_1004 = arith.constant -65536 : i32
        %and3A_1005 = vector.broadcast %and3A_1004 : i32 to vector<16xi32>
        %and3A_1006 = arith.andi %get3A_999, %and3A_1005 : vector<16xi32>
        %bitcast_convert_type3A_1007 = tpu.bitcast %and3A_1006 : vector<16xi32> -> vector<16xf32>
        %add3A_1008 = arith.addf %add3A_952, %bitcast_convert_type3A_1003 : vector<16xf32>
        %add3A_1009 = arith.addf %add3A_953, %bitcast_convert_type3A_1007 : vector<16xf32>
        %mul3A_1010 = arith.constant 8 : i32
        %mul3A_1011 = arith.muli %scan3A_781, %mul3A_1010 : i32
        %add3A_1012 = arith.constant 4 : i32
        %add3A_1013 = arith.addi %mul3A_1011, %add3A_1012 : i32
        %get3A_1014 = arith.index_cast %add3A_1013 : i32 to index
        %get3A_1015 = arith.constant 0 : index
        %get3A_1016 = tpu.vector_load %arg10[%get3A_1014, %get3A_1015] {strides = array<i32>} : memref<200x64xi32, #tpu.memory_space<vmem>>, vector<16xi32>,
        %shift_left3A_1017 = arith.constant 16 : i32
        %shift_left3A_1018 = vector.broadcast %shift_left3A_1017 : i32 to vector<16xi32>
        %shift_left3A_1019 = arith.shli %get3A_1016, %shift_left3A_1018 : vector<16xi32>
        %bitcast_convert_type3A_1020 = tpu.bitcast %shift_left3A_1019 : vector<16xi32> -> vector<16xf32>
        %and3A_1021 = arith.constant -65536 : i32
        %and3A_1022 = vector.broadcast %and3A_1021 : i32 to vector<16xi32>
        %and3A_1023 = arith.andi %get3A_1016, %and3A_1022 : vector<16xi32>
        %bitcast_convert_type3A_1024 = tpu.bitcast %and3A_1023 : vector<16xi32> -> vector<16xf32>
        %add3A_1025 = arith.addf %add3A_969, %bitcast_convert_type3A_1020 : vector<16xf32>
        %add3A_1026 = arith.addf %add3A_970, %bitcast_convert_type3A_1024 : vector<16xf32>
        %get3A_1027 = arith.index_cast %add3A_1013 : i32 to index
        %get3A_1028 = arith.constant 16 : index
        %get3A_1029 = tpu.vector_load %arg10[%get3A_1027, %get3A_1028] {strides = array<i32>} : memref<200x64xi32, #tpu.memory_space<vmem>>, vector<16xi32>,
        %shift_left3A_1030 = arith.constant 16 : i32
        %shift_left3A_1031 = vector.broadcast %shift_left3A_1030 : i32 to vector<16xi32>
        %shift_left3A_1032 = arith.shli %get3A_1029, %shift_left3A_1031 : vector<16xi32>
        %bitcast_convert_type3A_1033 = tpu.bitcast %shift_left3A_1032 : vector<16xi32> -> vector<16xf32>
        %and3A_1034 = arith.constant -65536 : i32
        %and3A_1035 = vector.broadcast %and3A_1034 : i32 to vector<16xi32>
        %and3A_1036 = arith.andi %get3A_1029, %and3A_1035 : vector<16xi32>
        %bitcast_convert_type3A_1037 = tpu.bitcast %and3A_1036 : vector<16xi32> -> vector<16xf32>
        %add3A_1038 = arith.addf %add3A_982, %bitcast_convert_type3A_1033 : vector<16xf32>
        %add3A_1039 = arith.addf %add3A_983, %bitcast_convert_type3A_1037 : vector<16xf32>
        %get3A_1040 = arith.index_cast %add3A_1013 : i32 to index
        %get3A_1041 = arith.constant 32 : index
        %get3A_1042 = tpu.vector_load %arg10[%get3A_1040, %get3A_1041] {strides = array<i32>} : memref<200x64xi32, #tpu.memory_space<vmem>>, vector<16xi32>,
        %shift_left3A_1043 = arith.constant 16 : i32
        %shift_left3A_1044 = vector.broadcast %shift_left3A_1043 : i32 to vector<16xi32>
        %shift_left3A_1045 = arith.shli %get3A_1042, %shift_left3A_1044 : vector<16xi32>
        %bitcast_convert_type3A_1046 = tpu.bitcast %shift_left3A_1045 : vector<16xi32> -> vector<16xf32>
        %and3A_1047 = arith.constant -65536 : i32
        %and3A_1048 = vector.broadcast %and3A_1047 : i32 to vector<16xi32>
        %and3A_1049 = arith.andi %get3A_1042, %and3A_1048 : vector<16xi32>
        %bitcast_convert_type3A_1050 = tpu.bitcast %and3A_1049 : vector<16xi32> -> vector<16xf32>
        %add3A_1051 = arith.addf %add3A_995, %bitcast_convert_type3A_1046 : vector<16xf32>
        %add3A_1052 = arith.addf %add3A_996, %bitcast_convert_type3A_1050 : vector<16xf32>
        %get3A_1053 = arith.index_cast %add3A_1013 : i32 to index
        %get3A_1054 = arith.constant 48 : index
        %get3A_1055 = tpu.vector_load %arg10[%get3A_1053, %get3A_1054] {strides = array<i32>} : memref<200x64xi32, #tpu.memory_space<vmem>>, vector<16xi32>,
        %shift_left3A_1056 = arith.constant 16 : i32
        %shift_left3A_1057 = vector.broadcast %shift_left3A_1056 : i32 to vector<16xi32>
        %shift_left3A_1058 = arith.shli %get3A_1055, %shift_left3A_1057 : vector<16xi32>
        %bitcast_convert_type3A_1059 = tpu.bitcast %shift_left3A_1058 : vector<16xi32> -> vector<16xf32>
        %and3A_1060 = arith.constant -65536 : i32
        %and3A_1061 = vector.broadcast %and3A_1060 : i32 to vector<16xi32>
        %and3A_1062 = arith.andi %get3A_1055, %and3A_1061 : vector<16xi32>
        %bitcast_convert_type3A_1063 = tpu.bitcast %and3A_1062 : vector<16xi32> -> vector<16xf32>
        %add3A_1064 = arith.addf %add3A_1008, %bitcast_convert_type3A_1059 : vector<16xf32>
        %add3A_1065 = arith.addf %add3A_1009, %bitcast_convert_type3A_1063 : vector<16xf32>
        %mul3A_1066 = arith.constant 8 : i32
        %mul3A_1067 = arith.muli %scan3A_781, %mul3A_1066 : i32
        %add3A_1068 = arith.constant 5 : i32
        %add3A_1069 = arith.addi %mul3A_1067, %add3A_1068 : i32
        %get3A_1070 = arith.index_cast %add3A_1069 : i32 to index
        %get3A_1071 = arith.constant 0 : index
        %get3A_1072 = tpu.vector_load %arg10[%get3A_1070, %get3A_1071] {strides = array<i32>} : memref<200x64xi32, #tpu.memory_space<vmem>>, vector<16xi32>,
        %shift_left3A_1073 = arith.constant 16 : i32
        %shift_left3A_1074 = vector.broadcast %shift_left3A_1073 : i32 to vector<16xi32>
        %shift_left3A_1075 = arith.shli %get3A_1072, %shift_left3A_1074 : vector<16xi32>
        %bitcast_convert_type3A_1076 = tpu.bitcast %shift_left3A_1075 : vector<16xi32> -> vector<16xf32>
        %and3A_1077 = arith.constant -65536 : i32
        %and3A_1078 = vector.broadcast %and3A_1077 : i32 to vector<16xi32>
        %and3A_1079 = arith.andi %get3A_1072, %and3A_1078 : vector<16xi32>
        %bitcast_convert_type3A_1080 = tpu.bitcast %and3A_1079 : vector<16xi32> -> vector<16xf32>
        %add3A_1081 = arith.addf %add3A_1025, %bitcast_convert_type3A_1076 : vector<16xf32>
        %add3A_1082 = arith.addf %add3A_1026, %bitcast_convert_type3A_1080 : vector<16xf32>
        %get3A_1083 = arith.index_cast %add3A_1069 : i32 to index
        %get3A_1084 = arith.constant 16 : index
        %get3A_1085 = tpu.vector_load %arg10[%get3A_1083, %get3A_1084] {strides = array<i32>} : memref<200x64xi32, #tpu.memory_space<vmem>>, vector<16xi32>,
        %shift_left3A_1086 = arith.constant 16 : i32
        %shift_left3A_1087 = vector.broadcast %shift_left3A_1086 : i32 to vector<16xi32>
        %shift_left3A_1088 = arith.shli %get3A_1085, %shift_left3A_1087 : vector<16xi32>
        %bitcast_convert_type3A_1089 = tpu.bitcast %shift_left3A_1088 : vector<16xi32> -> vector<16xf32>
        %and3A_1090 = arith.constant -65536 : i32
        %and3A_1091 = vector.broadcast %and3A_1090 : i32 to vector<16xi32>
        %and3A_1092 = arith.andi %get3A_1085, %and3A_1091 : vector<16xi32>
        %bitcast_convert_type3A_1093 = tpu.bitcast %and3A_1092 : vector<16xi32> -> vector<16xf32>
        %add3A_1094 = arith.addf %add3A_1038, %bitcast_convert_type3A_1089 : vector<16xf32>
        %add3A_1095 = arith.addf %add3A_1039, %bitcast_convert_type3A_1093 : vector<16xf32>
        %get3A_1096 = arith.index_cast %add3A_1069 : i32 to index
        %get3A_1097 = arith.constant 32 : index
        %get3A_1098 = tpu.vector_load %arg10[%get3A_1096, %get3A_1097] {strides = array<i32>} : memref<200x64xi32, #tpu.memory_space<vmem>>, vector<16xi32>,
        %shift_left3A_1099 = arith.constant 16 : i32
        %shift_left3A_1100 = vector.broadcast %shift_left3A_1099 : i32 to vector<16xi32>
        %shift_left3A_1101 = arith.shli %get3A_1098, %shift_left3A_1100 : vector<16xi32>
        %bitcast_convert_type3A_1102 = tpu.bitcast %shift_left3A_1101 : vector<16xi32> -> vector<16xf32>
        %and3A_1103 = arith.constant -65536 : i32
        %and3A_1104 = vector.broadcast %and3A_1103 : i32 to vector<16xi32>
        %and3A_1105 = arith.andi %get3A_1098, %and3A_1104 : vector<16xi32>
        %bitcast_convert_type3A_1106 = tpu.bitcast %and3A_1105 : vector<16xi32> -> vector<16xf32>
        %add3A_1107 = arith.addf %add3A_1051, %bitcast_convert_type3A_1102 : vector<16xf32>
        %add3A_1108 = arith.addf %add3A_1052, %bitcast_convert_type3A_1106 : vector<16xf32>
        %get3A_1109 = arith.index_cast %add3A_1069 : i32 to index
        %get3A_1110 = arith.constant 48 : index
        %get3A_1111 = tpu.vector_load %arg10[%get3A_1109, %get3A_1110] {strides = array<i32>} : memref<200x64xi32, #tpu.memory_space<vmem>>, vector<16xi32>,
        %shift_left3A_1112 = arith.constant 16 : i32
        %shift_left3A_1113 = vector.broadcast %shift_left3A_1112 : i32 to vector<16xi32>
        %shift_left3A_1114 = arith.shli %get3A_1111, %shift_left3A_1113 : vector<16xi32>
        %bitcast_convert_type3A_1115 = tpu.bitcast %shift_left3A_1114 : vector<16xi32> -> vector<16xf32>
        %and3A_1116 = arith.constant -65536 : i32
        %and3A_1117 = vector.broadcast %and3A_1116 : i32 to vector<16xi32>
        %and3A_1118 = arith.andi %get3A_1111, %and3A_1117 : vector<16xi32>
        %bitcast_convert_type3A_1119 = tpu.bitcast %and3A_1118 : vector<16xi32> -> vector<16xf32>
        %add3A_1120 = arith.addf %add3A_1064, %bitcast_convert_type3A_1115 : vector<16xf32>
        %add3A_1121 = arith.addf %add3A_1065, %bitcast_convert_type3A_1119 : vector<16xf32>
        %mul3A_1122 = arith.constant 8 : i32
        %mul3A_1123 = arith.muli %scan3A_781, %mul3A_1122 : i32
        %add3A_1124 = arith.constant 6 : i32
        %add3A_1125 = arith.addi %mul3A_1123, %add3A_1124 : i32
        %get3A_1126 = arith.index_cast %add3A_1125 : i32 to index
        %get3A_1127 = arith.constant 0 : index
        %get3A_1128 = tpu.vector_load %arg10[%get3A_1126, %get3A_1127] {strides = array<i32>} : memref<200x64xi32, #tpu.memory_space<vmem>>, vector<16xi32>,
        %shift_left3A_1129 = arith.constant 16 : i32
        %shift_left3A_1130 = vector.broadcast %shift_left3A_1129 : i32 to vector<16xi32>
        %shift_left3A_1131 = arith.shli %get3A_1128, %shift_left3A_1130 : vector<16xi32>
        %bitcast_convert_type3A_1132 = tpu.bitcast %shift_left3A_1131 : vector<16xi32> -> vector<16xf32>
        %and3A_1133 = arith.constant -65536 : i32
        %and3A_1134 = vector.broadcast %and3A_1133 : i32 to vector<16xi32>
        %and3A_1135 = arith.andi %get3A_1128, %and3A_1134 : vector<16xi32>
        %bitcast_convert_type3A_1136 = tpu.bitcast %and3A_1135 : vector<16xi32> -> vector<16xf32>
        %add3A_1137 = arith.addf %add3A_1081, %bitcast_convert_type3A_1132 : vector<16xf32>
        %add3A_1138 = arith.addf %add3A_1082, %bitcast_convert_type3A_1136 : vector<16xf32>
        %get3A_1139 = arith.index_cast %add3A_1125 : i32 to index
        %get3A_1140 = arith.constant 16 : index
        %get3A_1141 = tpu.vector_load %arg10[%get3A_1139, %get3A_1140] {strides = array<i32>} : memref<200x64xi32, #tpu.memory_space<vmem>>, vector<16xi32>,
        %shift_left3A_1142 = arith.constant 16 : i32
        %shift_left3A_1143 = vector.broadcast %shift_left3A_1142 : i32 to vector<16xi32>
        %shift_left3A_1144 = arith.shli %get3A_1141, %shift_left3A_1143 : vector<16xi32>
        %bitcast_convert_type3A_1145 = tpu.bitcast %shift_left3A_1144 : vector<16xi32> -> vector<16xf32>
        %and3A_1146 = arith.constant -65536 : i32
        %and3A_1147 = vector.broadcast %and3A_1146 : i32 to vector<16xi32>
        %and3A_1148 = arith.andi %get3A_1141, %and3A_1147 : vector<16xi32>
        %bitcast_convert_type3A_1149 = tpu.bitcast %and3A_1148 : vector<16xi32> -> vector<16xf32>
        %add3A_1150 = arith.addf %add3A_1094, %bitcast_convert_type3A_1145 : vector<16xf32>
        %add3A_1151 = arith.addf %add3A_1095, %bitcast_convert_type3A_1149 : vector<16xf32>
        %get3A_1152 = arith.index_cast %add3A_1125 : i32 to index
        %get3A_1153 = arith.constant 32 : index
        %get3A_1154 = tpu.vector_load %arg10[%get3A_1152, %get3A_1153] {strides = array<i32>} : memref<200x64xi32, #tpu.memory_space<vmem>>, vector<16xi32>,
        %shift_left3A_1155 = arith.constant 16 : i32
        %shift_left3A_1156 = vector.broadcast %shift_left3A_1155 : i32 to vector<16xi32>
        %shift_left3A_1157 = arith.shli %get3A_1154, %shift_left3A_1156 : vector<16xi32>
        %bitcast_convert_type3A_1158 = tpu.bitcast %shift_left3A_1157 : vector<16xi32> -> vector<16xf32>
        %and3A_1159 = arith.constant -65536 : i32
        %and3A_1160 = vector.broadcast %and3A_1159 : i32 to vector<16xi32>
        %and3A_1161 = arith.andi %get3A_1154, %and3A_1160 : vector<16xi32>
        %bitcast_convert_type3A_1162 = tpu.bitcast %and3A_1161 : vector<16xi32> -> vector<16xf32>
        %add3A_1163 = arith.addf %add3A_1107, %bitcast_convert_type3A_1158 : vector<16xf32>
        %add3A_1164 = arith.addf %add3A_1108, %bitcast_convert_type3A_1162 : vector<16xf32>
        %get3A_1165 = arith.index_cast %add3A_1125 : i32 to index
        %get3A_1166 = arith.constant 48 : index
        %get3A_1167 = tpu.vector_load %arg10[%get3A_1165, %get3A_1166] {strides = array<i32>} : memref<200x64xi32, #tpu.memory_space<vmem>>, vector<16xi32>,
        %shift_left3A_1168 = arith.constant 16 : i32
        %shift_left3A_1169 = vector.broadcast %shift_left3A_1168 : i32 to vector<16xi32>
        %shift_left3A_1170 = arith.shli %get3A_1167, %shift_left3A_1169 : vector<16xi32>
        %bitcast_convert_type3A_1171 = tpu.bitcast %shift_left3A_1170 : vector<16xi32> -> vector<16xf32>
        %and3A_1172 = arith.constant -65536 : i32
        %and3A_1173 = vector.broadcast %and3A_1172 : i32 to vector<16xi32>
        %and3A_1174 = arith.andi %get3A_1167, %and3A_1173 : vector<16xi32>
        %bitcast_convert_type3A_1175 = tpu.bitcast %and3A_1174 : vector<16xi32> -> vector<16xf32>
        %add3A_1176 = arith.addf %add3A_1120, %bitcast_convert_type3A_1171 : vector<16xf32>
        %add3A_1177 = arith.addf %add3A_1121, %bitcast_convert_type3A_1175 : vector<16xf32>
        %mul3A_1178 = arith.constant 8 : i32
        %mul3A_1179 = arith.muli %scan3A_781, %mul3A_1178 : i32
        %add3A_1180 = arith.constant 7 : i32
        %add3A_1181 = arith.addi %mul3A_1179, %add3A_1180 : i32
        %get3A_1182 = arith.index_cast %add3A_1181 : i32 to index
        %get3A_1183 = arith.constant 0 : index
        %get3A_1184 = tpu.vector_load %arg10[%get3A_1182, %get3A_1183] {strides = array<i32>} : memref<200x64xi32, #tpu.memory_space<vmem>>, vector<16xi32>,
        %shift_left3A_1185 = arith.constant 16 : i32
        %shift_left3A_1186 = vector.broadcast %shift_left3A_1185 : i32 to vector<16xi32>
        %shift_left3A_1187 = arith.shli %get3A_1184, %shift_left3A_1186 : vector<16xi32>
        %bitcast_convert_type3A_1188 = tpu.bitcast %shift_left3A_1187 : vector<16xi32> -> vector<16xf32>
        %and3A_1189 = arith.constant -65536 : i32
        %and3A_1190 = vector.broadcast %and3A_1189 : i32 to vector<16xi32>
        %and3A_1191 = arith.andi %get3A_1184, %and3A_1190 : vector<16xi32>
        %bitcast_convert_type3A_1192 = tpu.bitcast %and3A_1191 : vector<16xi32> -> vector<16xf32>
        %add3A_1193 = arith.addf %add3A_1137, %bitcast_convert_type3A_1188 : vector<16xf32>
        %add3A_1194 = arith.addf %add3A_1138, %bitcast_convert_type3A_1192 : vector<16xf32>
        %get3A_1195 = arith.index_cast %add3A_1181 : i32 to index
        %get3A_1196 = arith.constant 16 : index
        %get3A_1197 = tpu.vector_load %arg10[%get3A_1195, %get3A_1196] {strides = array<i32>} : memref<200x64xi32, #tpu.memory_space<vmem>>, vector<16xi32>,
        %shift_left3A_1198 = arith.constant 16 : i32
        %shift_left3A_1199 = vector.broadcast %shift_left3A_1198 : i32 to vector<16xi32>
        %shift_left3A_1200 = arith.shli %get3A_1197, %shift_left3A_1199 : vector<16xi32>
        %bitcast_convert_type3A_1201 = tpu.bitcast %shift_left3A_1200 : vector<16xi32> -> vector<16xf32>
        %and3A_1202 = arith.constant -65536 : i32
        %and3A_1203 = vector.broadcast %and3A_1202 : i32 to vector<16xi32>
        %and3A_1204 = arith.andi %get3A_1197, %and3A_1203 : vector<16xi32>
        %bitcast_convert_type3A_1205 = tpu.bitcast %and3A_1204 : vector<16xi32> -> vector<16xf32>
        %add3A_1206 = arith.addf %add3A_1150, %bitcast_convert_type3A_1201 : vector<16xf32>
        %add3A_1207 = arith.addf %add3A_1151, %bitcast_convert_type3A_1205 : vector<16xf32>
        %get3A_1208 = arith.index_cast %add3A_1181 : i32 to index
        %get3A_1209 = arith.constant 32 : index
        %get3A_1210 = tpu.vector_load %arg10[%get3A_1208, %get3A_1209] {strides = array<i32>} : memref<200x64xi32, #tpu.memory_space<vmem>>, vector<16xi32>,
        %shift_left3A_1211 = arith.constant 16 : i32
        %shift_left3A_1212 = vector.broadcast %shift_left3A_1211 : i32 to vector<16xi32>
        %shift_left3A_1213 = arith.shli %get3A_1210, %shift_left3A_1212 : vector<16xi32>
        %bitcast_convert_type3A_1214 = tpu.bitcast %shift_left3A_1213 : vector<16xi32> -> vector<16xf32>
        %and3A_1215 = arith.constant -65536 : i32
        %and3A_1216 = vector.broadcast %and3A_1215 : i32 to vector<16xi32>
        %and3A_1217 = arith.andi %get3A_1210, %and3A_1216 : vector<16xi32>
        %bitcast_convert_type3A_1218 = tpu.bitcast %and3A_1217 : vector<16xi32> -> vector<16xf32>
        %add3A_1219 = arith.addf %add3A_1163, %bitcast_convert_type3A_1214 : vector<16xf32>
        %add3A_1220 = arith.addf %add3A_1164, %bitcast_convert_type3A_1218 : vector<16xf32>
        %get3A_1221 = arith.index_cast %add3A_1181 : i32 to index
        %get3A_1222 = arith.constant 48 : index
        %get3A_1223 = tpu.vector_load %arg10[%get3A_1221, %get3A_1222] {strides = array<i32>} : memref<200x64xi32, #tpu.memory_space<vmem>>, vector<16xi32>,
        %shift_left3A_1224 = arith.constant 16 : i32
        %shift_left3A_1225 = vector.broadcast %shift_left3A_1224 : i32 to vector<16xi32>
        %shift_left3A_1226 = arith.shli %get3A_1223, %shift_left3A_1225 : vector<16xi32>
        %bitcast_convert_type3A_1227 = tpu.bitcast %shift_left3A_1226 : vector<16xi32> -> vector<16xf32>
        %and3A_1228 = arith.constant -65536 : i32
        %and3A_1229 = vector.broadcast %and3A_1228 : i32 to vector<16xi32>
        %and3A_1230 = arith.andi %get3A_1223, %and3A_1229 : vector<16xi32>
        %bitcast_convert_type3A_1231 = tpu.bitcast %and3A_1230 : vector<16xi32> -> vector<16xf32>
        %add3A_1232 = arith.addf %add3A_1176, %bitcast_convert_type3A_1227 : vector<16xf32>
        %add3A_1233 = arith.addf %add3A_1177, %bitcast_convert_type3A_1231 : vector<16xf32>
        scf.yield %add3A_1193, %add3A_1206, %add3A_1219, %add3A_1232, %add3A_1194, %add3A_1207, %add3A_1220, %add3A_1233 : vector<16xf32>, vector<16xf32>, vector<16xf32>, vector<16xf32>, vector<16xf32>, vector<16xf32>, vector<16xf32>, vector<16xf32>
      }
      %scan3A_722 = arith.constant 25 : i32
      %mul3A_723 = arith.constant 5.000000e-03 : f32
      %mul3A_724 = vector.broadcast %mul3A_723 : f32 to vector<16xf32>
      %mul3A_725 = arith.mulf %scan3A_721#0, %mul3A_724 : vector<16xf32>
      %swap3A_726 = arith.index_cast %add3A_700 : i32 to index
      %swap3A_727 = arith.constant 0 : index
      %swap3A_728 = tpu.vector_load %arg11[%swap3A_726, %swap3A_727] {strides = array<i32>} : memref<128x128xf32, #tpu.memory_space<vmem>>, vector<16xf32>,
      tpu.vector_store %arg11[%swap3A_726, %swap3A_727], %mul3A_725 {strides = array<i32>} : memref<128x128xf32, #tpu.memory_space<vmem>>, vector<16xf32>,
      %mul3A_729 = arith.constant 5.000000e-03 : f32
      %mul3A_730 = vector.broadcast %mul3A_729 : f32 to vector<16xf32>
      %mul3A_731 = arith.mulf %scan3A_721#1, %mul3A_730 : vector<16xf32>
      %swap3A_732 = arith.index_cast %add3A_700 : i32 to index
      %swap3A_733 = arith.constant 16 : index
      %swap3A_734 = tpu.vector_load %arg11[%swap3A_732, %swap3A_733] {strides = array<i32>} : memref<128x128xf32, #tpu.memory_space<vmem>>, vector<16xf32>,
      tpu.vector_store %arg11[%swap3A_732, %swap3A_733], %mul3A_731 {strides = array<i32>} : memref<128x128xf32, #tpu.memory_space<vmem>>, vector<16xf32>,
      %mul3A_735 = arith.constant 5.000000e-03 : f32
      %mul3A_736 = vector.broadcast %mul3A_735 : f32 to vector<16xf32>
      %mul3A_737 = arith.mulf %scan3A_721#2, %mul3A_736 : vector<16xf32>
      %swap3A_738 = arith.index_cast %add3A_700 : i32 to index
      %swap3A_739 = arith.constant 32 : index
      %swap3A_740 = tpu.vector_load %arg11[%swap3A_738, %swap3A_739] {strides = array<i32>} : memref<128x128xf32, #tpu.memory_space<vmem>>, vector<16xf32>,
      tpu.vector_store %arg11[%swap3A_738, %swap3A_739], %mul3A_737 {strides = array<i32>} : memref<128x128xf32, #tpu.memory_space<vmem>>, vector<16xf32>,
      %mul3A_741 = arith.constant 5.000000e-03 : f32
      %mul3A_742 = vector.broadcast %mul3A_741 : f32 to vector<16xf32>
      %mul3A_743 = arith.mulf %scan3A_721#3, %mul3A_742 : vector<16xf32>
      %swap3A_744 = arith.index_cast %add3A_700 : i32 to index
      %swap3A_745 = arith.constant 48 : index
      %swap3A_746 = tpu.vector_load %arg11[%swap3A_744, %swap3A_745] {strides = array<i32>} : memref<128x128xf32, #tpu.memory_space<vmem>>, vector<16xf32>,
      tpu.vector_store %arg11[%swap3A_744, %swap3A_745], %mul3A_743 {strides = array<i32>} : memref<128x128xf32, #tpu.memory_space<vmem>>, vector<16xf32>,
      %mul3A_747 = arith.constant 5.000000e-03 : f32
      %mul3A_748 = vector.broadcast %mul3A_747 : f32 to vector<16xf32>
      %mul3A_749 = arith.mulf %scan3A_721#4, %mul3A_748 : vector<16xf32>
      %swap3A_750 = arith.index_cast %add3A_700 : i32 to index
      %swap3A_751 = arith.constant 64 : index
      %swap3A_752 = tpu.vector_load %arg11[%swap3A_750, %swap3A_751] {strides = array<i32>} : memref<128x128xf32, #tpu.memory_space<vmem>>, vector<16xf32>,
      tpu.vector_store %arg11[%swap3A_750, %swap3A_751], %mul3A_749 {strides = array<i32>} : memref<128x128xf32, #tpu.memory_space<vmem>>, vector<16xf32>,
      %mul3A_753 = arith.constant 5.000000e-03 : f32
      %mul3A_754 = vector.broadcast %mul3A_753 : f32 to vector<16xf32>
      %mul3A_755 = arith.mulf %scan3A_721#5, %mul3A_754 : vector<16xf32>
      %swap3A_756 = arith.index_cast %add3A_700 : i32 to index
      %swap3A_757 = arith.constant 80 : index
      %swap3A_758 = tpu.vector_load %arg11[%swap3A_756, %swap3A_757] {strides = array<i32>} : memref<128x128xf32, #tpu.memory_space<vmem>>, vector<16xf32>,
      tpu.vector_store %arg11[%swap3A_756, %swap3A_757], %mul3A_755 {strides = array<i32>} : memref<128x128xf32, #tpu.memory_space<vmem>>, vector<16xf32>,
      %mul3A_759 = arith.constant 5.000000e-03 : f32
      %mul3A_760 = vector.broadcast %mul3A_759 : f32 to vector<16xf32>
      %mul3A_761 = arith.mulf %scan3A_721#6, %mul3A_760 : vector<16xf32>
      %swap3A_762 = arith.index_cast %add3A_700 : i32 to index
      %swap3A_763 = arith.constant 96 : index
      %swap3A_764 = tpu.vector_load %arg11[%swap3A_762, %swap3A_763] {strides = array<i32>} : memref<128x128xf32, #tpu.memory_space<vmem>>, vector<16xf32>,
      tpu.vector_store %arg11[%swap3A_762, %swap3A_763], %mul3A_761 {strides = array<i32>} : memref<128x128xf32, #tpu.memory_space<vmem>>, vector<16xf32>,
      %mul3A_765 = arith.constant 5.000000e-03 : f32
      %mul3A_766 = vector.broadcast %mul3A_765 : f32 to vector<16xf32>
      %mul3A_767 = arith.mulf %scan3A_721#7, %mul3A_766 : vector<16xf32>
      %swap3A_768 = arith.index_cast %add3A_700 : i32 to index
      %swap3A_769 = arith.constant 112 : index
      %swap3A_770 = tpu.vector_load %arg11[%swap3A_768, %swap3A_769] {strides = array<i32>} : memref<128x128xf32, #tpu.memory_space<vmem>>, vector<16xf32>,
      tpu.vector_store %arg11[%swap3A_768, %swap3A_769], %mul3A_767 {strides = array<i32>} : memref<128x128xf32, #tpu.memory_space<vmem>>, vector<16xf32>,
      %add3A_771 = arith.constant 4 : i32
      %add3A_772 = arith.addi %mul3A_322, %add3A_771 : i32
      %add3A_773 = arith.constant 5 : i32
      %add3A_774 = arith.addi %add3A_772, %add3A_773 : i32
      %lt3A_775 = arith.constant 128 : i32
      %lt3A_776 = arith.cmpi slt, %add3A_774, %lt3A_775 : i32
      %convert_element_type3A_777 = arith.extui %lt3A_776 : i1 to i32
      %cond3A_778 = arith.constant 0 : i32
      %cond3A_779 = arith.cmpi ne, %convert_element_type3A_777, %cond3A_778 : i32
      scf.if %cond3A_779 {
        %add3A_781 = arith.constant 4 : i32
        %add3A_782 = arith.addi %mul3A_322, %add3A_781 : i32
        %add3A_783 = arith.constant 5 : i32
        %add3A_784 = arith.addi %add3A_782, %add3A_783 : i32
        %dma_start3A_785 = arith.constant 0 : i32
        %dma_start3A_786 = arith.constant 0 : i32
        %dma_start3A_787 = tpu.memref_slice %arg10[%dma_start3A_785, %dma_start3A_786] : memref<200x64xi32, #tpu.memory_space<vmem>> -> memref<200x64xi32, #tpu.memory_space<vmem>>
        %dma_start3A_788 = arith.constant 0 : i32
        %dma_start3A_789 = tpu.memref_slice %arg5[%add3A_784, %dma_start3A_788] : memref<128x200xi32, #tpu.memory_space<vmem>> -> memref<1x200xi32, #tpu.memory_space<vmem>>
        %dma_start3A_790 = tpu.memref_squeeze %dma_start3A_789 : memref<1x200xi32, #tpu.memory_space<vmem>> -> memref<200xi32, #tpu.memory_space<vmem>>
        %dma_start3A_791 = arith.constant 0 : i32
        %dma_start3A_792 = arith.constant 0 : i32
        %dma_start3A_793 = tpu.memref_slice %arg3[%dma_start3A_791, %dma_start3A_792] : memref<30522x64xi32, #tpu.memory_space<hbm>> -> memref<30522x64xi32, #tpu.memory_space<hbm>>
        tpu.enqueue_indirect_dma source(%dma_start3A_793 : memref<30522x64xi32, #tpu.memory_space<hbm>>) target(%dma_start3A_787 : memref<200x64xi32, #tpu.memory_space<vmem>>) offsets(%dma_start3A_790 : memref<200xi32, #tpu.memory_space<vmem>>) semaphore(%arg16 : memref<!tpu.dma_semaphore, #tpu.memory_space<semaphore_mem>>)
      } else {
      }
      %scan3A_780 = arith.constant 0 : i32
      scf.yield %scan3A_780 : i32
    }
    %scan3A_57 = arith.constant 25 : i32
    %dma_wait3A = arith.constant 125 : i32
    %dma_wait3A_58 = arith.constant 0 : i32
    %dma_wait3A_59 = arith.constant 0 : i32
    %dma_wait3A_60 = tpu.memref_slice %arg6[%dma_wait3A_58, %dma_wait3A_59] : memref<200x64xi32, #tpu.memory_space<vmem>> -> memref<200x64xi32, #tpu.memory_space<vmem>>
    %dma_wait3A_61 = arith.constant 0 : i32
    %dma_wait3A_62 = tpu.memref_slice %arg5[%dma_wait3A, %dma_wait3A_61] : memref<128x200xi32, #tpu.memory_space<vmem>> -> memref<1x200xi32, #tpu.memory_space<vmem>>
    %dma_wait3A_63 = tpu.memref_squeeze %dma_wait3A_62 : memref<1x200xi32, #tpu.memory_space<vmem>> -> memref<200xi32, #tpu.memory_space<vmem>>
    %dma_wait3A_64 = arith.constant 0 : i32
    %dma_wait3A_65 = arith.constant 0 : i32
    %dma_wait3A_66 = tpu.memref_slice %arg3[%dma_wait3A_64, %dma_wait3A_65] : memref<30522x64xi32, #tpu.memory_space<hbm>> -> memref<30522x64xi32, #tpu.memory_space<hbm>>
    tpu.wait_indirect_dma semaphore(%arg12 : memref<!tpu.dma_semaphore, #tpu.memory_space<semaphore_mem>>) src(%dma_wait3A_66 : memref<30522x64xi32, #tpu.memory_space<hbm>>) dst(%dma_wait3A_60 : memref<200x64xi32, #tpu.memory_space<vmem>>)
    %broadcast_in_dim3A = arith.constant 0.000000e+00 : f32
    %broadcast_in_dim3A_67 = vector.broadcast %broadcast_in_dim3A : f32 to vector<16xf32>
    %broadcast_in_dim3A_68 = arith.constant 0.000000e+00 : f32
    %broadcast_in_dim3A_69 = vector.broadcast %broadcast_in_dim3A_68 : f32 to vector<16xf32>
    %broadcast_in_dim3A_70 = arith.constant 0.000000e+00 : f32
    %broadcast_in_dim3A_71 = vector.broadcast %broadcast_in_dim3A_70 : f32 to vector<16xf32>
    %broadcast_in_dim3A_72 = arith.constant 0.000000e+00 : f32
    %broadcast_in_dim3A_73 = vector.broadcast %broadcast_in_dim3A_72 : f32 to vector<16xf32>
    %broadcast_in_dim3A_74 = arith.constant 0.000000e+00 : f32
    %broadcast_in_dim3A_75 = vector.broadcast %broadcast_in_dim3A_74 : f32 to vector<16xf32>
    %broadcast_in_dim3A_76 = arith.constant 0.000000e+00 : f32
    %broadcast_in_dim3A_77 = vector.broadcast %broadcast_in_dim3A_76 : f32 to vector<16xf32>
    %broadcast_in_dim3A_78 = arith.constant 0.000000e+00 : f32
    %broadcast_in_dim3A_79 = vector.broadcast %broadcast_in_dim3A_78 : f32 to vector<16xf32>
    %broadcast_in_dim3A_80 = arith.constant 0.000000e+00 : f32
    %broadcast_in_dim3A_81 = vector.broadcast %broadcast_in_dim3A_80 : f32 to vector<16xf32>
    %scan3A_82 = arith.constant 0 : i32
    %scan3A_83 = arith.constant 25 : i32
    %scan3A_84 = arith.addi %scan3A_82, %scan3A_83 : i32
    %scan3A_85 = arith.constant 1 : i32
    %scan3A_86:8 = scf.for %scan3A_319 = %scan3A_82 to %scan3A_84 step %scan3A_85 iter_args(%scan3A_320 = %broadcast_in_dim3A_67, %scan3A_321 = %broadcast_in_dim3A_69, %scan3A_322 = %broadcast_in_dim3A_71, %scan3A_323 = %broadcast_in_dim3A_73, %scan3A_324 = %broadcast_in_dim3A_75, %scan3A_325 = %broadcast_in_dim3A_77, %scan3A_326 = %broadcast_in_dim3A_79, %scan3A_327 = %broadcast_in_dim3A_81) -> (vector<16xf32>, vector<16xf32>, vector<16xf32>, vector<16xf32>, vector<16xf32>, vector<16xf32>, vector<16xf32>, vector<16xf32>)  : i32 {
      %mul3A_328 = arith.constant 8 : i32
      %mul3A_329 = arith.muli %scan3A_319, %mul3A_328 : i32
      %add3A_330 = arith.constant 0 : i32
      %add3A_331 = arith.addi %mul3A_329, %add3A_330 : i32
      %get3A = arith.index_cast %add3A_331 : i32 to index
      %get3A_332 = arith.constant 0 : index
      %get3A_333 = tpu.vector_load %arg6[%get3A, %get3A_332] {strides = array<i32>} : memref<200x64xi32, #tpu.memory_space<vmem>>, vector<16xi32>,
      %shift_left3A = arith.constant 16 : i32
      %shift_left3A_334 = vector.broadcast %shift_left3A : i32 to vector<16xi32>
      %shift_left3A_335 = arith.shli %get3A_333, %shift_left3A_334 : vector<16xi32>
      %bitcast_convert_type3A = tpu.bitcast %shift_left3A_335 : vector<16xi32> -> vector<16xf32>
      %and3A = arith.constant -65536 : i32
      %and3A_336 = vector.broadcast %and3A : i32 to vector<16xi32>
      %and3A_337 = arith.andi %get3A_333, %and3A_336 : vector<16xi32>
      %bitcast_convert_type3A_338 = tpu.bitcast %and3A_337 : vector<16xi32> -> vector<16xf32>
      %add3A_339 = arith.addf %scan3A_320, %bitcast_convert_type3A : vector<16xf32>
      %add3A_340 = arith.addf %scan3A_324, %bitcast_convert_type3A_338 : vector<16xf32>
      %get3A_341 = arith.index_cast %add3A_331 : i32 to index
      %get3A_342 = arith.constant 16 : index
      %get3A_343 = tpu.vector_load %arg6[%get3A_341, %get3A_342] {strides = array<i32>} : memref<200x64xi32, #tpu.memory_space<vmem>>, vector<16xi32>,
      %shift_left3A_344 = arith.constant 16 : i32
      %shift_left3A_345 = vector.broadcast %shift_left3A_344 : i32 to vector<16xi32>
      %shift_left3A_346 = arith.shli %get3A_343, %shift_left3A_345 : vector<16xi32>
      %bitcast_convert_type3A_347 = tpu.bitcast %shift_left3A_346 : vector<16xi32> -> vector<16xf32>
      %and3A_348 = arith.constant -65536 : i32
      %and3A_349 = vector.broadcast %and3A_348 : i32 to vector<16xi32>
      %and3A_350 = arith.andi %get3A_343, %and3A_349 : vector<16xi32>
      %bitcast_convert_type3A_351 = tpu.bitcast %and3A_350 : vector<16xi32> -> vector<16xf32>
      %add3A_352 = arith.addf %scan3A_321, %bitcast_convert_type3A_347 : vector<16xf32>
      %add3A_353 = arith.addf %scan3A_325, %bitcast_convert_type3A_351 : vector<16xf32>
      %get3A_354 = arith.index_cast %add3A_331 : i32 to index
      %get3A_355 = arith.constant 32 : index
      %get3A_356 = tpu.vector_load %arg6[%get3A_354, %get3A_355] {strides = array<i32>} : memref<200x64xi32, #tpu.memory_space<vmem>>, vector<16xi32>,
      %shift_left3A_357 = arith.constant 16 : i32
      %shift_left3A_358 = vector.broadcast %shift_left3A_357 : i32 to vector<16xi32>
      %shift_left3A_359 = arith.shli %get3A_356, %shift_left3A_358 : vector<16xi32>
      %bitcast_convert_type3A_360 = tpu.bitcast %shift_left3A_359 : vector<16xi32> -> vector<16xf32>
      %and3A_361 = arith.constant -65536 : i32
      %and3A_362 = vector.broadcast %and3A_361 : i32 to vector<16xi32>
      %and3A_363 = arith.andi %get3A_356, %and3A_362 : vector<16xi32>
      %bitcast_convert_type3A_364 = tpu.bitcast %and3A_363 : vector<16xi32> -> vector<16xf32>
      %add3A_365 = arith.addf %scan3A_322, %bitcast_convert_type3A_360 : vector<16xf32>
      %add3A_366 = arith.addf %scan3A_326, %bitcast_convert_type3A_364 : vector<16xf32>
      %get3A_367 = arith.index_cast %add3A_331 : i32 to index
      %get3A_368 = arith.constant 48 : index
      %get3A_369 = tpu.vector_load %arg6[%get3A_367, %get3A_368] {strides = array<i32>} : memref<200x64xi32, #tpu.memory_space<vmem>>, vector<16xi32>,
      %shift_left3A_370 = arith.constant 16 : i32
      %shift_left3A_371 = vector.broadcast %shift_left3A_370 : i32 to vector<16xi32>
      %shift_left3A_372 = arith.shli %get3A_369, %shift_left3A_371 : vector<16xi32>
      %bitcast_convert_type3A_373 = tpu.bitcast %shift_left3A_372 : vector<16xi32> -> vector<16xf32>
      %and3A_374 = arith.constant -65536 : i32
      %and3A_375 = vector.broadcast %and3A_374 : i32 to vector<16xi32>
      %and3A_376 = arith.andi %get3A_369, %and3A_375 : vector<16xi32>
      %bitcast_convert_type3A_377 = tpu.bitcast %and3A_376 : vector<16xi32> -> vector<16xf32>
      %add3A_378 = arith.addf %scan3A_323, %bitcast_convert_type3A_373 : vector<16xf32>
      %add3A_379 = arith.addf %scan3A_327, %bitcast_convert_type3A_377 : vector<16xf32>
      %mul3A_380 = arith.constant 8 : i32
      %mul3A_381 = arith.muli %scan3A_319, %mul3A_380 : i32
      %add3A_382 = arith.constant 1 : i32
      %add3A_383 = arith.addi %mul3A_381, %add3A_382 : i32
      %get3A_384 = arith.index_cast %add3A_383 : i32 to index
      %get3A_385 = arith.constant 0 : index
      %get3A_386 = tpu.vector_load %arg6[%get3A_384, %get3A_385] {strides = array<i32>} : memref<200x64xi32, #tpu.memory_space<vmem>>, vector<16xi32>,
      %shift_left3A_387 = arith.constant 16 : i32
      %shift_left3A_388 = vector.broadcast %shift_left3A_387 : i32 to vector<16xi32>
      %shift_left3A_389 = arith.shli %get3A_386, %shift_left3A_388 : vector<16xi32>
      %bitcast_convert_type3A_390 = tpu.bitcast %shift_left3A_389 : vector<16xi32> -> vector<16xf32>
      %and3A_391 = arith.constant -65536 : i32
      %and3A_392 = vector.broadcast %and3A_391 : i32 to vector<16xi32>
      %and3A_393 = arith.andi %get3A_386, %and3A_392 : vector<16xi32>
      %bitcast_convert_type3A_394 = tpu.bitcast %and3A_393 : vector<16xi32> -> vector<16xf32>
      %add3A_395 = arith.addf %add3A_339, %bitcast_convert_type3A_390 : vector<16xf32>
      %add3A_396 = arith.addf %add3A_340, %bitcast_convert_type3A_394 : vector<16xf32>
      %get3A_397 = arith.index_cast %add3A_383 : i32 to index
      %get3A_398 = arith.constant 16 : index
      %get3A_399 = tpu.vector_load %arg6[%get3A_397, %get3A_398] {strides = array<i32>} : memref<200x64xi32, #tpu.memory_space<vmem>>, vector<16xi32>,
      %shift_left3A_400 = arith.constant 16 : i32
      %shift_left3A_401 = vector.broadcast %shift_left3A_400 : i32 to vector<16xi32>
      %shift_left3A_402 = arith.shli %get3A_399, %shift_left3A_401 : vector<16xi32>
      %bitcast_convert_type3A_403 = tpu.bitcast %shift_left3A_402 : vector<16xi32> -> vector<16xf32>
      %and3A_404 = arith.constant -65536 : i32
      %and3A_405 = vector.broadcast %and3A_404 : i32 to vector<16xi32>
      %and3A_406 = arith.andi %get3A_399, %and3A_405 : vector<16xi32>
      %bitcast_convert_type3A_407 = tpu.bitcast %and3A_406 : vector<16xi32> -> vector<16xf32>
      %add3A_408 = arith.addf %add3A_352, %bitcast_convert_type3A_403 : vector<16xf32>
      %add3A_409 = arith.addf %add3A_353, %bitcast_convert_type3A_407 : vector<16xf32>
      %get3A_410 = arith.index_cast %add3A_383 : i32 to index
      %get3A_411 = arith.constant 32 : index
      %get3A_412 = tpu.vector_load %arg6[%get3A_410, %get3A_411] {strides = array<i32>} : memref<200x64xi32, #tpu.memory_space<vmem>>, vector<16xi32>,
      %shift_left3A_413 = arith.constant 16 : i32
      %shift_left3A_414 = vector.broadcast %shift_left3A_413 : i32 to vector<16xi32>
      %shift_left3A_415 = arith.shli %get3A_412, %shift_left3A_414 : vector<16xi32>
      %bitcast_convert_type3A_416 = tpu.bitcast %shift_left3A_415 : vector<16xi32> -> vector<16xf32>
      %and3A_417 = arith.constant -65536 : i32
      %and3A_418 = vector.broadcast %and3A_417 : i32 to vector<16xi32>
      %and3A_419 = arith.andi %get3A_412, %and3A_418 : vector<16xi32>
      %bitcast_convert_type3A_420 = tpu.bitcast %and3A_419 : vector<16xi32> -> vector<16xf32>
      %add3A_421 = arith.addf %add3A_365, %bitcast_convert_type3A_416 : vector<16xf32>
      %add3A_422 = arith.addf %add3A_366, %bitcast_convert_type3A_420 : vector<16xf32>
      %get3A_423 = arith.index_cast %add3A_383 : i32 to index
      %get3A_424 = arith.constant 48 : index
      %get3A_425 = tpu.vector_load %arg6[%get3A_423, %get3A_424] {strides = array<i32>} : memref<200x64xi32, #tpu.memory_space<vmem>>, vector<16xi32>,
      %shift_left3A_426 = arith.constant 16 : i32
      %shift_left3A_427 = vector.broadcast %shift_left3A_426 : i32 to vector<16xi32>
      %shift_left3A_428 = arith.shli %get3A_425, %shift_left3A_427 : vector<16xi32>
      %bitcast_convert_type3A_429 = tpu.bitcast %shift_left3A_428 : vector<16xi32> -> vector<16xf32>
      %and3A_430 = arith.constant -65536 : i32
      %and3A_431 = vector.broadcast %and3A_430 : i32 to vector<16xi32>
      %and3A_432 = arith.andi %get3A_425, %and3A_431 : vector<16xi32>
      %bitcast_convert_type3A_433 = tpu.bitcast %and3A_432 : vector<16xi32> -> vector<16xf32>
      %add3A_434 = arith.addf %add3A_378, %bitcast_convert_type3A_429 : vector<16xf32>
      %add3A_435 = arith.addf %add3A_379, %bitcast_convert_type3A_433 : vector<16xf32>
      %mul3A_436 = arith.constant 8 : i32
      %mul3A_437 = arith.muli %scan3A_319, %mul3A_436 : i32
      %add3A_438 = arith.constant 2 : i32
      %add3A_439 = arith.addi %mul3A_437, %add3A_438 : i32
      %get3A_440 = arith.index_cast %add3A_439 : i32 to index
      %get3A_441 = arith.constant 0 : index
      %get3A_442 = tpu.vector_load %arg6[%get3A_440, %get3A_441] {strides = array<i32>} : memref<200x64xi32, #tpu.memory_space<vmem>>, vector<16xi32>,
      %shift_left3A_443 = arith.constant 16 : i32
      %shift_left3A_444 = vector.broadcast %shift_left3A_443 : i32 to vector<16xi32>
      %shift_left3A_445 = arith.shli %get3A_442, %shift_left3A_444 : vector<16xi32>
      %bitcast_convert_type3A_446 = tpu.bitcast %shift_left3A_445 : vector<16xi32> -> vector<16xf32>
      %and3A_447 = arith.constant -65536 : i32
      %and3A_448 = vector.broadcast %and3A_447 : i32 to vector<16xi32>
      %and3A_449 = arith.andi %get3A_442, %and3A_448 : vector<16xi32>
      %bitcast_convert_type3A_450 = tpu.bitcast %and3A_449 : vector<16xi32> -> vector<16xf32>
      %add3A_451 = arith.addf %add3A_395, %bitcast_convert_type3A_446 : vector<16xf32>
      %add3A_452 = arith.addf %add3A_396, %bitcast_convert_type3A_450 : vector<16xf32>
      %get3A_453 = arith.index_cast %add3A_439 : i32 to index
      %get3A_454 = arith.constant 16 : index
      %get3A_455 = tpu.vector_load %arg6[%get3A_453, %get3A_454] {strides = array<i32>} : memref<200x64xi32, #tpu.memory_space<vmem>>, vector<16xi32>,
      %shift_left3A_456 = arith.constant 16 : i32
      %shift_left3A_457 = vector.broadcast %shift_left3A_456 : i32 to vector<16xi32>
      %shift_left3A_458 = arith.shli %get3A_455, %shift_left3A_457 : vector<16xi32>
      %bitcast_convert_type3A_459 = tpu.bitcast %shift_left3A_458 : vector<16xi32> -> vector<16xf32>
      %and3A_460 = arith.constant -65536 : i32
      %and3A_461 = vector.broadcast %and3A_460 : i32 to vector<16xi32>
      %and3A_462 = arith.andi %get3A_455, %and3A_461 : vector<16xi32>
      %bitcast_convert_type3A_463 = tpu.bitcast %and3A_462 : vector<16xi32> -> vector<16xf32>
      %add3A_464 = arith.addf %add3A_408, %bitcast_convert_type3A_459 : vector<16xf32>
      %add3A_465 = arith.addf %add3A_409, %bitcast_convert_type3A_463 : vector<16xf32>
      %get3A_466 = arith.index_cast %add3A_439 : i32 to index
      %get3A_467 = arith.constant 32 : index
      %get3A_468 = tpu.vector_load %arg6[%get3A_466, %get3A_467] {strides = array<i32>} : memref<200x64xi32, #tpu.memory_space<vmem>>, vector<16xi32>,
      %shift_left3A_469 = arith.constant 16 : i32
      %shift_left3A_470 = vector.broadcast %shift_left3A_469 : i32 to vector<16xi32>
      %shift_left3A_471 = arith.shli %get3A_468, %shift_left3A_470 : vector<16xi32>
      %bitcast_convert_type3A_472 = tpu.bitcast %shift_left3A_471 : vector<16xi32> -> vector<16xf32>
      %and3A_473 = arith.constant -65536 : i32
      %and3A_474 = vector.broadcast %and3A_473 : i32 to vector<16xi32>
      %and3A_475 = arith.andi %get3A_468, %and3A_474 : vector<16xi32>
      %bitcast_convert_type3A_476 = tpu.bitcast %and3A_475 : vector<16xi32> -> vector<16xf32>
      %add3A_477 = arith.addf %add3A_421, %bitcast_convert_type3A_472 : vector<16xf32>
      %add3A_478 = arith.addf %add3A_422, %bitcast_convert_type3A_476 : vector<16xf32>
      %get3A_479 = arith.index_cast %add3A_439 : i32 to index
      %get3A_480 = arith.constant 48 : index
      %get3A_481 = tpu.vector_load %arg6[%get3A_479, %get3A_480] {strides = array<i32>} : memref<200x64xi32, #tpu.memory_space<vmem>>, vector<16xi32>,
      %shift_left3A_482 = arith.constant 16 : i32
      %shift_left3A_483 = vector.broadcast %shift_left3A_482 : i32 to vector<16xi32>
      %shift_left3A_484 = arith.shli %get3A_481, %shift_left3A_483 : vector<16xi32>
      %bitcast_convert_type3A_485 = tpu.bitcast %shift_left3A_484 : vector<16xi32> -> vector<16xf32>
      %and3A_486 = arith.constant -65536 : i32
      %and3A_487 = vector.broadcast %and3A_486 : i32 to vector<16xi32>
      %and3A_488 = arith.andi %get3A_481, %and3A_487 : vector<16xi32>
      %bitcast_convert_type3A_489 = tpu.bitcast %and3A_488 : vector<16xi32> -> vector<16xf32>
      %add3A_490 = arith.addf %add3A_434, %bitcast_convert_type3A_485 : vector<16xf32>
      %add3A_491 = arith.addf %add3A_435, %bitcast_convert_type3A_489 : vector<16xf32>
      %mul3A_492 = arith.constant 8 : i32
      %mul3A_493 = arith.muli %scan3A_319, %mul3A_492 : i32
      %add3A_494 = arith.constant 3 : i32
      %add3A_495 = arith.addi %mul3A_493, %add3A_494 : i32
      %get3A_496 = arith.index_cast %add3A_495 : i32 to index
      %get3A_497 = arith.constant 0 : index
      %get3A_498 = tpu.vector_load %arg6[%get3A_496, %get3A_497] {strides = array<i32>} : memref<200x64xi32, #tpu.memory_space<vmem>>, vector<16xi32>,
      %shift_left3A_499 = arith.constant 16 : i32
      %shift_left3A_500 = vector.broadcast %shift_left3A_499 : i32 to vector<16xi32>
      %shift_left3A_501 = arith.shli %get3A_498, %shift_left3A_500 : vector<16xi32>
      %bitcast_convert_type3A_502 = tpu.bitcast %shift_left3A_501 : vector<16xi32> -> vector<16xf32>
      %and3A_503 = arith.constant -65536 : i32
      %and3A_504 = vector.broadcast %and3A_503 : i32 to vector<16xi32>
      %and3A_505 = arith.andi %get3A_498, %and3A_504 : vector<16xi32>
      %bitcast_convert_type3A_506 = tpu.bitcast %and3A_505 : vector<16xi32> -> vector<16xf32>
      %add3A_507 = arith.addf %add3A_451, %bitcast_convert_type3A_502 : vector<16xf32>
      %add3A_508 = arith.addf %add3A_452, %bitcast_convert_type3A_506 : vector<16xf32>
      %get3A_509 = arith.index_cast %add3A_495 : i32 to index
      %get3A_510 = arith.constant 16 : index
      %get3A_511 = tpu.vector_load %arg6[%get3A_509, %get3A_510] {strides = array<i32>} : memref<200x64xi32, #tpu.memory_space<vmem>>, vector<16xi32>,
      %shift_left3A_512 = arith.constant 16 : i32
      %shift_left3A_513 = vector.broadcast %shift_left3A_512 : i32 to vector<16xi32>
      %shift_left3A_514 = arith.shli %get3A_511, %shift_left3A_513 : vector<16xi32>
      %bitcast_convert_type3A_515 = tpu.bitcast %shift_left3A_514 : vector<16xi32> -> vector<16xf32>
      %and3A_516 = arith.constant -65536 : i32
      %and3A_517 = vector.broadcast %and3A_516 : i32 to vector<16xi32>
      %and3A_518 = arith.andi %get3A_511, %and3A_517 : vector<16xi32>
      %bitcast_convert_type3A_519 = tpu.bitcast %and3A_518 : vector<16xi32> -> vector<16xf32>
      %add3A_520 = arith.addf %add3A_464, %bitcast_convert_type3A_515 : vector<16xf32>
      %add3A_521 = arith.addf %add3A_465, %bitcast_convert_type3A_519 : vector<16xf32>
      %get3A_522 = arith.index_cast %add3A_495 : i32 to index
      %get3A_523 = arith.constant 32 : index
      %get3A_524 = tpu.vector_load %arg6[%get3A_522, %get3A_523] {strides = array<i32>} : memref<200x64xi32, #tpu.memory_space<vmem>>, vector<16xi32>,
      %shift_left3A_525 = arith.constant 16 : i32
      %shift_left3A_526 = vector.broadcast %shift_left3A_525 : i32 to vector<16xi32>
      %shift_left3A_527 = arith.shli %get3A_524, %shift_left3A_526 : vector<16xi32>
      %bitcast_convert_type3A_528 = tpu.bitcast %shift_left3A_527 : vector<16xi32> -> vector<16xf32>
      %and3A_529 = arith.constant -65536 : i32
      %and3A_530 = vector.broadcast %and3A_529 : i32 to vector<16xi32>
      %and3A_531 = arith.andi %get3A_524, %and3A_530 : vector<16xi32>
      %bitcast_convert_type3A_532 = tpu.bitcast %and3A_531 : vector<16xi32> -> vector<16xf32>
      %add3A_533 = arith.addf %add3A_477, %bitcast_convert_type3A_528 : vector<16xf32>
      %add3A_534 = arith.addf %add3A_478, %bitcast_convert_type3A_532 : vector<16xf32>
      %get3A_535 = arith.index_cast %add3A_495 : i32 to index
      %get3A_536 = arith.constant 48 : index
      %get3A_537 = tpu.vector_load %arg6[%get3A_535, %get3A_536] {strides = array<i32>} : memref<200x64xi32, #tpu.memory_space<vmem>>, vector<16xi32>,
      %shift_left3A_538 = arith.constant 16 : i32
      %shift_left3A_539 = vector.broadcast %shift_left3A_538 : i32 to vector<16xi32>
      %shift_left3A_540 = arith.shli %get3A_537, %shift_left3A_539 : vector<16xi32>
      %bitcast_convert_type3A_541 = tpu.bitcast %shift_left3A_540 : vector<16xi32> -> vector<16xf32>
      %and3A_542 = arith.constant -65536 : i32
      %and3A_543 = vector.broadcast %and3A_542 : i32 to vector<16xi32>
      %and3A_544 = arith.andi %get3A_537, %and3A_543 : vector<16xi32>
      %bitcast_convert_type3A_545 = tpu.bitcast %and3A_544 : vector<16xi32> -> vector<16xf32>
      %add3A_546 = arith.addf %add3A_490, %bitcast_convert_type3A_541 : vector<16xf32>
      %add3A_547 = arith.addf %add3A_491, %bitcast_convert_type3A_545 : vector<16xf32>
      %mul3A_548 = arith.constant 8 : i32
      %mul3A_549 = arith.muli %scan3A_319, %mul3A_548 : i32
      %add3A_550 = arith.constant 4 : i32
      %add3A_551 = arith.addi %mul3A_549, %add3A_550 : i32
      %get3A_552 = arith.index_cast %add3A_551 : i32 to index
      %get3A_553 = arith.constant 0 : index
      %get3A_554 = tpu.vector_load %arg6[%get3A_552, %get3A_553] {strides = array<i32>} : memref<200x64xi32, #tpu.memory_space<vmem>>, vector<16xi32>,
      %shift_left3A_555 = arith.constant 16 : i32
      %shift_left3A_556 = vector.broadcast %shift_left3A_555 : i32 to vector<16xi32>
      %shift_left3A_557 = arith.shli %get3A_554, %shift_left3A_556 : vector<16xi32>
      %bitcast_convert_type3A_558 = tpu.bitcast %shift_left3A_557 : vector<16xi32> -> vector<16xf32>
      %and3A_559 = arith.constant -65536 : i32
      %and3A_560 = vector.broadcast %and3A_559 : i32 to vector<16xi32>
      %and3A_561 = arith.andi %get3A_554, %and3A_560 : vector<16xi32>
      %bitcast_convert_type3A_562 = tpu.bitcast %and3A_561 : vector<16xi32> -> vector<16xf32>
      %add3A_563 = arith.addf %add3A_507, %bitcast_convert_type3A_558 : vector<16xf32>
      %add3A_564 = arith.addf %add3A_508, %bitcast_convert_type3A_562 : vector<16xf32>
      %get3A_565 = arith.index_cast %add3A_551 : i32 to index
      %get3A_566 = arith.constant 16 : index
      %get3A_567 = tpu.vector_load %arg6[%get3A_565, %get3A_566] {strides = array<i32>} : memref<200x64xi32, #tpu.memory_space<vmem>>, vector<16xi32>,
      %shift_left3A_568 = arith.constant 16 : i32
      %shift_left3A_569 = vector.broadcast %shift_left3A_568 : i32 to vector<16xi32>
      %shift_left3A_570 = arith.shli %get3A_567, %shift_left3A_569 : vector<16xi32>
      %bitcast_convert_type3A_571 = tpu.bitcast %shift_left3A_570 : vector<16xi32> -> vector<16xf32>
      %and3A_572 = arith.constant -65536 : i32
      %and3A_573 = vector.broadcast %and3A_572 : i32 to vector<16xi32>
      %and3A_574 = arith.andi %get3A_567, %and3A_573 : vector<16xi32>
      %bitcast_convert_type3A_575 = tpu.bitcast %and3A_574 : vector<16xi32> -> vector<16xf32>
      %add3A_576 = arith.addf %add3A_520, %bitcast_convert_type3A_571 : vector<16xf32>
      %add3A_577 = arith.addf %add3A_521, %bitcast_convert_type3A_575 : vector<16xf32>
      %get3A_578 = arith.index_cast %add3A_551 : i32 to index
      %get3A_579 = arith.constant 32 : index
      %get3A_580 = tpu.vector_load %arg6[%get3A_578, %get3A_579] {strides = array<i32>} : memref<200x64xi32, #tpu.memory_space<vmem>>, vector<16xi32>,
      %shift_left3A_581 = arith.constant 16 : i32
      %shift_left3A_582 = vector.broadcast %shift_left3A_581 : i32 to vector<16xi32>
      %shift_left3A_583 = arith.shli %get3A_580, %shift_left3A_582 : vector<16xi32>
      %bitcast_convert_type3A_584 = tpu.bitcast %shift_left3A_583 : vector<16xi32> -> vector<16xf32>
      %and3A_585 = arith.constant -65536 : i32
      %and3A_586 = vector.broadcast %and3A_585 : i32 to vector<16xi32>
      %and3A_587 = arith.andi %get3A_580, %and3A_586 : vector<16xi32>
      %bitcast_convert_type3A_588 = tpu.bitcast %and3A_587 : vector<16xi32> -> vector<16xf32>
      %add3A_589 = arith.addf %add3A_533, %bitcast_convert_type3A_584 : vector<16xf32>
      %add3A_590 = arith.addf %add3A_534, %bitcast_convert_type3A_588 : vector<16xf32>
      %get3A_591 = arith.index_cast %add3A_551 : i32 to index
      %get3A_592 = arith.constant 48 : index
      %get3A_593 = tpu.vector_load %arg6[%get3A_591, %get3A_592] {strides = array<i32>} : memref<200x64xi32, #tpu.memory_space<vmem>>, vector<16xi32>,
      %shift_left3A_594 = arith.constant 16 : i32
      %shift_left3A_595 = vector.broadcast %shift_left3A_594 : i32 to vector<16xi32>
      %shift_left3A_596 = arith.shli %get3A_593, %shift_left3A_595 : vector<16xi32>
      %bitcast_convert_type3A_597 = tpu.bitcast %shift_left3A_596 : vector<16xi32> -> vector<16xf32>
      %and3A_598 = arith.constant -65536 : i32
      %and3A_599 = vector.broadcast %and3A_598 : i32 to vector<16xi32>
      %and3A_600 = arith.andi %get3A_593, %and3A_599 : vector<16xi32>
      %bitcast_convert_type3A_601 = tpu.bitcast %and3A_600 : vector<16xi32> -> vector<16xf32>
      %add3A_602 = arith.addf %add3A_546, %bitcast_convert_type3A_597 : vector<16xf32>
      %add3A_603 = arith.addf %add3A_547, %bitcast_convert_type3A_601 : vector<16xf32>
      %mul3A_604 = arith.constant 8 : i32
      %mul3A_605 = arith.muli %scan3A_319, %mul3A_604 : i32
      %add3A_606 = arith.constant 5 : i32
      %add3A_607 = arith.addi %mul3A_605, %add3A_606 : i32
      %get3A_608 = arith.index_cast %add3A_607 : i32 to index
      %get3A_609 = arith.constant 0 : index
      %get3A_610 = tpu.vector_load %arg6[%get3A_608, %get3A_609] {strides = array<i32>} : memref<200x64xi32, #tpu.memory_space<vmem>>, vector<16xi32>,
      %shift_left3A_611 = arith.constant 16 : i32
      %shift_left3A_612 = vector.broadcast %shift_left3A_611 : i32 to vector<16xi32>
      %shift_left3A_613 = arith.shli %get3A_610, %shift_left3A_612 : vector<16xi32>
      %bitcast_convert_type3A_614 = tpu.bitcast %shift_left3A_613 : vector<16xi32> -> vector<16xf32>
      %and3A_615 = arith.constant -65536 : i32
      %and3A_616 = vector.broadcast %and3A_615 : i32 to vector<16xi32>
      %and3A_617 = arith.andi %get3A_610, %and3A_616 : vector<16xi32>
      %bitcast_convert_type3A_618 = tpu.bitcast %and3A_617 : vector<16xi32> -> vector<16xf32>
      %add3A_619 = arith.addf %add3A_563, %bitcast_convert_type3A_614 : vector<16xf32>
      %add3A_620 = arith.addf %add3A_564, %bitcast_convert_type3A_618 : vector<16xf32>
      %get3A_621 = arith.index_cast %add3A_607 : i32 to index
      %get3A_622 = arith.constant 16 : index
      %get3A_623 = tpu.vector_load %arg6[%get3A_621, %get3A_622] {strides = array<i32>} : memref<200x64xi32, #tpu.memory_space<vmem>>, vector<16xi32>,
      %shift_left3A_624 = arith.constant 16 : i32
      %shift_left3A_625 = vector.broadcast %shift_left3A_624 : i32 to vector<16xi32>
      %shift_left3A_626 = arith.shli %get3A_623, %shift_left3A_625 : vector<16xi32>
      %bitcast_convert_type3A_627 = tpu.bitcast %shift_left3A_626 : vector<16xi32> -> vector<16xf32>
      %and3A_628 = arith.constant -65536 : i32
      %and3A_629 = vector.broadcast %and3A_628 : i32 to vector<16xi32>
      %and3A_630 = arith.andi %get3A_623, %and3A_629 : vector<16xi32>
      %bitcast_convert_type3A_631 = tpu.bitcast %and3A_630 : vector<16xi32> -> vector<16xf32>
      %add3A_632 = arith.addf %add3A_576, %bitcast_convert_type3A_627 : vector<16xf32>
      %add3A_633 = arith.addf %add3A_577, %bitcast_convert_type3A_631 : vector<16xf32>
      %get3A_634 = arith.index_cast %add3A_607 : i32 to index
      %get3A_635 = arith.constant 32 : index
      %get3A_636 = tpu.vector_load %arg6[%get3A_634, %get3A_635] {strides = array<i32>} : memref<200x64xi32, #tpu.memory_space<vmem>>, vector<16xi32>,
      %shift_left3A_637 = arith.constant 16 : i32
      %shift_left3A_638 = vector.broadcast %shift_left3A_637 : i32 to vector<16xi32>
      %shift_left3A_639 = arith.shli %get3A_636, %shift_left3A_638 : vector<16xi32>
      %bitcast_convert_type3A_640 = tpu.bitcast %shift_left3A_639 : vector<16xi32> -> vector<16xf32>
      %and3A_641 = arith.constant -65536 : i32
      %and3A_642 = vector.broadcast %and3A_641 : i32 to vector<16xi32>
      %and3A_643 = arith.andi %get3A_636, %and3A_642 : vector<16xi32>
      %bitcast_convert_type3A_644 = tpu.bitcast %and3A_643 : vector<16xi32> -> vector<16xf32>
      %add3A_645 = arith.addf %add3A_589, %bitcast_convert_type3A_640 : vector<16xf32>
      %add3A_646 = arith.addf %add3A_590, %bitcast_convert_type3A_644 : vector<16xf32>
      %get3A_647 = arith.index_cast %add3A_607 : i32 to index
      %get3A_648 = arith.constant 48 : index
      %get3A_649 = tpu.vector_load %arg6[%get3A_647, %get3A_648] {strides = array<i32>} : memref<200x64xi32, #tpu.memory_space<vmem>>, vector<16xi32>,
      %shift_left3A_650 = arith.constant 16 : i32
      %shift_left3A_651 = vector.broadcast %shift_left3A_650 : i32 to vector<16xi32>
      %shift_left3A_652 = arith.shli %get3A_649, %shift_left3A_651 : vector<16xi32>
      %bitcast_convert_type3A_653 = tpu.bitcast %shift_left3A_652 : vector<16xi32> -> vector<16xf32>
      %and3A_654 = arith.constant -65536 : i32
      %and3A_655 = vector.broadcast %and3A_654 : i32 to vector<16xi32>
      %and3A_656 = arith.andi %get3A_649, %and3A_655 : vector<16xi32>
      %bitcast_convert_type3A_657 = tpu.bitcast %and3A_656 : vector<16xi32> -> vector<16xf32>
      %add3A_658 = arith.addf %add3A_602, %bitcast_convert_type3A_653 : vector<16xf32>
      %add3A_659 = arith.addf %add3A_603, %bitcast_convert_type3A_657 : vector<16xf32>
      %mul3A_660 = arith.constant 8 : i32
      %mul3A_661 = arith.muli %scan3A_319, %mul3A_660 : i32
      %add3A_662 = arith.constant 6 : i32
      %add3A_663 = arith.addi %mul3A_661, %add3A_662 : i32
      %get3A_664 = arith.index_cast %add3A_663 : i32 to index
      %get3A_665 = arith.constant 0 : index
      %get3A_666 = tpu.vector_load %arg6[%get3A_664, %get3A_665] {strides = array<i32>} : memref<200x64xi32, #tpu.memory_space<vmem>>, vector<16xi32>,
      %shift_left3A_667 = arith.constant 16 : i32
      %shift_left3A_668 = vector.broadcast %shift_left3A_667 : i32 to vector<16xi32>
      %shift_left3A_669 = arith.shli %get3A_666, %shift_left3A_668 : vector<16xi32>
      %bitcast_convert_type3A_670 = tpu.bitcast %shift_left3A_669 : vector<16xi32> -> vector<16xf32>
      %and3A_671 = arith.constant -65536 : i32
      %and3A_672 = vector.broadcast %and3A_671 : i32 to vector<16xi32>
      %and3A_673 = arith.andi %get3A_666, %and3A_672 : vector<16xi32>
      %bitcast_convert_type3A_674 = tpu.bitcast %and3A_673 : vector<16xi32> -> vector<16xf32>
      %add3A_675 = arith.addf %add3A_619, %bitcast_convert_type3A_670 : vector<16xf32>
      %add3A_676 = arith.addf %add3A_620, %bitcast_convert_type3A_674 : vector<16xf32>
      %get3A_677 = arith.index_cast %add3A_663 : i32 to index
      %get3A_678 = arith.constant 16 : index
      %get3A_679 = tpu.vector_load %arg6[%get3A_677, %get3A_678] {strides = array<i32>} : memref<200x64xi32, #tpu.memory_space<vmem>>, vector<16xi32>,
      %shift_left3A_680 = arith.constant 16 : i32
      %shift_left3A_681 = vector.broadcast %shift_left3A_680 : i32 to vector<16xi32>
      %shift_left3A_682 = arith.shli %get3A_679, %shift_left3A_681 : vector<16xi32>
      %bitcast_convert_type3A_683 = tpu.bitcast %shift_left3A_682 : vector<16xi32> -> vector<16xf32>
      %and3A_684 = arith.constant -65536 : i32
      %and3A_685 = vector.broadcast %and3A_684 : i32 to vector<16xi32>
      %and3A_686 = arith.andi %get3A_679, %and3A_685 : vector<16xi32>
      %bitcast_convert_type3A_687 = tpu.bitcast %and3A_686 : vector<16xi32> -> vector<16xf32>
      %add3A_688 = arith.addf %add3A_632, %bitcast_convert_type3A_683 : vector<16xf32>
      %add3A_689 = arith.addf %add3A_633, %bitcast_convert_type3A_687 : vector<16xf32>
      %get3A_690 = arith.index_cast %add3A_663 : i32 to index
      %get3A_691 = arith.constant 32 : index
      %get3A_692 = tpu.vector_load %arg6[%get3A_690, %get3A_691] {strides = array<i32>} : memref<200x64xi32, #tpu.memory_space<vmem>>, vector<16xi32>,
      %shift_left3A_693 = arith.constant 16 : i32
      %shift_left3A_694 = vector.broadcast %shift_left3A_693 : i32 to vector<16xi32>
      %shift_left3A_695 = arith.shli %get3A_692, %shift_left3A_694 : vector<16xi32>
      %bitcast_convert_type3A_696 = tpu.bitcast %shift_left3A_695 : vector<16xi32> -> vector<16xf32>
      %and3A_697 = arith.constant -65536 : i32
      %and3A_698 = vector.broadcast %and3A_697 : i32 to vector<16xi32>
      %and3A_699 = arith.andi %get3A_692, %and3A_698 : vector<16xi32>
      %bitcast_convert_type3A_700 = tpu.bitcast %and3A_699 : vector<16xi32> -> vector<16xf32>
      %add3A_701 = arith.addf %add3A_645, %bitcast_convert_type3A_696 : vector<16xf32>
      %add3A_702 = arith.addf %add3A_646, %bitcast_convert_type3A_700 : vector<16xf32>
      %get3A_703 = arith.index_cast %add3A_663 : i32 to index
      %get3A_704 = arith.constant 48 : index
      %get3A_705 = tpu.vector_load %arg6[%get3A_703, %get3A_704] {strides = array<i32>} : memref<200x64xi32, #tpu.memory_space<vmem>>, vector<16xi32>,
      %shift_left3A_706 = arith.constant 16 : i32
      %shift_left3A_707 = vector.broadcast %shift_left3A_706 : i32 to vector<16xi32>
      %shift_left3A_708 = arith.shli %get3A_705, %shift_left3A_707 : vector<16xi32>
      %bitcast_convert_type3A_709 = tpu.bitcast %shift_left3A_708 : vector<16xi32> -> vector<16xf32>
      %and3A_710 = arith.constant -65536 : i32
      %and3A_711 = vector.broadcast %and3A_710 : i32 to vector<16xi32>
      %and3A_712 = arith.andi %get3A_705, %and3A_711 : vector<16xi32>
      %bitcast_convert_type3A_713 = tpu.bitcast %and3A_712 : vector<16xi32> -> vector<16xf32>
      %add3A_714 = arith.addf %add3A_658, %bitcast_convert_type3A_709 : vector<16xf32>
      %add3A_715 = arith.addf %add3A_659, %bitcast_convert_type3A_713 : vector<16xf32>
      %mul3A_716 = arith.constant 8 : i32
      %mul3A_717 = arith.muli %scan3A_319, %mul3A_716 : i32
      %add3A_718 = arith.constant 7 : i32
      %add3A_719 = arith.addi %mul3A_717, %add3A_718 : i32
      %get3A_720 = arith.index_cast %add3A_719 : i32 to index
      %get3A_721 = arith.constant 0 : index
      %get3A_722 = tpu.vector_load %arg6[%get3A_720, %get3A_721] {strides = array<i32>} : memref<200x64xi32, #tpu.memory_space<vmem>>, vector<16xi32>,
      %shift_left3A_723 = arith.constant 16 : i32
      %shift_left3A_724 = vector.broadcast %shift_left3A_723 : i32 to vector<16xi32>
      %shift_left3A_725 = arith.shli %get3A_722, %shift_left3A_724 : vector<16xi32>
      %bitcast_convert_type3A_726 = tpu.bitcast %shift_left3A_725 : vector<16xi32> -> vector<16xf32>
      %and3A_727 = arith.constant -65536 : i32
      %and3A_728 = vector.broadcast %and3A_727 : i32 to vector<16xi32>
      %and3A_729 = arith.andi %get3A_722, %and3A_728 : vector<16xi32>
      %bitcast_convert_type3A_730 = tpu.bitcast %and3A_729 : vector<16xi32> -> vector<16xf32>
      %add3A_731 = arith.addf %add3A_675, %bitcast_convert_type3A_726 : vector<16xf32>
      %add3A_732 = arith.addf %add3A_676, %bitcast_convert_type3A_730 : vector<16xf32>
      %get3A_733 = arith.index_cast %add3A_719 : i32 to index
      %get3A_734 = arith.constant 16 : index
      %get3A_735 = tpu.vector_load %arg6[%get3A_733, %get3A_734] {strides = array<i32>} : memref<200x64xi32, #tpu.memory_space<vmem>>, vector<16xi32>,
      %shift_left3A_736 = arith.constant 16 : i32
      %shift_left3A_737 = vector.broadcast %shift_left3A_736 : i32 to vector<16xi32>
      %shift_left3A_738 = arith.shli %get3A_735, %shift_left3A_737 : vector<16xi32>
      %bitcast_convert_type3A_739 = tpu.bitcast %shift_left3A_738 : vector<16xi32> -> vector<16xf32>
      %and3A_740 = arith.constant -65536 : i32
      %and3A_741 = vector.broadcast %and3A_740 : i32 to vector<16xi32>
      %and3A_742 = arith.andi %get3A_735, %and3A_741 : vector<16xi32>
      %bitcast_convert_type3A_743 = tpu.bitcast %and3A_742 : vector<16xi32> -> vector<16xf32>
      %add3A_744 = arith.addf %add3A_688, %bitcast_convert_type3A_739 : vector<16xf32>
      %add3A_745 = arith.addf %add3A_689, %bitcast_convert_type3A_743 : vector<16xf32>
      %get3A_746 = arith.index_cast %add3A_719 : i32 to index
      %get3A_747 = arith.constant 32 : index
      %get3A_748 = tpu.vector_load %arg6[%get3A_746, %get3A_747] {strides = array<i32>} : memref<200x64xi32, #tpu.memory_space<vmem>>, vector<16xi32>,
      %shift_left3A_749 = arith.constant 16 : i32
      %shift_left3A_750 = vector.broadcast %shift_left3A_749 : i32 to vector<16xi32>
      %shift_left3A_751 = arith.shli %get3A_748, %shift_left3A_750 : vector<16xi32>
      %bitcast_convert_type3A_752 = tpu.bitcast %shift_left3A_751 : vector<16xi32> -> vector<16xf32>
      %and3A_753 = arith.constant -65536 : i32
      %and3A_754 = vector.broadcast %and3A_753 : i32 to vector<16xi32>
      %and3A_755 = arith.andi %get3A_748, %and3A_754 : vector<16xi32>
      %bitcast_convert_type3A_756 = tpu.bitcast %and3A_755 : vector<16xi32> -> vector<16xf32>
      %add3A_757 = arith.addf %add3A_701, %bitcast_convert_type3A_752 : vector<16xf32>
      %add3A_758 = arith.addf %add3A_702, %bitcast_convert_type3A_756 : vector<16xf32>
      %get3A_759 = arith.index_cast %add3A_719 : i32 to index
      %get3A_760 = arith.constant 48 : index
      %get3A_761 = tpu.vector_load %arg6[%get3A_759, %get3A_760] {strides = array<i32>} : memref<200x64xi32, #tpu.memory_space<vmem>>, vector<16xi32>,
      %shift_left3A_762 = arith.constant 16 : i32
      %shift_left3A_763 = vector.broadcast %shift_left3A_762 : i32 to vector<16xi32>
      %shift_left3A_764 = arith.shli %get3A_761, %shift_left3A_763 : vector<16xi32>
      %bitcast_convert_type3A_765 = tpu.bitcast %shift_left3A_764 : vector<16xi32> -> vector<16xf32>
      %and3A_766 = arith.constant -65536 : i32
      %and3A_767 = vector.broadcast %and3A_766 : i32 to vector<16xi32>
      %and3A_768 = arith.andi %get3A_761, %and3A_767 : vector<16xi32>
      %bitcast_convert_type3A_769 = tpu.bitcast %and3A_768 : vector<16xi32> -> vector<16xf32>
      %add3A_770 = arith.addf %add3A_714, %bitcast_convert_type3A_765 : vector<16xf32>
      %add3A_771 = arith.addf %add3A_715, %bitcast_convert_type3A_769 : vector<16xf32>
      scf.yield %add3A_731, %add3A_744, %add3A_757, %add3A_770, %add3A_732, %add3A_745, %add3A_758, %add3A_771 : vector<16xf32>, vector<16xf32>, vector<16xf32>, vector<16xf32>, vector<16xf32>, vector<16xf32>, vector<16xf32>, vector<16xf32>
    }
    %scan3A_87 = arith.constant 25 : i32
    %mul3A_88 = arith.constant 5.000000e-03 : f32
    %mul3A_89 = vector.broadcast %mul3A_88 : f32 to vector<16xf32>
    %mul3A_90 = arith.mulf %scan3A_86#0, %mul3A_89 : vector<16xf32>
    %swap3A = arith.constant 125 : i32
    %swap3A_91 = arith.index_cast %swap3A : i32 to index
    %swap3A_92 = arith.constant 0 : index
    %swap3A_93 = tpu.vector_load %arg11[%swap3A_91, %swap3A_92] {strides = array<i32>} : memref<128x128xf32, #tpu.memory_space<vmem>>, vector<16xf32>,
    tpu.vector_store %arg11[%swap3A_91, %swap3A_92], %mul3A_90 {strides = array<i32>} : memref<128x128xf32, #tpu.memory_space<vmem>>, vector<16xf32>,
    %mul3A_94 = arith.constant 5.000000e-03 : f32
    %mul3A_95 = vector.broadcast %mul3A_94 : f32 to vector<16xf32>
    %mul3A_96 = arith.mulf %scan3A_86#1, %mul3A_95 : vector<16xf32>
    %swap3A_97 = arith.constant 125 : i32
    %swap3A_98 = arith.index_cast %swap3A_97 : i32 to index
    %swap3A_99 = arith.constant 16 : index
    %swap3A_100 = tpu.vector_load %arg11[%swap3A_98, %swap3A_99] {strides = array<i32>} : memref<128x128xf32, #tpu.memory_space<vmem>>, vector<16xf32>,
    tpu.vector_store %arg11[%swap3A_98, %swap3A_99], %mul3A_96 {strides = array<i32>} : memref<128x128xf32, #tpu.memory_space<vmem>>, vector<16xf32>,
    %mul3A_101 = arith.constant 5.000000e-03 : f32
    %mul3A_102 = vector.broadcast %mul3A_101 : f32 to vector<16xf32>
    %mul3A_103 = arith.mulf %scan3A_86#2, %mul3A_102 : vector<16xf32>
    %swap3A_104 = arith.constant 125 : i32
    %swap3A_105 = arith.index_cast %swap3A_104 : i32 to index
    %swap3A_106 = arith.constant 32 : index
    %swap3A_107 = tpu.vector_load %arg11[%swap3A_105, %swap3A_106] {strides = array<i32>} : memref<128x128xf32, #tpu.memory_space<vmem>>, vector<16xf32>,
    tpu.vector_store %arg11[%swap3A_105, %swap3A_106], %mul3A_103 {strides = array<i32>} : memref<128x128xf32, #tpu.memory_space<vmem>>, vector<16xf32>,
    %mul3A_108 = arith.constant 5.000000e-03 : f32
    %mul3A_109 = vector.broadcast %mul3A_108 : f32 to vector<16xf32>
    %mul3A_110 = arith.mulf %scan3A_86#3, %mul3A_109 : vector<16xf32>
    %swap3A_111 = arith.constant 125 : i32
    %swap3A_112 = arith.index_cast %swap3A_111 : i32 to index
    %swap3A_113 = arith.constant 48 : index
    %swap3A_114 = tpu.vector_load %arg11[%swap3A_112, %swap3A_113] {strides = array<i32>} : memref<128x128xf32, #tpu.memory_space<vmem>>, vector<16xf32>,
    tpu.vector_store %arg11[%swap3A_112, %swap3A_113], %mul3A_110 {strides = array<i32>} : memref<128x128xf32, #tpu.memory_space<vmem>>, vector<16xf32>,
    %mul3A_115 = arith.constant 5.000000e-03 : f32
    %mul3A_116 = vector.broadcast %mul3A_115 : f32 to vector<16xf32>
    %mul3A_117 = arith.mulf %scan3A_86#4, %mul3A_116 : vector<16xf32>
    %swap3A_118 = arith.constant 125 : i32
    %swap3A_119 = arith.index_cast %swap3A_118 : i32 to index
    %swap3A_120 = arith.constant 64 : index
    %swap3A_121 = tpu.vector_load %arg11[%swap3A_119, %swap3A_120] {strides = array<i32>} : memref<128x128xf32, #tpu.memory_space<vmem>>, vector<16xf32>,
    tpu.vector_store %arg11[%swap3A_119, %swap3A_120], %mul3A_117 {strides = array<i32>} : memref<128x128xf32, #tpu.memory_space<vmem>>, vector<16xf32>,
    %mul3A_122 = arith.constant 5.000000e-03 : f32
    %mul3A_123 = vector.broadcast %mul3A_122 : f32 to vector<16xf32>
    %mul3A_124 = arith.mulf %scan3A_86#5, %mul3A_123 : vector<16xf32>
    %swap3A_125 = arith.constant 125 : i32
    %swap3A_126 = arith.index_cast %swap3A_125 : i32 to index
    %swap3A_127 = arith.constant 80 : index
    %swap3A_128 = tpu.vector_load %arg11[%swap3A_126, %swap3A_127] {strides = array<i32>} : memref<128x128xf32, #tpu.memory_space<vmem>>, vector<16xf32>,
    tpu.vector_store %arg11[%swap3A_126, %swap3A_127], %mul3A_124 {strides = array<i32>} : memref<128x128xf32, #tpu.memory_space<vmem>>, vector<16xf32>,
    %mul3A_129 = arith.constant 5.000000e-03 : f32
    %mul3A_130 = vector.broadcast %mul3A_129 : f32 to vector<16xf32>
    %mul3A_131 = arith.mulf %scan3A_86#6, %mul3A_130 : vector<16xf32>
    %swap3A_132 = arith.constant 125 : i32
    %swap3A_133 = arith.index_cast %swap3A_132 : i32 to index
    %swap3A_134 = arith.constant 96 : index
    %swap3A_135 = tpu.vector_load %arg11[%swap3A_133, %swap3A_134] {strides = array<i32>} : memref<128x128xf32, #tpu.memory_space<vmem>>, vector<16xf32>,
    tpu.vector_store %arg11[%swap3A_133, %swap3A_134], %mul3A_131 {strides = array<i32>} : memref<128x128xf32, #tpu.memory_space<vmem>>, vector<16xf32>,
    %mul3A_136 = arith.constant 5.000000e-03 : f32
    %mul3A_137 = vector.broadcast %mul3A_136 : f32 to vector<16xf32>
    %mul3A_138 = arith.mulf %scan3A_86#7, %mul3A_137 : vector<16xf32>
    %swap3A_139 = arith.constant 125 : i32
    %swap3A_140 = arith.index_cast %swap3A_139 : i32 to index
    %swap3A_141 = arith.constant 112 : index
    %swap3A_142 = tpu.vector_load %arg11[%swap3A_140, %swap3A_141] {strides = array<i32>} : memref<128x128xf32, #tpu.memory_space<vmem>>, vector<16xf32>,
    tpu.vector_store %arg11[%swap3A_140, %swap3A_141], %mul3A_138 {strides = array<i32>} : memref<128x128xf32, #tpu.memory_space<vmem>>, vector<16xf32>,
    %dma_wait3A_143 = arith.constant 126 : i32
    %dma_wait3A_144 = arith.constant 0 : i32
    %dma_wait3A_145 = arith.constant 0 : i32
    %dma_wait3A_146 = tpu.memref_slice %arg7[%dma_wait3A_144, %dma_wait3A_145] : memref<200x64xi32, #tpu.memory_space<vmem>> -> memref<200x64xi32, #tpu.memory_space<vmem>>
    %dma_wait3A_147 = arith.constant 0 : i32
    %dma_wait3A_148 = tpu.memref_slice %arg5[%dma_wait3A_143, %dma_wait3A_147] : memref<128x200xi32, #tpu.memory_space<vmem>> -> memref<1x200xi32, #tpu.memory_space<vmem>>
    %dma_wait3A_149 = tpu.memref_squeeze %dma_wait3A_148 : memref<1x200xi32, #tpu.memory_space<vmem>> -> memref<200xi32, #tpu.memory_space<vmem>>
    %dma_wait3A_150 = arith.constant 0 : i32
    %dma_wait3A_151 = arith.constant 0 : i32
    %dma_wait3A_152 = tpu.memref_slice %arg3[%dma_wait3A_150, %dma_wait3A_151] : memref<30522x64xi32, #tpu.memory_space<hbm>> -> memref<30522x64xi32, #tpu.memory_space<hbm>>
    tpu.wait_indirect_dma semaphore(%arg13 : memref<!tpu.dma_semaphore, #tpu.memory_space<semaphore_mem>>) src(%dma_wait3A_152 : memref<30522x64xi32, #tpu.memory_space<hbm>>) dst(%dma_wait3A_146 : memref<200x64xi32, #tpu.memory_space<vmem>>)
    %broadcast_in_dim3A_153 = arith.constant 0.000000e+00 : f32
    %broadcast_in_dim3A_154 = vector.broadcast %broadcast_in_dim3A_153 : f32 to vector<16xf32>
    %broadcast_in_dim3A_155 = arith.constant 0.000000e+00 : f32
    %broadcast_in_dim3A_156 = vector.broadcast %broadcast_in_dim3A_155 : f32 to vector<16xf32>
    %broadcast_in_dim3A_157 = arith.constant 0.000000e+00 : f32
    %broadcast_in_dim3A_158 = vector.broadcast %broadcast_in_dim3A_157 : f32 to vector<16xf32>
    %broadcast_in_dim3A_159 = arith.constant 0.000000e+00 : f32
    %broadcast_in_dim3A_160 = vector.broadcast %broadcast_in_dim3A_159 : f32 to vector<16xf32>
    %broadcast_in_dim3A_161 = arith.constant 0.000000e+00 : f32
    %broadcast_in_dim3A_162 = vector.broadcast %broadcast_in_dim3A_161 : f32 to vector<16xf32>
    %broadcast_in_dim3A_163 = arith.constant 0.000000e+00 : f32
    %broadcast_in_dim3A_164 = vector.broadcast %broadcast_in_dim3A_163 : f32 to vector<16xf32>
    %broadcast_in_dim3A_165 = arith.constant 0.000000e+00 : f32
    %broadcast_in_dim3A_166 = vector.broadcast %broadcast_in_dim3A_165 : f32 to vector<16xf32>
    %broadcast_in_dim3A_167 = arith.constant 0.000000e+00 : f32
    %broadcast_in_dim3A_168 = vector.broadcast %broadcast_in_dim3A_167 : f32 to vector<16xf32>
    %scan3A_169 = arith.constant 0 : i32
    %scan3A_170 = arith.constant 25 : i32
    %scan3A_171 = arith.addi %scan3A_169, %scan3A_170 : i32
    %scan3A_172 = arith.constant 1 : i32
    %scan3A_173:8 = scf.for %scan3A_319 = %scan3A_169 to %scan3A_171 step %scan3A_172 iter_args(%scan3A_320 = %broadcast_in_dim3A_154, %scan3A_321 = %broadcast_in_dim3A_156, %scan3A_322 = %broadcast_in_dim3A_158, %scan3A_323 = %broadcast_in_dim3A_160, %scan3A_324 = %broadcast_in_dim3A_162, %scan3A_325 = %broadcast_in_dim3A_164, %scan3A_326 = %broadcast_in_dim3A_166, %scan3A_327 = %broadcast_in_dim3A_168) -> (vector<16xf32>, vector<16xf32>, vector<16xf32>, vector<16xf32>, vector<16xf32>, vector<16xf32>, vector<16xf32>, vector<16xf32>)  : i32 {
      %mul3A_328 = arith.constant 8 : i32
      %mul3A_329 = arith.muli %scan3A_319, %mul3A_328 : i32
      %add3A_330 = arith.constant 0 : i32
      %add3A_331 = arith.addi %mul3A_329, %add3A_330 : i32
      %get3A = arith.index_cast %add3A_331 : i32 to index
      %get3A_332 = arith.constant 0 : index
      %get3A_333 = tpu.vector_load %arg7[%get3A, %get3A_332] {strides = array<i32>} : memref<200x64xi32, #tpu.memory_space<vmem>>, vector<16xi32>,
      %shift_left3A = arith.constant 16 : i32
      %shift_left3A_334 = vector.broadcast %shift_left3A : i32 to vector<16xi32>
      %shift_left3A_335 = arith.shli %get3A_333, %shift_left3A_334 : vector<16xi32>
      %bitcast_convert_type3A = tpu.bitcast %shift_left3A_335 : vector<16xi32> -> vector<16xf32>
      %and3A = arith.constant -65536 : i32
      %and3A_336 = vector.broadcast %and3A : i32 to vector<16xi32>
      %and3A_337 = arith.andi %get3A_333, %and3A_336 : vector<16xi32>
      %bitcast_convert_type3A_338 = tpu.bitcast %and3A_337 : vector<16xi32> -> vector<16xf32>
      %add3A_339 = arith.addf %scan3A_320, %bitcast_convert_type3A : vector<16xf32>
      %add3A_340 = arith.addf %scan3A_324, %bitcast_convert_type3A_338 : vector<16xf32>
      %get3A_341 = arith.index_cast %add3A_331 : i32 to index
      %get3A_342 = arith.constant 16 : index
      %get3A_343 = tpu.vector_load %arg7[%get3A_341, %get3A_342] {strides = array<i32>} : memref<200x64xi32, #tpu.memory_space<vmem>>, vector<16xi32>,
      %shift_left3A_344 = arith.constant 16 : i32
      %shift_left3A_345 = vector.broadcast %shift_left3A_344 : i32 to vector<16xi32>
      %shift_left3A_346 = arith.shli %get3A_343, %shift_left3A_345 : vector<16xi32>
      %bitcast_convert_type3A_347 = tpu.bitcast %shift_left3A_346 : vector<16xi32> -> vector<16xf32>
      %and3A_348 = arith.constant -65536 : i32
      %and3A_349 = vector.broadcast %and3A_348 : i32 to vector<16xi32>
      %and3A_350 = arith.andi %get3A_343, %and3A_349 : vector<16xi32>
      %bitcast_convert_type3A_351 = tpu.bitcast %and3A_350 : vector<16xi32> -> vector<16xf32>
      %add3A_352 = arith.addf %scan3A_321, %bitcast_convert_type3A_347 : vector<16xf32>
      %add3A_353 = arith.addf %scan3A_325, %bitcast_convert_type3A_351 : vector<16xf32>
      %get3A_354 = arith.index_cast %add3A_331 : i32 to index
      %get3A_355 = arith.constant 32 : index
      %get3A_356 = tpu.vector_load %arg7[%get3A_354, %get3A_355] {strides = array<i32>} : memref<200x64xi32, #tpu.memory_space<vmem>>, vector<16xi32>,
      %shift_left3A_357 = arith.constant 16 : i32
      %shift_left3A_358 = vector.broadcast %shift_left3A_357 : i32 to vector<16xi32>
      %shift_left3A_359 = arith.shli %get3A_356, %shift_left3A_358 : vector<16xi32>
      %bitcast_convert_type3A_360 = tpu.bitcast %shift_left3A_359 : vector<16xi32> -> vector<16xf32>
      %and3A_361 = arith.constant -65536 : i32
      %and3A_362 = vector.broadcast %and3A_361 : i32 to vector<16xi32>
      %and3A_363 = arith.andi %get3A_356, %and3A_362 : vector<16xi32>
      %bitcast_convert_type3A_364 = tpu.bitcast %and3A_363 : vector<16xi32> -> vector<16xf32>
      %add3A_365 = arith.addf %scan3A_322, %bitcast_convert_type3A_360 : vector<16xf32>
      %add3A_366 = arith.addf %scan3A_326, %bitcast_convert_type3A_364 : vector<16xf32>
      %get3A_367 = arith.index_cast %add3A_331 : i32 to index
      %get3A_368 = arith.constant 48 : index
      %get3A_369 = tpu.vector_load %arg7[%get3A_367, %get3A_368] {strides = array<i32>} : memref<200x64xi32, #tpu.memory_space<vmem>>, vector<16xi32>,
      %shift_left3A_370 = arith.constant 16 : i32
      %shift_left3A_371 = vector.broadcast %shift_left3A_370 : i32 to vector<16xi32>
      %shift_left3A_372 = arith.shli %get3A_369, %shift_left3A_371 : vector<16xi32>
      %bitcast_convert_type3A_373 = tpu.bitcast %shift_left3A_372 : vector<16xi32> -> vector<16xf32>
      %and3A_374 = arith.constant -65536 : i32
      %and3A_375 = vector.broadcast %and3A_374 : i32 to vector<16xi32>
      %and3A_376 = arith.andi %get3A_369, %and3A_375 : vector<16xi32>
      %bitcast_convert_type3A_377 = tpu.bitcast %and3A_376 : vector<16xi32> -> vector<16xf32>
      %add3A_378 = arith.addf %scan3A_323, %bitcast_convert_type3A_373 : vector<16xf32>
      %add3A_379 = arith.addf %scan3A_327, %bitcast_convert_type3A_377 : vector<16xf32>
      %mul3A_380 = arith.constant 8 : i32
      %mul3A_381 = arith.muli %scan3A_319, %mul3A_380 : i32
      %add3A_382 = arith.constant 1 : i32
      %add3A_383 = arith.addi %mul3A_381, %add3A_382 : i32
      %get3A_384 = arith.index_cast %add3A_383 : i32 to index
      %get3A_385 = arith.constant 0 : index
      %get3A_386 = tpu.vector_load %arg7[%get3A_384, %get3A_385] {strides = array<i32>} : memref<200x64xi32, #tpu.memory_space<vmem>>, vector<16xi32>,
      %shift_left3A_387 = arith.constant 16 : i32
      %shift_left3A_388 = vector.broadcast %shift_left3A_387 : i32 to vector<16xi32>
      %shift_left3A_389 = arith.shli %get3A_386, %shift_left3A_388 : vector<16xi32>
      %bitcast_convert_type3A_390 = tpu.bitcast %shift_left3A_389 : vector<16xi32> -> vector<16xf32>
      %and3A_391 = arith.constant -65536 : i32
      %and3A_392 = vector.broadcast %and3A_391 : i32 to vector<16xi32>
      %and3A_393 = arith.andi %get3A_386, %and3A_392 : vector<16xi32>
      %bitcast_convert_type3A_394 = tpu.bitcast %and3A_393 : vector<16xi32> -> vector<16xf32>
      %add3A_395 = arith.addf %add3A_339, %bitcast_convert_type3A_390 : vector<16xf32>
      %add3A_396 = arith.addf %add3A_340, %bitcast_convert_type3A_394 : vector<16xf32>
      %get3A_397 = arith.index_cast %add3A_383 : i32 to index
      %get3A_398 = arith.constant 16 : index
      %get3A_399 = tpu.vector_load %arg7[%get3A_397, %get3A_398] {strides = array<i32>} : memref<200x64xi32, #tpu.memory_space<vmem>>, vector<16xi32>,
      %shift_left3A_400 = arith.constant 16 : i32
      %shift_left3A_401 = vector.broadcast %shift_left3A_400 : i32 to vector<16xi32>
      %shift_left3A_402 = arith.shli %get3A_399, %shift_left3A_401 : vector<16xi32>
      %bitcast_convert_type3A_403 = tpu.bitcast %shift_left3A_402 : vector<16xi32> -> vector<16xf32>
      %and3A_404 = arith.constant -65536 : i32
      %and3A_405 = vector.broadcast %and3A_404 : i32 to vector<16xi32>
      %and3A_406 = arith.andi %get3A_399, %and3A_405 : vector<16xi32>
      %bitcast_convert_type3A_407 = tpu.bitcast %and3A_406 : vector<16xi32> -> vector<16xf32>
      %add3A_408 = arith.addf %add3A_352, %bitcast_convert_type3A_403 : vector<16xf32>
      %add3A_409 = arith.addf %add3A_353, %bitcast_convert_type3A_407 : vector<16xf32>
      %get3A_410 = arith.index_cast %add3A_383 : i32 to index
      %get3A_411 = arith.constant 32 : index
      %get3A_412 = tpu.vector_load %arg7[%get3A_410, %get3A_411] {strides = array<i32>} : memref<200x64xi32, #tpu.memory_space<vmem>>, vector<16xi32>,
      %shift_left3A_413 = arith.constant 16 : i32
      %shift_left3A_414 = vector.broadcast %shift_left3A_413 : i32 to vector<16xi32>
      %shift_left3A_415 = arith.shli %get3A_412, %shift_left3A_414 : vector<16xi32>
      %bitcast_convert_type3A_416 = tpu.bitcast %shift_left3A_415 : vector<16xi32> -> vector<16xf32>
      %and3A_417 = arith.constant -65536 : i32
      %and3A_418 = vector.broadcast %and3A_417 : i32 to vector<16xi32>
      %and3A_419 = arith.andi %get3A_412, %and3A_418 : vector<16xi32>
      %bitcast_convert_type3A_420 = tpu.bitcast %and3A_419 : vector<16xi32> -> vector<16xf32>
      %add3A_421 = arith.addf %add3A_365, %bitcast_convert_type3A_416 : vector<16xf32>
      %add3A_422 = arith.addf %add3A_366, %bitcast_convert_type3A_420 : vector<16xf32>
      %get3A_423 = arith.index_cast %add3A_383 : i32 to index
      %get3A_424 = arith.constant 48 : index
      %get3A_425 = tpu.vector_load %arg7[%get3A_423, %get3A_424] {strides = array<i32>} : memref<200x64xi32, #tpu.memory_space<vmem>>, vector<16xi32>,
      %shift_left3A_426 = arith.constant 16 : i32
      %shift_left3A_427 = vector.broadcast %shift_left3A_426 : i32 to vector<16xi32>
      %shift_left3A_428 = arith.shli %get3A_425, %shift_left3A_427 : vector<16xi32>
      %bitcast_convert_type3A_429 = tpu.bitcast %shift_left3A_428 : vector<16xi32> -> vector<16xf32>
      %and3A_430 = arith.constant -65536 : i32
      %and3A_431 = vector.broadcast %and3A_430 : i32 to vector<16xi32>
      %and3A_432 = arith.andi %get3A_425, %and3A_431 : vector<16xi32>
      %bitcast_convert_type3A_433 = tpu.bitcast %and3A_432 : vector<16xi32> -> vector<16xf32>
      %add3A_434 = arith.addf %add3A_378, %bitcast_convert_type3A_429 : vector<16xf32>
      %add3A_435 = arith.addf %add3A_379, %bitcast_convert_type3A_433 : vector<16xf32>
      %mul3A_436 = arith.constant 8 : i32
      %mul3A_437 = arith.muli %scan3A_319, %mul3A_436 : i32
      %add3A_438 = arith.constant 2 : i32
      %add3A_439 = arith.addi %mul3A_437, %add3A_438 : i32
      %get3A_440 = arith.index_cast %add3A_439 : i32 to index
      %get3A_441 = arith.constant 0 : index
      %get3A_442 = tpu.vector_load %arg7[%get3A_440, %get3A_441] {strides = array<i32>} : memref<200x64xi32, #tpu.memory_space<vmem>>, vector<16xi32>,
      %shift_left3A_443 = arith.constant 16 : i32
      %shift_left3A_444 = vector.broadcast %shift_left3A_443 : i32 to vector<16xi32>
      %shift_left3A_445 = arith.shli %get3A_442, %shift_left3A_444 : vector<16xi32>
      %bitcast_convert_type3A_446 = tpu.bitcast %shift_left3A_445 : vector<16xi32> -> vector<16xf32>
      %and3A_447 = arith.constant -65536 : i32
      %and3A_448 = vector.broadcast %and3A_447 : i32 to vector<16xi32>
      %and3A_449 = arith.andi %get3A_442, %and3A_448 : vector<16xi32>
      %bitcast_convert_type3A_450 = tpu.bitcast %and3A_449 : vector<16xi32> -> vector<16xf32>
      %add3A_451 = arith.addf %add3A_395, %bitcast_convert_type3A_446 : vector<16xf32>
      %add3A_452 = arith.addf %add3A_396, %bitcast_convert_type3A_450 : vector<16xf32>
      %get3A_453 = arith.index_cast %add3A_439 : i32 to index
      %get3A_454 = arith.constant 16 : index
      %get3A_455 = tpu.vector_load %arg7[%get3A_453, %get3A_454] {strides = array<i32>} : memref<200x64xi32, #tpu.memory_space<vmem>>, vector<16xi32>,
      %shift_left3A_456 = arith.constant 16 : i32
      %shift_left3A_457 = vector.broadcast %shift_left3A_456 : i32 to vector<16xi32>
      %shift_left3A_458 = arith.shli %get3A_455, %shift_left3A_457 : vector<16xi32>
      %bitcast_convert_type3A_459 = tpu.bitcast %shift_left3A_458 : vector<16xi32> -> vector<16xf32>
      %and3A_460 = arith.constant -65536 : i32
      %and3A_461 = vector.broadcast %and3A_460 : i32 to vector<16xi32>
      %and3A_462 = arith.andi %get3A_455, %and3A_461 : vector<16xi32>
      %bitcast_convert_type3A_463 = tpu.bitcast %and3A_462 : vector<16xi32> -> vector<16xf32>
      %add3A_464 = arith.addf %add3A_408, %bitcast_convert_type3A_459 : vector<16xf32>
      %add3A_465 = arith.addf %add3A_409, %bitcast_convert_type3A_463 : vector<16xf32>
      %get3A_466 = arith.index_cast %add3A_439 : i32 to index
      %get3A_467 = arith.constant 32 : index
      %get3A_468 = tpu.vector_load %arg7[%get3A_466, %get3A_467] {strides = array<i32>} : memref<200x64xi32, #tpu.memory_space<vmem>>, vector<16xi32>,
      %shift_left3A_469 = arith.constant 16 : i32
      %shift_left3A_470 = vector.broadcast %shift_left3A_469 : i32 to vector<16xi32>
      %shift_left3A_471 = arith.shli %get3A_468, %shift_left3A_470 : vector<16xi32>
      %bitcast_convert_type3A_472 = tpu.bitcast %shift_left3A_471 : vector<16xi32> -> vector<16xf32>
      %and3A_473 = arith.constant -65536 : i32
      %and3A_474 = vector.broadcast %and3A_473 : i32 to vector<16xi32>
      %and3A_475 = arith.andi %get3A_468, %and3A_474 : vector<16xi32>
      %bitcast_convert_type3A_476 = tpu.bitcast %and3A_475 : vector<16xi32> -> vector<16xf32>
      %add3A_477 = arith.addf %add3A_421, %bitcast_convert_type3A_472 : vector<16xf32>
      %add3A_478 = arith.addf %add3A_422, %bitcast_convert_type3A_476 : vector<16xf32>
      %get3A_479 = arith.index_cast %add3A_439 : i32 to index
      %get3A_480 = arith.constant 48 : index
      %get3A_481 = tpu.vector_load %arg7[%get3A_479, %get3A_480] {strides = array<i32>} : memref<200x64xi32, #tpu.memory_space<vmem>>, vector<16xi32>,
      %shift_left3A_482 = arith.constant 16 : i32
      %shift_left3A_483 = vector.broadcast %shift_left3A_482 : i32 to vector<16xi32>
      %shift_left3A_484 = arith.shli %get3A_481, %shift_left3A_483 : vector<16xi32>
      %bitcast_convert_type3A_485 = tpu.bitcast %shift_left3A_484 : vector<16xi32> -> vector<16xf32>
      %and3A_486 = arith.constant -65536 : i32
      %and3A_487 = vector.broadcast %and3A_486 : i32 to vector<16xi32>
      %and3A_488 = arith.andi %get3A_481, %and3A_487 : vector<16xi32>
      %bitcast_convert_type3A_489 = tpu.bitcast %and3A_488 : vector<16xi32> -> vector<16xf32>
      %add3A_490 = arith.addf %add3A_434, %bitcast_convert_type3A_485 : vector<16xf32>
      %add3A_491 = arith.addf %add3A_435, %bitcast_convert_type3A_489 : vector<16xf32>
      %mul3A_492 = arith.constant 8 : i32
      %mul3A_493 = arith.muli %scan3A_319, %mul3A_492 : i32
      %add3A_494 = arith.constant 3 : i32
      %add3A_495 = arith.addi %mul3A_493, %add3A_494 : i32
      %get3A_496 = arith.index_cast %add3A_495 : i32 to index
      %get3A_497 = arith.constant 0 : index
      %get3A_498 = tpu.vector_load %arg7[%get3A_496, %get3A_497] {strides = array<i32>} : memref<200x64xi32, #tpu.memory_space<vmem>>, vector<16xi32>,
      %shift_left3A_499 = arith.constant 16 : i32
      %shift_left3A_500 = vector.broadcast %shift_left3A_499 : i32 to vector<16xi32>
      %shift_left3A_501 = arith.shli %get3A_498, %shift_left3A_500 : vector<16xi32>
      %bitcast_convert_type3A_502 = tpu.bitcast %shift_left3A_501 : vector<16xi32> -> vector<16xf32>
      %and3A_503 = arith.constant -65536 : i32
      %and3A_504 = vector.broadcast %and3A_503 : i32 to vector<16xi32>
      %and3A_505 = arith.andi %get3A_498, %and3A_504 : vector<16xi32>
      %bitcast_convert_type3A_506 = tpu.bitcast %and3A_505 : vector<16xi32> -> vector<16xf32>
      %add3A_507 = arith.addf %add3A_451, %bitcast_convert_type3A_502 : vector<16xf32>
      %add3A_508 = arith.addf %add3A_452, %bitcast_convert_type3A_506 : vector<16xf32>
      %get3A_509 = arith.index_cast %add3A_495 : i32 to index
      %get3A_510 = arith.constant 16 : index
      %get3A_511 = tpu.vector_load %arg7[%get3A_509, %get3A_510] {strides = array<i32>} : memref<200x64xi32, #tpu.memory_space<vmem>>, vector<16xi32>,
      %shift_left3A_512 = arith.constant 16 : i32
      %shift_left3A_513 = vector.broadcast %shift_left3A_512 : i32 to vector<16xi32>
      %shift_left3A_514 = arith.shli %get3A_511, %shift_left3A_513 : vector<16xi32>
      %bitcast_convert_type3A_515 = tpu.bitcast %shift_left3A_514 : vector<16xi32> -> vector<16xf32>
      %and3A_516 = arith.constant -65536 : i32
      %and3A_517 = vector.broadcast %and3A_516 : i32 to vector<16xi32>
      %and3A_518 = arith.andi %get3A_511, %and3A_517 : vector<16xi32>
      %bitcast_convert_type3A_519 = tpu.bitcast %and3A_518 : vector<16xi32> -> vector<16xf32>
      %add3A_520 = arith.addf %add3A_464, %bitcast_convert_type3A_515 : vector<16xf32>
      %add3A_521 = arith.addf %add3A_465, %bitcast_convert_type3A_519 : vector<16xf32>
      %get3A_522 = arith.index_cast %add3A_495 : i32 to index
      %get3A_523 = arith.constant 32 : index
      %get3A_524 = tpu.vector_load %arg7[%get3A_522, %get3A_523] {strides = array<i32>} : memref<200x64xi32, #tpu.memory_space<vmem>>, vector<16xi32>,
      %shift_left3A_525 = arith.constant 16 : i32
      %shift_left3A_526 = vector.broadcast %shift_left3A_525 : i32 to vector<16xi32>
      %shift_left3A_527 = arith.shli %get3A_524, %shift_left3A_526 : vector<16xi32>
      %bitcast_convert_type3A_528 = tpu.bitcast %shift_left3A_527 : vector<16xi32> -> vector<16xf32>
      %and3A_529 = arith.constant -65536 : i32
      %and3A_530 = vector.broadcast %and3A_529 : i32 to vector<16xi32>
      %and3A_531 = arith.andi %get3A_524, %and3A_530 : vector<16xi32>
      %bitcast_convert_type3A_532 = tpu.bitcast %and3A_531 : vector<16xi32> -> vector<16xf32>
      %add3A_533 = arith.addf %add3A_477, %bitcast_convert_type3A_528 : vector<16xf32>
      %add3A_534 = arith.addf %add3A_478, %bitcast_convert_type3A_532 : vector<16xf32>
      %get3A_535 = arith.index_cast %add3A_495 : i32 to index
      %get3A_536 = arith.constant 48 : index
      %get3A_537 = tpu.vector_load %arg7[%get3A_535, %get3A_536] {strides = array<i32>} : memref<200x64xi32, #tpu.memory_space<vmem>>, vector<16xi32>,
      %shift_left3A_538 = arith.constant 16 : i32
      %shift_left3A_539 = vector.broadcast %shift_left3A_538 : i32 to vector<16xi32>
      %shift_left3A_540 = arith.shli %get3A_537, %shift_left3A_539 : vector<16xi32>
      %bitcast_convert_type3A_541 = tpu.bitcast %shift_left3A_540 : vector<16xi32> -> vector<16xf32>
      %and3A_542 = arith.constant -65536 : i32
      %and3A_543 = vector.broadcast %and3A_542 : i32 to vector<16xi32>
      %and3A_544 = arith.andi %get3A_537, %and3A_543 : vector<16xi32>
      %bitcast_convert_type3A_545 = tpu.bitcast %and3A_544 : vector<16xi32> -> vector<16xf32>
      %add3A_546 = arith.addf %add3A_490, %bitcast_convert_type3A_541 : vector<16xf32>
      %add3A_547 = arith.addf %add3A_491, %bitcast_convert_type3A_545 : vector<16xf32>
      %mul3A_548 = arith.constant 8 : i32
      %mul3A_549 = arith.muli %scan3A_319, %mul3A_548 : i32
      %add3A_550 = arith.constant 4 : i32
      %add3A_551 = arith.addi %mul3A_549, %add3A_550 : i32
      %get3A_552 = arith.index_cast %add3A_551 : i32 to index
      %get3A_553 = arith.constant 0 : index
      %get3A_554 = tpu.vector_load %arg7[%get3A_552, %get3A_553] {strides = array<i32>} : memref<200x64xi32, #tpu.memory_space<vmem>>, vector<16xi32>,
      %shift_left3A_555 = arith.constant 16 : i32
      %shift_left3A_556 = vector.broadcast %shift_left3A_555 : i32 to vector<16xi32>
      %shift_left3A_557 = arith.shli %get3A_554, %shift_left3A_556 : vector<16xi32>
      %bitcast_convert_type3A_558 = tpu.bitcast %shift_left3A_557 : vector<16xi32> -> vector<16xf32>
      %and3A_559 = arith.constant -65536 : i32
      %and3A_560 = vector.broadcast %and3A_559 : i32 to vector<16xi32>
      %and3A_561 = arith.andi %get3A_554, %and3A_560 : vector<16xi32>
      %bitcast_convert_type3A_562 = tpu.bitcast %and3A_561 : vector<16xi32> -> vector<16xf32>
      %add3A_563 = arith.addf %add3A_507, %bitcast_convert_type3A_558 : vector<16xf32>
      %add3A_564 = arith.addf %add3A_508, %bitcast_convert_type3A_562 : vector<16xf32>
      %get3A_565 = arith.index_cast %add3A_551 : i32 to index
      %get3A_566 = arith.constant 16 : index
      %get3A_567 = tpu.vector_load %arg7[%get3A_565, %get3A_566] {strides = array<i32>} : memref<200x64xi32, #tpu.memory_space<vmem>>, vector<16xi32>,
      %shift_left3A_568 = arith.constant 16 : i32
      %shift_left3A_569 = vector.broadcast %shift_left3A_568 : i32 to vector<16xi32>
      %shift_left3A_570 = arith.shli %get3A_567, %shift_left3A_569 : vector<16xi32>
      %bitcast_convert_type3A_571 = tpu.bitcast %shift_left3A_570 : vector<16xi32> -> vector<16xf32>
      %and3A_572 = arith.constant -65536 : i32
      %and3A_573 = vector.broadcast %and3A_572 : i32 to vector<16xi32>
      %and3A_574 = arith.andi %get3A_567, %and3A_573 : vector<16xi32>
      %bitcast_convert_type3A_575 = tpu.bitcast %and3A_574 : vector<16xi32> -> vector<16xf32>
      %add3A_576 = arith.addf %add3A_520, %bitcast_convert_type3A_571 : vector<16xf32>
      %add3A_577 = arith.addf %add3A_521, %bitcast_convert_type3A_575 : vector<16xf32>
      %get3A_578 = arith.index_cast %add3A_551 : i32 to index
      %get3A_579 = arith.constant 32 : index
      %get3A_580 = tpu.vector_load %arg7[%get3A_578, %get3A_579] {strides = array<i32>} : memref<200x64xi32, #tpu.memory_space<vmem>>, vector<16xi32>,
      %shift_left3A_581 = arith.constant 16 : i32
      %shift_left3A_582 = vector.broadcast %shift_left3A_581 : i32 to vector<16xi32>
      %shift_left3A_583 = arith.shli %get3A_580, %shift_left3A_582 : vector<16xi32>
      %bitcast_convert_type3A_584 = tpu.bitcast %shift_left3A_583 : vector<16xi32> -> vector<16xf32>
      %and3A_585 = arith.constant -65536 : i32
      %and3A_586 = vector.broadcast %and3A_585 : i32 to vector<16xi32>
      %and3A_587 = arith.andi %get3A_580, %and3A_586 : vector<16xi32>
      %bitcast_convert_type3A_588 = tpu.bitcast %and3A_587 : vector<16xi32> -> vector<16xf32>
      %add3A_589 = arith.addf %add3A_533, %bitcast_convert_type3A_584 : vector<16xf32>
      %add3A_590 = arith.addf %add3A_534, %bitcast_convert_type3A_588 : vector<16xf32>
      %get3A_591 = arith.index_cast %add3A_551 : i32 to index
      %get3A_592 = arith.constant 48 : index
      %get3A_593 = tpu.vector_load %arg7[%get3A_591, %get3A_592] {strides = array<i32>} : memref<200x64xi32, #tpu.memory_space<vmem>>, vector<16xi32>,
      %shift_left3A_594 = arith.constant 16 : i32
      %shift_left3A_595 = vector.broadcast %shift_left3A_594 : i32 to vector<16xi32>
      %shift_left3A_596 = arith.shli %get3A_593, %shift_left3A_595 : vector<16xi32>
      %bitcast_convert_type3A_597 = tpu.bitcast %shift_left3A_596 : vector<16xi32> -> vector<16xf32>
      %and3A_598 = arith.constant -65536 : i32
      %and3A_599 = vector.broadcast %and3A_598 : i32 to vector<16xi32>
      %and3A_600 = arith.andi %get3A_593, %and3A_599 : vector<16xi32>
      %bitcast_convert_type3A_601 = tpu.bitcast %and3A_600 : vector<16xi32> -> vector<16xf32>
      %add3A_602 = arith.addf %add3A_546, %bitcast_convert_type3A_597 : vector<16xf32>
      %add3A_603 = arith.addf %add3A_547, %bitcast_convert_type3A_601 : vector<16xf32>
      %mul3A_604 = arith.constant 8 : i32
      %mul3A_605 = arith.muli %scan3A_319, %mul3A_604 : i32
      %add3A_606 = arith.constant 5 : i32
      %add3A_607 = arith.addi %mul3A_605, %add3A_606 : i32
      %get3A_608 = arith.index_cast %add3A_607 : i32 to index
      %get3A_609 = arith.constant 0 : index
      %get3A_610 = tpu.vector_load %arg7[%get3A_608, %get3A_609] {strides = array<i32>} : memref<200x64xi32, #tpu.memory_space<vmem>>, vector<16xi32>,
      %shift_left3A_611 = arith.constant 16 : i32
      %shift_left3A_612 = vector.broadcast %shift_left3A_611 : i32 to vector<16xi32>
      %shift_left3A_613 = arith.shli %get3A_610, %shift_left3A_612 : vector<16xi32>
      %bitcast_convert_type3A_614 = tpu.bitcast %shift_left3A_613 : vector<16xi32> -> vector<16xf32>
      %and3A_615 = arith.constant -65536 : i32
      %and3A_616 = vector.broadcast %and3A_615 : i32 to vector<16xi32>
      %and3A_617 = arith.andi %get3A_610, %and3A_616 : vector<16xi32>
      %bitcast_convert_type3A_618 = tpu.bitcast %and3A_617 : vector<16xi32> -> vector<16xf32>
      %add3A_619 = arith.addf %add3A_563, %bitcast_convert_type3A_614 : vector<16xf32>
      %add3A_620 = arith.addf %add3A_564, %bitcast_convert_type3A_618 : vector<16xf32>
      %get3A_621 = arith.index_cast %add3A_607 : i32 to index
      %get3A_622 = arith.constant 16 : index
      %get3A_623 = tpu.vector_load %arg7[%get3A_621, %get3A_622] {strides = array<i32>} : memref<200x64xi32, #tpu.memory_space<vmem>>, vector<16xi32>,
      %shift_left3A_624 = arith.constant 16 : i32
      %shift_left3A_625 = vector.broadcast %shift_left3A_624 : i32 to vector<16xi32>
      %shift_left3A_626 = arith.shli %get3A_623, %shift_left3A_625 : vector<16xi32>
      %bitcast_convert_type3A_627 = tpu.bitcast %shift_left3A_626 : vector<16xi32> -> vector<16xf32>
      %and3A_628 = arith.constant -65536 : i32
      %and3A_629 = vector.broadcast %and3A_628 : i32 to vector<16xi32>
      %and3A_630 = arith.andi %get3A_623, %and3A_629 : vector<16xi32>
      %bitcast_convert_type3A_631 = tpu.bitcast %and3A_630 : vector<16xi32> -> vector<16xf32>
      %add3A_632 = arith.addf %add3A_576, %bitcast_convert_type3A_627 : vector<16xf32>
      %add3A_633 = arith.addf %add3A_577, %bitcast_convert_type3A_631 : vector<16xf32>
      %get3A_634 = arith.index_cast %add3A_607 : i32 to index
      %get3A_635 = arith.constant 32 : index
      %get3A_636 = tpu.vector_load %arg7[%get3A_634, %get3A_635] {strides = array<i32>} : memref<200x64xi32, #tpu.memory_space<vmem>>, vector<16xi32>,
      %shift_left3A_637 = arith.constant 16 : i32
      %shift_left3A_638 = vector.broadcast %shift_left3A_637 : i32 to vector<16xi32>
      %shift_left3A_639 = arith.shli %get3A_636, %shift_left3A_638 : vector<16xi32>
      %bitcast_convert_type3A_640 = tpu.bitcast %shift_left3A_639 : vector<16xi32> -> vector<16xf32>
      %and3A_641 = arith.constant -65536 : i32
      %and3A_642 = vector.broadcast %and3A_641 : i32 to vector<16xi32>
      %and3A_643 = arith.andi %get3A_636, %and3A_642 : vector<16xi32>
      %bitcast_convert_type3A_644 = tpu.bitcast %and3A_643 : vector<16xi32> -> vector<16xf32>
      %add3A_645 = arith.addf %add3A_589, %bitcast_convert_type3A_640 : vector<16xf32>
      %add3A_646 = arith.addf %add3A_590, %bitcast_convert_type3A_644 : vector<16xf32>
      %get3A_647 = arith.index_cast %add3A_607 : i32 to index
      %get3A_648 = arith.constant 48 : index
      %get3A_649 = tpu.vector_load %arg7[%get3A_647, %get3A_648] {strides = array<i32>} : memref<200x64xi32, #tpu.memory_space<vmem>>, vector<16xi32>,
      %shift_left3A_650 = arith.constant 16 : i32
      %shift_left3A_651 = vector.broadcast %shift_left3A_650 : i32 to vector<16xi32>
      %shift_left3A_652 = arith.shli %get3A_649, %shift_left3A_651 : vector<16xi32>
      %bitcast_convert_type3A_653 = tpu.bitcast %shift_left3A_652 : vector<16xi32> -> vector<16xf32>
      %and3A_654 = arith.constant -65536 : i32
      %and3A_655 = vector.broadcast %and3A_654 : i32 to vector<16xi32>
      %and3A_656 = arith.andi %get3A_649, %and3A_655 : vector<16xi32>
      %bitcast_convert_type3A_657 = tpu.bitcast %and3A_656 : vector<16xi32> -> vector<16xf32>
      %add3A_658 = arith.addf %add3A_602, %bitcast_convert_type3A_653 : vector<16xf32>
      %add3A_659 = arith.addf %add3A_603, %bitcast_convert_type3A_657 : vector<16xf32>
      %mul3A_660 = arith.constant 8 : i32
      %mul3A_661 = arith.muli %scan3A_319, %mul3A_660 : i32
      %add3A_662 = arith.constant 6 : i32
      %add3A_663 = arith.addi %mul3A_661, %add3A_662 : i32
      %get3A_664 = arith.index_cast %add3A_663 : i32 to index
      %get3A_665 = arith.constant 0 : index
      %get3A_666 = tpu.vector_load %arg7[%get3A_664, %get3A_665] {strides = array<i32>} : memref<200x64xi32, #tpu.memory_space<vmem>>, vector<16xi32>,
      %shift_left3A_667 = arith.constant 16 : i32
      %shift_left3A_668 = vector.broadcast %shift_left3A_667 : i32 to vector<16xi32>
      %shift_left3A_669 = arith.shli %get3A_666, %shift_left3A_668 : vector<16xi32>
      %bitcast_convert_type3A_670 = tpu.bitcast %shift_left3A_669 : vector<16xi32> -> vector<16xf32>
      %and3A_671 = arith.constant -65536 : i32
      %and3A_672 = vector.broadcast %and3A_671 : i32 to vector<16xi32>
      %and3A_673 = arith.andi %get3A_666, %and3A_672 : vector<16xi32>
      %bitcast_convert_type3A_674 = tpu.bitcast %and3A_673 : vector<16xi32> -> vector<16xf32>
      %add3A_675 = arith.addf %add3A_619, %bitcast_convert_type3A_670 : vector<16xf32>
      %add3A_676 = arith.addf %add3A_620, %bitcast_convert_type3A_674 : vector<16xf32>
      %get3A_677 = arith.index_cast %add3A_663 : i32 to index
      %get3A_678 = arith.constant 16 : index
      %get3A_679 = tpu.vector_load %arg7[%get3A_677, %get3A_678] {strides = array<i32>} : memref<200x64xi32, #tpu.memory_space<vmem>>, vector<16xi32>,
      %shift_left3A_680 = arith.constant 16 : i32
      %shift_left3A_681 = vector.broadcast %shift_left3A_680 : i32 to vector<16xi32>
      %shift_left3A_682 = arith.shli %get3A_679, %shift_left3A_681 : vector<16xi32>
      %bitcast_convert_type3A_683 = tpu.bitcast %shift_left3A_682 : vector<16xi32> -> vector<16xf32>
      %and3A_684 = arith.constant -65536 : i32
      %and3A_685 = vector.broadcast %and3A_684 : i32 to vector<16xi32>
      %and3A_686 = arith.andi %get3A_679, %and3A_685 : vector<16xi32>
      %bitcast_convert_type3A_687 = tpu.bitcast %and3A_686 : vector<16xi32> -> vector<16xf32>
      %add3A_688 = arith.addf %add3A_632, %bitcast_convert_type3A_683 : vector<16xf32>
      %add3A_689 = arith.addf %add3A_633, %bitcast_convert_type3A_687 : vector<16xf32>
      %get3A_690 = arith.index_cast %add3A_663 : i32 to index
      %get3A_691 = arith.constant 32 : index
      %get3A_692 = tpu.vector_load %arg7[%get3A_690, %get3A_691] {strides = array<i32>} : memref<200x64xi32, #tpu.memory_space<vmem>>, vector<16xi32>,
      %shift_left3A_693 = arith.constant 16 : i32
      %shift_left3A_694 = vector.broadcast %shift_left3A_693 : i32 to vector<16xi32>
      %shift_left3A_695 = arith.shli %get3A_692, %shift_left3A_694 : vector<16xi32>
      %bitcast_convert_type3A_696 = tpu.bitcast %shift_left3A_695 : vector<16xi32> -> vector<16xf32>
      %and3A_697 = arith.constant -65536 : i32
      %and3A_698 = vector.broadcast %and3A_697 : i32 to vector<16xi32>
      %and3A_699 = arith.andi %get3A_692, %and3A_698 : vector<16xi32>
      %bitcast_convert_type3A_700 = tpu.bitcast %and3A_699 : vector<16xi32> -> vector<16xf32>
      %add3A_701 = arith.addf %add3A_645, %bitcast_convert_type3A_696 : vector<16xf32>
      %add3A_702 = arith.addf %add3A_646, %bitcast_convert_type3A_700 : vector<16xf32>
      %get3A_703 = arith.index_cast %add3A_663 : i32 to index
      %get3A_704 = arith.constant 48 : index
      %get3A_705 = tpu.vector_load %arg7[%get3A_703, %get3A_704] {strides = array<i32>} : memref<200x64xi32, #tpu.memory_space<vmem>>, vector<16xi32>,
      %shift_left3A_706 = arith.constant 16 : i32
      %shift_left3A_707 = vector.broadcast %shift_left3A_706 : i32 to vector<16xi32>
      %shift_left3A_708 = arith.shli %get3A_705, %shift_left3A_707 : vector<16xi32>
      %bitcast_convert_type3A_709 = tpu.bitcast %shift_left3A_708 : vector<16xi32> -> vector<16xf32>
      %and3A_710 = arith.constant -65536 : i32
      %and3A_711 = vector.broadcast %and3A_710 : i32 to vector<16xi32>
      %and3A_712 = arith.andi %get3A_705, %and3A_711 : vector<16xi32>
      %bitcast_convert_type3A_713 = tpu.bitcast %and3A_712 : vector<16xi32> -> vector<16xf32>
      %add3A_714 = arith.addf %add3A_658, %bitcast_convert_type3A_709 : vector<16xf32>
      %add3A_715 = arith.addf %add3A_659, %bitcast_convert_type3A_713 : vector<16xf32>
      %mul3A_716 = arith.constant 8 : i32
      %mul3A_717 = arith.muli %scan3A_319, %mul3A_716 : i32
      %add3A_718 = arith.constant 7 : i32
      %add3A_719 = arith.addi %mul3A_717, %add3A_718 : i32
      %get3A_720 = arith.index_cast %add3A_719 : i32 to index
      %get3A_721 = arith.constant 0 : index
      %get3A_722 = tpu.vector_load %arg7[%get3A_720, %get3A_721] {strides = array<i32>} : memref<200x64xi32, #tpu.memory_space<vmem>>, vector<16xi32>,
      %shift_left3A_723 = arith.constant 16 : i32
      %shift_left3A_724 = vector.broadcast %shift_left3A_723 : i32 to vector<16xi32>
      %shift_left3A_725 = arith.shli %get3A_722, %shift_left3A_724 : vector<16xi32>
      %bitcast_convert_type3A_726 = tpu.bitcast %shift_left3A_725 : vector<16xi32> -> vector<16xf32>
      %and3A_727 = arith.constant -65536 : i32
      %and3A_728 = vector.broadcast %and3A_727 : i32 to vector<16xi32>
      %and3A_729 = arith.andi %get3A_722, %and3A_728 : vector<16xi32>
      %bitcast_convert_type3A_730 = tpu.bitcast %and3A_729 : vector<16xi32> -> vector<16xf32>
      %add3A_731 = arith.addf %add3A_675, %bitcast_convert_type3A_726 : vector<16xf32>
      %add3A_732 = arith.addf %add3A_676, %bitcast_convert_type3A_730 : vector<16xf32>
      %get3A_733 = arith.index_cast %add3A_719 : i32 to index
      %get3A_734 = arith.constant 16 : index
      %get3A_735 = tpu.vector_load %arg7[%get3A_733, %get3A_734] {strides = array<i32>} : memref<200x64xi32, #tpu.memory_space<vmem>>, vector<16xi32>,
      %shift_left3A_736 = arith.constant 16 : i32
      %shift_left3A_737 = vector.broadcast %shift_left3A_736 : i32 to vector<16xi32>
      %shift_left3A_738 = arith.shli %get3A_735, %shift_left3A_737 : vector<16xi32>
      %bitcast_convert_type3A_739 = tpu.bitcast %shift_left3A_738 : vector<16xi32> -> vector<16xf32>
      %and3A_740 = arith.constant -65536 : i32
      %and3A_741 = vector.broadcast %and3A_740 : i32 to vector<16xi32>
      %and3A_742 = arith.andi %get3A_735, %and3A_741 : vector<16xi32>
      %bitcast_convert_type3A_743 = tpu.bitcast %and3A_742 : vector<16xi32> -> vector<16xf32>
      %add3A_744 = arith.addf %add3A_688, %bitcast_convert_type3A_739 : vector<16xf32>
      %add3A_745 = arith.addf %add3A_689, %bitcast_convert_type3A_743 : vector<16xf32>
      %get3A_746 = arith.index_cast %add3A_719 : i32 to index
      %get3A_747 = arith.constant 32 : index
      %get3A_748 = tpu.vector_load %arg7[%get3A_746, %get3A_747] {strides = array<i32>} : memref<200x64xi32, #tpu.memory_space<vmem>>, vector<16xi32>,
      %shift_left3A_749 = arith.constant 16 : i32
      %shift_left3A_750 = vector.broadcast %shift_left3A_749 : i32 to vector<16xi32>
      %shift_left3A_751 = arith.shli %get3A_748, %shift_left3A_750 : vector<16xi32>
      %bitcast_convert_type3A_752 = tpu.bitcast %shift_left3A_751 : vector<16xi32> -> vector<16xf32>
      %and3A_753 = arith.constant -65536 : i32
      %and3A_754 = vector.broadcast %and3A_753 : i32 to vector<16xi32>
      %and3A_755 = arith.andi %get3A_748, %and3A_754 : vector<16xi32>
      %bitcast_convert_type3A_756 = tpu.bitcast %and3A_755 : vector<16xi32> -> vector<16xf32>
      %add3A_757 = arith.addf %add3A_701, %bitcast_convert_type3A_752 : vector<16xf32>
      %add3A_758 = arith.addf %add3A_702, %bitcast_convert_type3A_756 : vector<16xf32>
      %get3A_759 = arith.index_cast %add3A_719 : i32 to index
      %get3A_760 = arith.constant 48 : index
      %get3A_761 = tpu.vector_load %arg7[%get3A_759, %get3A_760] {strides = array<i32>} : memref<200x64xi32, #tpu.memory_space<vmem>>, vector<16xi32>,
      %shift_left3A_762 = arith.constant 16 : i32
      %shift_left3A_763 = vector.broadcast %shift_left3A_762 : i32 to vector<16xi32>
      %shift_left3A_764 = arith.shli %get3A_761, %shift_left3A_763 : vector<16xi32>
      %bitcast_convert_type3A_765 = tpu.bitcast %shift_left3A_764 : vector<16xi32> -> vector<16xf32>
      %and3A_766 = arith.constant -65536 : i32
      %and3A_767 = vector.broadcast %and3A_766 : i32 to vector<16xi32>
      %and3A_768 = arith.andi %get3A_761, %and3A_767 : vector<16xi32>
      %bitcast_convert_type3A_769 = tpu.bitcast %and3A_768 : vector<16xi32> -> vector<16xf32>
      %add3A_770 = arith.addf %add3A_714, %bitcast_convert_type3A_765 : vector<16xf32>
      %add3A_771 = arith.addf %add3A_715, %bitcast_convert_type3A_769 : vector<16xf32>
      scf.yield %add3A_731, %add3A_744, %add3A_757, %add3A_770, %add3A_732, %add3A_745, %add3A_758, %add3A_771 : vector<16xf32>, vector<16xf32>, vector<16xf32>, vector<16xf32>, vector<16xf32>, vector<16xf32>, vector<16xf32>, vector<16xf32>
    }
    %scan3A_174 = arith.constant 25 : i32
    %mul3A_175 = arith.constant 5.000000e-03 : f32
    %mul3A_176 = vector.broadcast %mul3A_175 : f32 to vector<16xf32>
    %mul3A_177 = arith.mulf %scan3A_173#0, %mul3A_176 : vector<16xf32>
    %swap3A_178 = arith.constant 126 : i32
    %swap3A_179 = arith.index_cast %swap3A_178 : i32 to index
    %swap3A_180 = arith.constant 0 : index
    %swap3A_181 = tpu.vector_load %arg11[%swap3A_179, %swap3A_180] {strides = array<i32>} : memref<128x128xf32, #tpu.memory_space<vmem>>, vector<16xf32>,
    tpu.vector_store %arg11[%swap3A_179, %swap3A_180], %mul3A_177 {strides = array<i32>} : memref<128x128xf32, #tpu.memory_space<vmem>>, vector<16xf32>,
    %mul3A_182 = arith.constant 5.000000e-03 : f32
    %mul3A_183 = vector.broadcast %mul3A_182 : f32 to vector<16xf32>
    %mul3A_184 = arith.mulf %scan3A_173#1, %mul3A_183 : vector<16xf32>
    %swap3A_185 = arith.constant 126 : i32
    %swap3A_186 = arith.index_cast %swap3A_185 : i32 to index
    %swap3A_187 = arith.constant 16 : index
    %swap3A_188 = tpu.vector_load %arg11[%swap3A_186, %swap3A_187] {strides = array<i32>} : memref<128x128xf32, #tpu.memory_space<vmem>>, vector<16xf32>,
    tpu.vector_store %arg11[%swap3A_186, %swap3A_187], %mul3A_184 {strides = array<i32>} : memref<128x128xf32, #tpu.memory_space<vmem>>, vector<16xf32>,
    %mul3A_189 = arith.constant 5.000000e-03 : f32
    %mul3A_190 = vector.broadcast %mul3A_189 : f32 to vector<16xf32>
    %mul3A_191 = arith.mulf %scan3A_173#2, %mul3A_190 : vector<16xf32>
    %swap3A_192 = arith.constant 126 : i32
    %swap3A_193 = arith.index_cast %swap3A_192 : i32 to index
    %swap3A_194 = arith.constant 32 : index
    %swap3A_195 = tpu.vector_load %arg11[%swap3A_193, %swap3A_194] {strides = array<i32>} : memref<128x128xf32, #tpu.memory_space<vmem>>, vector<16xf32>,
    tpu.vector_store %arg11[%swap3A_193, %swap3A_194], %mul3A_191 {strides = array<i32>} : memref<128x128xf32, #tpu.memory_space<vmem>>, vector<16xf32>,
    %mul3A_196 = arith.constant 5.000000e-03 : f32
    %mul3A_197 = vector.broadcast %mul3A_196 : f32 to vector<16xf32>
    %mul3A_198 = arith.mulf %scan3A_173#3, %mul3A_197 : vector<16xf32>
    %swap3A_199 = arith.constant 126 : i32
    %swap3A_200 = arith.index_cast %swap3A_199 : i32 to index
    %swap3A_201 = arith.constant 48 : index
    %swap3A_202 = tpu.vector_load %arg11[%swap3A_200, %swap3A_201] {strides = array<i32>} : memref<128x128xf32, #tpu.memory_space<vmem>>, vector<16xf32>,
    tpu.vector_store %arg11[%swap3A_200, %swap3A_201], %mul3A_198 {strides = array<i32>} : memref<128x128xf32, #tpu.memory_space<vmem>>, vector<16xf32>,
    %mul3A_203 = arith.constant 5.000000e-03 : f32
    %mul3A_204 = vector.broadcast %mul3A_203 : f32 to vector<16xf32>
    %mul3A_205 = arith.mulf %scan3A_173#4, %mul3A_204 : vector<16xf32>
    %swap3A_206 = arith.constant 126 : i32
    %swap3A_207 = arith.index_cast %swap3A_206 : i32 to index
    %swap3A_208 = arith.constant 64 : index
    %swap3A_209 = tpu.vector_load %arg11[%swap3A_207, %swap3A_208] {strides = array<i32>} : memref<128x128xf32, #tpu.memory_space<vmem>>, vector<16xf32>,
    tpu.vector_store %arg11[%swap3A_207, %swap3A_208], %mul3A_205 {strides = array<i32>} : memref<128x128xf32, #tpu.memory_space<vmem>>, vector<16xf32>,
    %mul3A_210 = arith.constant 5.000000e-03 : f32
    %mul3A_211 = vector.broadcast %mul3A_210 : f32 to vector<16xf32>
    %mul3A_212 = arith.mulf %scan3A_173#5, %mul3A_211 : vector<16xf32>
    %swap3A_213 = arith.constant 126 : i32
    %swap3A_214 = arith.index_cast %swap3A_213 : i32 to index
    %swap3A_215 = arith.constant 80 : index
    %swap3A_216 = tpu.vector_load %arg11[%swap3A_214, %swap3A_215] {strides = array<i32>} : memref<128x128xf32, #tpu.memory_space<vmem>>, vector<16xf32>,
    tpu.vector_store %arg11[%swap3A_214, %swap3A_215], %mul3A_212 {strides = array<i32>} : memref<128x128xf32, #tpu.memory_space<vmem>>, vector<16xf32>,
    %mul3A_217 = arith.constant 5.000000e-03 : f32
    %mul3A_218 = vector.broadcast %mul3A_217 : f32 to vector<16xf32>
    %mul3A_219 = arith.mulf %scan3A_173#6, %mul3A_218 : vector<16xf32>
    %swap3A_220 = arith.constant 126 : i32
    %swap3A_221 = arith.index_cast %swap3A_220 : i32 to index
    %swap3A_222 = arith.constant 96 : index
    %swap3A_223 = tpu.vector_load %arg11[%swap3A_221, %swap3A_222] {strides = array<i32>} : memref<128x128xf32, #tpu.memory_space<vmem>>, vector<16xf32>,
    tpu.vector_store %arg11[%swap3A_221, %swap3A_222], %mul3A_219 {strides = array<i32>} : memref<128x128xf32, #tpu.memory_space<vmem>>, vector<16xf32>,
    %mul3A_224 = arith.constant 5.000000e-03 : f32
    %mul3A_225 = vector.broadcast %mul3A_224 : f32 to vector<16xf32>
    %mul3A_226 = arith.mulf %scan3A_173#7, %mul3A_225 : vector<16xf32>
    %swap3A_227 = arith.constant 126 : i32
    %swap3A_228 = arith.index_cast %swap3A_227 : i32 to index
    %swap3A_229 = arith.constant 112 : index
    %swap3A_230 = tpu.vector_load %arg11[%swap3A_228, %swap3A_229] {strides = array<i32>} : memref<128x128xf32, #tpu.memory_space<vmem>>, vector<16xf32>,
    tpu.vector_store %arg11[%swap3A_228, %swap3A_229], %mul3A_226 {strides = array<i32>} : memref<128x128xf32, #tpu.memory_space<vmem>>, vector<16xf32>,
    %dma_wait3A_231 = arith.constant 127 : i32
    %dma_wait3A_232 = arith.constant 0 : i32
    %dma_wait3A_233 = arith.constant 0 : i32
    %dma_wait3A_234 = tpu.memref_slice %arg8[%dma_wait3A_232, %dma_wait3A_233] : memref<200x64xi32, #tpu.memory_space<vmem>> -> memref<200x64xi32, #tpu.memory_space<vmem>>
    %dma_wait3A_235 = arith.constant 0 : i32
    %dma_wait3A_236 = tpu.memref_slice %arg5[%dma_wait3A_231, %dma_wait3A_235] : memref<128x200xi32, #tpu.memory_space<vmem>> -> memref<1x200xi32, #tpu.memory_space<vmem>>
    %dma_wait3A_237 = tpu.memref_squeeze %dma_wait3A_236 : memref<1x200xi32, #tpu.memory_space<vmem>> -> memref<200xi32, #tpu.memory_space<vmem>>
    %dma_wait3A_238 = arith.constant 0 : i32
    %dma_wait3A_239 = arith.constant 0 : i32
    %dma_wait3A_240 = tpu.memref_slice %arg3[%dma_wait3A_238, %dma_wait3A_239] : memref<30522x64xi32, #tpu.memory_space<hbm>> -> memref<30522x64xi32, #tpu.memory_space<hbm>>
    tpu.wait_indirect_dma semaphore(%arg14 : memref<!tpu.dma_semaphore, #tpu.memory_space<semaphore_mem>>) src(%dma_wait3A_240 : memref<30522x64xi32, #tpu.memory_space<hbm>>) dst(%dma_wait3A_234 : memref<200x64xi32, #tpu.memory_space<vmem>>)
    %broadcast_in_dim3A_241 = arith.constant 0.000000e+00 : f32
    %broadcast_in_dim3A_242 = vector.broadcast %broadcast_in_dim3A_241 : f32 to vector<16xf32>
    %broadcast_in_dim3A_243 = arith.constant 0.000000e+00 : f32
    %broadcast_in_dim3A_244 = vector.broadcast %broadcast_in_dim3A_243 : f32 to vector<16xf32>
    %broadcast_in_dim3A_245 = arith.constant 0.000000e+00 : f32
    %broadcast_in_dim3A_246 = vector.broadcast %broadcast_in_dim3A_245 : f32 to vector<16xf32>
    %broadcast_in_dim3A_247 = arith.constant 0.000000e+00 : f32
    %broadcast_in_dim3A_248 = vector.broadcast %broadcast_in_dim3A_247 : f32 to vector<16xf32>
    %broadcast_in_dim3A_249 = arith.constant 0.000000e+00 : f32
    %broadcast_in_dim3A_250 = vector.broadcast %broadcast_in_dim3A_249 : f32 to vector<16xf32>
    %broadcast_in_dim3A_251 = arith.constant 0.000000e+00 : f32
    %broadcast_in_dim3A_252 = vector.broadcast %broadcast_in_dim3A_251 : f32 to vector<16xf32>
    %broadcast_in_dim3A_253 = arith.constant 0.000000e+00 : f32
    %broadcast_in_dim3A_254 = vector.broadcast %broadcast_in_dim3A_253 : f32 to vector<16xf32>
    %broadcast_in_dim3A_255 = arith.constant 0.000000e+00 : f32
    %broadcast_in_dim3A_256 = vector.broadcast %broadcast_in_dim3A_255 : f32 to vector<16xf32>
    %scan3A_257 = arith.constant 0 : i32
    %scan3A_258 = arith.constant 25 : i32
    %scan3A_259 = arith.addi %scan3A_257, %scan3A_258 : i32
    %scan3A_260 = arith.constant 1 : i32
    %scan3A_261:8 = scf.for %scan3A_319 = %scan3A_257 to %scan3A_259 step %scan3A_260 iter_args(%scan3A_320 = %broadcast_in_dim3A_242, %scan3A_321 = %broadcast_in_dim3A_244, %scan3A_322 = %broadcast_in_dim3A_246, %scan3A_323 = %broadcast_in_dim3A_248, %scan3A_324 = %broadcast_in_dim3A_250, %scan3A_325 = %broadcast_in_dim3A_252, %scan3A_326 = %broadcast_in_dim3A_254, %scan3A_327 = %broadcast_in_dim3A_256) -> (vector<16xf32>, vector<16xf32>, vector<16xf32>, vector<16xf32>, vector<16xf32>, vector<16xf32>, vector<16xf32>, vector<16xf32>)  : i32 {
      %mul3A_328 = arith.constant 8 : i32
      %mul3A_329 = arith.muli %scan3A_319, %mul3A_328 : i32
      %add3A_330 = arith.constant 0 : i32
      %add3A_331 = arith.addi %mul3A_329, %add3A_330 : i32
      %get3A = arith.index_cast %add3A_331 : i32 to index
      %get3A_332 = arith.constant 0 : index
      %get3A_333 = tpu.vector_load %arg8[%get3A, %get3A_332] {strides = array<i32>} : memref<200x64xi32, #tpu.memory_space<vmem>>, vector<16xi32>,
      %shift_left3A = arith.constant 16 : i32
      %shift_left3A_334 = vector.broadcast %shift_left3A : i32 to vector<16xi32>
      %shift_left3A_335 = arith.shli %get3A_333, %shift_left3A_334 : vector<16xi32>
      %bitcast_convert_type3A = tpu.bitcast %shift_left3A_335 : vector<16xi32> -> vector<16xf32>
      %and3A = arith.constant -65536 : i32
      %and3A_336 = vector.broadcast %and3A : i32 to vector<16xi32>
      %and3A_337 = arith.andi %get3A_333, %and3A_336 : vector<16xi32>
      %bitcast_convert_type3A_338 = tpu.bitcast %and3A_337 : vector<16xi32> -> vector<16xf32>
      %add3A_339 = arith.addf %scan3A_320, %bitcast_convert_type3A : vector<16xf32>
      %add3A_340 = arith.addf %scan3A_324, %bitcast_convert_type3A_338 : vector<16xf32>
      %get3A_341 = arith.index_cast %add3A_331 : i32 to index
      %get3A_342 = arith.constant 16 : index
      %get3A_343 = tpu.vector_load %arg8[%get3A_341, %get3A_342] {strides = array<i32>} : memref<200x64xi32, #tpu.memory_space<vmem>>, vector<16xi32>,
      %shift_left3A_344 = arith.constant 16 : i32
      %shift_left3A_345 = vector.broadcast %shift_left3A_344 : i32 to vector<16xi32>
      %shift_left3A_346 = arith.shli %get3A_343, %shift_left3A_345 : vector<16xi32>
      %bitcast_convert_type3A_347 = tpu.bitcast %shift_left3A_346 : vector<16xi32> -> vector<16xf32>
      %and3A_348 = arith.constant -65536 : i32
      %and3A_349 = vector.broadcast %and3A_348 : i32 to vector<16xi32>
      %and3A_350 = arith.andi %get3A_343, %and3A_349 : vector<16xi32>
      %bitcast_convert_type3A_351 = tpu.bitcast %and3A_350 : vector<16xi32> -> vector<16xf32>
      %add3A_352 = arith.addf %scan3A_321, %bitcast_convert_type3A_347 : vector<16xf32>
      %add3A_353 = arith.addf %scan3A_325, %bitcast_convert_type3A_351 : vector<16xf32>
      %get3A_354 = arith.index_cast %add3A_331 : i32 to index
      %get3A_355 = arith.constant 32 : index
      %get3A_356 = tpu.vector_load %arg8[%get3A_354, %get3A_355] {strides = array<i32>} : memref<200x64xi32, #tpu.memory_space<vmem>>, vector<16xi32>,
      %shift_left3A_357 = arith.constant 16 : i32
      %shift_left3A_358 = vector.broadcast %shift_left3A_357 : i32 to vector<16xi32>
      %shift_left3A_359 = arith.shli %get3A_356, %shift_left3A_358 : vector<16xi32>
      %bitcast_convert_type3A_360 = tpu.bitcast %shift_left3A_359 : vector<16xi32> -> vector<16xf32>
      %and3A_361 = arith.constant -65536 : i32
      %and3A_362 = vector.broadcast %and3A_361 : i32 to vector<16xi32>
      %and3A_363 = arith.andi %get3A_356, %and3A_362 : vector<16xi32>
      %bitcast_convert_type3A_364 = tpu.bitcast %and3A_363 : vector<16xi32> -> vector<16xf32>
      %add3A_365 = arith.addf %scan3A_322, %bitcast_convert_type3A_360 : vector<16xf32>
      %add3A_366 = arith.addf %scan3A_326, %bitcast_convert_type3A_364 : vector<16xf32>
      %get3A_367 = arith.index_cast %add3A_331 : i32 to index
      %get3A_368 = arith.constant 48 : index
      %get3A_369 = tpu.vector_load %arg8[%get3A_367, %get3A_368] {strides = array<i32>} : memref<200x64xi32, #tpu.memory_space<vmem>>, vector<16xi32>,
      %shift_left3A_370 = arith.constant 16 : i32
      %shift_left3A_371 = vector.broadcast %shift_left3A_370 : i32 to vector<16xi32>
      %shift_left3A_372 = arith.shli %get3A_369, %shift_left3A_371 : vector<16xi32>
      %bitcast_convert_type3A_373 = tpu.bitcast %shift_left3A_372 : vector<16xi32> -> vector<16xf32>
      %and3A_374 = arith.constant -65536 : i32
      %and3A_375 = vector.broadcast %and3A_374 : i32 to vector<16xi32>
      %and3A_376 = arith.andi %get3A_369, %and3A_375 : vector<16xi32>
      %bitcast_convert_type3A_377 = tpu.bitcast %and3A_376 : vector<16xi32> -> vector<16xf32>
      %add3A_378 = arith.addf %scan3A_323, %bitcast_convert_type3A_373 : vector<16xf32>
      %add3A_379 = arith.addf %scan3A_327, %bitcast_convert_type3A_377 : vector<16xf32>
      %mul3A_380 = arith.constant 8 : i32
      %mul3A_381 = arith.muli %scan3A_319, %mul3A_380 : i32
      %add3A_382 = arith.constant 1 : i32
      %add3A_383 = arith.addi %mul3A_381, %add3A_382 : i32
      %get3A_384 = arith.index_cast %add3A_383 : i32 to index
      %get3A_385 = arith.constant 0 : index
      %get3A_386 = tpu.vector_load %arg8[%get3A_384, %get3A_385] {strides = array<i32>} : memref<200x64xi32, #tpu.memory_space<vmem>>, vector<16xi32>,
      %shift_left3A_387 = arith.constant 16 : i32
      %shift_left3A_388 = vector.broadcast %shift_left3A_387 : i32 to vector<16xi32>
      %shift_left3A_389 = arith.shli %get3A_386, %shift_left3A_388 : vector<16xi32>
      %bitcast_convert_type3A_390 = tpu.bitcast %shift_left3A_389 : vector<16xi32> -> vector<16xf32>
      %and3A_391 = arith.constant -65536 : i32
      %and3A_392 = vector.broadcast %and3A_391 : i32 to vector<16xi32>
      %and3A_393 = arith.andi %get3A_386, %and3A_392 : vector<16xi32>
      %bitcast_convert_type3A_394 = tpu.bitcast %and3A_393 : vector<16xi32> -> vector<16xf32>
      %add3A_395 = arith.addf %add3A_339, %bitcast_convert_type3A_390 : vector<16xf32>
      %add3A_396 = arith.addf %add3A_340, %bitcast_convert_type3A_394 : vector<16xf32>
      %get3A_397 = arith.index_cast %add3A_383 : i32 to index
      %get3A_398 = arith.constant 16 : index
      %get3A_399 = tpu.vector_load %arg8[%get3A_397, %get3A_398] {strides = array<i32>} : memref<200x64xi32, #tpu.memory_space<vmem>>, vector<16xi32>,
      %shift_left3A_400 = arith.constant 16 : i32
      %shift_left3A_401 = vector.broadcast %shift_left3A_400 : i32 to vector<16xi32>
      %shift_left3A_402 = arith.shli %get3A_399, %shift_left3A_401 : vector<16xi32>
      %bitcast_convert_type3A_403 = tpu.bitcast %shift_left3A_402 : vector<16xi32> -> vector<16xf32>
      %and3A_404 = arith.constant -65536 : i32
      %and3A_405 = vector.broadcast %and3A_404 : i32 to vector<16xi32>
      %and3A_406 = arith.andi %get3A_399, %and3A_405 : vector<16xi32>
      %bitcast_convert_type3A_407 = tpu.bitcast %and3A_406 : vector<16xi32> -> vector<16xf32>
      %add3A_408 = arith.addf %add3A_352, %bitcast_convert_type3A_403 : vector<16xf32>
      %add3A_409 = arith.addf %add3A_353, %bitcast_convert_type3A_407 : vector<16xf32>
      %get3A_410 = arith.index_cast %add3A_383 : i32 to index
      %get3A_411 = arith.constant 32 : index
      %get3A_412 = tpu.vector_load %arg8[%get3A_410, %get3A_411] {strides = array<i32>} : memref<200x64xi32, #tpu.memory_space<vmem>>, vector<16xi32>,
      %shift_left3A_413 = arith.constant 16 : i32
      %shift_left3A_414 = vector.broadcast %shift_left3A_413 : i32 to vector<16xi32>
      %shift_left3A_415 = arith.shli %get3A_412, %shift_left3A_414 : vector<16xi32>
      %bitcast_convert_type3A_416 = tpu.bitcast %shift_left3A_415 : vector<16xi32> -> vector<16xf32>
      %and3A_417 = arith.constant -65536 : i32
      %and3A_418 = vector.broadcast %and3A_417 : i32 to vector<16xi32>
      %and3A_419 = arith.andi %get3A_412, %and3A_418 : vector<16xi32>
      %bitcast_convert_type3A_420 = tpu.bitcast %and3A_419 : vector<16xi32> -> vector<16xf32>
      %add3A_421 = arith.addf %add3A_365, %bitcast_convert_type3A_416 : vector<16xf32>
      %add3A_422 = arith.addf %add3A_366, %bitcast_convert_type3A_420 : vector<16xf32>
      %get3A_423 = arith.index_cast %add3A_383 : i32 to index
      %get3A_424 = arith.constant 48 : index
      %get3A_425 = tpu.vector_load %arg8[%get3A_423, %get3A_424] {strides = array<i32>} : memref<200x64xi32, #tpu.memory_space<vmem>>, vector<16xi32>,
      %shift_left3A_426 = arith.constant 16 : i32
      %shift_left3A_427 = vector.broadcast %shift_left3A_426 : i32 to vector<16xi32>
      %shift_left3A_428 = arith.shli %get3A_425, %shift_left3A_427 : vector<16xi32>
      %bitcast_convert_type3A_429 = tpu.bitcast %shift_left3A_428 : vector<16xi32> -> vector<16xf32>
      %and3A_430 = arith.constant -65536 : i32
      %and3A_431 = vector.broadcast %and3A_430 : i32 to vector<16xi32>
      %and3A_432 = arith.andi %get3A_425, %and3A_431 : vector<16xi32>
      %bitcast_convert_type3A_433 = tpu.bitcast %and3A_432 : vector<16xi32> -> vector<16xf32>
      %add3A_434 = arith.addf %add3A_378, %bitcast_convert_type3A_429 : vector<16xf32>
      %add3A_435 = arith.addf %add3A_379, %bitcast_convert_type3A_433 : vector<16xf32>
      %mul3A_436 = arith.constant 8 : i32
      %mul3A_437 = arith.muli %scan3A_319, %mul3A_436 : i32
      %add3A_438 = arith.constant 2 : i32
      %add3A_439 = arith.addi %mul3A_437, %add3A_438 : i32
      %get3A_440 = arith.index_cast %add3A_439 : i32 to index
      %get3A_441 = arith.constant 0 : index
      %get3A_442 = tpu.vector_load %arg8[%get3A_440, %get3A_441] {strides = array<i32>} : memref<200x64xi32, #tpu.memory_space<vmem>>, vector<16xi32>,
      %shift_left3A_443 = arith.constant 16 : i32
      %shift_left3A_444 = vector.broadcast %shift_left3A_443 : i32 to vector<16xi32>
      %shift_left3A_445 = arith.shli %get3A_442, %shift_left3A_444 : vector<16xi32>
      %bitcast_convert_type3A_446 = tpu.bitcast %shift_left3A_445 : vector<16xi32> -> vector<16xf32>
      %and3A_447 = arith.constant -65536 : i32
      %and3A_448 = vector.broadcast %and3A_447 : i32 to vector<16xi32>
      %and3A_449 = arith.andi %get3A_442, %and3A_448 : vector<16xi32>
      %bitcast_convert_type3A_450 = tpu.bitcast %and3A_449 : vector<16xi32> -> vector<16xf32>
      %add3A_451 = arith.addf %add3A_395, %bitcast_convert_type3A_446 : vector<16xf32>
      %add3A_452 = arith.addf %add3A_396, %bitcast_convert_type3A_450 : vector<16xf32>
      %get3A_453 = arith.index_cast %add3A_439 : i32 to index
      %get3A_454 = arith.constant 16 : index
      %get3A_455 = tpu.vector_load %arg8[%get3A_453, %get3A_454] {strides = array<i32>} : memref<200x64xi32, #tpu.memory_space<vmem>>, vector<16xi32>,
      %shift_left3A_456 = arith.constant 16 : i32
      %shift_left3A_457 = vector.broadcast %shift_left3A_456 : i32 to vector<16xi32>
      %shift_left3A_458 = arith.shli %get3A_455, %shift_left3A_457 : vector<16xi32>
      %bitcast_convert_type3A_459 = tpu.bitcast %shift_left3A_458 : vector<16xi32> -> vector<16xf32>
      %and3A_460 = arith.constant -65536 : i32
      %and3A_461 = vector.broadcast %and3A_460 : i32 to vector<16xi32>
      %and3A_462 = arith.andi %get3A_455, %and3A_461 : vector<16xi32>
      %bitcast_convert_type3A_463 = tpu.bitcast %and3A_462 : vector<16xi32> -> vector<16xf32>
      %add3A_464 = arith.addf %add3A_408, %bitcast_convert_type3A_459 : vector<16xf32>
      %add3A_465 = arith.addf %add3A_409, %bitcast_convert_type3A_463 : vector<16xf32>
      %get3A_466 = arith.index_cast %add3A_439 : i32 to index
      %get3A_467 = arith.constant 32 : index
      %get3A_468 = tpu.vector_load %arg8[%get3A_466, %get3A_467] {strides = array<i32>} : memref<200x64xi32, #tpu.memory_space<vmem>>, vector<16xi32>,
      %shift_left3A_469 = arith.constant 16 : i32
      %shift_left3A_470 = vector.broadcast %shift_left3A_469 : i32 to vector<16xi32>
      %shift_left3A_471 = arith.shli %get3A_468, %shift_left3A_470 : vector<16xi32>
      %bitcast_convert_type3A_472 = tpu.bitcast %shift_left3A_471 : vector<16xi32> -> vector<16xf32>
      %and3A_473 = arith.constant -65536 : i32
      %and3A_474 = vector.broadcast %and3A_473 : i32 to vector<16xi32>
      %and3A_475 = arith.andi %get3A_468, %and3A_474 : vector<16xi32>
      %bitcast_convert_type3A_476 = tpu.bitcast %and3A_475 : vector<16xi32> -> vector<16xf32>
      %add3A_477 = arith.addf %add3A_421, %bitcast_convert_type3A_472 : vector<16xf32>
      %add3A_478 = arith.addf %add3A_422, %bitcast_convert_type3A_476 : vector<16xf32>
      %get3A_479 = arith.index_cast %add3A_439 : i32 to index
      %get3A_480 = arith.constant 48 : index
      %get3A_481 = tpu.vector_load %arg8[%get3A_479, %get3A_480] {strides = array<i32>} : memref<200x64xi32, #tpu.memory_space<vmem>>, vector<16xi32>,
      %shift_left3A_482 = arith.constant 16 : i32
      %shift_left3A_483 = vector.broadcast %shift_left3A_482 : i32 to vector<16xi32>
      %shift_left3A_484 = arith.shli %get3A_481, %shift_left3A_483 : vector<16xi32>
      %bitcast_convert_type3A_485 = tpu.bitcast %shift_left3A_484 : vector<16xi32> -> vector<16xf32>
      %and3A_486 = arith.constant -65536 : i32
      %and3A_487 = vector.broadcast %and3A_486 : i32 to vector<16xi32>
      %and3A_488 = arith.andi %get3A_481, %and3A_487 : vector<16xi32>
      %bitcast_convert_type3A_489 = tpu.bitcast %and3A_488 : vector<16xi32> -> vector<16xf32>
      %add3A_490 = arith.addf %add3A_434, %bitcast_convert_type3A_485 : vector<16xf32>
      %add3A_491 = arith.addf %add3A_435, %bitcast_convert_type3A_489 : vector<16xf32>
      %mul3A_492 = arith.constant 8 : i32
      %mul3A_493 = arith.muli %scan3A_319, %mul3A_492 : i32
      %add3A_494 = arith.constant 3 : i32
      %add3A_495 = arith.addi %mul3A_493, %add3A_494 : i32
      %get3A_496 = arith.index_cast %add3A_495 : i32 to index
      %get3A_497 = arith.constant 0 : index
      %get3A_498 = tpu.vector_load %arg8[%get3A_496, %get3A_497] {strides = array<i32>} : memref<200x64xi32, #tpu.memory_space<vmem>>, vector<16xi32>,
      %shift_left3A_499 = arith.constant 16 : i32
      %shift_left3A_500 = vector.broadcast %shift_left3A_499 : i32 to vector<16xi32>
      %shift_left3A_501 = arith.shli %get3A_498, %shift_left3A_500 : vector<16xi32>
      %bitcast_convert_type3A_502 = tpu.bitcast %shift_left3A_501 : vector<16xi32> -> vector<16xf32>
      %and3A_503 = arith.constant -65536 : i32
      %and3A_504 = vector.broadcast %and3A_503 : i32 to vector<16xi32>
      %and3A_505 = arith.andi %get3A_498, %and3A_504 : vector<16xi32>
      %bitcast_convert_type3A_506 = tpu.bitcast %and3A_505 : vector<16xi32> -> vector<16xf32>
      %add3A_507 = arith.addf %add3A_451, %bitcast_convert_type3A_502 : vector<16xf32>
      %add3A_508 = arith.addf %add3A_452, %bitcast_convert_type3A_506 : vector<16xf32>
      %get3A_509 = arith.index_cast %add3A_495 : i32 to index
      %get3A_510 = arith.constant 16 : index
      %get3A_511 = tpu.vector_load %arg8[%get3A_509, %get3A_510] {strides = array<i32>} : memref<200x64xi32, #tpu.memory_space<vmem>>, vector<16xi32>,
      %shift_left3A_512 = arith.constant 16 : i32
      %shift_left3A_513 = vector.broadcast %shift_left3A_512 : i32 to vector<16xi32>
      %shift_left3A_514 = arith.shli %get3A_511, %shift_left3A_513 : vector<16xi32>
      %bitcast_convert_type3A_515 = tpu.bitcast %shift_left3A_514 : vector<16xi32> -> vector<16xf32>
      %and3A_516 = arith.constant -65536 : i32
      %and3A_517 = vector.broadcast %and3A_516 : i32 to vector<16xi32>
      %and3A_518 = arith.andi %get3A_511, %and3A_517 : vector<16xi32>
      %bitcast_convert_type3A_519 = tpu.bitcast %and3A_518 : vector<16xi32> -> vector<16xf32>
      %add3A_520 = arith.addf %add3A_464, %bitcast_convert_type3A_515 : vector<16xf32>
      %add3A_521 = arith.addf %add3A_465, %bitcast_convert_type3A_519 : vector<16xf32>
      %get3A_522 = arith.index_cast %add3A_495 : i32 to index
      %get3A_523 = arith.constant 32 : index
      %get3A_524 = tpu.vector_load %arg8[%get3A_522, %get3A_523] {strides = array<i32>} : memref<200x64xi32, #tpu.memory_space<vmem>>, vector<16xi32>,
      %shift_left3A_525 = arith.constant 16 : i32
      %shift_left3A_526 = vector.broadcast %shift_left3A_525 : i32 to vector<16xi32>
      %shift_left3A_527 = arith.shli %get3A_524, %shift_left3A_526 : vector<16xi32>
      %bitcast_convert_type3A_528 = tpu.bitcast %shift_left3A_527 : vector<16xi32> -> vector<16xf32>
      %and3A_529 = arith.constant -65536 : i32
      %and3A_530 = vector.broadcast %and3A_529 : i32 to vector<16xi32>
      %and3A_531 = arith.andi %get3A_524, %and3A_530 : vector<16xi32>
      %bitcast_convert_type3A_532 = tpu.bitcast %and3A_531 : vector<16xi32> -> vector<16xf32>
      %add3A_533 = arith.addf %add3A_477, %bitcast_convert_type3A_528 : vector<16xf32>
      %add3A_534 = arith.addf %add3A_478, %bitcast_convert_type3A_532 : vector<16xf32>
      %get3A_535 = arith.index_cast %add3A_495 : i32 to index
      %get3A_536 = arith.constant 48 : index
      %get3A_537 = tpu.vector_load %arg8[%get3A_535, %get3A_536] {strides = array<i32>} : memref<200x64xi32, #tpu.memory_space<vmem>>, vector<16xi32>,
      %shift_left3A_538 = arith.constant 16 : i32
      %shift_left3A_539 = vector.broadcast %shift_left3A_538 : i32 to vector<16xi32>
      %shift_left3A_540 = arith.shli %get3A_537, %shift_left3A_539 : vector<16xi32>
      %bitcast_convert_type3A_541 = tpu.bitcast %shift_left3A_540 : vector<16xi32> -> vector<16xf32>
      %and3A_542 = arith.constant -65536 : i32
      %and3A_543 = vector.broadcast %and3A_542 : i32 to vector<16xi32>
      %and3A_544 = arith.andi %get3A_537, %and3A_543 : vector<16xi32>
      %bitcast_convert_type3A_545 = tpu.bitcast %and3A_544 : vector<16xi32> -> vector<16xf32>
      %add3A_546 = arith.addf %add3A_490, %bitcast_convert_type3A_541 : vector<16xf32>
      %add3A_547 = arith.addf %add3A_491, %bitcast_convert_type3A_545 : vector<16xf32>
      %mul3A_548 = arith.constant 8 : i32
      %mul3A_549 = arith.muli %scan3A_319, %mul3A_548 : i32
      %add3A_550 = arith.constant 4 : i32
      %add3A_551 = arith.addi %mul3A_549, %add3A_550 : i32
      %get3A_552 = arith.index_cast %add3A_551 : i32 to index
      %get3A_553 = arith.constant 0 : index
      %get3A_554 = tpu.vector_load %arg8[%get3A_552, %get3A_553] {strides = array<i32>} : memref<200x64xi32, #tpu.memory_space<vmem>>, vector<16xi32>,
      %shift_left3A_555 = arith.constant 16 : i32
      %shift_left3A_556 = vector.broadcast %shift_left3A_555 : i32 to vector<16xi32>
      %shift_left3A_557 = arith.shli %get3A_554, %shift_left3A_556 : vector<16xi32>
      %bitcast_convert_type3A_558 = tpu.bitcast %shift_left3A_557 : vector<16xi32> -> vector<16xf32>
      %and3A_559 = arith.constant -65536 : i32
      %and3A_560 = vector.broadcast %and3A_559 : i32 to vector<16xi32>
      %and3A_561 = arith.andi %get3A_554, %and3A_560 : vector<16xi32>
      %bitcast_convert_type3A_562 = tpu.bitcast %and3A_561 : vector<16xi32> -> vector<16xf32>
      %add3A_563 = arith.addf %add3A_507, %bitcast_convert_type3A_558 : vector<16xf32>
      %add3A_564 = arith.addf %add3A_508, %bitcast_convert_type3A_562 : vector<16xf32>
      %get3A_565 = arith.index_cast %add3A_551 : i32 to index
      %get3A_566 = arith.constant 16 : index
      %get3A_567 = tpu.vector_load %arg8[%get3A_565, %get3A_566] {strides = array<i32>} : memref<200x64xi32, #tpu.memory_space<vmem>>, vector<16xi32>,
      %shift_left3A_568 = arith.constant 16 : i32
      %shift_left3A_569 = vector.broadcast %shift_left3A_568 : i32 to vector<16xi32>
      %shift_left3A_570 = arith.shli %get3A_567, %shift_left3A_569 : vector<16xi32>
      %bitcast_convert_type3A_571 = tpu.bitcast %shift_left3A_570 : vector<16xi32> -> vector<16xf32>
      %and3A_572 = arith.constant -65536 : i32
      %and3A_573 = vector.broadcast %and3A_572 : i32 to vector<16xi32>
      %and3A_574 = arith.andi %get3A_567, %and3A_573 : vector<16xi32>
      %bitcast_convert_type3A_575 = tpu.bitcast %and3A_574 : vector<16xi32> -> vector<16xf32>
      %add3A_576 = arith.addf %add3A_520, %bitcast_convert_type3A_571 : vector<16xf32>
      %add3A_577 = arith.addf %add3A_521, %bitcast_convert_type3A_575 : vector<16xf32>
      %get3A_578 = arith.index_cast %add3A_551 : i32 to index
      %get3A_579 = arith.constant 32 : index
      %get3A_580 = tpu.vector_load %arg8[%get3A_578, %get3A_579] {strides = array<i32>} : memref<200x64xi32, #tpu.memory_space<vmem>>, vector<16xi32>,
      %shift_left3A_581 = arith.constant 16 : i32
      %shift_left3A_582 = vector.broadcast %shift_left3A_581 : i32 to vector<16xi32>
      %shift_left3A_583 = arith.shli %get3A_580, %shift_left3A_582 : vector<16xi32>
      %bitcast_convert_type3A_584 = tpu.bitcast %shift_left3A_583 : vector<16xi32> -> vector<16xf32>
      %and3A_585 = arith.constant -65536 : i32
      %and3A_586 = vector.broadcast %and3A_585 : i32 to vector<16xi32>
      %and3A_587 = arith.andi %get3A_580, %and3A_586 : vector<16xi32>
      %bitcast_convert_type3A_588 = tpu.bitcast %and3A_587 : vector<16xi32> -> vector<16xf32>
      %add3A_589 = arith.addf %add3A_533, %bitcast_convert_type3A_584 : vector<16xf32>
      %add3A_590 = arith.addf %add3A_534, %bitcast_convert_type3A_588 : vector<16xf32>
      %get3A_591 = arith.index_cast %add3A_551 : i32 to index
      %get3A_592 = arith.constant 48 : index
      %get3A_593 = tpu.vector_load %arg8[%get3A_591, %get3A_592] {strides = array<i32>} : memref<200x64xi32, #tpu.memory_space<vmem>>, vector<16xi32>,
      %shift_left3A_594 = arith.constant 16 : i32
      %shift_left3A_595 = vector.broadcast %shift_left3A_594 : i32 to vector<16xi32>
      %shift_left3A_596 = arith.shli %get3A_593, %shift_left3A_595 : vector<16xi32>
      %bitcast_convert_type3A_597 = tpu.bitcast %shift_left3A_596 : vector<16xi32> -> vector<16xf32>
      %and3A_598 = arith.constant -65536 : i32
      %and3A_599 = vector.broadcast %and3A_598 : i32 to vector<16xi32>
      %and3A_600 = arith.andi %get3A_593, %and3A_599 : vector<16xi32>
      %bitcast_convert_type3A_601 = tpu.bitcast %and3A_600 : vector<16xi32> -> vector<16xf32>
      %add3A_602 = arith.addf %add3A_546, %bitcast_convert_type3A_597 : vector<16xf32>
      %add3A_603 = arith.addf %add3A_547, %bitcast_convert_type3A_601 : vector<16xf32>
      %mul3A_604 = arith.constant 8 : i32
      %mul3A_605 = arith.muli %scan3A_319, %mul3A_604 : i32
      %add3A_606 = arith.constant 5 : i32
      %add3A_607 = arith.addi %mul3A_605, %add3A_606 : i32
      %get3A_608 = arith.index_cast %add3A_607 : i32 to index
      %get3A_609 = arith.constant 0 : index
      %get3A_610 = tpu.vector_load %arg8[%get3A_608, %get3A_609] {strides = array<i32>} : memref<200x64xi32, #tpu.memory_space<vmem>>, vector<16xi32>,
      %shift_left3A_611 = arith.constant 16 : i32
      %shift_left3A_612 = vector.broadcast %shift_left3A_611 : i32 to vector<16xi32>
      %shift_left3A_613 = arith.shli %get3A_610, %shift_left3A_612 : vector<16xi32>
      %bitcast_convert_type3A_614 = tpu.bitcast %shift_left3A_613 : vector<16xi32> -> vector<16xf32>
      %and3A_615 = arith.constant -65536 : i32
      %and3A_616 = vector.broadcast %and3A_615 : i32 to vector<16xi32>
      %and3A_617 = arith.andi %get3A_610, %and3A_616 : vector<16xi32>
      %bitcast_convert_type3A_618 = tpu.bitcast %and3A_617 : vector<16xi32> -> vector<16xf32>
      %add3A_619 = arith.addf %add3A_563, %bitcast_convert_type3A_614 : vector<16xf32>
      %add3A_620 = arith.addf %add3A_564, %bitcast_convert_type3A_618 : vector<16xf32>
      %get3A_621 = arith.index_cast %add3A_607 : i32 to index
      %get3A_622 = arith.constant 16 : index
      %get3A_623 = tpu.vector_load %arg8[%get3A_621, %get3A_622] {strides = array<i32>} : memref<200x64xi32, #tpu.memory_space<vmem>>, vector<16xi32>,
      %shift_left3A_624 = arith.constant 16 : i32
      %shift_left3A_625 = vector.broadcast %shift_left3A_624 : i32 to vector<16xi32>
      %shift_left3A_626 = arith.shli %get3A_623, %shift_left3A_625 : vector<16xi32>
      %bitcast_convert_type3A_627 = tpu.bitcast %shift_left3A_626 : vector<16xi32> -> vector<16xf32>
      %and3A_628 = arith.constant -65536 : i32
      %and3A_629 = vector.broadcast %and3A_628 : i32 to vector<16xi32>
      %and3A_630 = arith.andi %get3A_623, %and3A_629 : vector<16xi32>
      %bitcast_convert_type3A_631 = tpu.bitcast %and3A_630 : vector<16xi32> -> vector<16xf32>
      %add3A_632 = arith.addf %add3A_576, %bitcast_convert_type3A_627 : vector<16xf32>
      %add3A_633 = arith.addf %add3A_577, %bitcast_convert_type3A_631 : vector<16xf32>
      %get3A_634 = arith.index_cast %add3A_607 : i32 to index
      %get3A_635 = arith.constant 32 : index
      %get3A_636 = tpu.vector_load %arg8[%get3A_634, %get3A_635] {strides = array<i32>} : memref<200x64xi32, #tpu.memory_space<vmem>>, vector<16xi32>,
      %shift_left3A_637 = arith.constant 16 : i32
      %shift_left3A_638 = vector.broadcast %shift_left3A_637 : i32 to vector<16xi32>
      %shift_left3A_639 = arith.shli %get3A_636, %shift_left3A_638 : vector<16xi32>
      %bitcast_convert_type3A_640 = tpu.bitcast %shift_left3A_639 : vector<16xi32> -> vector<16xf32>
      %and3A_641 = arith.constant -65536 : i32
      %and3A_642 = vector.broadcast %and3A_641 : i32 to vector<16xi32>
      %and3A_643 = arith.andi %get3A_636, %and3A_642 : vector<16xi32>
      %bitcast_convert_type3A_644 = tpu.bitcast %and3A_643 : vector<16xi32> -> vector<16xf32>
      %add3A_645 = arith.addf %add3A_589, %bitcast_convert_type3A_640 : vector<16xf32>
      %add3A_646 = arith.addf %add3A_590, %bitcast_convert_type3A_644 : vector<16xf32>
      %get3A_647 = arith.index_cast %add3A_607 : i32 to index
      %get3A_648 = arith.constant 48 : index
      %get3A_649 = tpu.vector_load %arg8[%get3A_647, %get3A_648] {strides = array<i32>} : memref<200x64xi32, #tpu.memory_space<vmem>>, vector<16xi32>,
      %shift_left3A_650 = arith.constant 16 : i32
      %shift_left3A_651 = vector.broadcast %shift_left3A_650 : i32 to vector<16xi32>
      %shift_left3A_652 = arith.shli %get3A_649, %shift_left3A_651 : vector<16xi32>
      %bitcast_convert_type3A_653 = tpu.bitcast %shift_left3A_652 : vector<16xi32> -> vector<16xf32>
      %and3A_654 = arith.constant -65536 : i32
      %and3A_655 = vector.broadcast %and3A_654 : i32 to vector<16xi32>
      %and3A_656 = arith.andi %get3A_649, %and3A_655 : vector<16xi32>
      %bitcast_convert_type3A_657 = tpu.bitcast %and3A_656 : vector<16xi32> -> vector<16xf32>
      %add3A_658 = arith.addf %add3A_602, %bitcast_convert_type3A_653 : vector<16xf32>
      %add3A_659 = arith.addf %add3A_603, %bitcast_convert_type3A_657 : vector<16xf32>
      %mul3A_660 = arith.constant 8 : i32
      %mul3A_661 = arith.muli %scan3A_319, %mul3A_660 : i32
      %add3A_662 = arith.constant 6 : i32
      %add3A_663 = arith.addi %mul3A_661, %add3A_662 : i32
      %get3A_664 = arith.index_cast %add3A_663 : i32 to index
      %get3A_665 = arith.constant 0 : index
      %get3A_666 = tpu.vector_load %arg8[%get3A_664, %get3A_665] {strides = array<i32>} : memref<200x64xi32, #tpu.memory_space<vmem>>, vector<16xi32>,
      %shift_left3A_667 = arith.constant 16 : i32
      %shift_left3A_668 = vector.broadcast %shift_left3A_667 : i32 to vector<16xi32>
      %shift_left3A_669 = arith.shli %get3A_666, %shift_left3A_668 : vector<16xi32>
      %bitcast_convert_type3A_670 = tpu.bitcast %shift_left3A_669 : vector<16xi32> -> vector<16xf32>
      %and3A_671 = arith.constant -65536 : i32
      %and3A_672 = vector.broadcast %and3A_671 : i32 to vector<16xi32>
      %and3A_673 = arith.andi %get3A_666, %and3A_672 : vector<16xi32>
      %bitcast_convert_type3A_674 = tpu.bitcast %and3A_673 : vector<16xi32> -> vector<16xf32>
      %add3A_675 = arith.addf %add3A_619, %bitcast_convert_type3A_670 : vector<16xf32>
      %add3A_676 = arith.addf %add3A_620, %bitcast_convert_type3A_674 : vector<16xf32>
      %get3A_677 = arith.index_cast %add3A_663 : i32 to index
      %get3A_678 = arith.constant 16 : index
      %get3A_679 = tpu.vector_load %arg8[%get3A_677, %get3A_678] {strides = array<i32>} : memref<200x64xi32, #tpu.memory_space<vmem>>, vector<16xi32>,
      %shift_left3A_680 = arith.constant 16 : i32
      %shift_left3A_681 = vector.broadcast %shift_left3A_680 : i32 to vector<16xi32>
      %shift_left3A_682 = arith.shli %get3A_679, %shift_left3A_681 : vector<16xi32>
      %bitcast_convert_type3A_683 = tpu.bitcast %shift_left3A_682 : vector<16xi32> -> vector<16xf32>
      %and3A_684 = arith.constant -65536 : i32
      %and3A_685 = vector.broadcast %and3A_684 : i32 to vector<16xi32>
      %and3A_686 = arith.andi %get3A_679, %and3A_685 : vector<16xi32>
      %bitcast_convert_type3A_687 = tpu.bitcast %and3A_686 : vector<16xi32> -> vector<16xf32>
      %add3A_688 = arith.addf %add3A_632, %bitcast_convert_type3A_683 : vector<16xf32>
      %add3A_689 = arith.addf %add3A_633, %bitcast_convert_type3A_687 : vector<16xf32>
      %get3A_690 = arith.index_cast %add3A_663 : i32 to index
      %get3A_691 = arith.constant 32 : index
      %get3A_692 = tpu.vector_load %arg8[%get3A_690, %get3A_691] {strides = array<i32>} : memref<200x64xi32, #tpu.memory_space<vmem>>, vector<16xi32>,
      %shift_left3A_693 = arith.constant 16 : i32
      %shift_left3A_694 = vector.broadcast %shift_left3A_693 : i32 to vector<16xi32>
      %shift_left3A_695 = arith.shli %get3A_692, %shift_left3A_694 : vector<16xi32>
      %bitcast_convert_type3A_696 = tpu.bitcast %shift_left3A_695 : vector<16xi32> -> vector<16xf32>
      %and3A_697 = arith.constant -65536 : i32
      %and3A_698 = vector.broadcast %and3A_697 : i32 to vector<16xi32>
      %and3A_699 = arith.andi %get3A_692, %and3A_698 : vector<16xi32>
      %bitcast_convert_type3A_700 = tpu.bitcast %and3A_699 : vector<16xi32> -> vector<16xf32>
      %add3A_701 = arith.addf %add3A_645, %bitcast_convert_type3A_696 : vector<16xf32>
      %add3A_702 = arith.addf %add3A_646, %bitcast_convert_type3A_700 : vector<16xf32>
      %get3A_703 = arith.index_cast %add3A_663 : i32 to index
      %get3A_704 = arith.constant 48 : index
      %get3A_705 = tpu.vector_load %arg8[%get3A_703, %get3A_704] {strides = array<i32>} : memref<200x64xi32, #tpu.memory_space<vmem>>, vector<16xi32>,
      %shift_left3A_706 = arith.constant 16 : i32
      %shift_left3A_707 = vector.broadcast %shift_left3A_706 : i32 to vector<16xi32>
      %shift_left3A_708 = arith.shli %get3A_705, %shift_left3A_707 : vector<16xi32>
      %bitcast_convert_type3A_709 = tpu.bitcast %shift_left3A_708 : vector<16xi32> -> vector<16xf32>
      %and3A_710 = arith.constant -65536 : i32
      %and3A_711 = vector.broadcast %and3A_710 : i32 to vector<16xi32>
      %and3A_712 = arith.andi %get3A_705, %and3A_711 : vector<16xi32>
      %bitcast_convert_type3A_713 = tpu.bitcast %and3A_712 : vector<16xi32> -> vector<16xf32>
      %add3A_714 = arith.addf %add3A_658, %bitcast_convert_type3A_709 : vector<16xf32>
      %add3A_715 = arith.addf %add3A_659, %bitcast_convert_type3A_713 : vector<16xf32>
      %mul3A_716 = arith.constant 8 : i32
      %mul3A_717 = arith.muli %scan3A_319, %mul3A_716 : i32
      %add3A_718 = arith.constant 7 : i32
      %add3A_719 = arith.addi %mul3A_717, %add3A_718 : i32
      %get3A_720 = arith.index_cast %add3A_719 : i32 to index
      %get3A_721 = arith.constant 0 : index
      %get3A_722 = tpu.vector_load %arg8[%get3A_720, %get3A_721] {strides = array<i32>} : memref<200x64xi32, #tpu.memory_space<vmem>>, vector<16xi32>,
      %shift_left3A_723 = arith.constant 16 : i32
      %shift_left3A_724 = vector.broadcast %shift_left3A_723 : i32 to vector<16xi32>
      %shift_left3A_725 = arith.shli %get3A_722, %shift_left3A_724 : vector<16xi32>
      %bitcast_convert_type3A_726 = tpu.bitcast %shift_left3A_725 : vector<16xi32> -> vector<16xf32>
      %and3A_727 = arith.constant -65536 : i32
      %and3A_728 = vector.broadcast %and3A_727 : i32 to vector<16xi32>
      %and3A_729 = arith.andi %get3A_722, %and3A_728 : vector<16xi32>
      %bitcast_convert_type3A_730 = tpu.bitcast %and3A_729 : vector<16xi32> -> vector<16xf32>
      %add3A_731 = arith.addf %add3A_675, %bitcast_convert_type3A_726 : vector<16xf32>
      %add3A_732 = arith.addf %add3A_676, %bitcast_convert_type3A_730 : vector<16xf32>
      %get3A_733 = arith.index_cast %add3A_719 : i32 to index
      %get3A_734 = arith.constant 16 : index
      %get3A_735 = tpu.vector_load %arg8[%get3A_733, %get3A_734] {strides = array<i32>} : memref<200x64xi32, #tpu.memory_space<vmem>>, vector<16xi32>,
      %shift_left3A_736 = arith.constant 16 : i32
      %shift_left3A_737 = vector.broadcast %shift_left3A_736 : i32 to vector<16xi32>
      %shift_left3A_738 = arith.shli %get3A_735, %shift_left3A_737 : vector<16xi32>
      %bitcast_convert_type3A_739 = tpu.bitcast %shift_left3A_738 : vector<16xi32> -> vector<16xf32>
      %and3A_740 = arith.constant -65536 : i32
      %and3A_741 = vector.broadcast %and3A_740 : i32 to vector<16xi32>
      %and3A_742 = arith.andi %get3A_735, %and3A_741 : vector<16xi32>
      %bitcast_convert_type3A_743 = tpu.bitcast %and3A_742 : vector<16xi32> -> vector<16xf32>
      %add3A_744 = arith.addf %add3A_688, %bitcast_convert_type3A_739 : vector<16xf32>
      %add3A_745 = arith.addf %add3A_689, %bitcast_convert_type3A_743 : vector<16xf32>
      %get3A_746 = arith.index_cast %add3A_719 : i32 to index
      %get3A_747 = arith.constant 32 : index
      %get3A_748 = tpu.vector_load %arg8[%get3A_746, %get3A_747] {strides = array<i32>} : memref<200x64xi32, #tpu.memory_space<vmem>>, vector<16xi32>,
      %shift_left3A_749 = arith.constant 16 : i32
      %shift_left3A_750 = vector.broadcast %shift_left3A_749 : i32 to vector<16xi32>
      %shift_left3A_751 = arith.shli %get3A_748, %shift_left3A_750 : vector<16xi32>
      %bitcast_convert_type3A_752 = tpu.bitcast %shift_left3A_751 : vector<16xi32> -> vector<16xf32>
      %and3A_753 = arith.constant -65536 : i32
      %and3A_754 = vector.broadcast %and3A_753 : i32 to vector<16xi32>
      %and3A_755 = arith.andi %get3A_748, %and3A_754 : vector<16xi32>
      %bitcast_convert_type3A_756 = tpu.bitcast %and3A_755 : vector<16xi32> -> vector<16xf32>
      %add3A_757 = arith.addf %add3A_701, %bitcast_convert_type3A_752 : vector<16xf32>
      %add3A_758 = arith.addf %add3A_702, %bitcast_convert_type3A_756 : vector<16xf32>
      %get3A_759 = arith.index_cast %add3A_719 : i32 to index
      %get3A_760 = arith.constant 48 : index
      %get3A_761 = tpu.vector_load %arg8[%get3A_759, %get3A_760] {strides = array<i32>} : memref<200x64xi32, #tpu.memory_space<vmem>>, vector<16xi32>,
      %shift_left3A_762 = arith.constant 16 : i32
      %shift_left3A_763 = vector.broadcast %shift_left3A_762 : i32 to vector<16xi32>
      %shift_left3A_764 = arith.shli %get3A_761, %shift_left3A_763 : vector<16xi32>
      %bitcast_convert_type3A_765 = tpu.bitcast %shift_left3A_764 : vector<16xi32> -> vector<16xf32>
      %and3A_766 = arith.constant -65536 : i32
      %and3A_767 = vector.broadcast %and3A_766 : i32 to vector<16xi32>
      %and3A_768 = arith.andi %get3A_761, %and3A_767 : vector<16xi32>
      %bitcast_convert_type3A_769 = tpu.bitcast %and3A_768 : vector<16xi32> -> vector<16xf32>
      %add3A_770 = arith.addf %add3A_714, %bitcast_convert_type3A_765 : vector<16xf32>
      %add3A_771 = arith.addf %add3A_715, %bitcast_convert_type3A_769 : vector<16xf32>
      scf.yield %add3A_731, %add3A_744, %add3A_757, %add3A_770, %add3A_732, %add3A_745, %add3A_758, %add3A_771 : vector<16xf32>, vector<16xf32>, vector<16xf32>, vector<16xf32>, vector<16xf32>, vector<16xf32>, vector<16xf32>, vector<16xf32>
    }
    %scan3A_262 = arith.constant 25 : i32
    %mul3A_263 = arith.constant 5.000000e-03 : f32
    %mul3A_264 = vector.broadcast %mul3A_263 : f32 to vector<16xf32>
    %mul3A_265 = arith.mulf %scan3A_261#0, %mul3A_264 : vector<16xf32>
    %swap3A_266 = arith.constant 127 : i32
    %swap3A_267 = arith.index_cast %swap3A_266 : i32 to index
    %swap3A_268 = arith.constant 0 : index
    %swap3A_269 = tpu.vector_load %arg11[%swap3A_267, %swap3A_268] {strides = array<i32>} : memref<128x128xf32, #tpu.memory_space<vmem>>, vector<16xf32>,
    tpu.vector_store %arg11[%swap3A_267, %swap3A_268], %mul3A_265 {strides = array<i32>} : memref<128x128xf32, #tpu.memory_space<vmem>>, vector<16xf32>,
    %mul3A_270 = arith.constant 5.000000e-03 : f32
    %mul3A_271 = vector.broadcast %mul3A_270 : f32 to vector<16xf32>
    %mul3A_272 = arith.mulf %scan3A_261#1, %mul3A_271 : vector<16xf32>
    %swap3A_273 = arith.constant 127 : i32
    %swap3A_274 = arith.index_cast %swap3A_273 : i32 to index
    %swap3A_275 = arith.constant 16 : index
    %swap3A_276 = tpu.vector_load %arg11[%swap3A_274, %swap3A_275] {strides = array<i32>} : memref<128x128xf32, #tpu.memory_space<vmem>>, vector<16xf32>,
    tpu.vector_store %arg11[%swap3A_274, %swap3A_275], %mul3A_272 {strides = array<i32>} : memref<128x128xf32, #tpu.memory_space<vmem>>, vector<16xf32>,
    %mul3A_277 = arith.constant 5.000000e-03 : f32
    %mul3A_278 = vector.broadcast %mul3A_277 : f32 to vector<16xf32>
    %mul3A_279 = arith.mulf %scan3A_261#2, %mul3A_278 : vector<16xf32>
    %swap3A_280 = arith.constant 127 : i32
    %swap3A_281 = arith.index_cast %swap3A_280 : i32 to index
    %swap3A_282 = arith.constant 32 : index
    %swap3A_283 = tpu.vector_load %arg11[%swap3A_281, %swap3A_282] {strides = array<i32>} : memref<128x128xf32, #tpu.memory_space<vmem>>, vector<16xf32>,
    tpu.vector_store %arg11[%swap3A_281, %swap3A_282], %mul3A_279 {strides = array<i32>} : memref<128x128xf32, #tpu.memory_space<vmem>>, vector<16xf32>,
    %mul3A_284 = arith.constant 5.000000e-03 : f32
    %mul3A_285 = vector.broadcast %mul3A_284 : f32 to vector<16xf32>
    %mul3A_286 = arith.mulf %scan3A_261#3, %mul3A_285 : vector<16xf32>
    %swap3A_287 = arith.constant 127 : i32
    %swap3A_288 = arith.index_cast %swap3A_287 : i32 to index
    %swap3A_289 = arith.constant 48 : index
    %swap3A_290 = tpu.vector_load %arg11[%swap3A_288, %swap3A_289] {strides = array<i32>} : memref<128x128xf32, #tpu.memory_space<vmem>>, vector<16xf32>,
    tpu.vector_store %arg11[%swap3A_288, %swap3A_289], %mul3A_286 {strides = array<i32>} : memref<128x128xf32, #tpu.memory_space<vmem>>, vector<16xf32>,
    %mul3A_291 = arith.constant 5.000000e-03 : f32
    %mul3A_292 = vector.broadcast %mul3A_291 : f32 to vector<16xf32>
    %mul3A_293 = arith.mulf %scan3A_261#4, %mul3A_292 : vector<16xf32>
    %swap3A_294 = arith.constant 127 : i32
    %swap3A_295 = arith.index_cast %swap3A_294 : i32 to index
    %swap3A_296 = arith.constant 64 : index
    %swap3A_297 = tpu.vector_load %arg11[%swap3A_295, %swap3A_296] {strides = array<i32>} : memref<128x128xf32, #tpu.memory_space<vmem>>, vector<16xf32>,
    tpu.vector_store %arg11[%swap3A_295, %swap3A_296], %mul3A_293 {strides = array<i32>} : memref<128x128xf32, #tpu.memory_space<vmem>>, vector<16xf32>,
    %mul3A_298 = arith.constant 5.000000e-03 : f32
    %mul3A_299 = vector.broadcast %mul3A_298 : f32 to vector<16xf32>
    %mul3A_300 = arith.mulf %scan3A_261#5, %mul3A_299 : vector<16xf32>
    %swap3A_301 = arith.constant 127 : i32
    %swap3A_302 = arith.index_cast %swap3A_301 : i32 to index
    %swap3A_303 = arith.constant 80 : index
    %swap3A_304 = tpu.vector_load %arg11[%swap3A_302, %swap3A_303] {strides = array<i32>} : memref<128x128xf32, #tpu.memory_space<vmem>>, vector<16xf32>,
    tpu.vector_store %arg11[%swap3A_302, %swap3A_303], %mul3A_300 {strides = array<i32>} : memref<128x128xf32, #tpu.memory_space<vmem>>, vector<16xf32>,
    %mul3A_305 = arith.constant 5.000000e-03 : f32
    %mul3A_306 = vector.broadcast %mul3A_305 : f32 to vector<16xf32>
    %mul3A_307 = arith.mulf %scan3A_261#6, %mul3A_306 : vector<16xf32>
    %swap3A_308 = arith.constant 127 : i32
    %swap3A_309 = arith.index_cast %swap3A_308 : i32 to index
    %swap3A_310 = arith.constant 96 : index
    %swap3A_311 = tpu.vector_load %arg11[%swap3A_309, %swap3A_310] {strides = array<i32>} : memref<128x128xf32, #tpu.memory_space<vmem>>, vector<16xf32>,
    tpu.vector_store %arg11[%swap3A_309, %swap3A_310], %mul3A_307 {strides = array<i32>} : memref<128x128xf32, #tpu.memory_space<vmem>>, vector<16xf32>,
    %mul3A_312 = arith.constant 5.000000e-03 : f32
    %mul3A_313 = vector.broadcast %mul3A_312 : f32 to vector<16xf32>
    %mul3A_314 = arith.mulf %scan3A_261#7, %mul3A_313 : vector<16xf32>
    %swap3A_315 = arith.constant 127 : i32
    %swap3A_316 = arith.index_cast %swap3A_315 : i32 to index
    %swap3A_317 = arith.constant 112 : index
    %swap3A_318 = tpu.vector_load %arg11[%swap3A_316, %swap3A_317] {strides = array<i32>} : memref<128x128xf32, #tpu.memory_space<vmem>>, vector<16xf32>,
    tpu.vector_store %arg11[%swap3A_316, %swap3A_317], %mul3A_314 {strides = array<i32>} : memref<128x128xf32, #tpu.memory_space<vmem>>, vector<16xf32>,
    "tpu.region"() ({
      %run_scoped3A = tpu.sem_alloc : memref<!tpu.dma_semaphore, #tpu.memory_space<semaphore_mem>>
      %dma_start3A_319 = arith.constant 0 : i32
      %dma_start3A_320 = tpu.memref_slice %arg4[%mul3A_2, %dma_start3A_319] : memref<4096x128xf32, #tpu.memory_space<hbm>> -> memref<128x128xf32, #tpu.memory_space<hbm>>
      %dma_start3A_321 = arith.constant 0 : i32
      %dma_start3A_322 = tpu.memref_slice %arg4[%mul3A_2, %dma_start3A_321] : memref<4096x128xf32, #tpu.memory_space<hbm>> -> memref<128x128xf32, #tpu.memory_space<hbm>>
      tpu.enqueue_dma source(%arg11 : memref<128x128xf32, #tpu.memory_space<vmem>>) target(%dma_start3A_322 : memref<128x128xf32, #tpu.memory_space<hbm>>) target_semaphore(%run_scoped3A : memref<!tpu.dma_semaphore, #tpu.memory_space<semaphore_mem>>)
      %dma_wait3A_323 = arith.constant 0 : i32
      %dma_wait3A_324 = tpu.memref_slice %arg4[%mul3A_2, %dma_wait3A_323] : memref<4096x128xf32, #tpu.memory_space<hbm>> -> memref<128x128xf32, #tpu.memory_space<hbm>>
      %dma_wait3A_325 = arith.constant 0 : i32
      %dma_wait3A_326 = tpu.memref_slice %arg4[%mul3A_2, %dma_wait3A_325] : memref<4096x128xf32, #tpu.memory_space<hbm>> -> memref<128x128xf32, #tpu.memory_space<hbm>>
      tpu.wait_dma2 semaphore(%run_scoped3A : memref<!tpu.dma_semaphore, #tpu.memory_space<semaphore_mem>>) src(%arg11 : memref<128x128xf32, #tpu.memory_space<vmem>>) dst(%dma_wait3A_326 : memref<128x128xf32, #tpu.memory_space<hbm>>)
      tpu.yield
    }) : () -> ()
    return
  }
}

module attributes {stable_mosaic.version = 14 : i64} {
  func.func @_pack_body(%arg0: i32, %arg1: memref<1024x128xf32, #tpu.memory_space<vmem>>, %arg2: memref<1024x64xi32, #tpu.memory_space<vmem>>) attributes {dimension_semantics = [#tpu.dimension_semantics<arbitrary>], iteration_bounds = array<i64: 30>, scalar_prefetch = 0 : i64, scratch_operands = 0 : i64, tpu.core_type = #tpu.core_type<tc>, window_params = [{transform_indices = @transform_0, window_bounds = array<i64: 1024, 128>}, {transform_indices = @transform_1, window_bounds = array<i64: 1024, 64>}]} {
    %get3A = arith.constant 0 : index
    %get3A_0 = arith.constant 0 : index
    %get3A_1 = vector.load %arg1[%get3A, %get3A_0] : memref<1024x128xf32, #tpu.memory_space<vmem>>, vector<1024x128xf32>
    %convert_element_type3A = arith.truncf %get3A_1 : vector<1024x128xf32> to vector<1024x128xbf16>
    %bitcast_convert_type3A = tpu.bitcast %convert_element_type3A : vector<1024x128xbf16> -> vector<1024x128xi16>
    %slice3A = vector.extract_strided_slice %bitcast_convert_type3A {offsets = [0, 0], sizes = [1024, 64], strides = [1, 1]} : vector<1024x128xi16> to vector<1024x64xi16>
    %convert_element_type3A_2 = arith.extui %slice3A : vector<1024x64xi16> to vector<1024x64xi32>
    %slice3A_3 = vector.extract_strided_slice %bitcast_convert_type3A {offsets = [0, 64], sizes = [1024, 64], strides = [1, 1]} : vector<1024x128xi16> to vector<1024x64xi16>
    %convert_element_type3A_4 = arith.extui %slice3A_3 : vector<1024x64xi16> to vector<1024x64xi32>
    %shift_left3A = arith.constant 16 : i32
    %shift_left3A_5 = vector.broadcast %shift_left3A : i32 to vector<1024x64xi32>
    %shift_left3A_6 = arith.shli %convert_element_type3A_4, %shift_left3A_5 : vector<1024x64xi32>
    %or3A = arith.ori %convert_element_type3A_2, %shift_left3A_6 : vector<1024x64xi32>
    %bitcast_convert_type3A_7 = tpu.bitcast %or3A : vector<1024x64xi32> -> vector<1024x64xi32>
    %swap3A = arith.constant 0 : index
    %swap3A_8 = arith.constant 0 : index
    %swap3A_9 = vector.load %arg2[%swap3A, %swap3A_8] : memref<1024x64xi32, #tpu.memory_space<vmem>>, vector<1024x64xi32>
    tpu.vector_store %arg2[%swap3A, %swap3A_8], %bitcast_convert_type3A_7 {strides = array<i32>} : memref<1024x64xi32, #tpu.memory_space<vmem>>, vector<1024x64xi32>,
    return
  }
  func.func @transform_0(%arg0: i32) -> (i32, i32) {
    %c0_i32 = arith.constant 0 : i32
    %c0_i32_0 = arith.constant 0 : i32
    return %arg0, %c0_i32 : i32, i32
  }
  func.func @transform_1(%arg0: i32) -> (i32, i32) {
    %c0_i32 = arith.constant 0 : i32
    %c0_i32_0 = arith.constant 0 : i32
    return %arg0, %c0_i32 : i32, i32
  }
}

module attributes {stable_mosaic.version = 14 : i64} {
  func.func @_mlp_body(%arg0: i32, %arg1: memref<512x128xf32, #tpu.memory_space<vmem>>, %arg2: memref<128x256xf32, #tpu.memory_space<vmem>>, %arg3: memref<1x256xf32, #tpu.memory_space<vmem>>, %arg4: memref<256x16xf32, #tpu.memory_space<vmem>>, %arg5: memref<1x16xf32, #tpu.memory_space<vmem>>, %arg6: memref<512x16xf32, #tpu.memory_space<vmem>>) attributes {dimension_semantics = [#tpu.dimension_semantics<arbitrary>], iteration_bounds = array<i64: 8>, scalar_prefetch = 0 : i64, scratch_operands = 0 : i64, tpu.core_type = #tpu.core_type<tc>, window_params = [{transform_indices = @transform_0, window_bounds = array<i64: 512, 128>}, {pipeline_mode = #tpu.pipeline_mode<synchronous>, transform_indices = @transform_1, window_bounds = array<i64: 128, 256>}, {pipeline_mode = #tpu.pipeline_mode<synchronous>, transform_indices = @transform_2, window_bounds = array<i64: 1, 256>}, {pipeline_mode = #tpu.pipeline_mode<synchronous>, transform_indices = @transform_3, window_bounds = array<i64: 256, 16>}, {pipeline_mode = #tpu.pipeline_mode<synchronous>, transform_indices = @transform_4, window_bounds = array<i64: 1, 16>}, {transform_indices = @transform_5, window_bounds = array<i64: 512, 16>}]} {
    %get3A = arith.constant 0 : index
    %get3A_0 = arith.constant 0 : index
    %get3A_1 = vector.load %arg1[%get3A, %get3A_0] : memref<512x128xf32, #tpu.memory_space<vmem>>, vector<512x128xf32>
    %get3A_2 = arith.constant 0 : index
    %get3A_3 = arith.constant 0 : index
    %get3A_4 = vector.load %arg2[%get3A_2, %get3A_3] : memref<128x256xf32, #tpu.memory_space<vmem>>, vector<128x256xf32>
    %dot_general3A = arith.constant dense<0.000000e+00> : vector<512x256xf32>
    %dot_general3A_5 = tpu.matmul %get3A_1, %get3A_4, %dot_general3A {dimension_numbers = #tpu.dot_dimension_numbers<[1], [0], [0], [1], [0, 0, 1, 1], [], []>, transpose_lhs_hint = false} : vector<512x128xf32>, vector<128x256xf32>, vector<512x256xf32> -> vector<512x256xf32>
    %get3A_6 = arith.constant 0 : index
    %get3A_7 = arith.constant 0 : index
    %get3A_8 = vector.load %arg3[%get3A_6, %get3A_7] : memref<1x256xf32, #tpu.memory_space<vmem>>, vector<1x256xf32>
    %add3A = vector.broadcast %get3A_8 : vector<1x256xf32> to vector<512x256xf32>
    %add3A_9 = arith.addf %dot_general3A_5, %add3A : vector<512x256xf32>
    %max3A = arith.constant 0.000000e+00 : f32
    %max3A_10 = vector.broadcast %max3A : f32 to vector<512x256xf32>
    %max3A_11 = arith.maximumf %add3A_9, %max3A_10 : vector<512x256xf32>
    %get3A_12 = arith.constant 0 : index
    %get3A_13 = arith.constant 0 : index
    %get3A_14 = vector.load %arg4[%get3A_12, %get3A_13] : memref<256x16xf32, #tpu.memory_space<vmem>>, vector<256x16xf32>
    %dot_general3A_15 = arith.constant dense<0.000000e+00> : vector<512x16xf32>
    %dot_general3A_16 = tpu.matmul %max3A_11, %get3A_14, %dot_general3A_15 {dimension_numbers = #tpu.dot_dimension_numbers<[1], [0], [0], [1], [0, 0, 1, 1], [], []>, transpose_lhs_hint = false} : vector<512x256xf32>, vector<256x16xf32>, vector<512x16xf32> -> vector<512x16xf32>
    %get3A_17 = arith.constant 0 : index
    %get3A_18 = arith.constant 0 : index
    %get3A_19 = vector.load %arg5[%get3A_17, %get3A_18] : memref<1x16xf32, #tpu.memory_space<vmem>>, vector<1x16xf32>
    %add3A_20 = vector.broadcast %get3A_19 : vector<1x16xf32> to vector<512x16xf32>
    %add3A_21 = arith.addf %dot_general3A_16, %add3A_20 : vector<512x16xf32>
    %swap3A = arith.constant 0 : index
    %swap3A_22 = arith.constant 0 : index
    %swap3A_23 = vector.load %arg6[%swap3A, %swap3A_22] : memref<512x16xf32, #tpu.memory_space<vmem>>, vector<512x16xf32>
    tpu.vector_store %arg6[%swap3A, %swap3A_22], %add3A_21 {strides = array<i32>} : memref<512x16xf32, #tpu.memory_space<vmem>>, vector<512x16xf32>,
    return
  }
  func.func @transform_0(%arg0: i32) -> (i32, i32) {
    %c0_i32 = arith.constant 0 : i32
    %c0_i32_0 = arith.constant 0 : i32
    return %arg0, %c0_i32 : i32, i32
  }
  func.func @transform_1(%arg0: i32) -> (i32, i32) {
    %c0_i32 = arith.constant 0 : i32
    %c0_i32_0 = arith.constant 0 : i32
    %c0_i32_1 = arith.constant 0 : i32
    return %c0_i32, %c0_i32_0 : i32, i32
  }
  func.func @transform_2(%arg0: i32) -> (i32, i32) {
    %c0_i32 = arith.constant 0 : i32
    %c0_i32_0 = arith.constant 0 : i32
    %c0_i32_1 = arith.constant 0 : i32
    return %c0_i32, %c0_i32_0 : i32, i32
  }
  func.func @transform_3(%arg0: i32) -> (i32, i32) {
    %c0_i32 = arith.constant 0 : i32
    %c0_i32_0 = arith.constant 0 : i32
    %c0_i32_1 = arith.constant 0 : i32
    return %c0_i32, %c0_i32_0 : i32, i32
  }
  func.func @transform_4(%arg0: i32) -> (i32, i32) {
    %c0_i32 = arith.constant 0 : i32
    %c0_i32_0 = arith.constant 0 : i32
    %c0_i32_1 = arith.constant 0 : i32
    return %c0_i32, %c0_i32_0 : i32, i32
  }
  func.func @transform_5(%arg0: i32) -> (i32, i32) {
    %c0_i32 = arith.constant 0 : i32
    %c0_i32_0 = arith.constant 0 : i32
    return %arg0, %c0_i32 : i32, i32
  }
}

</mosaic_0001>

<sc_bundles>
// kernel: kernel.5.cloned.1.call-start
scs
__scs_entry_jumppad:
0x0: {  	(pc) =	sbr.rel $0x88, $3  }
0x1: {  	(tag) =	ssettag $0x0;
	lr =	simm.s32 $0x1  }
0x2: {  	[smem:$0x3F9B] =	sst lr;
	_ =	strace $0xD0000000  }
0x3: {  	_ = 	snop  }
0x4: {  	_ = 	snop  }
0x5: {  	_ = 	snop  }
0x6: {  	_ = 	snop  }
0x7: {  	_ = 	snop  }
__scs_overlays_trampoline_lowered:
0x8: {  	[smem:$0x3FAA] =	sst s0  }
0x9: {  	[smem:$0x3FAB] =	sst s1  }
0xa: {  	[smem:$0x3FAC] =	sst s2  }
0xb: {  	[smem:$0x3FAD] =	sst s3  }
0xc: {  	[smem:$0x3FAE] =	sst s4  }
0xd: {  	[smem:$0x3FAF] =	sst s5  }
0xe: {  	[smem:$0x3FB0] =	sst s6  }
0xf: {  	[smem:$0x3FB1] =	sst s7  }
0x10: {  	[smem:$0x3FB2] =	sst s8  }
0x11: {  	[smem:$0x3FB3] =	sst s9;
	s0 =	simm.s32 @!p0 $0x0  }
0x12: {  	s1 =	sld [smem:$0x3F99];
	s0 =	simm.s32 @p0 $0x1  }
0x13: {  	[smem:$0x3FB4] =	sst s0;
	s0 =	simm.s32 @!p1 $0x0  }
0x14: {  	s2 =	sld [smem:$0x3F98];
	s0 =	simm.s32 @p1 $0x1  }
0x15: {  	[smem:$0x3FB5] =	sst s0;
	s0 =	simm.s32 @!p2 $0x0  }
0x16: {  	s3 =	sld [smem:$0x3FDB];
	s0 =	simm.s32 @p2 $0x1  }
0x17: {  	s4 =	simm.s32 $0x1BF5;
	[smem:$0x3FB7] =	sst s0  }
0x18: {  	s0 =	sld [smem:$0x3F9A];
	_ =	swait.ge [sflag:s4], $0x0  }
0x19: {  	s7 =	sld [smem:$0x3F9B]  }
0x1a: {  	s8 =	sadd.s32 $0xFFFFE003, lr  }
0x1b: {  	s9 =	sadd.s32 $0xFFFFFEF7, lr;
	s5 =	simm.s32 $0xFFFFFFFF;
	p2 =	slt.u32 s8, $0xFFFFF086  }
0x1c: {  	p1 =	slt.u32 s9, $0xF7A;
	s5 =	simm.s32 @!p2 $0x0  }
0x1d: {  	s5 =	simm.s32 @p1 $0x1;
	p0 =	seq.s32 s7, s2  }
0x1e: {  	s7 =	smul.u32 @!p0 $0xF7A, s2;
	p2 =	seq.s32 @!p0 s5, $0x0  }
0x1f: {  	s9 =	smul.u32 $0xF7A, s1;
	s8 =	simm.s32 @!p0 $0x1BF5;
	p2 =	por !p2, p0  }
0x20: {  	[sflag:s8] =	ssyncset.s32 @!p0 $0xFFFFF086;
	s6 =	sadd.s32 @!p0 s3, s7;
	s7 =	simm.s32 @!p0 $0x108  }
0x21: {  	s3 =	sadd.s32 s3, s9;
	s6 =	sadd.s32 @!p0 $0x88, s6;
	s7 =	simm.s32 @p2 $0x1082  }
0x22: {  	[simem:s7], [sflag:s8] =	dma.local @!p0 [hbm:s6], $0xF7A  }
0x23: {  	s9 =	sor.u32 $0xD0000000, s2;
	s6 =	simm.s32 $0x108;
	_ =	swait.ge @!p0 [sflag:s8], $0x0  }
0x24: {  	s3 =	sadd.s32 $0x88, s3;
	s6 =	simm.s32 @!p1 $0x1082;
	[sflag:s4] =	ssyncset.s32 $0xFFFFF086  }
0x25: {  	[simem:s6], [sflag:s4] =	dma.local [hbm:s3], $0xF7A  }
0x26: {  	[smem:$0x3F9B] =	sst s1;
	(tag) =	ssettag s2;
	_ =	strace s9  }
0x27: {  	s1 =	sld [smem:$0x3FAB]  }
0x28: {  	s2 =	sld [smem:$0x3FAC]  }
0x29: {  	s4 =	sld [smem:$0x3FAE]  }
0x2a: {  	p0 =	seq.s32 s5, $0x0;
	s5 =	sld [smem:$0x3FAF]  }
0x2b: {  	s6 =	sld [smem:$0x3FB0]  }
0x2c: {  	s7 =	sld [smem:$0x3FB1]  }
0x2d: {  	s3 =	simm.s32 $0x108;
	s8 =	sld [smem:$0x3FB2]  }
0x2e: {  	s3 =	simm.s32 @!p0 $0x1082;
	s9 =	sld [smem:$0x3FB3]  }
0x2f: {  	lr =	sadd.s32 s0, s3;
	s0 =	sld [smem:$0x3FAA]  }
0x30: {  	s3 =	sld [smem:$0x3FAD]  }
0x31: {  	[smem:$0x3FB6] =	sst s10  }
0x32: {  	s10 =	sld [smem:$0x3FB4];
	_ =	sdelay $0x3  }
0x33: {  	p0 =	seq.s32 s10, $0x1;
	s10 =	sld [smem:$0x3FB6];
	_ =	sdelay $0x3  }
0x34: {  	[smem:$0x3FB6] =	sst s10  }
0x35: {  	s10 =	sld [smem:$0x3FB5];
	_ =	sdelay $0x3  }
0x36: {  	p1 =	seq.s32 s10, $0x1;
	s10 =	sld [smem:$0x3FB6];
	_ =	sdelay $0x3  }
0x37: {  	[smem:$0x3FB6] =	sst s10  }
0x38: {  	s10 =	sld [smem:$0x3FB7]  }
0x39: {  	_ = 	snop;
	(pc) =	sbr.ind lr, $3  }
0x3a: {  	_ = 	snop  }
0x3b: {  	_ = 	snop  }
0x3c: {  	p2 =	seq.s32 s10, $0x1;
	s10 =	sld [smem:$0x3FB6]  }
0x3d: {  	_ =	shalt  }
0x3e: {  	_ =	shalt  }
0x3f: {  	_ =	shalt  }
0x40: {  	_ =	shalt  }
0x41: {  	_ =	shalt  }
0x42: {  	_ =	shalt  }
0x43: {  	_ =	shalt  }
0x44: {  	_ =	shalt  }
0x45: {  	_ =	shalt  }
0x46: {  	_ =	shalt  }
0x47: {  	_ =	shalt  }
0x48: {  	_ =	shalt  }
0x49: {  	_ =	shalt  }
0x4a: {  	_ =	shalt  }
0x4b: {  	_ =	shalt  }
0x4c: {  	_ =	shalt  }
0x4d: {  	_ =	shalt  }
0x4e: {  	_ =	shalt  }
0x4f: {  	_ =	shalt  }
0x50: {  	_ =	shalt  }
0x51: {  	_ =	shalt  }
0x52: {  	_ =	shalt  }
0x53: {  	_ =	shalt  }
0x54: {  	_ =	shalt  }
0x55: {  	_ =	shalt  }
0x56: {  	_ =	shalt  }
0x57: {  	_ =	shalt  }
0x58: {  	_ =	shalt  }
0x59: {  	_ =	shalt  }
0x5a: {  	_ =	shalt  }
0x5b: {  	_ =	shalt  }
0x5c: {  	_ =	shalt  }
0x5d: {  	_ =	shalt  }
0x5e: {  	_ =	shalt  }
0x5f: {  	_ =	shalt  }
0x60: {  	_ =	shalt  }
0x61: {  	_ =	shalt  }
0x62: {  	_ =	shalt  }
0x63: {  	_ =	shalt  }
0x64: {  	_ =	shalt  }
0x65: {  	_ =	shalt  }
0x66: {  	_ =	shalt  }
0x67: {  	_ =	shalt  }
0x68: {  	_ =	shalt  }
0x69: {  	_ =	shalt  }
0x6a: {  	_ =	shalt  }
0x6b: {  	_ =	shalt  }
0x6c: {  	_ =	shalt  }
0x6d: {  	_ =	shalt  }
0x6e: {  	_ =	shalt  }
0x6f: {  	_ =	shalt  }
0x70: {  	_ =	shalt  }
0x71: {  	_ =	shalt  }
0x72: {  	_ =	shalt  }
0x73: {  	_ =	shalt  }
0x74: {  	_ =	shalt  }
0x75: {  	_ =	shalt  }
0x76: {  	_ =	shalt  }
0x77: {  	_ =	shalt  }
0x78: {  	_ =	shalt  }
0x79: {  	_ =	shalt  }
0x7a: {  	_ =	shalt  }
0x7b: {  	_ =	shalt  }
0x7c: {  	_ =	shalt  }
0x7d: {  	_ =	shalt  }
0x7e: {  	_ =	shalt  }
0x7f: {  	_ =	shalt  }
0x80: {  	_ =	shalt  }
0x81: {  	_ =	shalt  }
0x82: {  	_ =	shalt  }
0x83: {  	_ =	shalt  }
0x84: {  	_ =	shalt  }
0x85: {  	_ =	shalt  }
0x86: {  	_ =	shalt  }
0x87: {  	_ =	shalt  }
.Lfunc_end0:
.L_simem_size_0:
called_computation_lowered:
.L_overlay_start_0:
0x88: {  	s2 =	sld [smem:$0x3FD9]  }
0x89: {  	s3 =	sld [smem:$0x3FFE];
	_ =	sdelay $0x1  }
0x8a: {  	s1 =	srdreg.scid  }
0x8b: {  	s0 =	sand.u32 $0x1, s1  }
0x8c: {  	s16 =	sshll.u32 s0, $0xA;
	s2 =	sadd.s32 s3, s2  }
0x8d: {  	s2 =	sadd.s32 s2, s16  }
0x8e: {  	[smem:$0x3FC2] =	sst s2  }
0x8f: {  	_ = 	snop  }
0x90: {  	(tm) =	ssettm $0x1  }
0x91: {  	s17 =	sld [smem:$0x3FFB];
	_ =	sdelay $0x3  }
0x92: {  	_ =	strace s17  }
0x93: {  	s2 =	sld [smem:$0x3FFC];
	_ =	sdelay $0x3  }
0x94: {  	_ =	strace s2  }
0x95: {  	s2 =	sld [smem:$0x3FFD];
	_ =	sdelay $0x3  }
0x96: {  	_ =	strace s2  }
0x97: {  	_ =	strace $0x8FFFFFFF  }
0x98: {  	s18 =	sld [smem:$0x3FDB];
	_ =	sdelay $0x1  }
0x99: {  	s19 =	simm.s32 $_scs_section_size  }
0x9a: {  	s4 =	simm.s32 $_size__tile_overlayer_lowered;
	s5 =	simm.s32 $_tile_overlayer_lowered  }
0x9b: {  	s22 =	simm.s32 $0x1BFF;
	s21 =	sshll.u32 s5, $0x1;
	s2 =	sadd.s32 s19, s18  }
0x9c: {  	s6 =	simm.s32 $0x0;
	s20 =	sshll.u32 s4, $0x1;
	s4 =	sadd.s32 s21, s2  }
0x9d: {  	[timem:s6], [sflag:s22] =	dma.local [hbm:s4], s20  }
0x9e: {  	_ =	swait.ge [sflag:s22], s20  }
0x9f: {  	s3 =	ssub.s32 $0x0, s20;
	[sflag:s22] =	ssyncset.done $0x0  }
0xa0: {  	[sflag:s22] =	ssyncadd.s32 s3;
	_ =	sdelay $0x1  }
0xa1: {  	s23 =	simm.s32 $0x1B8B  }
0xa2: {  	_ =	swait.ge [sflag:s23], $0x1  }
0xa3: {  	[sflag:s23] =	ssyncset.done $0x0  }
0xa4: {  	s25 =	simm.s32 $0x1B8E;
	s24 =	sld [smem:$0x3FFE];
	[sflag:s23] =	ssyncadd.s32 $0xFFFFFFFF  }
0xa5: {  	s26 =	simm.s32 $execute0_lowered;
	[smem:$0x3FD2] =	sst s25  }
0xa6: {  	s4 =	sshll.u32 s26, $0x1;
	_ =	strace $0x80000046;
	[dreg:$0x1] =	wrdreg $0xFFFFFFFF  }
0xa7: {  	s28 =	simm.s32 $_size_execute0_lowered;
	s2 =	sadd.s32 s2, s4;
	[dreg:$0x0] =	wrdreg $0x0  }
0xa8: {  	s4 =	sshll.u32 s28, $0x1;
	[dreg:$0x2] =	wrdreg s2  }
0xa9: {  	[dreg:$0x3] =	wrdreg s4  }
0xaa: {  	[dreg:$0x4] =	wrdreg $0xC0  }
0xab: {  	_ =	task [dreg:s6], $0x5FFFF  }
0xac: {  	[dreg:$0x1] =	wrdreg $0xFFFFFFFF  }
0xad: {  	[dreg:$0x0] =	wrdreg $0x60  }
0xae: {  	[dreg:$0x2] =	wrdreg s24  }
0xaf: {  	[dreg:$0x3] =	wrdreg $0x9  }
0xb0: {  	_ =	task.clear_ibuf [dreg:s6], $0x4FFFF;
	_ =	strace $0x90000046  }
0xb1: {  	s29 =	simm.s32 $0x9;
	_ =	strace $0x80000048  }
0xb2: {  	_ =	swait.ge [sflag:s29], $0x1  }
0xb3: {  	[sflag:s29] =	ssyncadd.s32 $0xFFFFFFFF  }
0xb4: {  	_ =	strace $0x90000048  }
0xb5: {  	_ =	sfence  }
0xb6: {  	s30 =	sld [smem:$0x0];
	_ =	sdelay $0x2  }
0xb7: {  	s31 =	sshll.u32 s1, $0xD;
	s1 =	sshrl.u32 s1, $0x2  }
0xb8: {  	s3 =	sand.u32 $0x4000, s31;
	s1 =	sadd.s32 s1, s30  }
0xb9: {  	s0 =	sor.u32 s3, s0;
	s1 =	sshll.u32 s1, $0x11  }
0xba: {  	s0 =	sor.u32 s1, s0  }
0xbb: {  	s0 =	sadd.s32 $0x8F2B, s0  }
0xbc: {  	[sflag:s0] =	ssyncadd.remote.s32 $0x1  }
0xbd: {  	_ =	sfence.sel $0xFFFF  }
0xbe: {  	[dreg:$0x0] =	wrdreg $0xFFFFFFFF;
	(pc) =	sbr.abs _section_cstart, $3  }
0xbf: {  	[dreg:$0x1] =	wrdreg $0xFFFFFFFF  }
0xc0: {  	_ =	task.clear_ibuf [dreg:s6], $0x2FFFF;
	_ =	strace $0x9FFFFFFF  }
0xc1: {  	(tm) =	ssettm $0x7FFFFFFF  }
tec
execute0_lowered:
.L_overlay_start_1:
0x0: {  	(tag) =	ssettag $0x1  }
0x1: {  	s1 =	srdreg.scid  }
0x2: {  	s0 =	stileid.u32;
	s4 =	rddreg [dreg:$0x0]  }
0x3: {  	s2 =	simm.s32 $0x0;
	s8 =	simm.s32 $0xC8;
	s9 =	simm.s32 $0x6400  }
0x4: {  	s10 =	simm.s32 $0x9600;
	s11 =	simm.s32 $0x190;
	s12 =	simm.s32 $0xC800  }
0x5: {  	s13 =	simm.s32 $0x258;
	s14 =	simm.s32 $0xFA00;
	s15 =	simm.s32 $0x320  }
0x6: {  	s16 =	simm.s32 $0x12C00;
	s17 =	simm.s32 $0x1;
	s18 =	simm.s32 $0x2  }
0x7: {  	s19 =	simm.s32 $0x3;
	s20 =	simm.s32 $0x4;
	s21 =	simm.s32 $0x5  }
0x8: {  	s22 =	simm.s32 $0x15E00;
	s23 =	simm.s32 $0x0;
	s3 =	sand.u32 $0x1, s1  }
0x9: {  	s5 =	sshll.u32 s0, $0x8;
	[smem:$0x7FF] =	sst s2;
	s6 =	sshll.u32 s3, $0x7  }
0xa: {  	s1 =	rddreg [dreg:$0x1];
	_ =	strace $0x80000047;
	s5 =	sor.u32 s6, s5  }
0xb: {  	s7 =	ssub.s32 $0x2, s3;
	s6 =	smul.u32 $0x19, s5;
	s5 =	sshll.u32 s5, $0x4  }
0xc: {  	s3 =	sadd.s32 $0x1000, s4;
	s31 =	sshrl.u32 s7, $0x1;
	s5 =	sadd.s32 s5, s4  }
0xd: {  	s7 =	ssub.s32 s7, s31;
	s6 =	sadd.s32 s6, s4;
	s5 =	sadd.s32 $0x55A00, s5  }
0xe: {  	s4 =	sadd.s32 $0x3CA00, s6;
	s6 =	smax.u32 s7, $0x1;
	s7 =	simm.s32 $0x6  }
.LBB2_1:
0xf: {  	[tilespmem:s2], [sflag:$0x6] =	stream.linear.gather [hbm4b:s4+s2], $0x6400, $0x38;
	[tilespmem:$0x19E00] =	vst v63  }
0x10: {  	_ =	swait.ge [sflag:s7], $0x6400  }
0x11: {  	[sflag:s7] =	ssyncset.done $0x0  }
0x12: {  	[sflag:s7] =	ssyncadd.s32 $0xFFFF9C00  }
0x13: {  	[tilespmem:s9], [sflag:$0x1] =	stream.indirect.gather [hbm4b:s3+s8], $0x40, s2, s8, $0xb8;
	[tilespmem:$0x19E00] =	vst v63  }
0x14: {  	_ = 	snop  }
0x15: {  	[tilespmem:s10], [sflag:$0x2] =	stream.indirect.gather [hbm4b:s3+s8], $0x40, s8, s8, $0xb8;
	[tilespmem:$0x19E00] =	vst v63  }
0x16: {  	_ = 	snop  }
0x17: {  	[tilespmem:s12], [sflag:$0x3] =	stream.indirect.gather [hbm4b:s3+s8], $0x40, s11, s8, $0xb8;
	[tilespmem:$0x19E00] =	vst v63  }
0x18: {  	_ = 	snop  }
0x19: {  	[tilespmem:s14], [sflag:$0x4] =	stream.indirect.gather [hbm4b:s3+s8], $0x40, s13, s8, $0xb8;
	[tilespmem:$0x19E00] =	vst v63  }
0x1a: {  	s24 =	simm.s32 $0x0  }
0x1b: {  	[tilespmem:s16], [sflag:$0x5] =	stream.indirect.gather [hbm4b:s3+s8], $0x40, s15, s8, $0xb8;
	[tilespmem:$0x19E00] =	vst v63  }
.LBB2_2:
0x1c: {  	_ =	swait.ge [sflag:s17], $0x3200  }
0x1d: {  	[sflag:s17] =	ssyncset.done $0x0  }
0x1e: {  	s25 =	simm.s32 $0x0;
	[sflag:s17] =	ssyncadd.s32 $0xFFFFCE00  }
0x1f: {  	v0 =	vld [tilespmem:s25+$0x65C0]  }
0x20: {  	v1 =	vld [tilespmem:s25+$0x65D0]  }
0x21: {  	v2 =	vld [tilespmem:s25+$0x65E0]  }
0x22: {  	v3 =	vld [tilespmem:s25+$0x6580]  }
0x23: {  	v4 =	vld [tilespmem:s25+$0x6590]  }
0x24: {  	v6 =	vld [tilespmem:s25+$0x65A0]  }
0x25: {  	v7 =	vld [tilespmem:s25+$0x6540]  }
0x26: {  	v9 =	vld [tilespmem:s25+$0x6550]  }
0x27: {  	v17 =	vld [tilespmem:s25+$0x6560]  }
0x28: {  	v18 =	vld [tilespmem:s25+$0x6500]  }
0x29: {  	v8 =	vimm.f32 $0.0e+00;
	v19 =	vld [tilespmem:s25+$0x6510]  }
0x2a: {  	v22 =	vld [tilespmem:s25+$0x6520];
	v12 =	vshll.u32 v0, $0x10;
	v11 =	vand.u32 $0xFFFF0000, v0;
	v10 =	vshll.u32 v1, $0x10  }
0x2b: {  	v23 =	vld [tilespmem:s25+$0x64C0];
	v5 =	vand.u32 $0xFFFF0000, v1;
	v1 =	vshll.u32 v2, $0x10;
	v0 =	vand.u32 $0xFFFF0000, v2  }
0x2c: {  	v24 =	vld [tilespmem:s25+$0x6480];
	v14 =	vshll.u32 v3, $0x10;
	v15 =	vand.u32 $0xFFFF0000, v3;
	v13 =	vshll.u32 v4, $0x10  }
0x2d: {  	v25 =	vld [tilespmem:s25+$0x6440];
	v16 =	vand.u32 $0xFFFF0000, v4;
	v3 =	vshll.u32 v6, $0x10;
	v2 =	vand.u32 $0xFFFF0000, v6  }
0x2e: {  	v26 =	vld [tilespmem:s25+$0x6400];
	v30 =	vshll.u32 v7, $0x10;
	v32 =	vand.u32 $0xFFFF0000, v7;
	v20 =	vshll.u32 v9, $0x10  }
0x2f: {  	v27 =	vld [tilespmem:s25+$0x6410];
	v21 =	vand.u32 $0xFFFF0000, v9;
	v6 =	vshll.u32 v17, $0x10;
	v4 =	vand.u32 $0xFFFF0000, v17  }
0x30: {  	v17 =	vshll.u32 v18, $0x10;
	v18 =	vand.u32 $0xFFFF0000, v18;
	v29 =	vshll.u32 v19, $0x10  }
0x31: {  	v28 =	vld [tilespmem:s25+$0x6450];
	v9 =	vshll.u32 v22, $0x10;
	v7 =	vand.u32 $0xFFFF0000, v22;
	v22 =	vshll.u32 v24, $0x10  }
0x32: {  	v31 =	vshll.u32 v23, $0x10;
	v23 =	vand.u32 $0xFFFF0000, v23;
	v33 =	vshll.u32 v25, $0x10  }
0x33: {  	v34 =	vld [tilespmem:s25+$0x6490];
	v25 =	vand.u32 $0xFFFF0000, v25;
	v35 =	vshll.u32 v26, $0x10;
	v26 =	vand.u32 $0xFFFF0000, v26  }
0x34: {  	v24 =	vand.u32 $0xFFFF0000, v24;
	v36 =	vshll.u32 v27, $0x10;
	v26 =	vadd.f32 v26, v8  }
0x35: {  	v37 =	vld [tilespmem:s25+$0x64D0];
	v27 =	vand.u32 $0xFFFF0000, v27;
	v35 =	vadd.f32 v35, v8;
	v36 =	vadd.f32 v36, v8  }
0x36: {  	v38 =	vshll.u32 v28, $0x10;
	v27 =	vadd.f32 v27, v8;
	v25 =	vadd.f32 v25, v26  }
0x37: {  	v33 =	vadd.f32 v33, v35;
	v26 =	vand.u32 $0xFFFF0000, v28;
	v62 =	vadd.f32 v38, v36  }
0x38: {  	v28 =	vld [tilespmem:s25+$0x64E0];
	v26 =	vadd.f32 v26, v27;
	v27 =	vshll.u32 v34, $0x10;
	v24 =	vadd.f32 v24, v25  }
0x39: {  	v63 =	vld [tilespmem:s25+$0x64A0];
	v22 =	vadd.f32 v22, v33;
	v25 =	vand.u32 $0xFFFF0000, v34;
	v27 =	vadd.f32 v27, v62  }
0x3a: {  	v25 =	vadd.f32 v25, v26;
	v26 =	vshll.u32 v37, $0x10;
	v23 =	vadd.f32 v23, v24  }
0x3b: {  	v22 =	vadd.f32 v31, v22;
	v24 =	vand.u32 $0xFFFF0000, v37;
	v31 =	vadd.f32 v26, v27  }
0x3c: {  	v19 =	vand.u32 $0xFFFF0000, v19;
	v25 =	vadd.f32 v24, v25;
	v18 =	vadd.f32 v18, v23;
	v23 =	vld [tilespmem:s25+$0x6460]  }
0x3d: {  	v27 =	vshll.u32 v28, $0x10;
	v26 =	vand.u32 $0xFFFF0000, v28;
	v17 =	vadd.f32 v17, v22  }
0x3e: {  	v28 =	vshll.u32 v63, $0x10;
	v24 =	vadd.f32 v29, v31;
	v22 =	vld [tilespmem:s25+$0x6420];
	v29 =	vand.u32 $0xFFFF0000, v63  }
0x3f: {  	v25 =	vadd.f32 v19, v25;
	v19 =	vimm.f32 $0.0e+00;
	v31 =	vadd.f32 v30, v17  }
0x40: {  	s26 =	simm.s32 $0x800;
	v32 =	vadd.f32 v32, v18;
	v30 =	vld [tilespmem:s25+$0x6430];
	v18 =	vimm.f32 $0.0e+00;
	v17 =	vimm.f32 $0.0e+00  }
.LBB2_3:
0x41: {  	p0 =	sne.s32 s26, $0xC000;
	v33 =	vshll.u32 v23, $0x10;
	v20 =	vadd.f32 v20, v24;
	v21 =	vadd.f32 v21, v25  }
0x42: {  	v34 =	vand.u32 $0xFFFF0000, v23;
	v35 =	vld [tilespmem:s25+$0x6470];
	v14 =	vadd.f32 v14, v31;
	v15 =	vadd.f32 v15, v32  }
0x43: {  	v31 =	vshll.u32 v22, $0x10;
	v13 =	vadd.f32 v13, v20;
	v16 =	vadd.f32 v16, v21  }
0x44: {  	v20 =	vand.u32 $0xFFFF0000, v22;
	v21 =	vld [tilespmem:s25+$0x64B0];
	v24 =	vadd.f32 v12, v14;
	v25 =	vadd.f32 v11, v15  }
0x45: {  	v11 =	vshll.u32 v30, $0x10;
	v22 =	vadd.f32 v10, v13;
	v23 =	vadd.f32 v5, v16  }
0x46: {  	s28 =	sshra.s32 s26, $0x2;
	v5 =	vadd.f32 v31, v8;
	v8 =	vadd.f32 v20, v18;
	v10 =	vand.u32 $0xFFFF0000, v30;
	v12 =	vld [tilespmem:s25+$0x64F0]  }
0x47: {  	v11 =	vadd.f32 v11, v19;
	v10 =	vadd.f32 v10, v17;
	v13 =	vld [tilespmem:s28+$0x65C0];
	v14 =	vshll.u32 v35, $0x10  }
0x48: {  	v5 =	vadd.f32 v33, v5;
	v8 =	vadd.f32 v34, v8;
	v15 =	vand.u32 $0xFFFF0000, v35;
	v16 =	vld [tilespmem:s25+$0x6530]  }
0x49: {  	v11 =	vadd.f32 v14, v11;
	v10 =	vadd.f32 v15, v10;
	v20 =	vld [tilespmem:s28+$0x65D0];
	v14 =	vshll.u32 v21, $0x10  }
0x4a: {  	v5 =	vadd.f32 v28, v5;
	v8 =	vadd.f32 v29, v8;
	v15 =	vand.u32 $0xFFFF0000, v21;
	v17 =	vld [tilespmem:s25+$0x6570]  }
0x4b: {  	v11 =	vadd.f32 v14, v11;
	v10 =	vadd.f32 v15, v10;
	v21 =	vld [tilespmem:s28+$0x65E0];
	v14 =	vshll.u32 v12, $0x10  }
0x4c: {  	v5 =	vadd.f32 v27, v5;
	v8 =	vadd.f32 v26, v8;
	v12 =	vand.u32 $0xFFFF0000, v12;
	v15 =	vld [tilespmem:s25+$0x65B0]  }
0x4d: {  	v11 =	vadd.f32 v14, v11;
	v10 =	vadd.f32 v12, v10;
	v12 =	vshll.u32 v16, $0x10;
	v14 =	vld [tilespmem:s25+$0x65F0];
	s25 =	smov.u32 s28  }
0x4e: {  	v5 =	vadd.f32 v9, v5;
	v7 =	vadd.f32 v7, v8;
	v8 =	vand.u32 $0xFFFF0000, v16;
	v26 =	vld [tilespmem:s25+$0x6580]  }
0x4f: {  	v11 =	vadd.f32 v12, v11;
	v8 =	vadd.f32 v8, v10;
	v9 =	vld [tilespmem:s25+$0x6590];
	v10 =	vshll.u32 v17, $0x10  }
0x50: {  	v5 =	vadd.f32 v6, v5;
	v4 =	vadd.f32 v4, v7;
	v6 =	vand.u32 $0xFFFF0000, v17;
	v27 =	vld [tilespmem:s25+$0x65A0]  }
0x51: {  	v10 =	vadd.f32 v10, v11;
	v6 =	vadd.f32 v6, v8;
	v7 =	vld [tilespmem:s25+$0x6540];
	v8 =	vshll.u32 v15, $0x10  }
0x52: {  	v3 =	vadd.f32 v3, v5;
	v2 =	vadd.f32 v2, v4;
	v4 =	vand.u32 $0xFFFF0000, v15;
	v28 =	vld [tilespmem:s25+$0x6550]  }
0x53: {  	v5 =	vadd.f32 v8, v10;
	v4 =	vadd.f32 v4, v6;
	v6 =	vshll.u32 v14, $0x10;
	v29 =	vld [tilespmem:s25+$0x6560]  }
0x54: {  	v8 =	vadd.f32 v1, v3;
	v18 =	vadd.f32 v0, v2;
	v0 =	vand.u32 $0xFFFF0000, v14;
	v30 =	vld [tilespmem:s25+$0x6500]  }
0x55: {  	v19 =	vadd.f32 v6, v5;
	v17 =	vadd.f32 v0, v4;
	v31 =	vld [tilespmem:s25+$0x6510]  }
0x56: {  	v12 =	vshll.u32 v13, $0x10;
	v11 =	vand.u32 $0xFFFF0000, v13;
	v10 =	vshll.u32 v20, $0x10;
	v32 =	vld [tilespmem:s25+$0x6520]  }
0x57: {  	v1 =	vshll.u32 v21, $0x10;
	v5 =	vand.u32 $0xFFFF0000, v20;
	v0 =	vand.u32 $0xFFFF0000, v21;
	v33 =	vld [tilespmem:s25+$0x64C0]  }
0x58: {  	v14 =	vshll.u32 v26, $0x10;
	v15 =	vand.u32 $0xFFFF0000, v26;
	v13 =	vshll.u32 v9, $0x10;
	v34 =	vld [tilespmem:s25+$0x6480]  }
0x59: {  	v16 =	vand.u32 $0xFFFF0000, v9;
	v3 =	vshll.u32 v27, $0x10;
	v2 =	vand.u32 $0xFFFF0000, v27;
	v26 =	vld [tilespmem:s25+$0x6440]  }
0x5a: {  	v35 =	vshll.u32 v7, $0x10;
	v36 =	vand.u32 $0xFFFF0000, v7;
	v20 =	vshll.u32 v28, $0x10;
	v27 =	vld [tilespmem:s25+$0x6400]  }
0x5b: {  	v21 =	vand.u32 $0xFFFF0000, v28;
	v6 =	vshll.u32 v29, $0x10;
	v4 =	vand.u32 $0xFFFF0000, v29;
	v37 =	vld [tilespmem:s25+$0x6410]  }
0x5c: {  	v28 =	vshll.u32 v30, $0x10;
	v29 =	vand.u32 $0xFFFF0000, v30;
	v30 =	vshll.u32 v31, $0x10  }
0x5d: {  	v31 =	vand.u32 $0xFFFF0000, v31;
	v9 =	vshll.u32 v32, $0x10;
	v7 =	vand.u32 $0xFFFF0000, v32;
	v38 =	vld [tilespmem:s25+$0x6450]  }
0x5e: {  	v39 =	vshll.u32 v33, $0x10;
	v33 =	vand.u32 $0xFFFF0000, v33;
	v32 =	vshll.u32 v34, $0x10  }
0x5f: {  	v34 =	vand.u32 $0xFFFF0000, v34;
	v40 =	vshll.u32 v26, $0x10;
	v26 =	vand.u32 $0xFFFF0000, v26;
	v41 =	vld [tilespmem:s25+$0x6490]  }
0x60: {  	v42 =	vshll.u32 v27, $0x10;
	v27 =	vand.u32 $0xFFFF0000, v27;
	v43 =	vshll.u32 v37, $0x10  }
0x61: {  	v24 =	vadd.f32 v42, v24;
	v25 =	vadd.f32 v27, v25;
	v27 =	vand.u32 $0xFFFF0000, v37;
	v37 =	vld [tilespmem:s25+$0x64D0]  }
0x62: {  	v22 =	vadd.f32 v43, v22;
	v23 =	vadd.f32 v27, v23;
	v27 =	vshll.u32 v38, $0x10  }
0x63: {  	v24 =	vadd.f32 v40, v24;
	v25 =	vadd.f32 v26, v25;
	v26 =	vand.u32 $0xFFFF0000, v38;
	v38 =	vld [tilespmem:s25+$0x64E0]  }
0x64: {  	v22 =	vadd.f32 v27, v22;
	v23 =	vadd.f32 v26, v23;
	v26 =	vshll.u32 v41, $0x10  }
0x65: {  	v24 =	vadd.f32 v32, v24;
	v25 =	vadd.f32 v34, v25;
	v27 =	vand.u32 $0xFFFF0000, v41;
	v32 =	vld [tilespmem:s25+$0x64A0]  }
0x66: {  	v22 =	vadd.f32 v26, v22;
	v26 =	vadd.f32 v27, v23;
	v27 =	vshll.u32 v37, $0x10  }
.Ltmp0:
0x67: {  	v24 =	vadd.f32 v39, v24;
	v25 =	vadd.f32 v33, v25;
	v33 =	vand.u32 $0xFFFF0000, v37;
	v23 =	vld [tilespmem:s25+$0x6460];
	(pc) =	sbr.rel @p0 .LBB2_3-.Ltmp0, $4  }
0x68: {  	v34 =	vadd.f32 v27, v22;
	v33 =	vadd.f32 v33, v26;
	v27 =	vshll.u32 v38, $0x10  }
0x69: {  	v26 =	vand.u32 $0xFFFF0000, v38;
	v37 =	vadd.f32 v28, v24;
	v38 =	vadd.f32 v29, v25;
	v22 =	vld [tilespmem:s25+$0x6420]  }
0x6a: {  	v24 =	vadd.f32 v30, v34;
	v25 =	vadd.f32 v31, v33;
	v28 =	vshll.u32 v32, $0x10  }
0x6b: {  	s26 =	sadd.s32 $0x800, s26;
	v29 =	vand.u32 $0xFFFF0000, v32;
	v31 =	vadd.f32 v35, v37;
	v32 =	vadd.f32 v36, v38;
	v30 =	vld [tilespmem:s25+$0x6430]  }
0x6c: {  	_ = 	snop  }
0x6d: {  	v33 =	vshll.u32 v23, $0x10;
	v20 =	vadd.f32 v20, v24;
	v21 =	vadd.f32 v21, v25;
	v24 =	vld [tilespmem:s25+$0x6470]  }
0x6e: {  	v23 =	vand.u32 $0xFFFF0000, v23;
	v14 =	vadd.f32 v14, v31;
	v15 =	vadd.f32 v15, v32  }
0x6f: {  	v25 =	vshll.u32 v22, $0x10;
	v13 =	vadd.f32 v13, v20;
	v16 =	vadd.f32 v16, v21;
	v20 =	vld [tilespmem:s25+$0x64B0]  }
0x70: {  	v12 =	vadd.f32 v12, v14;
	v8 =	vadd.f32 v25, v8;
	v14 =	vshll.u32 v30, $0x10  }
0x71: {  	v21 =	vand.u32 $0xFFFF0000, v22;
	v11 =	vadd.f32 v11, v15;
	v15 =	vld [tilespmem:s25+$0x64F0];
	v14 =	vadd.f32 v14, v19  }
0x72: {  	v10 =	vadd.f32 v10, v13;
	v13 =	vshll.u32 v24, $0x10;
	v8 =	vadd.f32 v33, v8  }
0x73: {  	v18 =	vadd.f32 v21, v18;
	v21 =	vld [tilespmem:s25+$0x6530];
	v19 =	vand.u32 $0xFFFF0000, v30;
	v13 =	vadd.f32 v13, v14  }
0x74: {  	v14 =	vadd.f32 v19, v17;
	v17 =	vshll.u32 v20, $0x10;
	v8 =	vadd.f32 v28, v8  }
0x75: {  	v22 =	vld [tilespmem:s25+$0x6570];
	v18 =	vadd.f32 v23, v18;
	v19 =	vand.u32 $0xFFFF0000, v24;
	v13 =	vadd.f32 v17, v13  }
0x76: {  	v14 =	vadd.f32 v19, v14;
	v17 =	vshll.u32 v15, $0x10;
	v8 =	vadd.f32 v27, v8  }
0x77: {  	v18 =	vadd.f32 v29, v18;
	v19 =	vand.u32 $0xFFFF0000, v20;
	v20 =	vld [tilespmem:s25+$0x65B0];
	v13 =	vadd.f32 v17, v13  }
0x78: {  	v14 =	vadd.f32 v19, v14;
	v17 =	vshll.u32 v21, $0x10;
	v8 =	vadd.f32 v9, v8  }
0x79: {  	v15 =	vand.u32 $0xFFFF0000, v15;
	v9 =	vadd.f32 v26, v18;
	v18 =	vld [tilespmem:s25+$0x65F0];
	v13 =	vadd.f32 v17, v13  }
0x7a: {  	v14 =	vadd.f32 v15, v14;
	v15 =	vshll.u32 v22, $0x10;
	v6 =	vadd.f32 v6, v8  }
0x7b: {  	v7 =	vadd.f32 v7, v9;
	v8 =	vand.u32 $0xFFFF0000, v21;
	v9 =	vadd.f32 v15, v13  }
0x7c: {  	v8 =	vadd.f32 v8, v14;
	v13 =	vshll.u32 v20, $0x10;
	v3 =	vadd.f32 v3, v6  }
0x7d: {  	s31 =	smul.u32 $0xA00, s24;
	v4 =	vadd.f32 v4, v7;
	v6 =	vand.u32 $0xFFFF0000, v22;
	v7 =	vadd.f32 v13, v9  }
0x7e: {  	v9 =	vshll.u32 v18, $0x10;
	v1 =	vadd.f32 v1, v3;
	v3 =	vmul.f32 $4.999999890e-03, v12  }
0x7f: {  	s25 =	sshra.s32 s31, $0x2;
	v6 =	vadd.f32 v6, v8;
	v8 =	vmul.f32 $4.999999890e-03, v10;
	v7 =	vadd.f32 v9, v7  }
0x80: {  	v2 =	vadd.f32 v2, v4;
	v4 =	vand.u32 $0xFFFF0000, v20;
	[tilespmem:s25+$0x15E00] =	vst v3;
	v1 =	vmul.f32 $4.999999890e-03, v1  }
0x81: {  	v3 =	vadd.f32 v5, v16;
	v4 =	vadd.f32 v4, v6;
	[tilespmem:s25+$0x15E10] =	vst v8;
	v5 =	vmul.f32 $4.999999890e-03, v7  }
0x82: {  	v0 =	vadd.f32 v0, v2;
	v2 =	vand.u32 $0xFFFF0000, v18;
	[tilespmem:s25+$0x15E20] =	vst v1;
	v1 =	vmul.f32 $4.999999890e-03, v11  }
0x83: {  	v2 =	vadd.f32 v2, v4;
	v3 =	vmul.f32 $4.999999890e-03, v3;
	[tilespmem:s25+$0x15E30] =	vst v5  }
0x84: {  	s26 =	smul.u32 $0xFA0, s24;
	v0 =	vmul.f32 $4.999999890e-03, v0;
	[tilespmem:s25+$0x15E40] =	vst v1  }
0x85: {  	[tilespmem:s25+$0x15E50] =	vst v3;
	v1 =	vmul.f32 $4.999999890e-03, v2  }
0x86: {  	s26 =	sshra.s32 s26, $0x2;
	[tilespmem:s25+$0x15E60] =	vst v0  }
0x87: {  	s28 =	sadd.s32 $0x3E8, s26;
	[tilespmem:s25+$0x15E70] =	vst v1  }
0x88: {  	[tilespmem:s9], [sflag:$0x1] =	stream.indirect.gather [hbm4b:s3+s8], $0x40, s28, s8, $0xb8;
	[tilespmem:$0x19E00] =	vst v63  }
0x89: {  	_ =	swait.ge [sflag:s18], $0x3200  }
0x8a: {  	[sflag:s18] =	ssyncset.done $0x0  }
0x8b: {  	s28 =	simm.s32 $0x0;
	[sflag:s18] =	ssyncadd.s32 $0xFFFFCE00  }
0x8c: {  	v0 =	vld [tilespmem:s28+$0x97C0]  }
0x8d: {  	v1 =	vld [tilespmem:s28+$0x97D0]  }
0x8e: {  	v2 =	vld [tilespmem:s28+$0x97E0]  }
0x8f: {  	v3 =	vld [tilespmem:s28+$0x9780]  }
0x90: {  	v4 =	vld [tilespmem:s28+$0x9790]  }
0x91: {  	v6 =	vld [tilespmem:s28+$0x97A0]  }
0x92: {  	v7 =	vld [tilespmem:s28+$0x9740]  }
0x93: {  	v9 =	vld [tilespmem:s28+$0x9750]  }
0x94: {  	v17 =	vld [tilespmem:s28+$0x9760]  }
0x95: {  	v18 =	vld [tilespmem:s28+$0x9700]  }
0x96: {  	v8 =	vimm.f32 $0.0e+00;
	v19 =	vld [tilespmem:s28+$0x9710]  }
0x97: {  	v22 =	vld [tilespmem:s28+$0x9720];
	v12 =	vshll.u32 v0, $0x10;
	v11 =	vand.u32 $0xFFFF0000, v0;
	v10 =	vshll.u32 v1, $0x10  }
0x98: {  	v23 =	vld [tilespmem:s28+$0x96C0];
	v5 =	vand.u32 $0xFFFF0000, v1;
	v1 =	vshll.u32 v2, $0x10;
	v0 =	vand.u32 $0xFFFF0000, v2  }
0x99: {  	v24 =	vld [tilespmem:s28+$0x9680];
	v14 =	vshll.u32 v3, $0x10;
	v15 =	vand.u32 $0xFFFF0000, v3;
	v13 =	vshll.u32 v4, $0x10  }
0x9a: {  	v25 =	vld [tilespmem:s28+$0x9640];
	v16 =	vand.u32 $0xFFFF0000, v4;
	v3 =	vshll.u32 v6, $0x10;
	v2 =	vand.u32 $0xFFFF0000, v6  }
0x9b: {  	v26 =	vld [tilespmem:s28+$0x9600];
	v30 =	vshll.u32 v7, $0x10;
	v60 =	vand.u32 $0xFFFF0000, v7;
	v20 =	vshll.u32 v9, $0x10  }
0x9c: {  	v27 =	vld [tilespmem:s28+$0x9610];
	v21 =	vand.u32 $0xFFFF0000, v9;
	v6 =	vshll.u32 v17, $0x10;
	v4 =	vand.u32 $0xFFFF0000, v17  }
0x9d: {  	v17 =	vshll.u32 v18, $0x10;
	v18 =	vand.u32 $0xFFFF0000, v18;
	v29 =	vshll.u32 v19, $0x10  }
0x9e: {  	v28 =	vld [tilespmem:s28+$0x9650];
	v9 =	vshll.u32 v22, $0x10;
	v7 =	vand.u32 $0xFFFF0000, v22;
	v22 =	vshll.u32 v24, $0x10  }
0x9f: {  	v31 =	vshll.u32 v23, $0x10;
	v23 =	vand.u32 $0xFFFF0000, v23;
	v61 =	vshll.u32 v25, $0x10  }
0xa0: {  	v34 =	vld [tilespmem:s28+$0x9690];
	v25 =	vand.u32 $0xFFFF0000, v25;
	v35 =	vshll.u32 v26, $0x10;
	v26 =	vand.u32 $0xFFFF0000, v26  }
0xa1: {  	v24 =	vand.u32 $0xFFFF0000, v24;
	v36 =	vshll.u32 v27, $0x10;
	v26 =	vadd.f32 v26, v8  }
0xa2: {  	v37 =	vld [tilespmem:s28+$0x96D0];
	v27 =	vand.u32 $0xFFFF0000, v27;
	v35 =	vadd.f32 v35, v8;
	v36 =	vadd.f32 v36, v8  }
0xa3: {  	v38 =	vshll.u32 v28, $0x10;
	v27 =	vadd.f32 v27, v8;
	v25 =	vadd.f32 v25, v26  }
0xa4: {  	v33 =	vadd.f32 v61, v35;
	v26 =	vand.u32 $0xFFFF0000, v28;
	v62 =	vadd.f32 v38, v36  }
0xa5: {  	v28 =	vld [tilespmem:s28+$0x96E0];
	v26 =	vadd.f32 v26, v27;
	v27 =	vshll.u32 v34, $0x10;
	v24 =	vadd.f32 v24, v25  }
0xa6: {  	v63 =	vld [tilespmem:s28+$0x96A0];
	v22 =	vadd.f32 v22, v33;
	v25 =	vand.u32 $0xFFFF0000, v34;
	v27 =	vadd.f32 v27, v62  }
0xa7: {  	v25 =	vadd.f32 v25, v26;
	v26 =	vshll.u32 v37, $0x10;
	v23 =	vadd.f32 v23, v24  }
0xa8: {  	v22 =	vadd.f32 v31, v22;
	v24 =	vand.u32 $0xFFFF0000, v37;
	v31 =	vadd.f32 v26, v27  }
0xa9: {  	v19 =	vand.u32 $0xFFFF0000, v19;
	v25 =	vadd.f32 v24, v25;
	v18 =	vadd.f32 v18, v23;
	v23 =	vld [tilespmem:s28+$0x9660]  }
0xaa: {  	v27 =	vshll.u32 v28, $0x10;
	v26 =	vand.u32 $0xFFFF0000, v28;
	v17 =	vadd.f32 v17, v22  }
0xab: {  	v28 =	vshll.u32 v63, $0x10;
	v24 =	vadd.f32 v29, v31;
	v22 =	vld [tilespmem:s28+$0x9620];
	v29 =	vand.u32 $0xFFFF0000, v63  }
0xac: {  	v25 =	vadd.f32 v19, v25;
	v19 =	vimm.f32 $0.0e+00;
	v31 =	vadd.f32 v30, v17  }
0xad: {  	s29 =	simm.s32 $0x800;
	v32 =	vadd.f32 v60, v18;
	v30 =	vld [tilespmem:s28+$0x9630];
	v18 =	vimm.f32 $0.0e+00;
	v17 =	vimm.f32 $0.0e+00  }
.LBB2_5:
0xae: {  	p0 =	sne.s32 s29, $0xC000;
	v33 =	vshll.u32 v23, $0x10;
	v20 =	vadd.f32 v20, v24;
	v21 =	vadd.f32 v21, v25  }
0xaf: {  	v34 =	vand.u32 $0xFFFF0000, v23;
	v35 =	vld [tilespmem:s28+$0x9670];
	v14 =	vadd.f32 v14, v31;
	v15 =	vadd.f32 v15, v32  }
0xb0: {  	v31 =	vshll.u32 v22, $0x10;
	v13 =	vadd.f32 v13, v20;
	v16 =	vadd.f32 v16, v21  }
0xb1: {  	v20 =	vand.u32 $0xFFFF0000, v22;
	v21 =	vld [tilespmem:s28+$0x96B0];
	v24 =	vadd.f32 v12, v14;
	v25 =	vadd.f32 v11, v15  }
0xb2: {  	v11 =	vshll.u32 v30, $0x10;
	v22 =	vadd.f32 v10, v13;
	v23 =	vadd.f32 v5, v16  }
0xb3: {  	s30 =	sshra.s32 s29, $0x2;
	v5 =	vadd.f32 v31, v8;
	v8 =	vadd.f32 v20, v18;
	v10 =	vand.u32 $0xFFFF0000, v30;
	v12 =	vld [tilespmem:s28+$0x96F0]  }
0xb4: {  	v11 =	vadd.f32 v11, v19;
	v10 =	vadd.f32 v10, v17;
	v13 =	vld [tilespmem:s30+$0x97C0];
	v14 =	vshll.u32 v35, $0x10  }
0xb5: {  	v5 =	vadd.f32 v33, v5;
	v8 =	vadd.f32 v34, v8;
	v15 =	vand.u32 $0xFFFF0000, v35;
	v16 =	vld [tilespmem:s28+$0x9730]  }
0xb6: {  	v11 =	vadd.f32 v14, v11;
	v10 =	vadd.f32 v15, v10;
	v20 =	vld [tilespmem:s30+$0x97D0];
	v14 =	vshll.u32 v21, $0x10  }
0xb7: {  	v5 =	vadd.f32 v28, v5;
	v8 =	vadd.f32 v29, v8;
	v15 =	vand.u32 $0xFFFF0000, v21;
	v17 =	vld [tilespmem:s28+$0x9770]  }
0xb8: {  	v11 =	vadd.f32 v14, v11;
	v10 =	vadd.f32 v15, v10;
	v21 =	vld [tilespmem:s30+$0x97E0];
	v14 =	vshll.u32 v12, $0x10  }
0xb9: {  	v5 =	vadd.f32 v27, v5;
	v8 =	vadd.f32 v26, v8;
	v12 =	vand.u32 $0xFFFF0000, v12;
	v15 =	vld [tilespmem:s28+$0x97B0]  }
0xba: {  	v11 =	vadd.f32 v14, v11;
	v10 =	vadd.f32 v12, v10;
	v12 =	vshll.u32 v16, $0x10;
	v14 =	vld [tilespmem:s28+$0x97F0];
	s28 =	smov.u32 s30  }
0xbb: {  	v5 =	vadd.f32 v9, v5;
	v7 =	vadd.f32 v7, v8;
	v8 =	vand.u32 $0xFFFF0000, v16;
	v26 =	vld [tilespmem:s28+$0x9780]  }
0xbc: {  	v11 =	vadd.f32 v12, v11;
	v8 =	vadd.f32 v8, v10;
	v9 =	vld [tilespmem:s28+$0x9790];
	v10 =	vshll.u32 v17, $0x10  }
0xbd: {  	v5 =	vadd.f32 v6, v5;
	v4 =	vadd.f32 v4, v7;
	v6 =	vand.u32 $0xFFFF0000, v17;
	v27 =	vld [tilespmem:s28+$0x97A0]  }
0xbe: {  	v10 =	vadd.f32 v10, v11;
	v6 =	vadd.f32 v6, v8;
	v7 =	vld [tilespmem:s28+$0x9740];
	v8 =	vshll.u32 v15, $0x10  }
0xbf: {  	v3 =	vadd.f32 v3, v5;
	v2 =	vadd.f32 v2, v4;
	v4 =	vand.u32 $0xFFFF0000, v15;
	v28 =	vld [tilespmem:s28+$0x9750]  }
0xc0: {  	v5 =	vadd.f32 v8, v10;
	v4 =	vadd.f32 v4, v6;
	v6 =	vshll.u32 v14, $0x10;
	v29 =	vld [tilespmem:s28+$0x9760]  }
0xc1: {  	v8 =	vadd.f32 v1, v3;
	v18 =	vadd.f32 v0, v2;
	v0 =	vand.u32 $0xFFFF0000, v14;
	v30 =	vld [tilespmem:s28+$0x9700]  }
0xc2: {  	v19 =	vadd.f32 v6, v5;
	v17 =	vadd.f32 v0, v4;
	v31 =	vld [tilespmem:s28+$0x9710]  }
0xc3: {  	v12 =	vshll.u32 v13, $0x10;
	v11 =	vand.u32 $0xFFFF0000, v13;
	v10 =	vshll.u32 v20, $0x10;
	v32 =	vld [tilespmem:s28+$0x9720]  }
0xc4: {  	v1 =	vshll.u32 v21, $0x10;
	v5 =	vand.u32 $0xFFFF0000, v20;
	v0 =	vand.u32 $0xFFFF0000, v21;
	v33 =	vld [tilespmem:s28+$0x96C0]  }
0xc5: {  	v14 =	vshll.u32 v26, $0x10;
	v15 =	vand.u32 $0xFFFF0000, v26;
	v13 =	vshll.u32 v9, $0x10;
	v34 =	vld [tilespmem:s28+$0x9680]  }
0xc6: {  	v16 =	vand.u32 $0xFFFF0000, v9;
	v3 =	vshll.u32 v27, $0x10;
	v2 =	vand.u32 $0xFFFF0000, v27;
	v26 =	vld [tilespmem:s28+$0x9640]  }
0xc7: {  	v35 =	vshll.u32 v7, $0x10;
	v36 =	vand.u32 $0xFFFF0000, v7;
	v20 =	vshll.u32 v28, $0x10;
	v27 =	vld [tilespmem:s28+$0x9600]  }
0xc8: {  	v21 =	vand.u32 $0xFFFF0000, v28;
	v6 =	vshll.u32 v29, $0x10;
	v4 =	vand.u32 $0xFFFF0000, v29;
	v37 =	vld [tilespmem:s28+$0x9610]  }
0xc9: {  	v28 =	vshll.u32 v30, $0x10;
	v29 =	vand.u32 $0xFFFF0000, v30;
	v30 =	vshll.u32 v31, $0x10  }
0xca: {  	v31 =	vand.u32 $0xFFFF0000, v31;
	v9 =	vshll.u32 v32, $0x10;
	v7 =	vand.u32 $0xFFFF0000, v32;
	v38 =	vld [tilespmem:s28+$0x9650]  }
0xcb: {  	v39 =	vshll.u32 v33, $0x10;
	v33 =	vand.u32 $0xFFFF0000, v33;
	v32 =	vshll.u32 v34, $0x10  }
0xcc: {  	v34 =	vand.u32 $0xFFFF0000, v34;
	v40 =	vshll.u32 v26, $0x10;
	v26 =	vand.u32 $0xFFFF0000, v26;
	v41 =	vld [tilespmem:s28+$0x9690]  }
0xcd: {  	v42 =	vshll.u32 v27, $0x10;
	v27 =	vand.u32 $0xFFFF0000, v27;
	v43 =	vshll.u32 v37, $0x10  }
0xce: {  	v24 =	vadd.f32 v42, v24;
	v25 =	vadd.f32 v27, v25;
	v27 =	vand.u32 $0xFFFF0000, v37;
	v37 =	vld [tilespmem:s28+$0x96D0]  }
0xcf: {  	v22 =	vadd.f32 v43, v22;
	v23 =	vadd.f32 v27, v23;
	v27 =	vshll.u32 v38, $0x10  }
0xd0: {  	v24 =	vadd.f32 v40, v24;
	v25 =	vadd.f32 v26, v25;
	v26 =	vand.u32 $0xFFFF0000, v38;
	v38 =	vld [tilespmem:s28+$0x96E0]  }
0xd1: {  	v22 =	vadd.f32 v27, v22;
	v23 =	vadd.f32 v26, v23;
	v26 =	vshll.u32 v41, $0x10  }
0xd2: {  	v24 =	vadd.f32 v32, v24;
	v25 =	vadd.f32 v34, v25;
	v27 =	vand.u32 $0xFFFF0000, v41;
	v32 =	vld [tilespmem:s28+$0x96A0]  }
0xd3: {  	v22 =	vadd.f32 v26, v22;
	v26 =	vadd.f32 v27, v23;
	v27 =	vshll.u32 v37, $0x10  }
.Ltmp1:
0xd4: {  	v24 =	vadd.f32 v39, v24;
	v25 =	vadd.f32 v33, v25;
	v33 =	vand.u32 $0xFFFF0000, v37;
	v23 =	vld [tilespmem:s28+$0x9660];
	(pc) =	sbr.rel @p0 .LBB2_5-.Ltmp1, $4  }
0xd5: {  	v34 =	vadd.f32 v27, v22;
	v33 =	vadd.f32 v33, v26;
	v27 =	vshll.u32 v38, $0x10  }
0xd6: {  	v26 =	vand.u32 $0xFFFF0000, v38;
	v37 =	vadd.f32 v28, v24;
	v38 =	vadd.f32 v29, v25;
	v22 =	vld [tilespmem:s28+$0x9620]  }
0xd7: {  	v24 =	vadd.f32 v30, v34;
	v25 =	vadd.f32 v31, v33;
	v28 =	vshll.u32 v32, $0x10  }
0xd8: {  	s29 =	sadd.s32 $0x800, s29;
	v29 =	vand.u32 $0xFFFF0000, v32;
	v31 =	vadd.f32 v35, v37;
	v32 =	vadd.f32 v36, v38;
	v30 =	vld [tilespmem:s28+$0x9630]  }
0xd9: {  	_ = 	snop  }
0xda: {  	v33 =	vshll.u32 v23, $0x10;
	v20 =	vadd.f32 v20, v24;
	v21 =	vadd.f32 v21, v25;
	v24 =	vld [tilespmem:s28+$0x9670]  }
0xdb: {  	v23 =	vand.u32 $0xFFFF0000, v23;
	v14 =	vadd.f32 v14, v31;
	v15 =	vadd.f32 v15, v32  }
0xdc: {  	v25 =	vshll.u32 v22, $0x10;
	v13 =	vadd.f32 v13, v20;
	v16 =	vadd.f32 v16, v21;
	v20 =	vld [tilespmem:s28+$0x96B0]  }
0xdd: {  	v12 =	vadd.f32 v12, v14;
	v8 =	vadd.f32 v25, v8;
	v14 =	vshll.u32 v30, $0x10  }
0xde: {  	v21 =	vand.u32 $0xFFFF0000, v22;
	v11 =	vadd.f32 v11, v15;
	v15 =	vld [tilespmem:s28+$0x96F0];
	v14 =	vadd.f32 v14, v19  }
0xdf: {  	v10 =	vadd.f32 v10, v13;
	v13 =	vshll.u32 v24, $0x10;
	v8 =	vadd.f32 v33, v8  }
0xe0: {  	v18 =	vadd.f32 v21, v18;
	v21 =	vld [tilespmem:s28+$0x9730];
	v19 =	vand.u32 $0xFFFF0000, v30;
	v13 =	vadd.f32 v13, v14  }
0xe1: {  	v14 =	vadd.f32 v19, v17;
	v17 =	vshll.u32 v20, $0x10;
	v8 =	vadd.f32 v28, v8  }
0xe2: {  	v22 =	vld [tilespmem:s28+$0x9770];
	v18 =	vadd.f32 v23, v18;
	v19 =	vand.u32 $0xFFFF0000, v24;
	v13 =	vadd.f32 v17, v13  }
0xe3: {  	v14 =	vadd.f32 v19, v14;
	v17 =	vshll.u32 v15, $0x10;
	v8 =	vadd.f32 v27, v8  }
0xe4: {  	v18 =	vadd.f32 v29, v18;
	v19 =	vand.u32 $0xFFFF0000, v20;
	v20 =	vld [tilespmem:s28+$0x97B0];
	v13 =	vadd.f32 v17, v13  }
0xe5: {  	v14 =	vadd.f32 v19, v14;
	v17 =	vshll.u32 v21, $0x10;
	v8 =	vadd.f32 v9, v8  }
0xe6: {  	v15 =	vand.u32 $0xFFFF0000, v15;
	v9 =	vadd.f32 v26, v18;
	v18 =	vld [tilespmem:s28+$0x97F0];
	v13 =	vadd.f32 v17, v13  }
0xe7: {  	v14 =	vadd.f32 v15, v14;
	v15 =	vshll.u32 v22, $0x10;
	v6 =	vadd.f32 v6, v8  }
0xe8: {  	v7 =	vadd.f32 v7, v9;
	v8 =	vand.u32 $0xFFFF0000, v21;
	v9 =	vadd.f32 v15, v13  }
0xe9: {  	v8 =	vadd.f32 v8, v14;
	v13 =	vshll.u32 v20, $0x10;
	v3 =	vadd.f32 v3, v6  }
0xea: {  	v4 =	vadd.f32 v4, v7;
	v6 =	vand.u32 $0xFFFF0000, v22;
	v7 =	vadd.f32 v13, v9  }
0xeb: {  	v9 =	vshll.u32 v18, $0x10;
	v1 =	vadd.f32 v1, v3;
	v3 =	vmul.f32 $4.999999890e-03, v12  }
0xec: {  	v6 =	vadd.f32 v6, v8;
	v8 =	vmul.f32 $4.999999890e-03, v10;
	v7 =	vadd.f32 v9, v7  }
0xed: {  	v2 =	vadd.f32 v2, v4;
	v4 =	vand.u32 $0xFFFF0000, v20;
	[tilespmem:s25+$0x15E80] =	vst v3;
	v1 =	vmul.f32 $4.999999890e-03, v1  }
0xee: {  	v3 =	vadd.f32 v5, v16;
	v4 =	vadd.f32 v4, v6;
	[tilespmem:s25+$0x15E90] =	vst v8;
	v5 =	vmul.f32 $4.999999890e-03, v7  }
0xef: {  	v0 =	vadd.f32 v0, v2;
	v2 =	vand.u32 $0xFFFF0000, v18;
	[tilespmem:s25+$0x15EA0] =	vst v1;
	v1 =	vmul.f32 $4.999999890e-03, v11  }
0xf0: {  	v2 =	vadd.f32 v2, v4;
	v3 =	vmul.f32 $4.999999890e-03, v3;
	[tilespmem:s25+$0x15EB0] =	vst v5  }
0xf1: {  	v0 =	vmul.f32 $4.999999890e-03, v0;
	[tilespmem:s25+$0x15EC0] =	vst v1  }
0xf2: {  	[tilespmem:s25+$0x15ED0] =	vst v3;
	v1 =	vmul.f32 $4.999999890e-03, v2  }
0xf3: {  	[tilespmem:s25+$0x15EE0] =	vst v0  }
0xf4: {  	s28 =	sadd.s32 $0x4B0, s26;
	[tilespmem:s25+$0x15EF0] =	vst v1  }
0xf5: {  	[tilespmem:s10], [sflag:$0x2] =	stream.indirect.gather [hbm4b:s3+s8], $0x40, s28, s8, $0xb8;
	[tilespmem:$0x19E00] =	vst v63  }
0xf6: {  	_ =	swait.ge [sflag:s19], $0x3200  }
0xf7: {  	[sflag:s19] =	ssyncset.done $0x0  }
0xf8: {  	s28 =	simm.s32 $0x0;
	[sflag:s19] =	ssyncadd.s32 $0xFFFFCE00  }
0xf9: {  	v0 =	vld [tilespmem:s28+$0xC9C0]  }
0xfa: {  	v1 =	vld [tilespmem:s28+$0xC9D0]  }
0xfb: {  	v2 =	vld [tilespmem:s28+$0xC9E0]  }
0xfc: {  	v3 =	vld [tilespmem:s28+$0xC980]  }
0xfd: {  	v4 =	vld [tilespmem:s28+$0xC990]  }
0xfe: {  	v6 =	vld [tilespmem:s28+$0xC9A0]  }
0xff: {  	v7 =	vld [tilespmem:s28+$0xC940]  }
0x100: {  	v9 =	vld [tilespmem:s28+$0xC950]  }
0x101: {  	v17 =	vld [tilespmem:s28+$0xC960]  }
0x102: {  	v18 =	vld [tilespmem:s28+$0xC900]  }
0x103: {  	v8 =	vimm.f32 $0.0e+00;
	v19 =	vld [tilespmem:s28+$0xC910]  }
0x104: {  	v22 =	vld [tilespmem:s28+$0xC920];
	v12 =	vshll.u32 v0, $0x10;
	v11 =	vand.u32 $0xFFFF0000, v0;
	v10 =	vshll.u32 v1, $0x10  }
0x105: {  	v23 =	vld [tilespmem:s28+$0xC8C0];
	v5 =	vand.u32 $0xFFFF0000, v1;
	v1 =	vshll.u32 v2, $0x10;
	v0 =	vand.u32 $0xFFFF0000, v2  }
0x106: {  	v24 =	vld [tilespmem:s28+$0xC880];
	v14 =	vshll.u32 v3, $0x10;
	v15 =	vand.u32 $0xFFFF0000, v3;
	v13 =	vshll.u32 v4, $0x10  }
0x107: {  	v25 =	vld [tilespmem:s28+$0xC840];
	v16 =	vand.u32 $0xFFFF0000, v4;
	v3 =	vshll.u32 v6, $0x10;
	v2 =	vand.u32 $0xFFFF0000, v6  }
0x108: {  	v26 =	vld [tilespmem:s28+$0xC800];
	v30 =	vshll.u32 v7, $0x10;
	v60 =	vand.u32 $0xFFFF0000, v7;
	v20 =	vshll.u32 v9, $0x10  }
0x109: {  	v27 =	vld [tilespmem:s28+$0xC810];
	v21 =	vand.u32 $0xFFFF0000, v9;
	v6 =	vshll.u32 v17, $0x10;
	v4 =	vand.u32 $0xFFFF0000, v17  }
0x10a: {  	v17 =	vshll.u32 v18, $0x10;
	v18 =	vand.u32 $0xFFFF0000, v18;
	v29 =	vshll.u32 v19, $0x10  }
0x10b: {  	v28 =	vld [tilespmem:s28+$0xC850];
	v9 =	vshll.u32 v22, $0x10;
	v7 =	vand.u32 $0xFFFF0000, v22;
	v22 =	vshll.u32 v24, $0x10  }
0x10c: {  	v31 =	vshll.u32 v23, $0x10;
	v23 =	vand.u32 $0xFFFF0000, v23;
	v61 =	vshll.u32 v25, $0x10  }
0x10d: {  	v34 =	vld [tilespmem:s28+$0xC890];
	v25 =	vand.u32 $0xFFFF0000, v25;
	v35 =	vshll.u32 v26, $0x10;
	v26 =	vand.u32 $0xFFFF0000, v26  }
0x10e: {  	v24 =	vand.u32 $0xFFFF0000, v24;
	v36 =	vshll.u32 v27, $0x10;
	v26 =	vadd.f32 v26, v8  }
0x10f: {  	v37 =	vld [tilespmem:s28+$0xC8D0];
	v27 =	vand.u32 $0xFFFF0000, v27;
	v35 =	vadd.f32 v35, v8;
	v36 =	vadd.f32 v36, v8  }
0x110: {  	v38 =	vshll.u32 v28, $0x10;
	v27 =	vadd.f32 v27, v8;
	v25 =	vadd.f32 v25, v26  }
0x111: {  	v33 =	vadd.f32 v61, v35;
	v26 =	vand.u32 $0xFFFF0000, v28;
	v62 =	vadd.f32 v38, v36  }
0x112: {  	v28 =	vld [tilespmem:s28+$0xC8E0];
	v26 =	vadd.f32 v26, v27;
	v27 =	vshll.u32 v34, $0x10;
	v24 =	vadd.f32 v24, v25  }
0x113: {  	v63 =	vld [tilespmem:s28+$0xC8A0];
	v22 =	vadd.f32 v22, v33;
	v25 =	vand.u32 $0xFFFF0000, v34;
	v27 =	vadd.f32 v27, v62  }
0x114: {  	v25 =	vadd.f32 v25, v26;
	v26 =	vshll.u32 v37, $0x10;
	v23 =	vadd.f32 v23, v24  }
0x115: {  	v22 =	vadd.f32 v31, v22;
	v24 =	vand.u32 $0xFFFF0000, v37;
	v31 =	vadd.f32 v26, v27  }
0x116: {  	v19 =	vand.u32 $0xFFFF0000, v19;
	v25 =	vadd.f32 v24, v25;
	v18 =	vadd.f32 v18, v23;
	v23 =	vld [tilespmem:s28+$0xC860]  }
0x117: {  	v27 =	vshll.u32 v28, $0x10;
	v26 =	vand.u32 $0xFFFF0000, v28;
	v17 =	vadd.f32 v17, v22  }
0x118: {  	v28 =	vshll.u32 v63, $0x10;
	v24 =	vadd.f32 v29, v31;
	v22 =	vld [tilespmem:s28+$0xC820];
	v29 =	vand.u32 $0xFFFF0000, v63  }
0x119: {  	v25 =	vadd.f32 v19, v25;
	v19 =	vimm.f32 $0.0e+00;
	v31 =	vadd.f32 v30, v17  }
0x11a: {  	s29 =	simm.s32 $0x800;
	v32 =	vadd.f32 v60, v18;
	v30 =	vld [tilespmem:s28+$0xC830];
	v18 =	vimm.f32 $0.0e+00;
	v17 =	vimm.f32 $0.0e+00  }
.LBB2_7:
0x11b: {  	p0 =	sne.s32 s29, $0xC000;
	v33 =	vshll.u32 v23, $0x10;
	v20 =	vadd.f32 v20, v24;
	v21 =	vadd.f32 v21, v25  }
0x11c: {  	v34 =	vand.u32 $0xFFFF0000, v23;
	v35 =	vld [tilespmem:s28+$0xC870];
	v14 =	vadd.f32 v14, v31;
	v15 =	vadd.f32 v15, v32  }
0x11d: {  	v31 =	vshll.u32 v22, $0x10;
	v13 =	vadd.f32 v13, v20;
	v16 =	vadd.f32 v16, v21  }
0x11e: {  	v20 =	vand.u32 $0xFFFF0000, v22;
	v21 =	vld [tilespmem:s28+$0xC8B0];
	v24 =	vadd.f32 v12, v14;
	v25 =	vadd.f32 v11, v15  }
0x11f: {  	v11 =	vshll.u32 v30, $0x10;
	v22 =	vadd.f32 v10, v13;
	v23 =	vadd.f32 v5, v16  }
0x120: {  	s30 =	sshra.s32 s29, $0x2;
	v5 =	vadd.f32 v31, v8;
	v8 =	vadd.f32 v20, v18;
	v10 =	vand.u32 $0xFFFF0000, v30;
	v12 =	vld [tilespmem:s28+$0xC8F0]  }
0x121: {  	v11 =	vadd.f32 v11, v19;
	v10 =	vadd.f32 v10, v17;
	v13 =	vld [tilespmem:s30+$0xC9C0];
	v14 =	vshll.u32 v35, $0x10  }
0x122: {  	v5 =	vadd.f32 v33, v5;
	v8 =	vadd.f32 v34, v8;
	v15 =	vand.u32 $0xFFFF0000, v35;
	v16 =	vld [tilespmem:s28+$0xC930]  }
0x123: {  	v11 =	vadd.f32 v14, v11;
	v10 =	vadd.f32 v15, v10;
	v20 =	vld [tilespmem:s30+$0xC9D0];
	v14 =	vshll.u32 v21, $0x10  }
0x124: {  	v5 =	vadd.f32 v28, v5;
	v8 =	vadd.f32 v29, v8;
	v15 =	vand.u32 $0xFFFF0000, v21;
	v17 =	vld [tilespmem:s28+$0xC970]  }
0x125: {  	v11 =	vadd.f32 v14, v11;
	v10 =	vadd.f32 v15, v10;
	v21 =	vld [tilespmem:s30+$0xC9E0];
	v14 =	vshll.u32 v12, $0x10  }
0x126: {  	v5 =	vadd.f32 v27, v5;
	v8 =	vadd.f32 v26, v8;
	v12 =	vand.u32 $0xFFFF0000, v12;
	v15 =	vld [tilespmem:s28+$0xC9B0]  }
0x127: {  	v11 =	vadd.f32 v14, v11;
	v10 =	vadd.f32 v12, v10;
	v12 =	vshll.u32 v16, $0x10;
	v14 =	vld [tilespmem:s28+$0xC9F0];
	s28 =	smov.u32 s30  }
0x128: {  	v5 =	vadd.f32 v9, v5;
	v7 =	vadd.f32 v7, v8;
	v8 =	vand.u32 $0xFFFF0000, v16;
	v26 =	vld [tilespmem:s28+$0xC980]  }
0x129: {  	v11 =	vadd.f32 v12, v11;
	v8 =	vadd.f32 v8, v10;
	v9 =	vld [tilespmem:s28+$0xC990];
	v10 =	vshll.u32 v17, $0x10  }
0x12a: {  	v5 =	vadd.f32 v6, v5;
	v4 =	vadd.f32 v4, v7;
	v6 =	vand.u32 $0xFFFF0000, v17;
	v27 =	vld [tilespmem:s28+$0xC9A0]  }
0x12b: {  	v10 =	vadd.f32 v10, v11;
	v6 =	vadd.f32 v6, v8;
	v7 =	vld [tilespmem:s28+$0xC940];
	v8 =	vshll.u32 v15, $0x10  }
0x12c: {  	v3 =	vadd.f32 v3, v5;
	v2 =	vadd.f32 v2, v4;
	v4 =	vand.u32 $0xFFFF0000, v15;
	v28 =	vld [tilespmem:s28+$0xC950]  }
0x12d: {  	v5 =	vadd.f32 v8, v10;
	v4 =	vadd.f32 v4, v6;
	v6 =	vshll.u32 v14, $0x10;
	v29 =	vld [tilespmem:s28+$0xC960]  }
0x12e: {  	v8 =	vadd.f32 v1, v3;
	v18 =	vadd.f32 v0, v2;
	v0 =	vand.u32 $0xFFFF0000, v14;
	v30 =	vld [tilespmem:s28+$0xC900]  }
0x12f: {  	v19 =	vadd.f32 v6, v5;
	v17 =	vadd.f32 v0, v4;
	v31 =	vld [tilespmem:s28+$0xC910]  }
0x130: {  	v12 =	vshll.u32 v13, $0x10;
	v11 =	vand.u32 $0xFFFF0000, v13;
	v10 =	vshll.u32 v20, $0x10;
	v32 =	vld [tilespmem:s28+$0xC920]  }
0x131: {  	v1 =	vshll.u32 v21, $0x10;
	v5 =	vand.u32 $0xFFFF0000, v20;
	v0 =	vand.u32 $0xFFFF0000, v21;
	v33 =	vld [tilespmem:s28+$0xC8C0]  }
0x132: {  	v14 =	vshll.u32 v26, $0x10;
	v15 =	vand.u32 $0xFFFF0000, v26;
	v13 =	vshll.u32 v9, $0x10;
	v34 =	vld [tilespmem:s28+$0xC880]  }
0x133: {  	v16 =	vand.u32 $0xFFFF0000, v9;
	v3 =	vshll.u32 v27, $0x10;
	v2 =	vand.u32 $0xFFFF0000, v27;
	v26 =	vld [tilespmem:s28+$0xC840]  }
0x134: {  	v35 =	vshll.u32 v7, $0x10;
	v36 =	vand.u32 $0xFFFF0000, v7;
	v20 =	vshll.u32 v28, $0x10;
	v27 =	vld [tilespmem:s28+$0xC800]  }
0x135: {  	v21 =	vand.u32 $0xFFFF0000, v28;
	v6 =	vshll.u32 v29, $0x10;
	v4 =	vand.u32 $0xFFFF0000, v29;
	v37 =	vld [tilespmem:s28+$0xC810]  }
0x136: {  	v28 =	vshll.u32 v30, $0x10;
	v29 =	vand.u32 $0xFFFF0000, v30;
	v30 =	vshll.u32 v31, $0x10  }
0x137: {  	v31 =	vand.u32 $0xFFFF0000, v31;
	v9 =	vshll.u32 v32, $0x10;
	v7 =	vand.u32 $0xFFFF0000, v32;
	v38 =	vld [tilespmem:s28+$0xC850]  }
0x138: {  	v39 =	vshll.u32 v33, $0x10;
	v33 =	vand.u32 $0xFFFF0000, v33;
	v32 =	vshll.u32 v34, $0x10  }
0x139: {  	v34 =	vand.u32 $0xFFFF0000, v34;
	v40 =	vshll.u32 v26, $0x10;
	v26 =	vand.u32 $0xFFFF0000, v26;
	v41 =	vld [tilespmem:s28+$0xC890]  }
0x13a: {  	v42 =	vshll.u32 v27, $0x10;
	v27 =	vand.u32 $0xFFFF0000, v27;
	v43 =	vshll.u32 v37, $0x10  }
0x13b: {  	v24 =	vadd.f32 v42, v24;
	v25 =	vadd.f32 v27, v25;
	v27 =	vand.u32 $0xFFFF0000, v37;
	v37 =	vld [tilespmem:s28+$0xC8D0]  }
0x13c: {  	v22 =	vadd.f32 v43, v22;
	v23 =	vadd.f32 v27, v23;
	v27 =	vshll.u32 v38, $0x10  }
0x13d: {  	v24 =	vadd.f32 v40, v24;
	v25 =	vadd.f32 v26, v25;
	v26 =	vand.u32 $0xFFFF0000, v38;
	v38 =	vld [tilespmem:s28+$0xC8E0]  }
0x13e: {  	v22 =	vadd.f32 v27, v22;
	v23 =	vadd.f32 v26, v23;
	v26 =	vshll.u32 v41, $0x10  }
0x13f: {  	v24 =	vadd.f32 v32, v24;
	v25 =	vadd.f32 v34, v25;
	v27 =	vand.u32 $0xFFFF0000, v41;
	v32 =	vld [tilespmem:s28+$0xC8A0]  }
0x140: {  	v22 =	vadd.f32 v26, v22;
	v26 =	vadd.f32 v27, v23;
	v27 =	vshll.u32 v37, $0x10  }
.Ltmp2:
0x141: {  	v24 =	vadd.f32 v39, v24;
	v25 =	vadd.f32 v33, v25;
	v33 =	vand.u32 $0xFFFF0000, v37;
	v23 =	vld [tilespmem:s28+$0xC860];
	(pc) =	sbr.rel @p0 .LBB2_7-.Ltmp2, $4  }
0x142: {  	v34 =	vadd.f32 v27, v22;
	v33 =	vadd.f32 v33, v26;
	v27 =	vshll.u32 v38, $0x10  }
0x143: {  	v26 =	vand.u32 $0xFFFF0000, v38;
	v37 =	vadd.f32 v28, v24;
	v38 =	vadd.f32 v29, v25;
	v22 =	vld [tilespmem:s28+$0xC820]  }
0x144: {  	v24 =	vadd.f32 v30, v34;
	v25 =	vadd.f32 v31, v33;
	v28 =	vshll.u32 v32, $0x10  }
0x145: {  	s29 =	sadd.s32 $0x800, s29;
	v29 =	vand.u32 $0xFFFF0000, v32;
	v31 =	vadd.f32 v35, v37;
	v32 =	vadd.f32 v36, v38;
	v30 =	vld [tilespmem:s28+$0xC830]  }
0x146: {  	_ = 	snop  }
0x147: {  	v33 =	vshll.u32 v23, $0x10;
	v20 =	vadd.f32 v20, v24;
	v21 =	vadd.f32 v21, v25;
	v24 =	vld [tilespmem:s28+$0xC870]  }
0x148: {  	v23 =	vand.u32 $0xFFFF0000, v23;
	v14 =	vadd.f32 v14, v31;
	v15 =	vadd.f32 v15, v32  }
0x149: {  	v25 =	vshll.u32 v22, $0x10;
	v13 =	vadd.f32 v13, v20;
	v16 =	vadd.f32 v16, v21;
	v20 =	vld [tilespmem:s28+$0xC8B0]  }
0x14a: {  	v12 =	vadd.f32 v12, v14;
	v8 =	vadd.f32 v25, v8;
	v14 =	vshll.u32 v30, $0x10  }
0x14b: {  	v21 =	vand.u32 $0xFFFF0000, v22;
	v11 =	vadd.f32 v11, v15;
	v15 =	vld [tilespmem:s28+$0xC8F0];
	v14 =	vadd.f32 v14, v19  }
0x14c: {  	v10 =	vadd.f32 v10, v13;
	v13 =	vshll.u32 v24, $0x10;
	v8 =	vadd.f32 v33, v8  }
0x14d: {  	v18 =	vadd.f32 v21, v18;
	v21 =	vld [tilespmem:s28+$0xC930];
	v19 =	vand.u32 $0xFFFF0000, v30;
	v13 =	vadd.f32 v13, v14  }
0x14e: {  	v14 =	vadd.f32 v19, v17;
	v17 =	vshll.u32 v20, $0x10;
	v8 =	vadd.f32 v28, v8  }
0x14f: {  	v22 =	vld [tilespmem:s28+$0xC970];
	v18 =	vadd.f32 v23, v18;
	v19 =	vand.u32 $0xFFFF0000, v24;
	v13 =	vadd.f32 v17, v13  }
0x150: {  	v14 =	vadd.f32 v19, v14;
	v17 =	vshll.u32 v15, $0x10;
	v8 =	vadd.f32 v27, v8  }
0x151: {  	v18 =	vadd.f32 v29, v18;
	v19 =	vand.u32 $0xFFFF0000, v20;
	v20 =	vld [tilespmem:s28+$0xC9B0];
	v13 =	vadd.f32 v17, v13  }
0x152: {  	v14 =	vadd.f32 v19, v14;
	v17 =	vshll.u32 v21, $0x10;
	v8 =	vadd.f32 v9, v8  }
0x153: {  	v15 =	vand.u32 $0xFFFF0000, v15;
	v9 =	vadd.f32 v26, v18;
	v18 =	vld [tilespmem:s28+$0xC9F0];
	v13 =	vadd.f32 v17, v13  }
0x154: {  	v14 =	vadd.f32 v15, v14;
	v15 =	vshll.u32 v22, $0x10;
	v6 =	vadd.f32 v6, v8  }
0x155: {  	v7 =	vadd.f32 v7, v9;
	v8 =	vand.u32 $0xFFFF0000, v21;
	v9 =	vadd.f32 v15, v13  }
0x156: {  	v8 =	vadd.f32 v8, v14;
	v13 =	vshll.u32 v20, $0x10;
	v3 =	vadd.f32 v3, v6  }
0x157: {  	v4 =	vadd.f32 v4, v7;
	v6 =	vand.u32 $0xFFFF0000, v22;
	v7 =	vadd.f32 v13, v9  }
0x158: {  	v9 =	vshll.u32 v18, $0x10;
	v1 =	vadd.f32 v1, v3;
	v3 =	vmul.f32 $4.999999890e-03, v12  }
0x159: {  	v6 =	vadd.f32 v6, v8;
	v8 =	vmul.f32 $4.999999890e-03, v10;
	v7 =	vadd.f32 v9, v7  }
0x15a: {  	v2 =	vadd.f32 v2, v4;
	v4 =	vand.u32 $0xFFFF0000, v20;
	[tilespmem:s25+$0x15F00] =	vst v3;
	v1 =	vmul.f32 $4.999999890e-03, v1  }
0x15b: {  	v3 =	vadd.f32 v5, v16;
	v4 =	vadd.f32 v4, v6;
	[tilespmem:s25+$0x15F10] =	vst v8;
	v5 =	vmul.f32 $4.999999890e-03, v7  }
0x15c: {  	v0 =	vadd.f32 v0, v2;
	v2 =	vand.u32 $0xFFFF0000, v18;
	[tilespmem:s25+$0x15F20] =	vst v1;
	v1 =	vmul.f32 $4.999999890e-03, v11  }
0x15d: {  	v2 =	vadd.f32 v2, v4;
	v3 =	vmul.f32 $4.999999890e-03, v3;
	[tilespmem:s25+$0x15F30] =	vst v5  }
0x15e: {  	v0 =	vmul.f32 $4.999999890e-03, v0;
	[tilespmem:s25+$0x15F40] =	vst v1  }
0x15f: {  	[tilespmem:s25+$0x15F50] =	vst v3;
	v1 =	vmul.f32 $4.999999890e-03, v2  }
0x160: {  	[tilespmem:s25+$0x15F60] =	vst v0  }
0x161: {  	s28 =	sadd.s32 $0x578, s26;
	[tilespmem:s25+$0x15F70] =	vst v1  }
0x162: {  	[tilespmem:s12], [sflag:$0x3] =	stream.indirect.gather [hbm4b:s3+s8], $0x40, s28, s8, $0xb8;
	[tilespmem:$0x19E00] =	vst v63  }
0x163: {  	_ =	swait.ge [sflag:s20], $0x3200  }
0x164: {  	[sflag:s20] =	ssyncset.done $0x0  }
0x165: {  	s28 =	simm.s32 $0x0;
	[sflag:s20] =	ssyncadd.s32 $0xFFFFCE00  }
0x166: {  	v0 =	vld [tilespmem:s28+$0xFBC0]  }
0x167: {  	v1 =	vld [tilespmem:s28+$0xFBD0]  }
0x168: {  	v2 =	vld [tilespmem:s28+$0xFBE0]  }
0x169: {  	v3 =	vld [tilespmem:s28+$0xFB80]  }
0x16a: {  	v4 =	vld [tilespmem:s28+$0xFB90]  }
0x16b: {  	v6 =	vld [tilespmem:s28+$0xFBA0]  }
0x16c: {  	v7 =	vld [tilespmem:s28+$0xFB40]  }
0x16d: {  	v9 =	vld [tilespmem:s28+$0xFB50]  }
0x16e: {  	v17 =	vld [tilespmem:s28+$0xFB60]  }
0x16f: {  	v18 =	vld [tilespmem:s28+$0xFB00]  }
0x170: {  	v8 =	vimm.f32 $0.0e+00;
	v19 =	vld [tilespmem:s28+$0xFB10]  }
0x171: {  	v22 =	vld [tilespmem:s28+$0xFB20];
	v12 =	vshll.u32 v0, $0x10;
	v11 =	vand.u32 $0xFFFF0000, v0;
	v10 =	vshll.u32 v1, $0x10  }
0x172: {  	v23 =	vld [tilespmem:s28+$0xFAC0];
	v5 =	vand.u32 $0xFFFF0000, v1;
	v1 =	vshll.u32 v2, $0x10;
	v0 =	vand.u32 $0xFFFF0000, v2  }
0x173: {  	v24 =	vld [tilespmem:s28+$0xFA80];
	v14 =	vshll.u32 v3, $0x10;
	v15 =	vand.u32 $0xFFFF0000, v3;
	v13 =	vshll.u32 v4, $0x10  }
0x174: {  	v25 =	vld [tilespmem:s28+$0xFA40];
	v16 =	vand.u32 $0xFFFF0000, v4;
	v3 =	vshll.u32 v6, $0x10;
	v2 =	vand.u32 $0xFFFF0000, v6  }
0x175: {  	v26 =	vld [tilespmem:s28+$0xFA00];
	v30 =	vshll.u32 v7, $0x10;
	v60 =	vand.u32 $0xFFFF0000, v7;
	v20 =	vshll.u32 v9, $0x10  }
0x176: {  	v27 =	vld [tilespmem:s28+$0xFA10];
	v21 =	vand.u32 $0xFFFF0000, v9;
	v6 =	vshll.u32 v17, $0x10;
	v4 =	vand.u32 $0xFFFF0000, v17  }
0x177: {  	v17 =	vshll.u32 v18, $0x10;
	v18 =	vand.u32 $0xFFFF0000, v18;
	v29 =	vshll.u32 v19, $0x10  }
0x178: {  	v28 =	vld [tilespmem:s28+$0xFA50];
	v9 =	vshll.u32 v22, $0x10;
	v7 =	vand.u32 $0xFFFF0000, v22;
	v22 =	vshll.u32 v24, $0x10  }
0x179: {  	v31 =	vshll.u32 v23, $0x10;
	v23 =	vand.u32 $0xFFFF0000, v23;
	v61 =	vshll.u32 v25, $0x10  }
0x17a: {  	v34 =	vld [tilespmem:s28+$0xFA90];
	v25 =	vand.u32 $0xFFFF0000, v25;
	v35 =	vshll.u32 v26, $0x10;
	v26 =	vand.u32 $0xFFFF0000, v26  }
0x17b: {  	v24 =	vand.u32 $0xFFFF0000, v24;
	v36 =	vshll.u32 v27, $0x10;
	v26 =	vadd.f32 v26, v8  }
0x17c: {  	v37 =	vld [tilespmem:s28+$0xFAD0];
	v27 =	vand.u32 $0xFFFF0000, v27;
	v35 =	vadd.f32 v35, v8;
	v36 =	vadd.f32 v36, v8  }
0x17d: {  	v38 =	vshll.u32 v28, $0x10;
	v27 =	vadd.f32 v27, v8;
	v25 =	vadd.f32 v25, v26  }
0x17e: {  	v33 =	vadd.f32 v61, v35;
	v26 =	vand.u32 $0xFFFF0000, v28;
	v62 =	vadd.f32 v38, v36  }
0x17f: {  	v28 =	vld [tilespmem:s28+$0xFAE0];
	v26 =	vadd.f32 v26, v27;
	v27 =	vshll.u32 v34, $0x10;
	v24 =	vadd.f32 v24, v25  }
0x180: {  	v63 =	vld [tilespmem:s28+$0xFAA0];
	v22 =	vadd.f32 v22, v33;
	v25 =	vand.u32 $0xFFFF0000, v34;
	v27 =	vadd.f32 v27, v62  }
0x181: {  	v25 =	vadd.f32 v25, v26;
	v26 =	vshll.u32 v37, $0x10;
	v23 =	vadd.f32 v23, v24  }
0x182: {  	v22 =	vadd.f32 v31, v22;
	v24 =	vand.u32 $0xFFFF0000, v37;
	v31 =	vadd.f32 v26, v27  }
0x183: {  	v19 =	vand.u32 $0xFFFF0000, v19;
	v25 =	vadd.f32 v24, v25;
	v18 =	vadd.f32 v18, v23;
	v23 =	vld [tilespmem:s28+$0xFA60]  }
0x184: {  	v27 =	vshll.u32 v28, $0x10;
	v26 =	vand.u32 $0xFFFF0000, v28;
	v17 =	vadd.f32 v17, v22  }
0x185: {  	v28 =	vshll.u32 v63, $0x10;
	v24 =	vadd.f32 v29, v31;
	v22 =	vld [tilespmem:s28+$0xFA20];
	v29 =	vand.u32 $0xFFFF0000, v63  }
0x186: {  	v25 =	vadd.f32 v19, v25;
	v19 =	vimm.f32 $0.0e+00;
	v31 =	vadd.f32 v30, v17  }
0x187: {  	s29 =	simm.s32 $0x800;
	v32 =	vadd.f32 v60, v18;
	v30 =	vld [tilespmem:s28+$0xFA30];
	v18 =	vimm.f32 $0.0e+00;
	v17 =	vimm.f32 $0.0e+00  }
.LBB2_9:
0x188: {  	p0 =	sne.s32 s29, $0xC000;
	v33 =	vshll.u32 v23, $0x10;
	v20 =	vadd.f32 v20, v24;
	v21 =	vadd.f32 v21, v25  }
0x189: {  	v34 =	vand.u32 $0xFFFF0000, v23;
	v35 =	vld [tilespmem:s28+$0xFA70];
	v14 =	vadd.f32 v14, v31;
	v15 =	vadd.f32 v15, v32  }
0x18a: {  	v31 =	vshll.u32 v22, $0x10;
	v13 =	vadd.f32 v13, v20;
	v16 =	vadd.f32 v16, v21  }
0x18b: {  	v20 =	vand.u32 $0xFFFF0000, v22;
	v21 =	vld [tilespmem:s28+$0xFAB0];
	v24 =	vadd.f32 v12, v14;
	v25 =	vadd.f32 v11, v15  }
0x18c: {  	v11 =	vshll.u32 v30, $0x10;
	v22 =	vadd.f32 v10, v13;
	v23 =	vadd.f32 v5, v16  }
0x18d: {  	s30 =	sshra.s32 s29, $0x2;
	v5 =	vadd.f32 v31, v8;
	v8 =	vadd.f32 v20, v18;
	v10 =	vand.u32 $0xFFFF0000, v30;
	v12 =	vld [tilespmem:s28+$0xFAF0]  }
0x18e: {  	v11 =	vadd.f32 v11, v19;
	v10 =	vadd.f32 v10, v17;
	v13 =	vld [tilespmem:s30+$0xFBC0];
	v14 =	vshll.u32 v35, $0x10  }
0x18f: {  	v5 =	vadd.f32 v33, v5;
	v8 =	vadd.f32 v34, v8;
	v15 =	vand.u32 $0xFFFF0000, v35;
	v16 =	vld [tilespmem:s28+$0xFB30]  }
0x190: {  	v11 =	vadd.f32 v14, v11;
	v10 =	vadd.f32 v15, v10;
	v20 =	vld [tilespmem:s30+$0xFBD0];
	v14 =	vshll.u32 v21, $0x10  }
0x191: {  	v5 =	vadd.f32 v28, v5;
	v8 =	vadd.f32 v29, v8;
	v15 =	vand.u32 $0xFFFF0000, v21;
	v17 =	vld [tilespmem:s28+$0xFB70]  }
0x192: {  	v11 =	vadd.f32 v14, v11;
	v10 =	vadd.f32 v15, v10;
	v21 =	vld [tilespmem:s30+$0xFBE0];
	v14 =	vshll.u32 v12, $0x10  }
0x193: {  	v5 =	vadd.f32 v27, v5;
	v8 =	vadd.f32 v26, v8;
	v12 =	vand.u32 $0xFFFF0000, v12;
	v15 =	vld [tilespmem:s28+$0xFBB0]  }
0x194: {  	v11 =	vadd.f32 v14, v11;
	v10 =	vadd.f32 v12, v10;
	v12 =	vshll.u32 v16, $0x10;
	v14 =	vld [tilespmem:s28+$0xFBF0];
	s28 =	smov.u32 s30  }
0x195: {  	v5 =	vadd.f32 v9, v5;
	v7 =	vadd.f32 v7, v8;
	v8 =	vand.u32 $0xFFFF0000, v16;
	v26 =	vld [tilespmem:s28+$0xFB80]  }
0x196: {  	v11 =	vadd.f32 v12, v11;
	v8 =	vadd.f32 v8, v10;
	v9 =	vld [tilespmem:s28+$0xFB90];
	v10 =	vshll.u32 v17, $0x10  }
0x197: {  	v5 =	vadd.f32 v6, v5;
	v4 =	vadd.f32 v4, v7;
	v6 =	vand.u32 $0xFFFF0000, v17;
	v27 =	vld [tilespmem:s28+$0xFBA0]  }
0x198: {  	v10 =	vadd.f32 v10, v11;
	v6 =	vadd.f32 v6, v8;
	v7 =	vld [tilespmem:s28+$0xFB40];
	v8 =	vshll.u32 v15, $0x10  }
0x199: {  	v3 =	vadd.f32 v3, v5;
	v2 =	vadd.f32 v2, v4;
	v4 =	vand.u32 $0xFFFF0000, v15;
	v28 =	vld [tilespmem:s28+$0xFB50]  }
0x19a: {  	v5 =	vadd.f32 v8, v10;
	v4 =	vadd.f32 v4, v6;
	v6 =	vshll.u32 v14, $0x10;
	v29 =	vld [tilespmem:s28+$0xFB60]  }
0x19b: {  	v8 =	vadd.f32 v1, v3;
	v18 =	vadd.f32 v0, v2;
	v0 =	vand.u32 $0xFFFF0000, v14;
	v30 =	vld [tilespmem:s28+$0xFB00]  }
0x19c: {  	v19 =	vadd.f32 v6, v5;
	v17 =	vadd.f32 v0, v4;
	v31 =	vld [tilespmem:s28+$0xFB10]  }
0x19d: {  	v12 =	vshll.u32 v13, $0x10;
	v11 =	vand.u32 $0xFFFF0000, v13;
	v10 =	vshll.u32 v20, $0x10;
	v32 =	vld [tilespmem:s28+$0xFB20]  }
0x19e: {  	v1 =	vshll.u32 v21, $0x10;
	v5 =	vand.u32 $0xFFFF0000, v20;
	v0 =	vand.u32 $0xFFFF0000, v21;
	v33 =	vld [tilespmem:s28+$0xFAC0]  }
0x19f: {  	v14 =	vshll.u32 v26, $0x10;
	v15 =	vand.u32 $0xFFFF0000, v26;
	v13 =	vshll.u32 v9, $0x10;
	v34 =	vld [tilespmem:s28+$0xFA80]  }
0x1a0: {  	v16 =	vand.u32 $0xFFFF0000, v9;
	v3 =	vshll.u32 v27, $0x10;
	v2 =	vand.u32 $0xFFFF0000, v27;
	v26 =	vld [tilespmem:s28+$0xFA40]  }
0x1a1: {  	v35 =	vshll.u32 v7, $0x10;
	v36 =	vand.u32 $0xFFFF0000, v7;
	v20 =	vshll.u32 v28, $0x10;
	v27 =	vld [tilespmem:s28+$0xFA00]  }
0x1a2: {  	v21 =	vand.u32 $0xFFFF0000, v28;
	v6 =	vshll.u32 v29, $0x10;
	v4 =	vand.u32 $0xFFFF0000, v29;
	v37 =	vld [tilespmem:s28+$0xFA10]  }
0x1a3: {  	v28 =	vshll.u32 v30, $0x10;
	v29 =	vand.u32 $0xFFFF0000, v30;
	v30 =	vshll.u32 v31, $0x10  }
0x1a4: {  	v31 =	vand.u32 $0xFFFF0000, v31;
	v9 =	vshll.u32 v32, $0x10;
	v7 =	vand.u32 $0xFFFF0000, v32;
	v38 =	vld [tilespmem:s28+$0xFA50]  }
0x1a5: {  	v39 =	vshll.u32 v33, $0x10;
	v33 =	vand.u32 $0xFFFF0000, v33;
	v32 =	vshll.u32 v34, $0x10  }
0x1a6: {  	v34 =	vand.u32 $0xFFFF0000, v34;
	v40 =	vshll.u32 v26, $0x10;
	v26 =	vand.u32 $0xFFFF0000, v26;
	v41 =	vld [tilespmem:s28+$0xFA90]  }
0x1a7: {  	v42 =	vshll.u32 v27, $0x10;
	v27 =	vand.u32 $0xFFFF0000, v27;
	v43 =	vshll.u32 v37, $0x10  }
0x1a8: {  	v24 =	vadd.f32 v42, v24;
	v25 =	vadd.f32 v27, v25;
	v27 =	vand.u32 $0xFFFF0000, v37;
	v37 =	vld [tilespmem:s28+$0xFAD0]  }
0x1a9: {  	v22 =	vadd.f32 v43, v22;
	v23 =	vadd.f32 v27, v23;
	v27 =	vshll.u32 v38, $0x10  }
0x1aa: {  	v24 =	vadd.f32 v40, v24;
	v25 =	vadd.f32 v26, v25;
	v26 =	vand.u32 $0xFFFF0000, v38;
	v38 =	vld [tilespmem:s28+$0xFAE0]  }
0x1ab: {  	v22 =	vadd.f32 v27, v22;
	v23 =	vadd.f32 v26, v23;
	v26 =	vshll.u32 v41, $0x10  }
0x1ac: {  	v24 =	vadd.f32 v32, v24;
	v25 =	vadd.f32 v34, v25;
	v27 =	vand.u32 $0xFFFF0000, v41;
	v32 =	vld [tilespmem:s28+$0xFAA0]  }
0x1ad: {  	v22 =	vadd.f32 v26, v22;
	v26 =	vadd.f32 v27, v23;
	v27 =	vshll.u32 v37, $0x10  }
.Ltmp3:
0x1ae: {  	v24 =	vadd.f32 v39, v24;
	v25 =	vadd.f32 v33, v25;
	v33 =	vand.u32 $0xFFFF0000, v37;
	v23 =	vld [tilespmem:s28+$0xFA60];
	(pc) =	sbr.rel @p0 .LBB2_9-.Ltmp3, $4  }
0x1af: {  	v34 =	vadd.f32 v27, v22;
	v33 =	vadd.f32 v33, v26;
	v27 =	vshll.u32 v38, $0x10  }
0x1b0: {  	v26 =	vand.u32 $0xFFFF0000, v38;
	v37 =	vadd.f32 v28, v24;
	v38 =	vadd.f32 v29, v25;
	v22 =	vld [tilespmem:s28+$0xFA20]  }
0x1b1: {  	v24 =	vadd.f32 v30, v34;
	v25 =	vadd.f32 v31, v33;
	v28 =	vshll.u32 v32, $0x10  }
0x1b2: {  	s29 =	sadd.s32 $0x800, s29;
	v29 =	vand.u32 $0xFFFF0000, v32;
	v31 =	vadd.f32 v35, v37;
	v32 =	vadd.f32 v36, v38;
	v30 =	vld [tilespmem:s28+$0xFA30]  }
0x1b3: {  	_ = 	snop  }
0x1b4: {  	v33 =	vshll.u32 v23, $0x10;
	v20 =	vadd.f32 v20, v24;
	v21 =	vadd.f32 v21, v25;
	v24 =	vld [tilespmem:s28+$0xFA70]  }
0x1b5: {  	v23 =	vand.u32 $0xFFFF0000, v23;
	v14 =	vadd.f32 v14, v31;
	v15 =	vadd.f32 v15, v32  }
0x1b6: {  	v25 =	vshll.u32 v22, $0x10;
	v13 =	vadd.f32 v13, v20;
	v16 =	vadd.f32 v16, v21;
	v20 =	vld [tilespmem:s28+$0xFAB0]  }
0x1b7: {  	v12 =	vadd.f32 v12, v14;
	v8 =	vadd.f32 v25, v8;
	v14 =	vshll.u32 v30, $0x10  }
0x1b8: {  	v21 =	vand.u32 $0xFFFF0000, v22;
	v11 =	vadd.f32 v11, v15;
	v15 =	vld [tilespmem:s28+$0xFAF0];
	v14 =	vadd.f32 v14, v19  }
0x1b9: {  	v10 =	vadd.f32 v10, v13;
	v13 =	vshll.u32 v24, $0x10;
	v8 =	vadd.f32 v33, v8  }
0x1ba: {  	v18 =	vadd.f32 v21, v18;
	v21 =	vld [tilespmem:s28+$0xFB30];
	v19 =	vand.u32 $0xFFFF0000, v30;
	v13 =	vadd.f32 v13, v14  }
0x1bb: {  	v14 =	vadd.f32 v19, v17;
	v17 =	vshll.u32 v20, $0x10;
	v8 =	vadd.f32 v28, v8  }
0x1bc: {  	v22 =	vld [tilespmem:s28+$0xFB70];
	v18 =	vadd.f32 v23, v18;
	v19 =	vand.u32 $0xFFFF0000, v24;
	v13 =	vadd.f32 v17, v13  }
0x1bd: {  	v14 =	vadd.f32 v19, v14;
	v17 =	vshll.u32 v15, $0x10;
	v8 =	vadd.f32 v27, v8  }
0x1be: {  	v18 =	vadd.f32 v29, v18;
	v19 =	vand.u32 $0xFFFF0000, v20;
	v20 =	vld [tilespmem:s28+$0xFBB0];
	v13 =	vadd.f32 v17, v13  }
0x1bf: {  	v14 =	vadd.f32 v19, v14;
	v17 =	vshll.u32 v21, $0x10;
	v8 =	vadd.f32 v9, v8  }
0x1c0: {  	v15 =	vand.u32 $0xFFFF0000, v15;
	v9 =	vadd.f32 v26, v18;
	v18 =	vld [tilespmem:s28+$0xFBF0];
	v13 =	vadd.f32 v17, v13  }
0x1c1: {  	v14 =	vadd.f32 v15, v14;
	v15 =	vshll.u32 v22, $0x10;
	v6 =	vadd.f32 v6, v8  }
0x1c2: {  	v7 =	vadd.f32 v7, v9;
	v8 =	vand.u32 $0xFFFF0000, v21;
	v9 =	vadd.f32 v15, v13  }
0x1c3: {  	v8 =	vadd.f32 v8, v14;
	v13 =	vshll.u32 v20, $0x10;
	v3 =	vadd.f32 v3, v6  }
0x1c4: {  	v4 =	vadd.f32 v4, v7;
	v6 =	vand.u32 $0xFFFF0000, v22;
	v7 =	vadd.f32 v13, v9  }
0x1c5: {  	v9 =	vshll.u32 v18, $0x10;
	v1 =	vadd.f32 v1, v3;
	v3 =	vmul.f32 $4.999999890e-03, v12  }
0x1c6: {  	v6 =	vadd.f32 v6, v8;
	v8 =	vmul.f32 $4.999999890e-03, v10;
	v7 =	vadd.f32 v9, v7  }
0x1c7: {  	v2 =	vadd.f32 v2, v4;
	v4 =	vand.u32 $0xFFFF0000, v20;
	[tilespmem:s25+$0x15F80] =	vst v3;
	v1 =	vmul.f32 $4.999999890e-03, v1  }
0x1c8: {  	v3 =	vadd.f32 v5, v16;
	v4 =	vadd.f32 v4, v6;
	[tilespmem:s25+$0x15F90] =	vst v8;
	v5 =	vmul.f32 $4.999999890e-03, v7  }
0x1c9: {  	v0 =	vadd.f32 v0, v2;
	v2 =	vand.u32 $0xFFFF0000, v18;
	[tilespmem:s25+$0x15FA0] =	vst v1;
	v1 =	vmul.f32 $4.999999890e-03, v11  }
0x1ca: {  	v2 =	vadd.f32 v2, v4;
	v3 =	vmul.f32 $4.999999890e-03, v3;
	[tilespmem:s25+$0x15FB0] =	vst v5  }
0x1cb: {  	v0 =	vmul.f32 $4.999999890e-03, v0;
	[tilespmem:s25+$0x15FC0] =	vst v1  }
0x1cc: {  	[tilespmem:s25+$0x15FD0] =	vst v3;
	v1 =	vmul.f32 $4.999999890e-03, v2  }
0x1cd: {  	p0 =	seq.s32 s24, $0x18;
	[tilespmem:s25+$0x15FE0] =	vst v0  }
0x1ce: {  	s29 =	simm.s32 @!p0 $0xC8;
	s30 =	simm.s32 @!p0 $0xFA00;
	s28 =	sadd.s32 @!p0 $0x640, s26;
	[tilespmem:s25+$0x15FF0] =	vst v1  }
0x1cf: {  	[tilespmem:s30], [sflag:$0x4] =	stream.indirect.gather @!p0 [hbm4b:s3+s29], $0x40, s28, s29, $0xb8;
	[tilespmem:$0x19E00] =	vst v63  }
0x1d0: {  	_ =	swait.ge [sflag:s21], $0x3200  }
0x1d1: {  	[sflag:s21] =	ssyncset.done $0x0  }
0x1d2: {  	s28 =	simm.s32 $0x0;
	[sflag:s21] =	ssyncadd.s32 $0xFFFFCE00  }
0x1d3: {  	v0 =	vld [tilespmem:s28+$0x12DC0]  }
0x1d4: {  	v1 =	vld [tilespmem:s28+$0x12DD0]  }
0x1d5: {  	v2 =	vld [tilespmem:s28+$0x12DE0]  }
0x1d6: {  	v3 =	vld [tilespmem:s28+$0x12D80]  }
0x1d7: {  	v4 =	vld [tilespmem:s28+$0x12D90]  }
0x1d8: {  	v6 =	vld [tilespmem:s28+$0x12DA0]  }
0x1d9: {  	v7 =	vld [tilespmem:s28+$0x12D40]  }
0x1da: {  	v9 =	vld [tilespmem:s28+$0x12D50]  }
0x1db: {  	v17 =	vld [tilespmem:s28+$0x12D60]  }
0x1dc: {  	v18 =	vld [tilespmem:s28+$0x12D00]  }
0x1dd: {  	v8 =	vimm.f32 $0.0e+00;
	v19 =	vld [tilespmem:s28+$0x12D10]  }
0x1de: {  	v22 =	vld [tilespmem:s28+$0x12D20];
	v12 =	vshll.u32 v0, $0x10;
	v11 =	vand.u32 $0xFFFF0000, v0;
	v10 =	vshll.u32 v1, $0x10  }
0x1df: {  	v23 =	vld [tilespmem:s28+$0x12CC0];
	v5 =	vand.u32 $0xFFFF0000, v1;
	v1 =	vshll.u32 v2, $0x10;
	v0 =	vand.u32 $0xFFFF0000, v2  }
0x1e0: {  	v24 =	vld [tilespmem:s28+$0x12C80];
	v14 =	vshll.u32 v3, $0x10;
	v15 =	vand.u32 $0xFFFF0000, v3;
	v13 =	vshll.u32 v4, $0x10  }
0x1e1: {  	v25 =	vld [tilespmem:s28+$0x12C40];
	v16 =	vand.u32 $0xFFFF0000, v4;
	v3 =	vshll.u32 v6, $0x10;
	v2 =	vand.u32 $0xFFFF0000, v6  }
0x1e2: {  	v26 =	vld [tilespmem:s28+$0x12C00];
	v30 =	vshll.u32 v7, $0x10;
	v60 =	vand.u32 $0xFFFF0000, v7;
	v20 =	vshll.u32 v9, $0x10  }
0x1e3: {  	v27 =	vld [tilespmem:s28+$0x12C10];
	v21 =	vand.u32 $0xFFFF0000, v9;
	v6 =	vshll.u32 v17, $0x10;
	v4 =	vand.u32 $0xFFFF0000, v17  }
0x1e4: {  	v17 =	vshll.u32 v18, $0x10;
	v18 =	vand.u32 $0xFFFF0000, v18;
	v29 =	vshll.u32 v19, $0x10  }
0x1e5: {  	v28 =	vld [tilespmem:s28+$0x12C50];
	v9 =	vshll.u32 v22, $0x10;
	v7 =	vand.u32 $0xFFFF0000, v22;
	v22 =	vshll.u32 v24, $0x10  }
0x1e6: {  	v31 =	vshll.u32 v23, $0x10;
	v23 =	vand.u32 $0xFFFF0000, v23;
	v61 =	vshll.u32 v25, $0x10  }
0x1e7: {  	v34 =	vld [tilespmem:s28+$0x12C90];
	v25 =	vand.u32 $0xFFFF0000, v25;
	v35 =	vshll.u32 v26, $0x10;
	v26 =	vand.u32 $0xFFFF0000, v26  }
0x1e8: {  	v24 =	vand.u32 $0xFFFF0000, v24;
	v36 =	vshll.u32 v27, $0x10;
	v26 =	vadd.f32 v26, v8  }
0x1e9: {  	v37 =	vld [tilespmem:s28+$0x12CD0];
	v27 =	vand.u32 $0xFFFF0000, v27;
	v35 =	vadd.f32 v35, v8;
	v36 =	vadd.f32 v36, v8  }
0x1ea: {  	v38 =	vshll.u32 v28, $0x10;
	v27 =	vadd.f32 v27, v8;
	v25 =	vadd.f32 v25, v26  }
0x1eb: {  	v33 =	vadd.f32 v61, v35;
	v26 =	vand.u32 $0xFFFF0000, v28;
	v62 =	vadd.f32 v38, v36  }
0x1ec: {  	v28 =	vld [tilespmem:s28+$0x12CE0];
	v26 =	vadd.f32 v26, v27;
	v27 =	vshll.u32 v34, $0x10;
	v24 =	vadd.f32 v24, v25  }
0x1ed: {  	v63 =	vld [tilespmem:s28+$0x12CA0];
	v22 =	vadd.f32 v22, v33;
	v25 =	vand.u32 $0xFFFF0000, v34;
	v27 =	vadd.f32 v27, v62  }
0x1ee: {  	v25 =	vadd.f32 v25, v26;
	v26 =	vshll.u32 v37, $0x10;
	v23 =	vadd.f32 v23, v24  }
0x1ef: {  	v22 =	vadd.f32 v31, v22;
	v24 =	vand.u32 $0xFFFF0000, v37;
	v31 =	vadd.f32 v26, v27  }
0x1f0: {  	v19 =	vand.u32 $0xFFFF0000, v19;
	v25 =	vadd.f32 v24, v25;
	v18 =	vadd.f32 v18, v23;
	v23 =	vld [tilespmem:s28+$0x12C60]  }
0x1f1: {  	v27 =	vshll.u32 v28, $0x10;
	v26 =	vand.u32 $0xFFFF0000, v28;
	v17 =	vadd.f32 v17, v22  }
0x1f2: {  	v28 =	vshll.u32 v63, $0x10;
	v24 =	vadd.f32 v29, v31;
	v22 =	vld [tilespmem:s28+$0x12C20];
	v29 =	vand.u32 $0xFFFF0000, v63  }
0x1f3: {  	v25 =	vadd.f32 v19, v25;
	v19 =	vimm.f32 $0.0e+00;
	v31 =	vadd.f32 v30, v17  }
0x1f4: {  	s29 =	simm.s32 $0x800;
	v32 =	vadd.f32 v60, v18;
	v30 =	vld [tilespmem:s28+$0x12C30];
	v18 =	vimm.f32 $0.0e+00;
	v17 =	vimm.f32 $0.0e+00  }
.LBB2_11:
0x1f5: {  	p1 =	sne.s32 s29, $0xC000;
	v33 =	vshll.u32 v23, $0x10;
	v20 =	vadd.f32 v20, v24;
	v21 =	vadd.f32 v21, v25  }
0x1f6: {  	v34 =	vand.u32 $0xFFFF0000, v23;
	v35 =	vld [tilespmem:s28+$0x12C70];
	v14 =	vadd.f32 v14, v31;
	v15 =	vadd.f32 v15, v32  }
0x1f7: {  	v31 =	vshll.u32 v22, $0x10;
	v13 =	vadd.f32 v13, v20;
	v16 =	vadd.f32 v16, v21  }
0x1f8: {  	v20 =	vand.u32 $0xFFFF0000, v22;
	v21 =	vld [tilespmem:s28+$0x12CB0];
	v24 =	vadd.f32 v12, v14;
	v25 =	vadd.f32 v11, v15  }
0x1f9: {  	v11 =	vshll.u32 v30, $0x10;
	v22 =	vadd.f32 v10, v13;
	v23 =	vadd.f32 v5, v16  }
0x1fa: {  	s30 =	sshra.s32 s29, $0x2;
	v5 =	vadd.f32 v31, v8;
	v8 =	vadd.f32 v20, v18;
	v10 =	vand.u32 $0xFFFF0000, v30;
	v12 =	vld [tilespmem:s28+$0x12CF0]  }
0x1fb: {  	v11 =	vadd.f32 v11, v19;
	v10 =	vadd.f32 v10, v17;
	v13 =	vld [tilespmem:s30+$0x12DC0];
	v14 =	vshll.u32 v35, $0x10  }
0x1fc: {  	v5 =	vadd.f32 v33, v5;
	v8 =	vadd.f32 v34, v8;
	v15 =	vand.u32 $0xFFFF0000, v35;
	v16 =	vld [tilespmem:s28+$0x12D30]  }
0x1fd: {  	v11 =	vadd.f32 v14, v11;
	v10 =	vadd.f32 v15, v10;
	v20 =	vld [tilespmem:s30+$0x12DD0];
	v14 =	vshll.u32 v21, $0x10  }
0x1fe: {  	v5 =	vadd.f32 v28, v5;
	v8 =	vadd.f32 v29, v8;
	v15 =	vand.u32 $0xFFFF0000, v21;
	v17 =	vld [tilespmem:s28+$0x12D70]  }
0x1ff: {  	v11 =	vadd.f32 v14, v11;
	v10 =	vadd.f32 v15, v10;
	v21 =	vld [tilespmem:s30+$0x12DE0];
	v14 =	vshll.u32 v12, $0x10  }
0x200: {  	v5 =	vadd.f32 v27, v5;
	v8 =	vadd.f32 v26, v8;
	v12 =	vand.u32 $0xFFFF0000, v12;
	v15 =	vld [tilespmem:s28+$0x12DB0]  }
0x201: {  	v11 =	vadd.f32 v14, v11;
	v10 =	vadd.f32 v12, v10;
	v12 =	vshll.u32 v16, $0x10;
	v14 =	vld [tilespmem:s28+$0x12DF0];
	s28 =	smov.u32 s30  }
0x202: {  	v5 =	vadd.f32 v9, v5;
	v7 =	vadd.f32 v7, v8;
	v8 =	vand.u32 $0xFFFF0000, v16;
	v26 =	vld [tilespmem:s28+$0x12D80]  }
0x203: {  	v11 =	vadd.f32 v12, v11;
	v8 =	vadd.f32 v8, v10;
	v9 =	vld [tilespmem:s28+$0x12D90];
	v10 =	vshll.u32 v17, $0x10  }
0x204: {  	v5 =	vadd.f32 v6, v5;
	v4 =	vadd.f32 v4, v7;
	v6 =	vand.u32 $0xFFFF0000, v17;
	v27 =	vld [tilespmem:s28+$0x12DA0]  }
0x205: {  	v10 =	vadd.f32 v10, v11;
	v6 =	vadd.f32 v6, v8;
	v7 =	vld [tilespmem:s28+$0x12D40];
	v8 =	vshll.u32 v15, $0x10  }
0x206: {  	v3 =	vadd.f32 v3, v5;
	v2 =	vadd.f32 v2, v4;
	v4 =	vand.u32 $0xFFFF0000, v15;
	v28 =	vld [tilespmem:s28+$0x12D50]  }
0x207: {  	v5 =	vadd.f32 v8, v10;
	v4 =	vadd.f32 v4, v6;
	v6 =	vshll.u32 v14, $0x10;
	v29 =	vld [tilespmem:s28+$0x12D60]  }
0x208: {  	v8 =	vadd.f32 v1, v3;
	v18 =	vadd.f32 v0, v2;
	v0 =	vand.u32 $0xFFFF0000, v14;
	v30 =	vld [tilespmem:s28+$0x12D00]  }
0x209: {  	v19 =	vadd.f32 v6, v5;
	v17 =	vadd.f32 v0, v4;
	v31 =	vld [tilespmem:s28+$0x12D10]  }
0x20a: {  	v12 =	vshll.u32 v13, $0x10;
	v11 =	vand.u32 $0xFFFF0000, v13;
	v10 =	vshll.u32 v20, $0x10;
	v32 =	vld [tilespmem:s28+$0x12D20]  }
0x20b: {  	v1 =	vshll.u32 v21, $0x10;
	v5 =	vand.u32 $0xFFFF0000, v20;
	v0 =	vand.u32 $0xFFFF0000, v21;
	v33 =	vld [tilespmem:s28+$0x12CC0]  }
0x20c: {  	v14 =	vshll.u32 v26, $0x10;
	v15 =	vand.u32 $0xFFFF0000, v26;
	v13 =	vshll.u32 v9, $0x10;
	v34 =	vld [tilespmem:s28+$0x12C80]  }
0x20d: {  	v16 =	vand.u32 $0xFFFF0000, v9;
	v3 =	vshll.u32 v27, $0x10;
	v2 =	vand.u32 $0xFFFF0000, v27;
	v26 =	vld [tilespmem:s28+$0x12C40]  }
0x20e: {  	v35 =	vshll.u32 v7, $0x10;
	v36 =	vand.u32 $0xFFFF0000, v7;
	v20 =	vshll.u32 v28, $0x10;
	v27 =	vld [tilespmem:s28+$0x12C00]  }
0x20f: {  	v21 =	vand.u32 $0xFFFF0000, v28;
	v6 =	vshll.u32 v29, $0x10;
	v4 =	vand.u32 $0xFFFF0000, v29;
	v37 =	vld [tilespmem:s28+$0x12C10]  }
0x210: {  	v28 =	vshll.u32 v30, $0x10;
	v29 =	vand.u32 $0xFFFF0000, v30;
	v30 =	vshll.u32 v31, $0x10  }
0x211: {  	v31 =	vand.u32 $0xFFFF0000, v31;
	v9 =	vshll.u32 v32, $0x10;
	v7 =	vand.u32 $0xFFFF0000, v32;
	v38 =	vld [tilespmem:s28+$0x12C50]  }
0x212: {  	v39 =	vshll.u32 v33, $0x10;
	v33 =	vand.u32 $0xFFFF0000, v33;
	v32 =	vshll.u32 v34, $0x10  }
0x213: {  	v34 =	vand.u32 $0xFFFF0000, v34;
	v40 =	vshll.u32 v26, $0x10;
	v26 =	vand.u32 $0xFFFF0000, v26;
	v41 =	vld [tilespmem:s28+$0x12C90]  }
0x214: {  	v42 =	vshll.u32 v27, $0x10;
	v27 =	vand.u32 $0xFFFF0000, v27;
	v43 =	vshll.u32 v37, $0x10  }
0x215: {  	v24 =	vadd.f32 v42, v24;
	v25 =	vadd.f32 v27, v25;
	v27 =	vand.u32 $0xFFFF0000, v37;
	v37 =	vld [tilespmem:s28+$0x12CD0]  }
0x216: {  	v22 =	vadd.f32 v43, v22;
	v23 =	vadd.f32 v27, v23;
	v27 =	vshll.u32 v38, $0x10  }
0x217: {  	v24 =	vadd.f32 v40, v24;
	v25 =	vadd.f32 v26, v25;
	v26 =	vand.u32 $0xFFFF0000, v38;
	v38 =	vld [tilespmem:s28+$0x12CE0]  }
0x218: {  	v22 =	vadd.f32 v27, v22;
	v23 =	vadd.f32 v26, v23;
	v26 =	vshll.u32 v41, $0x10  }
0x219: {  	v24 =	vadd.f32 v32, v24;
	v25 =	vadd.f32 v34, v25;
	v27 =	vand.u32 $0xFFFF0000, v41;
	v32 =	vld [tilespmem:s28+$0x12CA0]  }
0x21a: {  	v22 =	vadd.f32 v26, v22;
	v26 =	vadd.f32 v27, v23;
	v27 =	vshll.u32 v37, $0x10  }
.Ltmp4:
0x21b: {  	v24 =	vadd.f32 v39, v24;
	v25 =	vadd.f32 v33, v25;
	v33 =	vand.u32 $0xFFFF0000, v37;
	v23 =	vld [tilespmem:s28+$0x12C60];
	(pc) =	sbr.rel @p1 .LBB2_11-.Ltmp4, $4  }
0x21c: {  	v34 =	vadd.f32 v27, v22;
	v33 =	vadd.f32 v33, v26;
	v27 =	vshll.u32 v38, $0x10  }
0x21d: {  	v26 =	vand.u32 $0xFFFF0000, v38;
	v37 =	vadd.f32 v28, v24;
	v38 =	vadd.f32 v29, v25;
	v22 =	vld [tilespmem:s28+$0x12C20]  }
0x21e: {  	v24 =	vadd.f32 v30, v34;
	v25 =	vadd.f32 v31, v33;
	v28 =	vshll.u32 v32, $0x10  }
0x21f: {  	s29 =	sadd.s32 $0x800, s29;
	v29 =	vand.u32 $0xFFFF0000, v32;
	v31 =	vadd.f32 v35, v37;
	v32 =	vadd.f32 v36, v38;
	v30 =	vld [tilespmem:s28+$0x12C30]  }
0x220: {  	v33 =	vshll.u32 v23, $0x10;
	v20 =	vadd.f32 v20, v24;
	v21 =	vadd.f32 v21, v25  }
0x221: {  	v61 =	vld [tilespmem:s28+$0x12C70];
	v62 =	vand.u32 $0xFFFF0000, v23;
	v14 =	vadd.f32 v14, v31;
	v15 =	vadd.f32 v15, v32  }
0x222: {  	v35 =	vld [tilespmem:s28+$0x12CF0];
	v63 =	vshll.u32 v22, $0x10;
	v13 =	vadd.f32 v13, v20;
	v16 =	vadd.f32 v16, v21  }
0x223: {  	v38 =	vld [tilespmem:s28+$0x12D30];
	v34 =	vand.u32 $0xFFFF0000, v22;
	v12 =	vadd.f32 v12, v14;
	v8 =	vadd.f32 v63, v8  }
0x224: {  	v42 =	vld [tilespmem:s28+$0x12D70];
	v11 =	vadd.f32 v11, v15;
	v18 =	vadd.f32 v34, v18;
	v32 =	vshll.u32 v30, $0x10  }
0x225: {  	v31 =	vld [tilespmem:s28+$0x12CB0];
	v10 =	vadd.f32 v10, v13;
	v37 =	vand.u32 $0xFFFF0000, v30;
	v59 =	vadd.f32 v5, v16  }
0x226: {  	v14 =	vadd.f32 v32, v19;
	v36 =	vshll.u32 v61, $0x10;
	v8 =	vadd.f32 v33, v8  }
0x227: {  	v39 =	vadd.f32 v37, v17;
	v18 =	vadd.f32 v62, v18;
	v41 =	vand.u32 $0xFFFF0000, v61  }
0x228: {  	v45 =	vld [tilespmem:s28+$0x12DB0];
	v43 =	vshll.u32 v35, $0x10;
	v46 =	vshll.u32 v38, $0x10;
	v15 =	vand.u32 $0xFFFF0000, v35  }
0x229: {  	v49 =	vshll.u32 v42, $0x10;
	v13 =	vadd.f32 v36, v14;
	v8 =	vadd.f32 v28, v8  }
0x22a: {  	v48 =	vld [tilespmem:s28+$0x12DF0];
	v40 =	vshll.u32 v31, $0x10;
	v14 =	vadd.f32 v41, v39;
	v18 =	vadd.f32 v29, v18  }
0x22b: {  	v44 =	vand.u32 $0xFFFF0000, v31;
	v13 =	vadd.f32 v40, v13;
	v8 =	vadd.f32 v27, v8  }
0x22c: {  	v50 =	vand.u32 $0xFFFF0000, v38;
	v14 =	vadd.f32 v44, v14;
	v47 =	vadd.f32 v26, v18  }
0x22d: {  	v52 =	vshll.u32 v45, $0x10;
	v13 =	vadd.f32 v43, v13;
	v8 =	vadd.f32 v9, v8  }
0x22e: {  	v53 =	vand.u32 $0xFFFF0000, v42;
	v14 =	vadd.f32 v15, v14;
	v7 =	vadd.f32 v7, v47  }
0x22f: {  	v55 =	vshll.u32 v48, $0x10;
	v13 =	vadd.f32 v46, v13;
	v6 =	vadd.f32 v6, v8  }
0x230: {  	v56 =	vmul.f32 $4.999999890e-03, v12;
	v8 =	vadd.f32 v50, v14;
	v4 =	vadd.f32 v4, v7  }
0x231: {  	v58 =	vand.u32 $0xFFFF0000, v45;
	v51 =	vadd.f32 v49, v13;
	v3 =	vadd.f32 v3, v6  }
0x232: {  	v62 =	vmul.f32 $4.999999890e-03, v11;
	v6 =	vadd.f32 v53, v8;
	v2 =	vadd.f32 v2, v4  }
0x233: {  	v57 =	vmul.f32 $4.999999890e-03, v10;
	[tilespmem:s25+$0x16000] =	vst v56;
	v54 =	vadd.f32 v52, v51;
	v1 =	vadd.f32 v1, v3  }
0x234: {  	[tilespmem:s25+$0x16040] =	vst v62;
	v4 =	vadd.f32 v58, v6;
	v0 =	vadd.f32 v0, v2;
	v3 =	vmul.f32 $4.999999890e-03, v59  }
0x235: {  	v61 =	vand.u32 $0xFFFF0000, v48;
	[tilespmem:s25+$0x16010] =	vst v57;
	v7 =	vadd.f32 v55, v54;
	v1 =	vmul.f32 $4.999999890e-03, v1  }
.Ltmp5:
0x236: {  	v2 =	vadd.f32 v61, v4;
	v0 =	vmul.f32 $4.999999890e-03, v0;
	[tilespmem:s25+$0x16050] =	vst v3;
	(pc) =	sbr.rel @p0 .LBB2_14-.Ltmp5, $4  }
0x237: {  	v60 =	vmul.f32 $4.999999890e-03, v7;
	[tilespmem:s25+$0x16020] =	vst v1  }
0x238: {  	v63 =	vmul.f32 $4.999999890e-03, v2;
	[tilespmem:s25+$0x16060] =	vst v0  }
0x239: {  	[tilespmem:s25+$0x16030] =	vst v60  }
0x23a: {  	[tilespmem:s25+$0x16070] =	vst v63  }
.Ltmp6:
0x23b: {  	(pc) =	sbr.rel .LBB2_2-.Ltmp6, $3  }
0x23c: {  	_ =	sdelay $0x1  }
0x23d: {  	s25 =	sadd.s32 $0x708, s26;
	s24 =	sadd.s32 $0x1, s24  }
0x23e: {  	[tilespmem:s16], [sflag:$0x5] =	stream.indirect.gather [hbm4b:s3+s8], $0x40, s25, s8, $0xb8;
	[tilespmem:$0x19E00] =	vst v63  }
.LBB2_14:
0x23f: {  	_ =	swait.ge [sflag:s17], $0x3200  }
0x240: {  	[sflag:s17] =	ssyncset.done $0x0  }
0x241: {  	s24 =	simm.s32 $0x0;
	[sflag:s17] =	ssyncadd.s32 $0xFFFFCE00  }
0x242: {  	v0 =	vld [tilespmem:s24+$0x65C0]  }
0x243: {  	v1 =	vld [tilespmem:s24+$0x65D0]  }
0x244: {  	v2 =	vld [tilespmem:s24+$0x65E0]  }
0x245: {  	v3 =	vld [tilespmem:s24+$0x6580]  }
0x246: {  	v4 =	vld [tilespmem:s24+$0x6590]  }
0x247: {  	v6 =	vld [tilespmem:s24+$0x65A0]  }
0x248: {  	v7 =	vld [tilespmem:s24+$0x6540]  }
0x249: {  	v9 =	vld [tilespmem:s24+$0x6550]  }
0x24a: {  	v17 =	vld [tilespmem:s24+$0x6560]  }
0x24b: {  	v18 =	vld [tilespmem:s24+$0x6500]  }
0x24c: {  	v8 =	vimm.f32 $0.0e+00;
	v19 =	vld [tilespmem:s24+$0x6510]  }
0x24d: {  	v22 =	vld [tilespmem:s24+$0x6520];
	v12 =	vshll.u32 v0, $0x10;
	v11 =	vand.u32 $0xFFFF0000, v0;
	v10 =	vshll.u32 v1, $0x10  }
0x24e: {  	v23 =	vld [tilespmem:s24+$0x64C0];
	v5 =	vand.u32 $0xFFFF0000, v1;
	v1 =	vshll.u32 v2, $0x10;
	v0 =	vand.u32 $0xFFFF0000, v2  }
0x24f: {  	v24 =	vld [tilespmem:s24+$0x6480];
	v14 =	vshll.u32 v3, $0x10;
	v15 =	vand.u32 $0xFFFF0000, v3;
	v13 =	vshll.u32 v4, $0x10  }
0x250: {  	v25 =	vld [tilespmem:s24+$0x6440];
	v16 =	vand.u32 $0xFFFF0000, v4;
	v3 =	vshll.u32 v6, $0x10;
	v2 =	vand.u32 $0xFFFF0000, v6  }
0x251: {  	v26 =	vld [tilespmem:s24+$0x6400];
	v30 =	vshll.u32 v7, $0x10;
	v32 =	vand.u32 $0xFFFF0000, v7;
	v20 =	vshll.u32 v9, $0x10  }
0x252: {  	v27 =	vld [tilespmem:s24+$0x6410];
	v21 =	vand.u32 $0xFFFF0000, v9;
	v6 =	vshll.u32 v17, $0x10;
	v4 =	vand.u32 $0xFFFF0000, v17  }
0x253: {  	v17 =	vshll.u32 v18, $0x10;
	v18 =	vand.u32 $0xFFFF0000, v18;
	v29 =	vshll.u32 v19, $0x10  }
0x254: {  	v28 =	vld [tilespmem:s24+$0x6450];
	v9 =	vshll.u32 v22, $0x10;
	v7 =	vand.u32 $0xFFFF0000, v22;
	v22 =	vshll.u32 v24, $0x10  }
0x255: {  	v31 =	vshll.u32 v23, $0x10;
	v23 =	vand.u32 $0xFFFF0000, v23;
	v33 =	vshll.u32 v25, $0x10  }
0x256: {  	v34 =	vld [tilespmem:s24+$0x6490];
	v25 =	vand.u32 $0xFFFF0000, v25;
	v35 =	vshll.u32 v26, $0x10;
	v26 =	vand.u32 $0xFFFF0000, v26  }
0x257: {  	v24 =	vand.u32 $0xFFFF0000, v24;
	v36 =	vshll.u32 v27, $0x10;
	v26 =	vadd.f32 v26, v8  }
0x258: {  	v37 =	vld [tilespmem:s24+$0x64D0];
	v27 =	vand.u32 $0xFFFF0000, v27;
	v35 =	vadd.f32 v35, v8;
	v36 =	vadd.f32 v36, v8  }
0x259: {  	v38 =	vshll.u32 v28, $0x10;
	v27 =	vadd.f32 v27, v8;
	v25 =	vadd.f32 v25, v26  }
0x25a: {  	v33 =	vadd.f32 v33, v35;
	v26 =	vand.u32 $0xFFFF0000, v28;
	v62 =	vadd.f32 v38, v36  }
0x25b: {  	v28 =	vld [tilespmem:s24+$0x64E0];
	v26 =	vadd.f32 v26, v27;
	v27 =	vshll.u32 v34, $0x10;
	v24 =	vadd.f32 v24, v25  }
0x25c: {  	v63 =	vld [tilespmem:s24+$0x64A0];
	v22 =	vadd.f32 v22, v33;
	v25 =	vand.u32 $0xFFFF0000, v34;
	v27 =	vadd.f32 v27, v62  }
0x25d: {  	v25 =	vadd.f32 v25, v26;
	v26 =	vshll.u32 v37, $0x10;
	v23 =	vadd.f32 v23, v24  }
0x25e: {  	v22 =	vadd.f32 v31, v22;
	v24 =	vand.u32 $0xFFFF0000, v37;
	v31 =	vadd.f32 v26, v27  }
0x25f: {  	v19 =	vand.u32 $0xFFFF0000, v19;
	v25 =	vadd.f32 v24, v25;
	v18 =	vadd.f32 v18, v23;
	v23 =	vld [tilespmem:s24+$0x6460]  }
0x260: {  	v27 =	vshll.u32 v28, $0x10;
	v26 =	vand.u32 $0xFFFF0000, v28;
	v17 =	vadd.f32 v17, v22  }
0x261: {  	v28 =	vshll.u32 v63, $0x10;
	v24 =	vadd.f32 v29, v31;
	v22 =	vld [tilespmem:s24+$0x6420];
	v29 =	vand.u32 $0xFFFF0000, v63  }
0x262: {  	v25 =	vadd.f32 v19, v25;
	v19 =	vimm.f32 $0.0e+00;
	v31 =	vadd.f32 v30, v17  }
0x263: {  	s25 =	simm.s32 $0x800;
	v32 =	vadd.f32 v32, v18;
	v30 =	vld [tilespmem:s24+$0x6430];
	v18 =	vimm.f32 $0.0e+00;
	v17 =	vimm.f32 $0.0e+00  }
.LBB2_15:
0x264: {  	p0 =	sne.s32 s25, $0xC000;
	v33 =	vshll.u32 v23, $0x10;
	v20 =	vadd.f32 v20, v24;
	v21 =	vadd.f32 v21, v25  }
0x265: {  	v34 =	vand.u32 $0xFFFF0000, v23;
	v35 =	vld [tilespmem:s24+$0x6470];
	v14 =	vadd.f32 v14, v31;
	v15 =	vadd.f32 v15, v32  }
0x266: {  	v31 =	vshll.u32 v22, $0x10;
	v13 =	vadd.f32 v13, v20;
	v16 =	vadd.f32 v16, v21  }
0x267: {  	v20 =	vand.u32 $0xFFFF0000, v22;
	v21 =	vld [tilespmem:s24+$0x64B0];
	v24 =	vadd.f32 v12, v14;
	v25 =	vadd.f32 v11, v15  }
0x268: {  	v11 =	vshll.u32 v30, $0x10;
	v22 =	vadd.f32 v10, v13;
	v23 =	vadd.f32 v5, v16  }
0x269: {  	s26 =	sshra.s32 s25, $0x2;
	v5 =	vadd.f32 v31, v8;
	v8 =	vadd.f32 v20, v18;
	v10 =	vand.u32 $0xFFFF0000, v30;
	v12 =	vld [tilespmem:s24+$0x64F0]  }
0x26a: {  	v11 =	vadd.f32 v11, v19;
	v10 =	vadd.f32 v10, v17;
	v13 =	vld [tilespmem:s26+$0x65C0];
	v14 =	vshll.u32 v35, $0x10  }
0x26b: {  	v5 =	vadd.f32 v33, v5;
	v8 =	vadd.f32 v34, v8;
	v15 =	vand.u32 $0xFFFF0000, v35;
	v16 =	vld [tilespmem:s24+$0x6530]  }
0x26c: {  	v11 =	vadd.f32 v14, v11;
	v10 =	vadd.f32 v15, v10;
	v20 =	vld [tilespmem:s26+$0x65D0];
	v14 =	vshll.u32 v21, $0x10  }
0x26d: {  	v5 =	vadd.f32 v28, v5;
	v8 =	vadd.f32 v29, v8;
	v15 =	vand.u32 $0xFFFF0000, v21;
	v17 =	vld [tilespmem:s24+$0x6570]  }
0x26e: {  	v11 =	vadd.f32 v14, v11;
	v10 =	vadd.f32 v15, v10;
	v21 =	vld [tilespmem:s26+$0x65E0];
	v14 =	vshll.u32 v12, $0x10  }
0x26f: {  	v5 =	vadd.f32 v27, v5;
	v8 =	vadd.f32 v26, v8;
	v12 =	vand.u32 $0xFFFF0000, v12;
	v15 =	vld [tilespmem:s24+$0x65B0]  }
0x270: {  	v11 =	vadd.f32 v14, v11;
	v10 =	vadd.f32 v12, v10;
	v12 =	vshll.u32 v16, $0x10;
	v14 =	vld [tilespmem:s24+$0x65F0];
	s24 =	smov.u32 s26  }
0x271: {  	v5 =	vadd.f32 v9, v5;
	v7 =	vadd.f32 v7, v8;
	v8 =	vand.u32 $0xFFFF0000, v16;
	v26 =	vld [tilespmem:s24+$0x6580]  }
0x272: {  	v11 =	vadd.f32 v12, v11;
	v8 =	vadd.f32 v8, v10;
	v9 =	vld [tilespmem:s24+$0x6590];
	v10 =	vshll.u32 v17, $0x10  }
0x273: {  	v5 =	vadd.f32 v6, v5;
	v4 =	vadd.f32 v4, v7;
	v6 =	vand.u32 $0xFFFF0000, v17;
	v27 =	vld [tilespmem:s24+$0x65A0]  }
0x274: {  	v10 =	vadd.f32 v10, v11;
	v6 =	vadd.f32 v6, v8;
	v7 =	vld [tilespmem:s24+$0x6540];
	v8 =	vshll.u32 v15, $0x10  }
0x275: {  	v3 =	vadd.f32 v3, v5;
	v2 =	vadd.f32 v2, v4;
	v4 =	vand.u32 $0xFFFF0000, v15;
	v28 =	vld [tilespmem:s24+$0x6550]  }
0x276: {  	v5 =	vadd.f32 v8, v10;
	v4 =	vadd.f32 v4, v6;
	v6 =	vshll.u32 v14, $0x10;
	v29 =	vld [tilespmem:s24+$0x6560]  }
0x277: {  	v8 =	vadd.f32 v1, v3;
	v18 =	vadd.f32 v0, v2;
	v0 =	vand.u32 $0xFFFF0000, v14;
	v30 =	vld [tilespmem:s24+$0x6500]  }
0x278: {  	v19 =	vadd.f32 v6, v5;
	v17 =	vadd.f32 v0, v4;
	v31 =	vld [tilespmem:s24+$0x6510]  }
0x279: {  	v12 =	vshll.u32 v13, $0x10;
	v11 =	vand.u32 $0xFFFF0000, v13;
	v10 =	vshll.u32 v20, $0x10;
	v32 =	vld [tilespmem:s24+$0x6520]  }
0x27a: {  	v1 =	vshll.u32 v21, $0x10;
	v5 =	vand.u32 $0xFFFF0000, v20;
	v0 =	vand.u32 $0xFFFF0000, v21;
	v33 =	vld [tilespmem:s24+$0x64C0]  }
0x27b: {  	v14 =	vshll.u32 v26, $0x10;
	v15 =	vand.u32 $0xFFFF0000, v26;
	v13 =	vshll.u32 v9, $0x10;
	v34 =	vld [tilespmem:s24+$0x6480]  }
0x27c: {  	v16 =	vand.u32 $0xFFFF0000, v9;
	v3 =	vshll.u32 v27, $0x10;
	v2 =	vand.u32 $0xFFFF0000, v27;
	v26 =	vld [tilespmem:s24+$0x6440]  }
0x27d: {  	v35 =	vshll.u32 v7, $0x10;
	v36 =	vand.u32 $0xFFFF0000, v7;
	v20 =	vshll.u32 v28, $0x10;
	v27 =	vld [tilespmem:s24+$0x6400]  }
0x27e: {  	v21 =	vand.u32 $0xFFFF0000, v28;
	v6 =	vshll.u32 v29, $0x10;
	v4 =	vand.u32 $0xFFFF0000, v29;
	v37 =	vld [tilespmem:s24+$0x6410]  }
0x27f: {  	v28 =	vshll.u32 v30, $0x10;
	v29 =	vand.u32 $0xFFFF0000, v30;
	v30 =	vshll.u32 v31, $0x10  }
0x280: {  	v31 =	vand.u32 $0xFFFF0000, v31;
	v9 =	vshll.u32 v32, $0x10;
	v7 =	vand.u32 $0xFFFF0000, v32;
	v38 =	vld [tilespmem:s24+$0x6450]  }
0x281: {  	v39 =	vshll.u32 v33, $0x10;
	v33 =	vand.u32 $0xFFFF0000, v33;
	v32 =	vshll.u32 v34, $0x10  }
0x282: {  	v34 =	vand.u32 $0xFFFF0000, v34;
	v40 =	vshll.u32 v26, $0x10;
	v26 =	vand.u32 $0xFFFF0000, v26;
	v41 =	vld [tilespmem:s24+$0x6490]  }
0x283: {  	v42 =	vshll.u32 v27, $0x10;
	v27 =	vand.u32 $0xFFFF0000, v27;
	v43 =	vshll.u32 v37, $0x10  }
0x284: {  	v24 =	vadd.f32 v42, v24;
	v25 =	vadd.f32 v27, v25;
	v27 =	vand.u32 $0xFFFF0000, v37;
	v37 =	vld [tilespmem:s24+$0x64D0]  }
0x285: {  	v22 =	vadd.f32 v43, v22;
	v23 =	vadd.f32 v27, v23;
	v27 =	vshll.u32 v38, $0x10  }
0x286: {  	v24 =	vadd.f32 v40, v24;
	v25 =	vadd.f32 v26, v25;
	v26 =	vand.u32 $0xFFFF0000, v38;
	v38 =	vld [tilespmem:s24+$0x64E0]  }
0x287: {  	v22 =	vadd.f32 v27, v22;
	v23 =	vadd.f32 v26, v23;
	v26 =	vshll.u32 v41, $0x10  }
0x288: {  	v24 =	vadd.f32 v32, v24;
	v25 =	vadd.f32 v34, v25;
	v27 =	vand.u32 $0xFFFF0000, v41;
	v32 =	vld [tilespmem:s24+$0x64A0]  }
0x289: {  	v22 =	vadd.f32 v26, v22;
	v26 =	vadd.f32 v27, v23;
	v27 =	vshll.u32 v37, $0x10  }
.Ltmp7:
0x28a: {  	v24 =	vadd.f32 v39, v24;
	v25 =	vadd.f32 v33, v25;
	v33 =	vand.u32 $0xFFFF0000, v37;
	v23 =	vld [tilespmem:s24+$0x6460];
	(pc) =	sbr.rel @p0 .LBB2_15-.Ltmp7, $4  }
0x28b: {  	v34 =	vadd.f32 v27, v22;
	v33 =	vadd.f32 v33, v26;
	v27 =	vshll.u32 v38, $0x10  }
0x28c: {  	v26 =	vand.u32 $0xFFFF0000, v38;
	v37 =	vadd.f32 v28, v24;
	v38 =	vadd.f32 v29, v25;
	v22 =	vld [tilespmem:s24+$0x6420]  }
0x28d: {  	v24 =	vadd.f32 v30, v34;
	v25 =	vadd.f32 v31, v33;
	v28 =	vshll.u32 v32, $0x10  }
0x28e: {  	s25 =	sadd.s32 $0x800, s25;
	v29 =	vand.u32 $0xFFFF0000, v32;
	v31 =	vadd.f32 v35, v37;
	v32 =	vadd.f32 v36, v38;
	v30 =	vld [tilespmem:s24+$0x6430]  }
0x28f: {  	_ = 	snop  }
0x290: {  	v33 =	vshll.u32 v23, $0x10;
	v20 =	vadd.f32 v20, v24;
	v21 =	vadd.f32 v21, v25;
	v24 =	vld [tilespmem:s24+$0x6470]  }
0x291: {  	v23 =	vand.u32 $0xFFFF0000, v23;
	v14 =	vadd.f32 v14, v31;
	v15 =	vadd.f32 v15, v32  }
0x292: {  	v25 =	vshll.u32 v22, $0x10;
	v13 =	vadd.f32 v13, v20;
	v16 =	vadd.f32 v16, v21;
	v20 =	vld [tilespmem:s24+$0x64B0]  }
0x293: {  	v12 =	vadd.f32 v12, v14;
	v8 =	vadd.f32 v25, v8;
	v14 =	vshll.u32 v30, $0x10  }
0x294: {  	v21 =	vand.u32 $0xFFFF0000, v22;
	v11 =	vadd.f32 v11, v15;
	v15 =	vld [tilespmem:s24+$0x64F0];
	v14 =	vadd.f32 v14, v19  }
0x295: {  	v10 =	vadd.f32 v10, v13;
	v13 =	vshll.u32 v24, $0x10;
	v8 =	vadd.f32 v33, v8  }
0x296: {  	v18 =	vadd.f32 v21, v18;
	v21 =	vld [tilespmem:s24+$0x6530];
	v19 =	vand.u32 $0xFFFF0000, v30;
	v13 =	vadd.f32 v13, v14  }
0x297: {  	v14 =	vadd.f32 v19, v17;
	v17 =	vshll.u32 v20, $0x10;
	v8 =	vadd.f32 v28, v8  }
0x298: {  	v22 =	vld [tilespmem:s24+$0x6570];
	v18 =	vadd.f32 v23, v18;
	v19 =	vand.u32 $0xFFFF0000, v24;
	v13 =	vadd.f32 v17, v13  }
0x299: {  	v14 =	vadd.f32 v19, v14;
	v17 =	vshll.u32 v15, $0x10;
	v8 =	vadd.f32 v27, v8  }
0x29a: {  	v18 =	vadd.f32 v29, v18;
	v19 =	vand.u32 $0xFFFF0000, v20;
	v20 =	vld [tilespmem:s24+$0x65B0];
	v13 =	vadd.f32 v17, v13  }
0x29b: {  	v14 =	vadd.f32 v19, v14;
	v17 =	vshll.u32 v21, $0x10;
	v8 =	vadd.f32 v9, v8  }
0x29c: {  	v15 =	vand.u32 $0xFFFF0000, v15;
	v9 =	vadd.f32 v26, v18;
	v18 =	vld [tilespmem:s24+$0x65F0];
	v13 =	vadd.f32 v17, v13  }
0x29d: {  	v14 =	vadd.f32 v15, v14;
	v15 =	vshll.u32 v22, $0x10;
	v6 =	vadd.f32 v6, v8  }
0x29e: {  	v7 =	vadd.f32 v7, v9;
	v8 =	vand.u32 $0xFFFF0000, v21;
	v9 =	vadd.f32 v15, v13  }
0x29f: {  	v8 =	vadd.f32 v8, v14;
	v13 =	vshll.u32 v20, $0x10;
	v3 =	vadd.f32 v3, v6  }
0x2a0: {  	v4 =	vadd.f32 v4, v7;
	v6 =	vand.u32 $0xFFFF0000, v22;
	v7 =	vadd.f32 v13, v9  }
0x2a1: {  	v9 =	vshll.u32 v18, $0x10;
	v1 =	vadd.f32 v1, v3;
	v3 =	vmul.f32 $4.999999890e-03, v12  }
0x2a2: {  	v6 =	vadd.f32 v6, v8;
	v8 =	vmul.f32 $4.999999890e-03, v10;
	v7 =	vadd.f32 v9, v7  }
0x2a3: {  	v2 =	vadd.f32 v2, v4;
	v4 =	vand.u32 $0xFFFF0000, v20;
	[tilespmem:$0x19C80] =	vst v3;
	v1 =	vmul.f32 $4.999999890e-03, v1  }
0x2a4: {  	v3 =	vadd.f32 v5, v16;
	v4 =	vadd.f32 v4, v6;
	[tilespmem:$0x19C90] =	vst v8;
	v5 =	vmul.f32 $4.999999890e-03, v7  }
0x2a5: {  	v0 =	vadd.f32 v0, v2;
	v2 =	vand.u32 $0xFFFF0000, v18;
	[tilespmem:$0x19CA0] =	vst v1;
	v1 =	vmul.f32 $4.999999890e-03, v11  }
0x2a6: {  	v2 =	vadd.f32 v2, v4;
	v3 =	vmul.f32 $4.999999890e-03, v3;
	[tilespmem:$0x19CB0] =	vst v5  }
0x2a7: {  	v0 =	vmul.f32 $4.999999890e-03, v0;
	[tilespmem:$0x19CC0] =	vst v1  }
0x2a8: {  	[tilespmem:$0x19CD0] =	vst v3;
	v1 =	vmul.f32 $4.999999890e-03, v2  }
0x2a9: {  	[tilespmem:$0x19CE0] =	vst v0  }
0x2aa: {  	[tilespmem:$0x19CF0] =	vst v1  }
0x2ab: {  	_ =	swait.ge [sflag:s18], $0x3200  }
0x2ac: {  	[sflag:s18] =	ssyncset.done $0x0  }
0x2ad: {  	s24 =	simm.s32 $0x0;
	[sflag:s18] =	ssyncadd.s32 $0xFFFFCE00  }
0x2ae: {  	v0 =	vld [tilespmem:s24+$0x97C0]  }
0x2af: {  	v1 =	vld [tilespmem:s24+$0x97D0]  }
0x2b0: {  	v2 =	vld [tilespmem:s24+$0x97E0]  }
0x2b1: {  	v3 =	vld [tilespmem:s24+$0x9780]  }
0x2b2: {  	v4 =	vld [tilespmem:s24+$0x9790]  }
0x2b3: {  	v6 =	vld [tilespmem:s24+$0x97A0]  }
0x2b4: {  	v7 =	vld [tilespmem:s24+$0x9740]  }
0x2b5: {  	v9 =	vld [tilespmem:s24+$0x9750]  }
0x2b6: {  	v17 =	vld [tilespmem:s24+$0x9760]  }
0x2b7: {  	v18 =	vld [tilespmem:s24+$0x9700]  }
0x2b8: {  	v8 =	vimm.f32 $0.0e+00;
	v19 =	vld [tilespmem:s24+$0x9710]  }
0x2b9: {  	v22 =	vld [tilespmem:s24+$0x9720];
	v12 =	vshll.u32 v0, $0x10;
	v11 =	vand.u32 $0xFFFF0000, v0;
	v10 =	vshll.u32 v1, $0x10  }
0x2ba: {  	v23 =	vld [tilespmem:s24+$0x96C0];
	v5 =	vand.u32 $0xFFFF0000, v1;
	v1 =	vshll.u32 v2, $0x10;
	v0 =	vand.u32 $0xFFFF0000, v2  }
0x2bb: {  	v24 =	vld [tilespmem:s24+$0x9680];
	v14 =	vshll.u32 v3, $0x10;
	v15 =	vand.u32 $0xFFFF0000, v3;
	v13 =	vshll.u32 v4, $0x10  }
0x2bc: {  	v25 =	vld [tilespmem:s24+$0x9640];
	v16 =	vand.u32 $0xFFFF0000, v4;
	v3 =	vshll.u32 v6, $0x10;
	v2 =	vand.u32 $0xFFFF0000, v6  }
0x2bd: {  	v26 =	vld [tilespmem:s24+$0x9600];
	v30 =	vshll.u32 v7, $0x10;
	v60 =	vand.u32 $0xFFFF0000, v7;
	v20 =	vshll.u32 v9, $0x10  }
0x2be: {  	v27 =	vld [tilespmem:s24+$0x9610];
	v21 =	vand.u32 $0xFFFF0000, v9;
	v6 =	vshll.u32 v17, $0x10;
	v4 =	vand.u32 $0xFFFF0000, v17  }
0x2bf: {  	v17 =	vshll.u32 v18, $0x10;
	v18 =	vand.u32 $0xFFFF0000, v18;
	v29 =	vshll.u32 v19, $0x10  }
0x2c0: {  	v28 =	vld [tilespmem:s24+$0x9650];
	v9 =	vshll.u32 v22, $0x10;
	v7 =	vand.u32 $0xFFFF0000, v22;
	v22 =	vshll.u32 v24, $0x10  }
0x2c1: {  	v31 =	vshll.u32 v23, $0x10;
	v23 =	vand.u32 $0xFFFF0000, v23;
	v61 =	vshll.u32 v25, $0x10  }
0x2c2: {  	v34 =	vld [tilespmem:s24+$0x9690];
	v25 =	vand.u32 $0xFFFF0000, v25;
	v35 =	vshll.u32 v26, $0x10;
	v26 =	vand.u32 $0xFFFF0000, v26  }
0x2c3: {  	v24 =	vand.u32 $0xFFFF0000, v24;
	v36 =	vshll.u32 v27, $0x10;
	v26 =	vadd.f32 v26, v8  }
0x2c4: {  	v37 =	vld [tilespmem:s24+$0x96D0];
	v27 =	vand.u32 $0xFFFF0000, v27;
	v35 =	vadd.f32 v35, v8;
	v36 =	vadd.f32 v36, v8  }
0x2c5: {  	v38 =	vshll.u32 v28, $0x10;
	v27 =	vadd.f32 v27, v8;
	v25 =	vadd.f32 v25, v26  }
0x2c6: {  	v33 =	vadd.f32 v61, v35;
	v26 =	vand.u32 $0xFFFF0000, v28;
	v62 =	vadd.f32 v38, v36  }
0x2c7: {  	v28 =	vld [tilespmem:s24+$0x96E0];
	v26 =	vadd.f32 v26, v27;
	v27 =	vshll.u32 v34, $0x10;
	v24 =	vadd.f32 v24, v25  }
0x2c8: {  	v63 =	vld [tilespmem:s24+$0x96A0];
	v22 =	vadd.f32 v22, v33;
	v25 =	vand.u32 $0xFFFF0000, v34;
	v27 =	vadd.f32 v27, v62  }
0x2c9: {  	v25 =	vadd.f32 v25, v26;
	v26 =	vshll.u32 v37, $0x10;
	v23 =	vadd.f32 v23, v24  }
0x2ca: {  	v22 =	vadd.f32 v31, v22;
	v24 =	vand.u32 $0xFFFF0000, v37;
	v31 =	vadd.f32 v26, v27  }
0x2cb: {  	v19 =	vand.u32 $0xFFFF0000, v19;
	v25 =	vadd.f32 v24, v25;
	v18 =	vadd.f32 v18, v23;
	v23 =	vld [tilespmem:s24+$0x9660]  }
0x2cc: {  	v27 =	vshll.u32 v28, $0x10;
	v26 =	vand.u32 $0xFFFF0000, v28;
	v17 =	vadd.f32 v17, v22  }
0x2cd: {  	v28 =	vshll.u32 v63, $0x10;
	v24 =	vadd.f32 v29, v31;
	v22 =	vld [tilespmem:s24+$0x9620];
	v29 =	vand.u32 $0xFFFF0000, v63  }
0x2ce: {  	v25 =	vadd.f32 v19, v25;
	v19 =	vimm.f32 $0.0e+00;
	v31 =	vadd.f32 v30, v17  }
0x2cf: {  	s25 =	simm.s32 $0x800;
	v32 =	vadd.f32 v60, v18;
	v30 =	vld [tilespmem:s24+$0x9630];
	v18 =	vimm.f32 $0.0e+00;
	v17 =	vimm.f32 $0.0e+00  }
.LBB2_17:
0x2d0: {  	p0 =	sne.s32 s25, $0xC000;
	v33 =	vshll.u32 v23, $0x10;
	v20 =	vadd.f32 v20, v24;
	v21 =	vadd.f32 v21, v25  }
0x2d1: {  	v34 =	vand.u32 $0xFFFF0000, v23;
	v35 =	vld [tilespmem:s24+$0x9670];
	v14 =	vadd.f32 v14, v31;
	v15 =	vadd.f32 v15, v32  }
0x2d2: {  	v31 =	vshll.u32 v22, $0x10;
	v13 =	vadd.f32 v13, v20;
	v16 =	vadd.f32 v16, v21  }
0x2d3: {  	v20 =	vand.u32 $0xFFFF0000, v22;
	v21 =	vld [tilespmem:s24+$0x96B0];
	v24 =	vadd.f32 v12, v14;
	v25 =	vadd.f32 v11, v15  }
0x2d4: {  	v11 =	vshll.u32 v30, $0x10;
	v22 =	vadd.f32 v10, v13;
	v23 =	vadd.f32 v5, v16  }
0x2d5: {  	s26 =	sshra.s32 s25, $0x2;
	v5 =	vadd.f32 v31, v8;
	v8 =	vadd.f32 v20, v18;
	v10 =	vand.u32 $0xFFFF0000, v30;
	v12 =	vld [tilespmem:s24+$0x96F0]  }
0x2d6: {  	v11 =	vadd.f32 v11, v19;
	v10 =	vadd.f32 v10, v17;
	v13 =	vld [tilespmem:s26+$0x97C0];
	v14 =	vshll.u32 v35, $0x10  }
0x2d7: {  	v5 =	vadd.f32 v33, v5;
	v8 =	vadd.f32 v34, v8;
	v15 =	vand.u32 $0xFFFF0000, v35;
	v16 =	vld [tilespmem:s24+$0x9730]  }
0x2d8: {  	v11 =	vadd.f32 v14, v11;
	v10 =	vadd.f32 v15, v10;
	v20 =	vld [tilespmem:s26+$0x97D0];
	v14 =	vshll.u32 v21, $0x10  }
0x2d9: {  	v5 =	vadd.f32 v28, v5;
	v8 =	vadd.f32 v29, v8;
	v15 =	vand.u32 $0xFFFF0000, v21;
	v17 =	vld [tilespmem:s24+$0x9770]  }
0x2da: {  	v11 =	vadd.f32 v14, v11;
	v10 =	vadd.f32 v15, v10;
	v21 =	vld [tilespmem:s26+$0x97E0];
	v14 =	vshll.u32 v12, $0x10  }
0x2db: {  	v5 =	vadd.f32 v27, v5;
	v8 =	vadd.f32 v26, v8;
	v12 =	vand.u32 $0xFFFF0000, v12;
	v15 =	vld [tilespmem:s24+$0x97B0]  }
0x2dc: {  	v11 =	vadd.f32 v14, v11;
	v10 =	vadd.f32 v12, v10;
	v12 =	vshll.u32 v16, $0x10;
	v14 =	vld [tilespmem:s24+$0x97F0];
	s24 =	smov.u32 s26  }
0x2dd: {  	v5 =	vadd.f32 v9, v5;
	v7 =	vadd.f32 v7, v8;
	v8 =	vand.u32 $0xFFFF0000, v16;
	v26 =	vld [tilespmem:s24+$0x9780]  }
0x2de: {  	v11 =	vadd.f32 v12, v11;
	v8 =	vadd.f32 v8, v10;
	v9 =	vld [tilespmem:s24+$0x9790];
	v10 =	vshll.u32 v17, $0x10  }
0x2df: {  	v5 =	vadd.f32 v6, v5;
	v4 =	vadd.f32 v4, v7;
	v6 =	vand.u32 $0xFFFF0000, v17;
	v27 =	vld [tilespmem:s24+$0x97A0]  }
0x2e0: {  	v10 =	vadd.f32 v10, v11;
	v6 =	vadd.f32 v6, v8;
	v7 =	vld [tilespmem:s24+$0x9740];
	v8 =	vshll.u32 v15, $0x10  }
0x2e1: {  	v3 =	vadd.f32 v3, v5;
	v2 =	vadd.f32 v2, v4;
	v4 =	vand.u32 $0xFFFF0000, v15;
	v28 =	vld [tilespmem:s24+$0x9750]  }
0x2e2: {  	v5 =	vadd.f32 v8, v10;
	v4 =	vadd.f32 v4, v6;
	v6 =	vshll.u32 v14, $0x10;
	v29 =	vld [tilespmem:s24+$0x9760]  }
0x2e3: {  	v8 =	vadd.f32 v1, v3;
	v18 =	vadd.f32 v0, v2;
	v0 =	vand.u32 $0xFFFF0000, v14;
	v30 =	vld [tilespmem:s24+$0x9700]  }
0x2e4: {  	v19 =	vadd.f32 v6, v5;
	v17 =	vadd.f32 v0, v4;
	v31 =	vld [tilespmem:s24+$0x9710]  }
0x2e5: {  	v12 =	vshll.u32 v13, $0x10;
	v11 =	vand.u32 $0xFFFF0000, v13;
	v10 =	vshll.u32 v20, $0x10;
	v32 =	vld [tilespmem:s24+$0x9720]  }
0x2e6: {  	v1 =	vshll.u32 v21, $0x10;
	v5 =	vand.u32 $0xFFFF0000, v20;
	v0 =	vand.u32 $0xFFFF0000, v21;
	v33 =	vld [tilespmem:s24+$0x96C0]  }
0x2e7: {  	v14 =	vshll.u32 v26, $0x10;
	v15 =	vand.u32 $0xFFFF0000, v26;
	v13 =	vshll.u32 v9, $0x10;
	v34 =	vld [tilespmem:s24+$0x9680]  }
0x2e8: {  	v16 =	vand.u32 $0xFFFF0000, v9;
	v3 =	vshll.u32 v27, $0x10;
	v2 =	vand.u32 $0xFFFF0000, v27;
	v26 =	vld [tilespmem:s24+$0x9640]  }
0x2e9: {  	v35 =	vshll.u32 v7, $0x10;
	v36 =	vand.u32 $0xFFFF0000, v7;
	v20 =	vshll.u32 v28, $0x10;
	v27 =	vld [tilespmem:s24+$0x9600]  }
0x2ea: {  	v21 =	vand.u32 $0xFFFF0000, v28;
	v6 =	vshll.u32 v29, $0x10;
	v4 =	vand.u32 $0xFFFF0000, v29;
	v37 =	vld [tilespmem:s24+$0x9610]  }
0x2eb: {  	v28 =	vshll.u32 v30, $0x10;
	v29 =	vand.u32 $0xFFFF0000, v30;
	v30 =	vshll.u32 v31, $0x10  }
0x2ec: {  	v31 =	vand.u32 $0xFFFF0000, v31;
	v9 =	vshll.u32 v32, $0x10;
	v7 =	vand.u32 $0xFFFF0000, v32;
	v38 =	vld [tilespmem:s24+$0x9650]  }
0x2ed: {  	v39 =	vshll.u32 v33, $0x10;
	v33 =	vand.u32 $0xFFFF0000, v33;
	v32 =	vshll.u32 v34, $0x10  }
0x2ee: {  	v34 =	vand.u32 $0xFFFF0000, v34;
	v40 =	vshll.u32 v26, $0x10;
	v26 =	vand.u32 $0xFFFF0000, v26;
	v41 =	vld [tilespmem:s24+$0x9690]  }
0x2ef: {  	v42 =	vshll.u32 v27, $0x10;
	v27 =	vand.u32 $0xFFFF0000, v27;
	v43 =	vshll.u32 v37, $0x10  }
0x2f0: {  	v24 =	vadd.f32 v42, v24;
	v25 =	vadd.f32 v27, v25;
	v27 =	vand.u32 $0xFFFF0000, v37;
	v37 =	vld [tilespmem:s24+$0x96D0]  }
0x2f1: {  	v22 =	vadd.f32 v43, v22;
	v23 =	vadd.f32 v27, v23;
	v27 =	vshll.u32 v38, $0x10  }
0x2f2: {  	v24 =	vadd.f32 v40, v24;
	v25 =	vadd.f32 v26, v25;
	v26 =	vand.u32 $0xFFFF0000, v38;
	v38 =	vld [tilespmem:s24+$0x96E0]  }
0x2f3: {  	v22 =	vadd.f32 v27, v22;
	v23 =	vadd.f32 v26, v23;
	v26 =	vshll.u32 v41, $0x10  }
0x2f4: {  	v24 =	vadd.f32 v32, v24;
	v25 =	vadd.f32 v34, v25;
	v27 =	vand.u32 $0xFFFF0000, v41;
	v32 =	vld [tilespmem:s24+$0x96A0]  }
0x2f5: {  	v22 =	vadd.f32 v26, v22;
	v26 =	vadd.f32 v27, v23;
	v27 =	vshll.u32 v37, $0x10  }
.Ltmp8:
0x2f6: {  	v24 =	vadd.f32 v39, v24;
	v25 =	vadd.f32 v33, v25;
	v33 =	vand.u32 $0xFFFF0000, v37;
	v23 =	vld [tilespmem:s24+$0x9660];
	(pc) =	sbr.rel @p0 .LBB2_17-.Ltmp8, $4  }
0x2f7: {  	v34 =	vadd.f32 v27, v22;
	v33 =	vadd.f32 v33, v26;
	v27 =	vshll.u32 v38, $0x10  }
0x2f8: {  	v26 =	vand.u32 $0xFFFF0000, v38;
	v37 =	vadd.f32 v28, v24;
	v38 =	vadd.f32 v29, v25;
	v22 =	vld [tilespmem:s24+$0x9620]  }
0x2f9: {  	v24 =	vadd.f32 v30, v34;
	v25 =	vadd.f32 v31, v33;
	v28 =	vshll.u32 v32, $0x10  }
0x2fa: {  	s25 =	sadd.s32 $0x800, s25;
	v29 =	vand.u32 $0xFFFF0000, v32;
	v31 =	vadd.f32 v35, v37;
	v32 =	vadd.f32 v36, v38;
	v30 =	vld [tilespmem:s24+$0x9630]  }
0x2fb: {  	_ = 	snop  }
0x2fc: {  	v33 =	vshll.u32 v23, $0x10;
	v20 =	vadd.f32 v20, v24;
	v21 =	vadd.f32 v21, v25;
	v24 =	vld [tilespmem:s24+$0x9670]  }
0x2fd: {  	v23 =	vand.u32 $0xFFFF0000, v23;
	v14 =	vadd.f32 v14, v31;
	v15 =	vadd.f32 v15, v32  }
0x2fe: {  	v25 =	vshll.u32 v22, $0x10;
	v13 =	vadd.f32 v13, v20;
	v16 =	vadd.f32 v16, v21;
	v20 =	vld [tilespmem:s24+$0x96B0]  }
0x2ff: {  	v12 =	vadd.f32 v12, v14;
	v8 =	vadd.f32 v25, v8;
	v14 =	vshll.u32 v30, $0x10  }
0x300: {  	v21 =	vand.u32 $0xFFFF0000, v22;
	v11 =	vadd.f32 v11, v15;
	v15 =	vld [tilespmem:s24+$0x96F0];
	v14 =	vadd.f32 v14, v19  }
0x301: {  	v10 =	vadd.f32 v10, v13;
	v13 =	vshll.u32 v24, $0x10;
	v8 =	vadd.f32 v33, v8  }
0x302: {  	v18 =	vadd.f32 v21, v18;
	v21 =	vld [tilespmem:s24+$0x9730];
	v19 =	vand.u32 $0xFFFF0000, v30;
	v13 =	vadd.f32 v13, v14  }
0x303: {  	v14 =	vadd.f32 v19, v17;
	v17 =	vshll.u32 v20, $0x10;
	v8 =	vadd.f32 v28, v8  }
0x304: {  	v22 =	vld [tilespmem:s24+$0x9770];
	v18 =	vadd.f32 v23, v18;
	v19 =	vand.u32 $0xFFFF0000, v24;
	v13 =	vadd.f32 v17, v13  }
0x305: {  	v14 =	vadd.f32 v19, v14;
	v17 =	vshll.u32 v15, $0x10;
	v8 =	vadd.f32 v27, v8  }
0x306: {  	v18 =	vadd.f32 v29, v18;
	v19 =	vand.u32 $0xFFFF0000, v20;
	v20 =	vld [tilespmem:s24+$0x97B0];
	v13 =	vadd.f32 v17, v13  }
0x307: {  	v14 =	vadd.f32 v19, v14;
	v17 =	vshll.u32 v21, $0x10;
	v8 =	vadd.f32 v9, v8  }
0x308: {  	v15 =	vand.u32 $0xFFFF0000, v15;
	v9 =	vadd.f32 v26, v18;
	v18 =	vld [tilespmem:s24+$0x97F0];
	v13 =	vadd.f32 v17, v13  }
0x309: {  	v14 =	vadd.f32 v15, v14;
	v15 =	vshll.u32 v22, $0x10;
	v6 =	vadd.f32 v6, v8  }
0x30a: {  	v7 =	vadd.f32 v7, v9;
	v8 =	vand.u32 $0xFFFF0000, v21;
	v9 =	vadd.f32 v15, v13  }
0x30b: {  	v8 =	vadd.f32 v8, v14;
	v13 =	vshll.u32 v20, $0x10;
	v3 =	vadd.f32 v3, v6  }
0x30c: {  	v4 =	vadd.f32 v4, v7;
	v6 =	vand.u32 $0xFFFF0000, v22;
	v7 =	vadd.f32 v13, v9  }
0x30d: {  	v9 =	vshll.u32 v18, $0x10;
	v1 =	vadd.f32 v1, v3;
	v3 =	vmul.f32 $4.999999890e-03, v12  }
0x30e: {  	v6 =	vadd.f32 v6, v8;
	v8 =	vmul.f32 $4.999999890e-03, v10;
	v7 =	vadd.f32 v9, v7  }
0x30f: {  	v2 =	vadd.f32 v2, v4;
	v4 =	vand.u32 $0xFFFF0000, v20;
	[tilespmem:$0x19D00] =	vst v3;
	v1 =	vmul.f32 $4.999999890e-03, v1  }
0x310: {  	v3 =	vadd.f32 v5, v16;
	v4 =	vadd.f32 v4, v6;
	[tilespmem:$0x19D10] =	vst v8;
	v5 =	vmul.f32 $4.999999890e-03, v7  }
0x311: {  	v0 =	vadd.f32 v0, v2;
	v2 =	vand.u32 $0xFFFF0000, v18;
	[tilespmem:$0x19D20] =	vst v1;
	v1 =	vmul.f32 $4.999999890e-03, v11  }
0x312: {  	v2 =	vadd.f32 v2, v4;
	v3 =	vmul.f32 $4.999999890e-03, v3;
	[tilespmem:$0x19D30] =	vst v5  }
0x313: {  	v0 =	vmul.f32 $4.999999890e-03, v0;
	[tilespmem:$0x19D40] =	vst v1  }
0x314: {  	[tilespmem:$0x19D50] =	vst v3;
	v1 =	vmul.f32 $4.999999890e-03, v2  }
0x315: {  	[tilespmem:$0x19D60] =	vst v0  }
0x316: {  	[tilespmem:$0x19D70] =	vst v1  }
0x317: {  	_ =	swait.ge [sflag:s19], $0x3200  }
0x318: {  	[sflag:s19] =	ssyncset.done $0x0  }
0x319: {  	s24 =	simm.s32 $0x0;
	[sflag:s19] =	ssyncadd.s32 $0xFFFFCE00  }
0x31a: {  	v0 =	vld [tilespmem:s24+$0xC9C0]  }
0x31b: {  	v1 =	vld [tilespmem:s24+$0xC9D0]  }
0x31c: {  	v2 =	vld [tilespmem:s24+$0xC9E0]  }
0x31d: {  	v3 =	vld [tilespmem:s24+$0xC980]  }
0x31e: {  	v4 =	vld [tilespmem:s24+$0xC990]  }
0x31f: {  	v6 =	vld [tilespmem:s24+$0xC9A0]  }
0x320: {  	v7 =	vld [tilespmem:s24+$0xC940]  }
0x321: {  	v9 =	vld [tilespmem:s24+$0xC950]  }
0x322: {  	v17 =	vld [tilespmem:s24+$0xC960]  }
0x323: {  	v18 =	vld [tilespmem:s24+$0xC900]  }
0x324: {  	v8 =	vimm.f32 $0.0e+00;
	v19 =	vld [tilespmem:s24+$0xC910]  }
0x325: {  	v22 =	vld [tilespmem:s24+$0xC920];
	v12 =	vshll.u32 v0, $0x10;
	v11 =	vand.u32 $0xFFFF0000, v0;
	v10 =	vshll.u32 v1, $0x10  }
0x326: {  	v23 =	vld [tilespmem:s24+$0xC8C0];
	v5 =	vand.u32 $0xFFFF0000, v1;
	v1 =	vshll.u32 v2, $0x10;
	v0 =	vand.u32 $0xFFFF0000, v2  }
0x327: {  	v24 =	vld [tilespmem:s24+$0xC880];
	v14 =	vshll.u32 v3, $0x10;
	v15 =	vand.u32 $0xFFFF0000, v3;
	v13 =	vshll.u32 v4, $0x10  }
0x328: {  	v25 =	vld [tilespmem:s24+$0xC840];
	v16 =	vand.u32 $0xFFFF0000, v4;
	v3 =	vshll.u32 v6, $0x10;
	v2 =	vand.u32 $0xFFFF0000, v6  }
0x329: {  	v26 =	vld [tilespmem:s24+$0xC800];
	v30 =	vshll.u32 v7, $0x10;
	v60 =	vand.u32 $0xFFFF0000, v7;
	v20 =	vshll.u32 v9, $0x10  }
0x32a: {  	v27 =	vld [tilespmem:s24+$0xC810];
	v21 =	vand.u32 $0xFFFF0000, v9;
	v6 =	vshll.u32 v17, $0x10;
	v4 =	vand.u32 $0xFFFF0000, v17  }
0x32b: {  	v17 =	vshll.u32 v18, $0x10;
	v18 =	vand.u32 $0xFFFF0000, v18;
	v29 =	vshll.u32 v19, $0x10  }
0x32c: {  	v28 =	vld [tilespmem:s24+$0xC850];
	v9 =	vshll.u32 v22, $0x10;
	v7 =	vand.u32 $0xFFFF0000, v22;
	v22 =	vshll.u32 v24, $0x10  }
0x32d: {  	v31 =	vshll.u32 v23, $0x10;
	v23 =	vand.u32 $0xFFFF0000, v23;
	v61 =	vshll.u32 v25, $0x10  }
0x32e: {  	v34 =	vld [tilespmem:s24+$0xC890];
	v25 =	vand.u32 $0xFFFF0000, v25;
	v35 =	vshll.u32 v26, $0x10;
	v26 =	vand.u32 $0xFFFF0000, v26  }
0x32f: {  	v24 =	vand.u32 $0xFFFF0000, v24;
	v36 =	vshll.u32 v27, $0x10;
	v26 =	vadd.f32 v26, v8  }
0x330: {  	v37 =	vld [tilespmem:s24+$0xC8D0];
	v27 =	vand.u32 $0xFFFF0000, v27;
	v35 =	vadd.f32 v35, v8;
	v36 =	vadd.f32 v36, v8  }
0x331: {  	v38 =	vshll.u32 v28, $0x10;
	v27 =	vadd.f32 v27, v8;
	v25 =	vadd.f32 v25, v26  }
0x332: {  	v33 =	vadd.f32 v61, v35;
	v26 =	vand.u32 $0xFFFF0000, v28;
	v62 =	vadd.f32 v38, v36  }
0x333: {  	v28 =	vld [tilespmem:s24+$0xC8E0];
	v26 =	vadd.f32 v26, v27;
	v27 =	vshll.u32 v34, $0x10;
	v24 =	vadd.f32 v24, v25  }
0x334: {  	v63 =	vld [tilespmem:s24+$0xC8A0];
	v22 =	vadd.f32 v22, v33;
	v25 =	vand.u32 $0xFFFF0000, v34;
	v27 =	vadd.f32 v27, v62  }
0x335: {  	v25 =	vadd.f32 v25, v26;
	v26 =	vshll.u32 v37, $0x10;
	v23 =	vadd.f32 v23, v24  }
0x336: {  	v22 =	vadd.f32 v31, v22;
	v24 =	vand.u32 $0xFFFF0000, v37;
	v31 =	vadd.f32 v26, v27  }
0x337: {  	v19 =	vand.u32 $0xFFFF0000, v19;
	v25 =	vadd.f32 v24, v25;
	v18 =	vadd.f32 v18, v23;
	v23 =	vld [tilespmem:s24+$0xC860]  }
0x338: {  	v27 =	vshll.u32 v28, $0x10;
	v26 =	vand.u32 $0xFFFF0000, v28;
	v17 =	vadd.f32 v17, v22  }
0x339: {  	v28 =	vshll.u32 v63, $0x10;
	v24 =	vadd.f32 v29, v31;
	v22 =	vld [tilespmem:s24+$0xC820];
	v29 =	vand.u32 $0xFFFF0000, v63  }
0x33a: {  	v25 =	vadd.f32 v19, v25;
	v19 =	vimm.f32 $0.0e+00;
	v31 =	vadd.f32 v30, v17  }
0x33b: {  	s25 =	simm.s32 $0x800;
	v32 =	vadd.f32 v60, v18;
	v30 =	vld [tilespmem:s24+$0xC830];
	v18 =	vimm.f32 $0.0e+00;
	v17 =	vimm.f32 $0.0e+00  }
.LBB2_19:
0x33c: {  	p0 =	sne.s32 s25, $0xC000;
	v33 =	vshll.u32 v23, $0x10;
	v20 =	vadd.f32 v20, v24;
	v21 =	vadd.f32 v21, v25  }
0x33d: {  	v34 =	vand.u32 $0xFFFF0000, v23;
	v35 =	vld [tilespmem:s24+$0xC870];
	v14 =	vadd.f32 v14, v31;
	v15 =	vadd.f32 v15, v32  }
0x33e: {  	v31 =	vshll.u32 v22, $0x10;
	v13 =	vadd.f32 v13, v20;
	v16 =	vadd.f32 v16, v21  }
0x33f: {  	v20 =	vand.u32 $0xFFFF0000, v22;
	v21 =	vld [tilespmem:s24+$0xC8B0];
	v24 =	vadd.f32 v12, v14;
	v25 =	vadd.f32 v11, v15  }
0x340: {  	v11 =	vshll.u32 v30, $0x10;
	v22 =	vadd.f32 v10, v13;
	v23 =	vadd.f32 v5, v16  }
0x341: {  	s26 =	sshra.s32 s25, $0x2;
	v5 =	vadd.f32 v31, v8;
	v8 =	vadd.f32 v20, v18;
	v10 =	vand.u32 $0xFFFF0000, v30;
	v12 =	vld [tilespmem:s24+$0xC8F0]  }
0x342: {  	v11 =	vadd.f32 v11, v19;
	v10 =	vadd.f32 v10, v17;
	v13 =	vld [tilespmem:s26+$0xC9C0];
	v14 =	vshll.u32 v35, $0x10  }
0x343: {  	v5 =	vadd.f32 v33, v5;
	v8 =	vadd.f32 v34, v8;
	v15 =	vand.u32 $0xFFFF0000, v35;
	v16 =	vld [tilespmem:s24+$0xC930]  }
0x344: {  	v11 =	vadd.f32 v14, v11;
	v10 =	vadd.f32 v15, v10;
	v20 =	vld [tilespmem:s26+$0xC9D0];
	v14 =	vshll.u32 v21, $0x10  }
0x345: {  	v5 =	vadd.f32 v28, v5;
	v8 =	vadd.f32 v29, v8;
	v15 =	vand.u32 $0xFFFF0000, v21;
	v17 =	vld [tilespmem:s24+$0xC970]  }
0x346: {  	v11 =	vadd.f32 v14, v11;
	v10 =	vadd.f32 v15, v10;
	v21 =	vld [tilespmem:s26+$0xC9E0];
	v14 =	vshll.u32 v12, $0x10  }
0x347: {  	v5 =	vadd.f32 v27, v5;
	v8 =	vadd.f32 v26, v8;
	v12 =	vand.u32 $0xFFFF0000, v12;
	v15 =	vld [tilespmem:s24+$0xC9B0]  }
0x348: {  	v11 =	vadd.f32 v14, v11;
	v10 =	vadd.f32 v12, v10;
	v12 =	vshll.u32 v16, $0x10;
	v14 =	vld [tilespmem:s24+$0xC9F0];
	s24 =	smov.u32 s26  }
0x349: {  	v5 =	vadd.f32 v9, v5;
	v7 =	vadd.f32 v7, v8;
	v8 =	vand.u32 $0xFFFF0000, v16;
	v26 =	vld [tilespmem:s24+$0xC980]  }
0x34a: {  	v11 =	vadd.f32 v12, v11;
	v8 =	vadd.f32 v8, v10;
	v9 =	vld [tilespmem:s24+$0xC990];
	v10 =	vshll.u32 v17, $0x10  }
0x34b: {  	v5 =	vadd.f32 v6, v5;
	v4 =	vadd.f32 v4, v7;
	v6 =	vand.u32 $0xFFFF0000, v17;
	v27 =	vld [tilespmem:s24+$0xC9A0]  }
0x34c: {  	v10 =	vadd.f32 v10, v11;
	v6 =	vadd.f32 v6, v8;
	v7 =	vld [tilespmem:s24+$0xC940];
	v8 =	vshll.u32 v15, $0x10  }
0x34d: {  	v3 =	vadd.f32 v3, v5;
	v2 =	vadd.f32 v2, v4;
	v4 =	vand.u32 $0xFFFF0000, v15;
	v28 =	vld [tilespmem:s24+$0xC950]  }
0x34e: {  	v5 =	vadd.f32 v8, v10;
	v4 =	vadd.f32 v4, v6;
	v6 =	vshll.u32 v14, $0x10;
	v29 =	vld [tilespmem:s24+$0xC960]  }
0x34f: {  	v8 =	vadd.f32 v1, v3;
	v18 =	vadd.f32 v0, v2;
	v0 =	vand.u32 $0xFFFF0000, v14;
	v30 =	vld [tilespmem:s24+$0xC900]  }
0x350: {  	v19 =	vadd.f32 v6, v5;
	v17 =	vadd.f32 v0, v4;
	v31 =	vld [tilespmem:s24+$0xC910]  }
0x351: {  	v12 =	vshll.u32 v13, $0x10;
	v11 =	vand.u32 $0xFFFF0000, v13;
	v10 =	vshll.u32 v20, $0x10;
	v32 =	vld [tilespmem:s24+$0xC920]  }
0x352: {  	v1 =	vshll.u32 v21, $0x10;
	v5 =	vand.u32 $0xFFFF0000, v20;
	v0 =	vand.u32 $0xFFFF0000, v21;
	v33 =	vld [tilespmem:s24+$0xC8C0]  }
0x353: {  	v14 =	vshll.u32 v26, $0x10;
	v15 =	vand.u32 $0xFFFF0000, v26;
	v13 =	vshll.u32 v9, $0x10;
	v34 =	vld [tilespmem:s24+$0xC880]  }
0x354: {  	v16 =	vand.u32 $0xFFFF0000, v9;
	v3 =	vshll.u32 v27, $0x10;
	v2 =	vand.u32 $0xFFFF0000, v27;
	v26 =	vld [tilespmem:s24+$0xC840]  }
0x355: {  	v35 =	vshll.u32 v7, $0x10;
	v36 =	vand.u32 $0xFFFF0000, v7;
	v20 =	vshll.u32 v28, $0x10;
	v27 =	vld [tilespmem:s24+$0xC800]  }
0x356: {  	v21 =	vand.u32 $0xFFFF0000, v28;
	v6 =	vshll.u32 v29, $0x10;
	v4 =	vand.u32 $0xFFFF0000, v29;
	v37 =	vld [tilespmem:s24+$0xC810]  }
0x357: {  	v28 =	vshll.u32 v30, $0x10;
	v29 =	vand.u32 $0xFFFF0000, v30;
	v30 =	vshll.u32 v31, $0x10  }
0x358: {  	v31 =	vand.u32 $0xFFFF0000, v31;
	v9 =	vshll.u32 v32, $0x10;
	v7 =	vand.u32 $0xFFFF0000, v32;
	v38 =	vld [tilespmem:s24+$0xC850]  }
0x359: {  	v39 =	vshll.u32 v33, $0x10;
	v33 =	vand.u32 $0xFFFF0000, v33;
	v32 =	vshll.u32 v34, $0x10  }
0x35a: {  	v34 =	vand.u32 $0xFFFF0000, v34;
	v40 =	vshll.u32 v26, $0x10;
	v26 =	vand.u32 $0xFFFF0000, v26;
	v41 =	vld [tilespmem:s24+$0xC890]  }
0x35b: {  	v42 =	vshll.u32 v27, $0x10;
	v27 =	vand.u32 $0xFFFF0000, v27;
	v43 =	vshll.u32 v37, $0x10  }
0x35c: {  	v24 =	vadd.f32 v42, v24;
	v25 =	vadd.f32 v27, v25;
	v27 =	vand.u32 $0xFFFF0000, v37;
	v37 =	vld [tilespmem:s24+$0xC8D0]  }
0x35d: {  	v22 =	vadd.f32 v43, v22;
	v23 =	vadd.f32 v27, v23;
	v27 =	vshll.u32 v38, $0x10  }
0x35e: {  	v24 =	vadd.f32 v40, v24;
	v25 =	vadd.f32 v26, v25;
	v26 =	vand.u32 $0xFFFF0000, v38;
	v38 =	vld [tilespmem:s24+$0xC8E0]  }
0x35f: {  	v22 =	vadd.f32 v27, v22;
	v23 =	vadd.f32 v26, v23;
	v26 =	vshll.u32 v41, $0x10  }
0x360: {  	v24 =	vadd.f32 v32, v24;
	v25 =	vadd.f32 v34, v25;
	v27 =	vand.u32 $0xFFFF0000, v41;
	v32 =	vld [tilespmem:s24+$0xC8A0]  }
0x361: {  	v22 =	vadd.f32 v26, v22;
	v26 =	vadd.f32 v27, v23;
	v27 =	vshll.u32 v37, $0x10  }
.Ltmp9:
0x362: {  	v24 =	vadd.f32 v39, v24;
	v25 =	vadd.f32 v33, v25;
	v33 =	vand.u32 $0xFFFF0000, v37;
	v23 =	vld [tilespmem:s24+$0xC860];
	(pc) =	sbr.rel @p0 .LBB2_19-.Ltmp9, $4  }
0x363: {  	v34 =	vadd.f32 v27, v22;
	v33 =	vadd.f32 v33, v26;
	v27 =	vshll.u32 v38, $0x10  }
0x364: {  	v26 =	vand.u32 $0xFFFF0000, v38;
	v37 =	vadd.f32 v28, v24;
	v38 =	vadd.f32 v29, v25;
	v22 =	vld [tilespmem:s24+$0xC820]  }
0x365: {  	v24 =	vadd.f32 v30, v34;
	v25 =	vadd.f32 v31, v33;
	v28 =	vshll.u32 v32, $0x10  }
0x366: {  	s25 =	sadd.s32 $0x800, s25;
	v29 =	vand.u32 $0xFFFF0000, v32;
	v31 =	vadd.f32 v35, v37;
	v32 =	vadd.f32 v36, v38;
	v30 =	vld [tilespmem:s24+$0xC830]  }
0x367: {  	v33 =	vshll.u32 v23, $0x10;
	v20 =	vadd.f32 v20, v24;
	v21 =	vadd.f32 v21, v25  }
0x368: {  	v61 =	vld [tilespmem:s24+$0xC870];
	v62 =	vand.u32 $0xFFFF0000, v23;
	v14 =	vadd.f32 v14, v31;
	v15 =	vadd.f32 v15, v32  }
0x369: {  	v35 =	vld [tilespmem:s24+$0xC8F0];
	v63 =	vshll.u32 v22, $0x10;
	v13 =	vadd.f32 v13, v20;
	v16 =	vadd.f32 v16, v21  }
0x36a: {  	v38 =	vld [tilespmem:s24+$0xC930];
	v34 =	vand.u32 $0xFFFF0000, v22;
	v12 =	vadd.f32 v12, v14;
	v8 =	vadd.f32 v63, v8  }
0x36b: {  	v42 =	vld [tilespmem:s24+$0xC970];
	v11 =	vadd.f32 v11, v15;
	v18 =	vadd.f32 v34, v18;
	v32 =	vshll.u32 v30, $0x10  }
0x36c: {  	v31 =	vld [tilespmem:s24+$0xC8B0];
	v10 =	vadd.f32 v10, v13;
	v37 =	vand.u32 $0xFFFF0000, v30;
	v59 =	vadd.f32 v5, v16  }
0x36d: {  	v14 =	vadd.f32 v32, v19;
	v36 =	vshll.u32 v61, $0x10;
	v8 =	vadd.f32 v33, v8  }
0x36e: {  	v39 =	vadd.f32 v37, v17;
	v18 =	vadd.f32 v62, v18;
	v41 =	vand.u32 $0xFFFF0000, v61  }
0x36f: {  	v45 =	vld [tilespmem:s24+$0xC9B0];
	v43 =	vshll.u32 v35, $0x10;
	v46 =	vshll.u32 v38, $0x10;
	v15 =	vand.u32 $0xFFFF0000, v35  }
0x370: {  	v49 =	vshll.u32 v42, $0x10;
	v13 =	vadd.f32 v36, v14;
	v8 =	vadd.f32 v28, v8  }
0x371: {  	v48 =	vld [tilespmem:s24+$0xC9F0];
	v40 =	vshll.u32 v31, $0x10;
	v14 =	vadd.f32 v41, v39;
	v18 =	vadd.f32 v29, v18  }
0x372: {  	v44 =	vand.u32 $0xFFFF0000, v31;
	v13 =	vadd.f32 v40, v13;
	v8 =	vadd.f32 v27, v8  }
0x373: {  	v50 =	vand.u32 $0xFFFF0000, v38;
	v14 =	vadd.f32 v44, v14;
	v47 =	vadd.f32 v26, v18  }
0x374: {  	v52 =	vshll.u32 v45, $0x10;
	v13 =	vadd.f32 v43, v13;
	v8 =	vadd.f32 v9, v8  }
0x375: {  	v53 =	vand.u32 $0xFFFF0000, v42;
	v14 =	vadd.f32 v15, v14;
	v7 =	vadd.f32 v7, v47  }
0x376: {  	v55 =	vshll.u32 v48, $0x10;
	v13 =	vadd.f32 v46, v13;
	v6 =	vadd.f32 v6, v8  }
0x377: {  	v56 =	vmul.f32 $4.999999890e-03, v12;
	v8 =	vadd.f32 v50, v14;
	v4 =	vadd.f32 v4, v7  }
0x378: {  	v58 =	vand.u32 $0xFFFF0000, v45;
	v51 =	vadd.f32 v49, v13;
	v3 =	vadd.f32 v3, v6  }
0x379: {  	v62 =	vmul.f32 $4.999999890e-03, v11;
	v6 =	vadd.f32 v53, v8;
	v2 =	vadd.f32 v2, v4  }
0x37a: {  	v57 =	vmul.f32 $4.999999890e-03, v10;
	[tilespmem:$0x19D80] =	vst v56;
	v54 =	vadd.f32 v52, v51;
	v1 =	vadd.f32 v1, v3  }
0x37b: {  	[tilespmem:$0x19DC0] =	vst v62;
	v4 =	vadd.f32 v58, v6;
	v0 =	vadd.f32 v0, v2;
	v3 =	vmul.f32 $4.999999890e-03, v59  }
0x37c: {  	v61 =	vand.u32 $0xFFFF0000, v48;
	[tilespmem:$0x19D90] =	vst v57;
	v7 =	vadd.f32 v55, v54;
	v1 =	vmul.f32 $4.999999890e-03, v1  }
0x37d: {  	v2 =	vadd.f32 v61, v4;
	v0 =	vmul.f32 $4.999999890e-03, v0;
	[tilespmem:$0x19DD0] =	vst v3  }
0x37e: {  	v60 =	vmul.f32 $4.999999890e-03, v7;
	[tilespmem:$0x19DA0] =	vst v1  }
0x37f: {  	s23 =	sadd.s32 $0x1, s23;
	v63 =	vmul.f32 $4.999999890e-03, v2;
	[tilespmem:$0x19DE0] =	vst v0  }
0x380: {  	p0 =	sne.s32 s23, s6;
	[tilespmem:$0x19DB0] =	vst v60  }
.Ltmp10:
0x381: {  	[tilespmem:$0x19DF0] =	vst v63;
	(pc) =	sbr.rel @p0 .LBB2_1-.Ltmp10, $4  }
0x382: {  	[hbm4b:s5+s2] =	stream.linear.scatter [tilespmem:s22], [sflag:$0x6], $0x4000, $0x38;
	[tilespmem:$0x19E00] =	vst v63  }
0x383: {  	_ =	swait.ge [sflag:s7], $0x4000  }
0x384: {  	[sflag:s7] =	ssyncset.done $0x0  }
0x385: {  	[sflag:s7] =	ssyncadd.s32 $0xFFFFC000  }
0x386: {  	_ =	sfence.sel $0x180000  }
0x387: {  	[bflag:$0x0] =	sbarrier.arrive $0xFFFF  }
0x388: {  	p0 =	sne.s32 s0, $0x0;
	_ =	strace $0x90000047  }
0x389: {  	s0 =	sadd.s32 @!p0 $0x100000, s1;
	[bflag:$0x2] =	sbarrier.arrive $0xFFFF  }
0x38a: {  	[sflag:s0] =	ssyncadd.tile.s32 @!p0 $0x1;
	_ =	shalt  }
.Lfunc_end2:
_tile_overlayer_lowered:
.L_overlay_start_2:
0x38b: {  	(tag) =	ssettag $0x2  }
0x38c: {  	s0 =	rddreg [dreg:$0x0];
	s2 =	stileid.u32  }
0x38d: {  	s1 =	rddreg [dreg:$0x1];
	p0 =	sne.s32 s2, $0x0  }
0x38e: {  	s3 =	rddreg [dreg:$0x2];
	[bflag:$0x3] =	sbarrier.arrive $0xFFFF;
	s2 =	simm.s32 @!p0 $0x1C06  }
0x38f: {  	[timem:s3], [sflag:s2] =	dma.local @!p0 [hbm:s0], s1  }
0x390: {  	s0 =	simm.s32 @!p0 $0x6  }
0x391: {  	_ =	swait.ge @!p0 [sflag:s0], s1  }
0x392: {  	s1 =	ssub.s32 @!p0 $0x0, s1;
	[sflag:s0] =	ssyncset.done @!p0 $0x0  }
0x393: {  	[sflag:s0] =	ssyncadd.s32 @!p0 s1  }
0x394: {  	[bflag:$0x3] =	sbarrier.arrive $0xFFFF  }
0x395: {  	_ =	shalt  }

</sc_bundles>
